<compile_context>
chip_gen: v7x
topology: tpu7x:2x2x1
jax: 0.10.2.dev20260603
libtpu: 0.0.44.dev20260713+nightly
codegen_flags: <defaults>
</compile_context>

<pallas_src>
import jax
import jax.numpy as jnp
from jax import lax
from jax.experimental import pallas as pl
from jax.experimental.pallas import tpu as pltpu
from jax.experimental.pallas import tpu_sc as plsc

NC = 2
SPLIT_A = 0.9
NS = 16
NW = NC * NS
CH = 128
HW = 16

_NOTILE = pltpu.CompilerParams(use_tc_tiling_on_sc=False)


def _sc_mesh():
    return plsc.VectorSubcoreMesh(
        core_axis_name="c", subcore_axis_name="s", num_cores=NC, num_subcores=NS
    )


def _make_hist(n_pad, ts):
    rpt = n_pad // NS

    def body(edges_hbm, out_hbm, acc, idx_v, ones_v, stage_v, gsem):
        c = lax.axis_index("c")
        s = lax.axis_index("s")
        g = c * NS + s
        ones16 = jnp.full((16,), 1.0, jnp.float32)
        zeros16 = jnp.zeros((16,), jnp.float32)

        def fill_ones(i, _):
            ones_v[i, :] = ones16
            return 0

        lax.fori_loop(0, CH, fill_ones, 0)

        def fill_zero(i, _):
            stage_v[i, :] = zeros16
            return 0

        lax.fori_loop(0, rpt, fill_zero, 0)

        base = s * rpt
        pltpu.sync_copy(stage_v, acc.at[pl.ds(base, rpt)])
        plsc.subcore_barrier()

        def chunk(j, _):
            pltpu.sync_copy(edges_hbm.at[g, j], idx_v)
            pltpu.sync_copy(ones_v, acc.at[idx_v], add=True)
            return 0

        lax.fori_loop(0, ts, chunk, 0)
        plsc.subcore_barrier()

        pltpu.sync_copy(acc.at[pl.ds(base, rpt)], stage_v)
        pltpu.sync_copy(stage_v, out_hbm.at[c, pl.ds(base, rpt)])

    return pl.kernel(
        body,
        out_type=jax.ShapeDtypeStruct((NC, n_pad, HW), jnp.float32),
        mesh=_sc_mesh(),
        compiler_params=_NOTILE,
        scratch_types=[
            pltpu.VMEM_SHARED((n_pad, HW), jnp.float32),
            pltpu.VMEM((CH,), jnp.int32),
            pltpu.VMEM((CH, HW), jnp.float32),
            pltpu.VMEM((rpt, HW), jnp.float32),
            pltpu.SemaphoreType.DMA,
        ],
    )


def _make_hop_v3(n_pad, ga, gb, d):
    rpt = n_pad // NS
    blk = 80
    n_full = rpt // blk
    tail = rpt - n_full * blk
    assert tail % 8 == 0
    assert ga % 2 == 0 and gb % 2 == 0 and ga >= 4 and gb in (0,) or gb >= 4

    def body(edges_hbm, y_hbm, out_hbm, acc, ib0, ib1, r0, r1, zst,
             is0, is1, gs0, gs1, ss0, ss1):
        c = lax.axis_index("c")
        s = lax.axis_index("s")
        if gb == 0:
            ng = ga
            qbase = s * ga
        else:
            ng = jnp.where(c == 0, ga, gb)
            qbase = jnp.where(c == 0, s * ga, NS * ga + s * gb)
        idxb = [ib0, ib1]
        rows = [r0, r1]
        isem = [is0, is1]
        gsem = [gs0, gs1]
        ssem = [ss0, ss1]
        zeros16 = jnp.zeros((16,), jnp.float32)

        def fill_zero(i, _):
            def fill_col(j, _):
                zst[i, pl.ds(j * 16, 16)] = zeros16
                return 0

            lax.fori_loop(0, d // 16, fill_col, 0)
            return 0

        lax.fori_loop(0, blk, fill_zero, 0)

        base = s * rpt

        def zero_blk(k, _):
            pltpu.sync_copy(zst, acc.at[pl.ds(base + k * blk, blk)])
            return 0

        lax.fori_loop(0, n_full, zero_blk, 0)
        if tail:
            pltpu.sync_copy(
                zst.at[pl.ds(0, tail)],
                acc.at[pl.ds(base + n_full * blk, tail)],
            )
        plsc.subcore_barrier()

        def wait_rows(sem_, buf):
            pltpu.make_async_copy(y_hbm.at[pl.ds(0, CH)], buf, sem_).wait()

        def wait_idx(p):
            pltpu.make_async_copy(edges_hbm.at[qbase], idxb[p], isem[p]).wait()

        def start_idx(q, p):
            pltpu.async_copy(edges_hbm.at[qbase + q], idxb[p], isem[p])

        def start_gather(p, kk, b):
            pltpu.async_copy(
                y_hbm.at[idxb[p].at[2 * kk]], rows[b], gsem[b]
            )

        def start_scatter(p, kk, b):
            pltpu.async_copy(
                rows[b], acc.at[idxb[p].at[2 * kk + 1]], ssem[b], add=True
            )

        def run_pipeline():
            _run_pipeline_impl()

        def _run_pipeline_impl():
            start_idx(0, 0)
            wait_idx(0)
            start_gather(0, 0, 0)
            start_idx(1, 1)
            start_gather(0, 1, 1)
            wait_rows(gsem[0], rows[0])
            start_scatter(0, 0, 0)
            for kk in (2, 3):
                b = kk % 2
                wait_rows(ssem[b], rows[b])
                start_gather(0, kk, b)
                wait_rows(gsem[1 - b], rows[1 - b])
                start_scatter(0, kk - 1, 1 - b)
            wait_idx(1)
            wait_rows(ssem[0], rows[0])
            start_gather(1, 0, 0)
            wait_rows(gsem[1], rows[1])
            start_scatter(0, 3, 1)
            wait_rows(ssem[1], rows[1])
            start_idx(2, 0)
            start_gather(1, 1, 1)
            wait_rows(gsem[0], rows[0])
            start_scatter(1, 0, 0)
            for kk in (2, 3):
                b = kk % 2
                wait_rows(ssem[b], rows[b])
                start_gather(1, kk, b)
                wait_rows(gsem[1 - b], rows[1 - b])
                start_scatter(1, kk - 1, 1 - b)

            def pair(i, _):
                qe = 2 + 2 * i
                for po in ((0, 1, qe), (1, 0, qe + 1)):
                    p, pprev, q = po
                    wait_idx(p)
                    wait_rows(ssem[0], rows[0])
                    start_gather(p, 0, 0)
                    wait_rows(gsem[1], rows[1])
                    start_scatter(pprev, 3, 1)
                    wait_rows(ssem[1], rows[1])
                    start_idx(q + 1, pprev)
                    start_gather(p, 1, 1)
                    wait_rows(gsem[0], rows[0])
                    start_scatter(p, 0, 0)
                    for kk in (2, 3):
                        b = kk % 2
                        wait_rows(ssem[b], rows[b])
                        start_gather(p, kk, b)
                        wait_rows(gsem[1 - b], rows[1 - b])
                        start_scatter(p, kk - 1, 1 - b)
                return 0

            lax.fori_loop(0, (ng - 2) // 2, pair, 0)

            wait_rows(gsem[1], rows[1])
            start_scatter(1, 3, 1)
            wait_rows(ssem[0], rows[0])
            wait_rows(ssem[1], rows[1])
            wait_idx(0)

        if gb == 0:
            @pl.when(c == 0)
            def _():
                run_pipeline()
        else:
            run_pipeline()
        plsc.subcore_barrier()

        def read_blk(k, _):
            pltpu.sync_copy(acc.at[pl.ds(base + k * blk, blk)], zst)
            pltpu.sync_copy(zst, out_hbm.at[c, pl.ds(base + k * blk, blk)])
            return 0

        lax.fori_loop(0, n_full, read_blk, 0)
        if tail:
            pltpu.sync_copy(
                acc.at[pl.ds(base + n_full * blk, tail)],
                zst.at[pl.ds(0, tail)],
            )
            pltpu.sync_copy(
                zst.at[pl.ds(0, tail)],
                out_hbm.at[c, pl.ds(base + n_full * blk, tail)],
            )

    return pl.kernel(
        body,
        out_type=jax.ShapeDtypeStruct((NC, n_pad, d), jnp.float32),
        mesh=_sc_mesh(),
        scratch_types=[
            pltpu.VMEM_SHARED((n_pad, d), jnp.float32),
            pltpu.VMEM((8, CH), jnp.int32),
            pltpu.VMEM((8, CH), jnp.int32),
            pltpu.VMEM((CH, d), jnp.float32),
            pltpu.VMEM((CH, d), jnp.float32),
            pltpu.VMEM((blk, d), jnp.float32),
            pltpu.SemaphoreType.DMA,
            pltpu.SemaphoreType.DMA,
            pltpu.SemaphoreType.DMA,
            pltpu.SemaphoreType.DMA,
            pltpu.SemaphoreType.DMA,
            pltpu.SemaphoreType.DMA,
        ],
    )


def _tc_scale0(hist_ref, x_ref, dinv_ref, y1_ref):
    deg = 1.0 + hist_ref[0, :, 0:1] + hist_ref[1, :, 0:1]
    dinv = lax.rsqrt(deg)
    dinv_ref[...] = dinv
    y1_ref[...] = x_ref[...] * dinv


def _tc_scale1(part_ref, y1_ref, dinv_ref, y2_ref):
    dv = dinv_ref[...]
    y2_ref[...] = (part_ref[0] + part_ref[1] + y1_ref[...]) * (dv * dv)


def _tc_final(part_ref, y2_ref, dinv_ref, wt_ref, b_ref, o_ref):
    h2 = (part_ref[0] + part_ref[1] + y2_ref[...]) * dinv_ref[...]
    o_ref[...] = (
        jnp.dot(h2, wt_ref[...], preferred_element_type=jnp.float32) + b_ref[...]
    )


def kernel(x, edge_index, W, b):
    n, d = x.shape
    e = edge_index.shape[1]
    assert n % NS == 0 and d % 16 == 0

    t_loop = -(-e // (NW * CH))
    t_loop = -(-t_loop // 8) * 8
    n_groups = t_loop // 4
    e_pad = NW * t_loop * CH
    n_pad = -(-(n + 1) // (NS * 8)) * (NS * 8)

    src = edge_index[0]
    dst = edge_index[1]
    pad = e_pad - e
    if pad:
        src = jnp.concatenate([src, jnp.zeros((pad,), jnp.int32)])
        dst = jnp.concatenate([dst, jnp.full((pad,), n, jnp.int32)])
    dst_m = dst.reshape(NW, t_loop, CH)
    tg = NW * t_loop // 4
    per_core = tg // NS
    if SPLIT_A >= 0.999:
        ga, gb = per_core, 0
    else:
        ga = max(4, int(round(SPLIT_A * per_core / 2.0)) * 2)
        gb = per_core - ga
    s4 = src.reshape(tg, 4, CH)
    d4 = dst.reshape(tg, 4, CH)
    inter = jnp.stack([s4, d4], axis=2).reshape(tg, 8, CH)
    padg = jnp.stack(
        [
            jnp.zeros((1, 4, CH), jnp.int32),
            jnp.full((1, 4, CH), n, jnp.int32),
        ],
        axis=2,
    ).reshape(1, 8, CH)
    edges8 = jnp.concatenate([inter, padg], axis=0)

    hist = _make_hist(n_pad, t_loop)(dst_m)
    hop = _make_hop_v3(n_pad, ga, gb, d)

    dinv, y1 = pl.pallas_call(
        _tc_scale0,
        out_shape=[
            jax.ShapeDtypeStruct((n, 1), jnp.float32),
            jax.ShapeDtypeStruct((n, d), jnp.float32),
        ],
    )(hist[:, :n, :], x)

    p = hop(edges8, y1)

    br = 2000 if n % 2000 == 0 else n
    grid = n // br
    y2 = pl.pallas_call(
        _tc_scale1,
        grid=(grid,),
        in_specs=[
            pl.BlockSpec((NC, br, d), lambda i: (0, i, 0)),
            pl.BlockSpec((br, d), lambda i: (i, 0)),
            pl.BlockSpec((br, 1), lambda i: (i, 0)),
        ],
        out_specs=pl.BlockSpec((br, d), lambda i: (i, 0)),
        out_shape=jax.ShapeDtypeStruct((n, d), jnp.float32),
    )(p[:, :n, :], y1, dinv)

    q = hop(edges8, y2)

    out = pl.pallas_call(
        _tc_final,
        grid=(grid,),
        in_specs=[
            pl.BlockSpec((NC, br, d), lambda i: (0, i, 0)),
            pl.BlockSpec((br, d), lambda i: (i, 0)),
            pl.BlockSpec((br, 1), lambda i: (i, 0)),
            pl.BlockSpec((d, d), lambda i: (0, 0)),
            pl.BlockSpec((1, d), lambda i: (0, 0)),
        ],
        out_specs=pl.BlockSpec((br, d), lambda i: (i, 0)),
        out_shape=jax.ShapeDtypeStruct((n, d), jnp.float32),
    )(q[:, :n, :], y2, dinv, W.T, b.reshape(1, d))
    return out

# --- scband reference (transcript-rebuilt; emitter-appended) ---
"""Pipeline reference for scband-sgc-9371618640573 (READ-ONLY COPY).

The authoritative reference and input builder live on the scoring server;
editing this copy changes nothing except your own understanding.
"""

import jax, jax.numpy as jnp
import numpy as np

N = 10000
E = 320000
D_IN = 128
D_OUT = 128
K_HOPS = 2


def setup_inputs(seed: int = 0) -> dict:
    key = jax.random.key(seed)
    k1, k2, k3 = jax.random.split(key, 3)
    x = jax.random.normal(k1, (N, D_IN), dtype=jnp.float32)
    edge_index = jax.random.randint(k2, (2, E), 0, N, dtype=jnp.int32)
    # SGConv linear layer parameters (Linear(in_dim, out_dim, bias=True))
    W = jax.random.normal(k3, (D_OUT, D_IN), dtype=jnp.float32) * 0.05
    b = jnp.zeros((D_OUT,), dtype=jnp.float32)
    return {"x": x, "edge_index": edge_index, "W": W, "b": b}


def reference(x, edge_index, W, b):
    n = x.shape[0]
    src = edge_index[0]
    dst = edge_index[1]
    # gcn_norm with add_self_loops=True
    loop = jnp.arange(n, dtype=src.dtype)
    src_f = jnp.concatenate([src, loop])
    dst_f = jnp.concatenate([dst, loop])
    ew = jnp.ones((src_f.shape[0],), dtype=jnp.float32)
    deg = jax.ops.segment_sum(ew, dst_f, num_segments=n)
    deg_inv_sqrt = jnp.where(deg > 0, 1.0 / jnp.sqrt(deg), 0.0)
    norm = deg_inv_sqrt[src_f] * ew * deg_inv_sqrt[dst_f]
    # K hops of propagation: out[dst] += norm * x[src]
    h = x
    for _ in range(K_HOPS):
        h = jax.ops.segment_sum(norm[:, None] * h[src_f], dst_f, num_segments=n)
    # final linear transform
    return h @ W.T + b

if __name__ == "__main__":
    import jax
    _d = setup_inputs()
    print(jax.jit(kernel)(*tuple(_d.values())))

</pallas_src>

<mosaic_0001>
#map = affine_map<(d0, d1) -> (0, 0, 0)>
module attributes {stable_mosaic.version = 14 : i64} {
  func.func @body(%arg0: i32, %arg1: i32, %arg2: memref<32x80x128xi32, #tpu.memory_space<hbm>>, %arg3: memref<2x10112x16xf32, #tpu.memory_space<hbm>>, %arg4: memref<10112x16xf32, #tpu.memory_space<vmem_shared>>, %arg5: memref<128xi32, #tpu.memory_space<vmem>>, %arg6: memref<128x16xf32, #tpu.memory_space<vmem>>, %arg7: memref<632x16xf32, #tpu.memory_space<vmem>>, %arg8: memref<!tpu.dma_semaphore, #tpu.memory_space<semaphore_mem>>) attributes {dimension_semantics = [#tpu.dimension_semantics<core_parallel>, #tpu.dimension_semantics<subcore_parallel>], iteration_bounds = array<i64: 2, 16>, scalar_prefetch = 0 : i64, scratch_operands = 5 : i64, tpu.core_type = #tpu.core_type<sc_vector_subcore>, window_params = [{transform_indices = #map}, {transform_indices = #map}]} {
    %mul3A = arith.constant 16 : i32
    %mul3A_0 = arith.muli %arg0, %mul3A : i32
    %add3A = arith.addi %mul3A_0, %arg1 : i32
    %broadcast_in_dim3A = arith.constant 1.000000e+00 : f32
    %broadcast_in_dim3A_1 = vector.broadcast %broadcast_in_dim3A : f32 to vector<16xf32>
    %broadcast_in_dim3A_2 = arith.constant 0.000000e+00 : f32
    %broadcast_in_dim3A_3 = vector.broadcast %broadcast_in_dim3A_2 : f32 to vector<16xf32>
    %scan3A = arith.constant 0 : i32
    %scan3A_4 = arith.constant 0 : i32
    %scan3A_5 = arith.constant 128 : i32
    %scan3A_6 = arith.addi %scan3A_4, %scan3A_5 : i32
    %scan3A_7 = arith.constant 1 : i32
    %scan3A_8 = scf.for %scan3A_27 = %scan3A_4 to %scan3A_6 step %scan3A_7 iter_args(%scan3A_28 = %scan3A) -> (i32)  : i32 {
      %swap3A = arith.index_cast %scan3A_27 : i32 to index
      %swap3A_29 = arith.constant 0 : index
      %swap3A_30 = tpu.vector_load %arg6[%swap3A, %swap3A_29] {strides = array<i32>} : memref<128x16xf32, #tpu.memory_space<vmem>>, vector<1x16xf32>,
      %swap3A_31 = vector.shape_cast %swap3A_30 : vector<1x16xf32> to vector<16xf32>
      %swap3A_32 = vector.shape_cast %broadcast_in_dim3A_1 : vector<16xf32> to vector<1x16xf32>
      tpu.vector_store %arg6[%swap3A, %swap3A_29], %swap3A_32 {strides = array<i32>} : memref<128x16xf32, #tpu.memory_space<vmem>>, vector<1x16xf32>,
      %scan3A_33 = arith.constant 0 : i32
      scf.yield %scan3A_33 : i32
    }
    %scan3A_9 = arith.constant 128 : i32
    %scan3A_10 = arith.constant 0 : i32
    %scan3A_11 = arith.constant 0 : i32
    %scan3A_12 = arith.constant 632 : i32
    %scan3A_13 = arith.addi %scan3A_11, %scan3A_12 : i32
    %scan3A_14 = arith.constant 1 : i32
    %scan3A_15 = scf.for %scan3A_27 = %scan3A_11 to %scan3A_13 step %scan3A_14 iter_args(%scan3A_28 = %scan3A_10) -> (i32)  : i32 {
      %swap3A = arith.index_cast %scan3A_27 : i32 to index
      %swap3A_29 = arith.constant 0 : index
      %swap3A_30 = tpu.vector_load %arg7[%swap3A, %swap3A_29] {strides = array<i32>} : memref<632x16xf32, #tpu.memory_space<vmem>>, vector<1x16xf32>,
      %swap3A_31 = vector.shape_cast %swap3A_30 : vector<1x16xf32> to vector<16xf32>
      %swap3A_32 = vector.shape_cast %broadcast_in_dim3A_3 : vector<16xf32> to vector<1x16xf32>
      tpu.vector_store %arg7[%swap3A, %swap3A_29], %swap3A_32 {strides = array<i32>} : memref<632x16xf32, #tpu.memory_space<vmem>>, vector<1x16xf32>,
      %scan3A_33 = arith.constant 0 : i32
      scf.yield %scan3A_33 : i32
    }
    %scan3A_16 = arith.constant 632 : i32
    %mul3A_17 = arith.constant 632 : i32
    %mul3A_18 = arith.muli %arg1, %mul3A_17 : i32
    "tpu.region"() ({
      %run_scoped3A = tpu.sem_alloc : memref<!tpu.dma_semaphore, #tpu.memory_space<semaphore_mem>>
      %dma_start3A = arith.constant 0 : i32
      %dma_start3A_27 = tpu.memref_slice %arg4[%mul3A_18, %dma_start3A] : memref<10112x16xf32, #tpu.memory_space<vmem_shared>> -> memref<632x16xf32, #tpu.memory_space<vmem_shared>>
      %dma_start3A_28 = arith.constant 0 : i32
      %dma_start3A_29 = tpu.memref_slice %arg4[%mul3A_18, %dma_start3A_28] : memref<10112x16xf32, #tpu.memory_space<vmem_shared>> -> memref<632x16xf32, #tpu.memory_space<vmem_shared>>
      tpu.enqueue_dma source(%arg7 : memref<632x16xf32, #tpu.memory_space<vmem>>) target(%dma_start3A_29 : memref<632x16xf32, #tpu.memory_space<vmem_shared>>) target_semaphore(%run_scoped3A : memref<!tpu.dma_semaphore, #tpu.memory_space<semaphore_mem>>)
      %dma_wait3A = arith.constant 0 : i32
      %dma_wait3A_30 = tpu.memref_slice %arg4[%mul3A_18, %dma_wait3A] : memref<10112x16xf32, #tpu.memory_space<vmem_shared>> -> memref<632x16xf32, #tpu.memory_space<vmem_shared>>
      %dma_wait3A_31 = arith.constant 0 : i32
      %dma_wait3A_32 = tpu.memref_slice %arg4[%mul3A_18, %dma_wait3A_31] : memref<10112x16xf32, #tpu.memory_space<vmem_shared>> -> memref<632x16xf32, #tpu.memory_space<vmem_shared>>
      tpu.wait_dma2 semaphore(%run_scoped3A : memref<!tpu.dma_semaphore, #tpu.memory_space<semaphore_mem>>) src(%arg7 : memref<632x16xf32, #tpu.memory_space<vmem>>) dst(%dma_wait3A_32 : memref<632x16xf32, #tpu.memory_space<vmem_shared>>)
      tpu.yield
    }) : () -> ()
    %barrier3A = arith.constant 0 : index
    tpu.barrier barrier_id(%barrier3A)
    %scan3A_19 = arith.constant 0 : i32
    %scan3A_20 = arith.constant 0 : i32
    %scan3A_21 = arith.constant 80 : i32
    %scan3A_22 = arith.addi %scan3A_20, %scan3A_21 : i32
    %scan3A_23 = arith.constant 1 : i32
    %scan3A_24 = scf.for %scan3A_27 = %scan3A_20 to %scan3A_22 step %scan3A_23 iter_args(%scan3A_28 = %scan3A_19) -> (i32)  : i32 {
      "tpu.region"() ({
        %run_scoped3A = tpu.sem_alloc : memref<!tpu.dma_semaphore, #tpu.memory_space<semaphore_mem>>
        %dma_start3A = arith.constant 0 : i32
        %dma_start3A_30 = tpu.memref_slice %arg2[%add3A, %scan3A_27, %dma_start3A] : memref<32x80x128xi32, #tpu.memory_space<hbm>> -> memref<1x1x128xi32, #tpu.memory_space<hbm>>
        %dma_start3A_31 = tpu.memref_squeeze %dma_start3A_30 : memref<1x1x128xi32, #tpu.memory_space<hbm>> -> memref<128xi32, #tpu.memory_space<hbm>>
        %dma_start3A_32 = arith.constant 0 : i32
        %dma_start3A_33 = tpu.memref_slice %arg2[%add3A, %scan3A_27, %dma_start3A_32] : memref<32x80x128xi32, #tpu.memory_space<hbm>> -> memref<1x1x128xi32, #tpu.memory_space<hbm>>
        %dma_start3A_34 = tpu.memref_squeeze %dma_start3A_33 : memref<1x1x128xi32, #tpu.memory_space<hbm>> -> memref<128xi32, #tpu.memory_space<hbm>>
        tpu.enqueue_dma source(%dma_start3A_34 : memref<128xi32, #tpu.memory_space<hbm>>) target(%arg5 : memref<128xi32, #tpu.memory_space<vmem>>) target_semaphore(%run_scoped3A : memref<!tpu.dma_semaphore, #tpu.memory_space<semaphore_mem>>)
        %dma_wait3A = arith.constant 0 : i32
        %dma_wait3A_35 = tpu.memref_slice %arg2[%add3A, %scan3A_27, %dma_wait3A] : memref<32x80x128xi32, #tpu.memory_space<hbm>> -> memref<1x1x128xi32, #tpu.memory_space<hbm>>
        %dma_wait3A_36 = tpu.memref_squeeze %dma_wait3A_35 : memref<1x1x128xi32, #tpu.memory_space<hbm>> -> memref<128xi32, #tpu.memory_space<hbm>>
        %dma_wait3A_37 = arith.constant 0 : i32
        %dma_wait3A_38 = tpu.memref_slice %arg2[%add3A, %scan3A_27, %dma_wait3A_37] : memref<32x80x128xi32, #tpu.memory_space<hbm>> -> memref<1x1x128xi32, #tpu.memory_space<hbm>>
        %dma_wait3A_39 = tpu.memref_squeeze %dma_wait3A_38 : memref<1x1x128xi32, #tpu.memory_space<hbm>> -> memref<128xi32, #tpu.memory_space<hbm>>
        tpu.wait_dma2 semaphore(%run_scoped3A : memref<!tpu.dma_semaphore, #tpu.memory_space<semaphore_mem>>) src(%dma_wait3A_39 : memref<128xi32, #tpu.memory_space<hbm>>) dst(%arg5 : memref<128xi32, #tpu.memory_space<vmem>>)
        tpu.yield
      }) : () -> ()
      "tpu.region"() ({
        %run_scoped3A = tpu.sem_alloc : memref<!tpu.dma_semaphore, #tpu.memory_space<semaphore_mem>>
        %dma_start3A = arith.constant 0 : i32
        %dma_start3A_30 = arith.constant 0 : i32
        %dma_start3A_31 = tpu.memref_slice %arg4[%dma_start3A, %dma_start3A_30] : memref<10112x16xf32, #tpu.memory_space<vmem_shared>> -> memref<10112x16xf32, #tpu.memory_space<vmem_shared>>
        tpu.enqueue_indirect_dma source(%arg6 : memref<128x16xf32, #tpu.memory_space<vmem>>) target(%dma_start3A_31 : memref<10112x16xf32, #tpu.memory_space<vmem_shared>>) offsets(%arg5 : memref<128xi32, #tpu.memory_space<vmem>>) semaphore(%run_scoped3A : memref<!tpu.dma_semaphore, #tpu.memory_space<semaphore_mem>>) {add = true}
        %dma_wait3A = arith.constant 0 : i32
        %dma_wait3A_32 = arith.constant 0 : i32
        %dma_wait3A_33 = tpu.memref_slice %arg4[%dma_wait3A, %dma_wait3A_32] : memref<10112x16xf32, #tpu.memory_space<vmem_shared>> -> memref<10112x16xf32, #tpu.memory_space<vmem_shared>>
        tpu.wait_indirect_dma semaphore(%run_scoped3A : memref<!tpu.dma_semaphore, #tpu.memory_space<semaphore_mem>>) src(%arg6 : memref<128x16xf32, #tpu.memory_space<vmem>>) dst(%dma_wait3A_33 : memref<10112x16xf32, #tpu.memory_space<vmem_shared>>)
        tpu.yield
      }) : () -> ()
      %scan3A_29 = arith.constant 0 : i32
      scf.yield %scan3A_29 : i32
    }
    %scan3A_25 = arith.constant 80 : i32
    %barrier3A_26 = arith.constant 0 : index
    tpu.barrier barrier_id(%barrier3A_26)
    "tpu.region"() ({
      %run_scoped3A = tpu.sem_alloc : memref<!tpu.dma_semaphore, #tpu.memory_space<semaphore_mem>>
      %dma_start3A = arith.constant 0 : i32
      %dma_start3A_27 = tpu.memref_slice %arg4[%mul3A_18, %dma_start3A] : memref<10112x16xf32, #tpu.memory_space<vmem_shared>> -> memref<632x16xf32, #tpu.memory_space<vmem_shared>>
      %dma_start3A_28 = arith.constant 0 : i32
      %dma_start3A_29 = tpu.memref_slice %arg4[%mul3A_18, %dma_start3A_28] : memref<10112x16xf32, #tpu.memory_space<vmem_shared>> -> memref<632x16xf32, #tpu.memory_space<vmem_shared>>
      tpu.enqueue_dma source(%dma_start3A_29 : memref<632x16xf32, #tpu.memory_space<vmem_shared>>) target(%arg7 : memref<632x16xf32, #tpu.memory_space<vmem>>) target_semaphore(%run_scoped3A : memref<!tpu.dma_semaphore, #tpu.memory_space<semaphore_mem>>)
      %dma_wait3A = arith.constant 0 : i32
      %dma_wait3A_30 = tpu.memref_slice %arg4[%mul3A_18, %dma_wait3A] : memref<10112x16xf32, #tpu.memory_space<vmem_shared>> -> memref<632x16xf32, #tpu.memory_space<vmem_shared>>
      %dma_wait3A_31 = arith.constant 0 : i32
      %dma_wait3A_32 = tpu.memref_slice %arg4[%mul3A_18, %dma_wait3A_31] : memref<10112x16xf32, #tpu.memory_space<vmem_shared>> -> memref<632x16xf32, #tpu.memory_space<vmem_shared>>
      tpu.wait_dma2 semaphore(%run_scoped3A : memref<!tpu.dma_semaphore, #tpu.memory_space<semaphore_mem>>) src(%dma_wait3A_32 : memref<632x16xf32, #tpu.memory_space<vmem_shared>>) dst(%arg7 : memref<632x16xf32, #tpu.memory_space<vmem>>)
      tpu.yield
    }) : () -> ()
    "tpu.region"() ({
      %run_scoped3A = tpu.sem_alloc : memref<!tpu.dma_semaphore, #tpu.memory_space<semaphore_mem>>
      %dma_start3A = arith.constant 0 : i32
      %dma_start3A_27 = tpu.memref_slice %arg3[%arg0, %mul3A_18, %dma_start3A] : memref<2x10112x16xf32, #tpu.memory_space<hbm>> -> memref<1x632x16xf32, #tpu.memory_space<hbm>>
      %dma_start3A_28 = tpu.memref_squeeze %dma_start3A_27 : memref<1x632x16xf32, #tpu.memory_space<hbm>> -> memref<632x16xf32, #tpu.memory_space<hbm>>
      %dma_start3A_29 = arith.constant 0 : i32
      %dma_start3A_30 = tpu.memref_slice %arg3[%arg0, %mul3A_18, %dma_start3A_29] : memref<2x10112x16xf32, #tpu.memory_space<hbm>> -> memref<1x632x16xf32, #tpu.memory_space<hbm>>
      %dma_start3A_31 = tpu.memref_squeeze %dma_start3A_30 : memref<1x632x16xf32, #tpu.memory_space<hbm>> -> memref<632x16xf32, #tpu.memory_space<hbm>>
      tpu.enqueue_dma source(%arg7 : memref<632x16xf32, #tpu.memory_space<vmem>>) target(%dma_start3A_31 : memref<632x16xf32, #tpu.memory_space<hbm>>) target_semaphore(%run_scoped3A : memref<!tpu.dma_semaphore, #tpu.memory_space<semaphore_mem>>)
      %dma_wait3A = arith.constant 0 : i32
      %dma_wait3A_32 = tpu.memref_slice %arg3[%arg0, %mul3A_18, %dma_wait3A] : memref<2x10112x16xf32, #tpu.memory_space<hbm>> -> memref<1x632x16xf32, #tpu.memory_space<hbm>>
      %dma_wait3A_33 = tpu.memref_squeeze %dma_wait3A_32 : memref<1x632x16xf32, #tpu.memory_space<hbm>> -> memref<632x16xf32, #tpu.memory_space<hbm>>
      %dma_wait3A_34 = arith.constant 0 : i32
      %dma_wait3A_35 = tpu.memref_slice %arg3[%arg0, %mul3A_18, %dma_wait3A_34] : memref<2x10112x16xf32, #tpu.memory_space<hbm>> -> memref<1x632x16xf32, #tpu.memory_space<hbm>>
      %dma_wait3A_36 = tpu.memref_squeeze %dma_wait3A_35 : memref<1x632x16xf32, #tpu.memory_space<hbm>> -> memref<632x16xf32, #tpu.memory_space<hbm>>
      tpu.wait_dma2 semaphore(%run_scoped3A : memref<!tpu.dma_semaphore, #tpu.memory_space<semaphore_mem>>) src(%arg7 : memref<632x16xf32, #tpu.memory_space<vmem>>) dst(%dma_wait3A_36 : memref<632x16xf32, #tpu.memory_space<hbm>>)
      tpu.yield
    }) : () -> ()
    return
  }
}

#map = affine_map<(d0, d1) -> (0, 0, 0)>
#map1 = affine_map<(d0, d1) -> (0, 0)>
module attributes {stable_mosaic.version = 14 : i64} {
  func.func @body(%arg0: i32, %arg1: i32, %arg2: memref<641x8x128xi32, #tpu.memory_space<hbm>>, %arg3: memref<10000x128xf32, #tpu.memory_space<hbm>>, %arg4: memref<2x10112x128xf32, #tpu.memory_space<hbm>>, %arg5: memref<10112x128xf32, #tpu.memory_space<vmem_shared>>, %arg6: memref<8x128xi32, #tpu.memory_space<vmem>>, %arg7: memref<8x128xi32, #tpu.memory_space<vmem>>, %arg8: memref<128x128xf32, #tpu.memory_space<vmem>>, %arg9: memref<128x128xf32, #tpu.memory_space<vmem>>, %arg10: memref<80x128xf32, #tpu.memory_space<vmem>>, %arg11: memref<!tpu.dma_semaphore, #tpu.memory_space<semaphore_mem>>, %arg12: memref<!tpu.dma_semaphore, #tpu.memory_space<semaphore_mem>>, %arg13: memref<!tpu.dma_semaphore, #tpu.memory_space<semaphore_mem>>, %arg14: memref<!tpu.dma_semaphore, #tpu.memory_space<semaphore_mem>>, %arg15: memref<!tpu.dma_semaphore, #tpu.memory_space<semaphore_mem>>, %arg16: memref<!tpu.dma_semaphore, #tpu.memory_space<semaphore_mem>>) attributes {dimension_semantics = [#tpu.dimension_semantics<core_parallel>, #tpu.dimension_semantics<subcore_parallel>], iteration_bounds = array<i64: 2, 16>, scalar_prefetch = 0 : i64, scratch_operands = 12 : i64, tpu.core_type = #tpu.core_type<sc_vector_subcore>, window_params = [{transform_indices = #map}, {transform_indices = #map1}, {transform_indices = #map}]} {
    %eq3A = arith.constant 0 : i32
    %eq3A_0 = arith.cmpi eq, %arg0, %eq3A : i32
    %jit3A = arith.constant 36 : i32
    %jit3A_1 = arith.constant 4 : i32
    %select_n3A = arith.select %eq3A_0, %jit3A, %jit3A_1 : i32
    %eq3A_2 = arith.constant 0 : i32
    %eq3A_3 = arith.cmpi eq, %arg0, %eq3A_2 : i32
    %mul3A = arith.constant 36 : i32
    %mul3A_4 = arith.muli %arg1, %mul3A : i32
    %mul3A_5 = arith.constant 4 : i32
    %mul3A_6 = arith.muli %arg1, %mul3A_5 : i32
    %add3A = arith.constant 576 : i32
    %add3A_7 = arith.addi %add3A, %mul3A_6 : i32
    %select_n3A_8 = arith.select %eq3A_3, %mul3A_4, %add3A_7 : i32
    %broadcast_in_dim3A = arith.constant 0.000000e+00 : f32
    %broadcast_in_dim3A_9 = vector.broadcast %broadcast_in_dim3A : f32 to vector<16xf32>
    %scan3A = arith.constant 0 : i32
    %scan3A_10 = arith.constant 0 : i32
    %scan3A_11 = arith.constant 80 : i32
    %scan3A_12 = arith.addi %scan3A_10, %scan3A_11 : i32
    %scan3A_13 = arith.constant 1 : i32
    %scan3A_14 = scf.for %scan3A_330 = %scan3A_10 to %scan3A_12 step %scan3A_13 iter_args(%scan3A_331 = %scan3A) -> (i32)  : i32 {
      %scan3A_332 = arith.constant 0 : i32
      %scan3A_333 = arith.constant 0 : i32
      %scan3A_334 = arith.constant 8 : i32
      %scan3A_335 = arith.addi %scan3A_333, %scan3A_334 : i32
      %scan3A_336 = arith.constant 1 : i32
      %scan3A_337 = scf.for %scan3A_340 = %scan3A_333 to %scan3A_335 step %scan3A_336 iter_args(%scan3A_341 = %scan3A_332) -> (i32)  : i32 {
        %mul3A_342 = arith.constant 16 : i32
        %mul3A_343 = arith.muli %scan3A_340, %mul3A_342 : i32
        %swap3A = arith.index_cast %scan3A_330 : i32 to index
        %swap3A_344 = arith.index_cast %mul3A_343 : i32 to index
        %swap3A_345 = tpu.vector_load %arg10[%swap3A, %swap3A_344] {strides = array<i32>} : memref<80x128xf32, #tpu.memory_space<vmem>>, vector<1x16xf32>,
        %swap3A_346 = vector.shape_cast %swap3A_345 : vector<1x16xf32> to vector<16xf32>
        %swap3A_347 = vector.shape_cast %broadcast_in_dim3A_9 : vector<16xf32> to vector<1x16xf32>
        tpu.vector_store %arg10[%swap3A, %swap3A_344], %swap3A_347 {strides = array<i32>} : memref<80x128xf32, #tpu.memory_space<vmem>>, vector<1x16xf32>,
        %scan3A_348 = arith.constant 0 : i32
        scf.yield %scan3A_348 : i32
      }
      %scan3A_338 = arith.constant 8 : i32
      %scan3A_339 = arith.constant 0 : i32
      scf.yield %scan3A_339 : i32
    }
    %scan3A_15 = arith.constant 80 : i32
    %mul3A_16 = arith.constant 632 : i32
    %mul3A_17 = arith.muli %arg1, %mul3A_16 : i32
    %scan3A_18 = arith.constant 0 : i32
    %scan3A_19 = arith.constant 0 : i32
    %scan3A_20 = arith.constant 7 : i32
    %scan3A_21 = arith.addi %scan3A_19, %scan3A_20 : i32
    %scan3A_22 = arith.constant 1 : i32
    %scan3A_23 = scf.for %scan3A_330 = %scan3A_19 to %scan3A_21 step %scan3A_22 iter_args(%scan3A_331 = %scan3A_18) -> (i32)  : i32 {
      %mul3A_332 = arith.constant 80 : i32
      %mul3A_333 = arith.muli %scan3A_330, %mul3A_332 : i32
      %add3A_334 = arith.addi %mul3A_17, %mul3A_333 : i32
      "tpu.region"() ({
        %run_scoped3A = tpu.sem_alloc : memref<!tpu.dma_semaphore, #tpu.memory_space<semaphore_mem>>
        %dma_start3A_336 = arith.constant 0 : i32
        %dma_start3A_337 = tpu.memref_slice %arg5[%add3A_334, %dma_start3A_336] : memref<10112x128xf32, #tpu.memory_space<vmem_shared>> -> memref<80x128xf32, #tpu.memory_space<vmem_shared>>
        %dma_start3A_338 = arith.constant 0 : i32
        %dma_start3A_339 = tpu.memref_slice %arg5[%add3A_334, %dma_start3A_338] : memref<10112x128xf32, #tpu.memory_space<vmem_shared>> -> memref<80x128xf32, #tpu.memory_space<vmem_shared>>
        tpu.enqueue_dma source(%arg10 : memref<80x128xf32, #tpu.memory_space<vmem>>) target(%dma_start3A_339 : memref<80x128xf32, #tpu.memory_space<vmem_shared>>) target_semaphore(%run_scoped3A : memref<!tpu.dma_semaphore, #tpu.memory_space<semaphore_mem>>)
        %dma_wait3A_340 = arith.constant 0 : i32
        %dma_wait3A_341 = tpu.memref_slice %arg5[%add3A_334, %dma_wait3A_340] : memref<10112x128xf32, #tpu.memory_space<vmem_shared>> -> memref<80x128xf32, #tpu.memory_space<vmem_shared>>
        %dma_wait3A_342 = arith.constant 0 : i32
        %dma_wait3A_343 = tpu.memref_slice %arg5[%add3A_334, %dma_wait3A_342] : memref<10112x128xf32, #tpu.memory_space<vmem_shared>> -> memref<80x128xf32, #tpu.memory_space<vmem_shared>>
        tpu.wait_dma2 semaphore(%run_scoped3A : memref<!tpu.dma_semaphore, #tpu.memory_space<semaphore_mem>>) src(%arg10 : memref<80x128xf32, #tpu.memory_space<vmem>>) dst(%dma_wait3A_343 : memref<80x128xf32, #tpu.memory_space<vmem_shared>>)
        tpu.yield
      }) : () -> ()
      %scan3A_335 = arith.constant 0 : i32
      scf.yield %scan3A_335 : i32
    }
    %scan3A_24 = arith.constant 7 : i32
    %add3A_25 = arith.constant 560 : i32
    %add3A_26 = arith.addi %mul3A_17, %add3A_25 : i32
    "tpu.region"() ({
      %run_scoped3A = tpu.sem_alloc : memref<!tpu.dma_semaphore, #tpu.memory_space<semaphore_mem>>
      %dma_start3A_330 = arith.constant 0 : i32
      %dma_start3A_331 = arith.constant 0 : i32
      %dma_start3A_332 = tpu.memref_slice %arg10[%dma_start3A_330, %dma_start3A_331] : memref<80x128xf32, #tpu.memory_space<vmem>> -> memref<72x128xf32, #tpu.memory_space<vmem>>
      %dma_start3A_333 = arith.constant 0 : i32
      %dma_start3A_334 = tpu.memref_slice %arg5[%add3A_26, %dma_start3A_333] : memref<10112x128xf32, #tpu.memory_space<vmem_shared>> -> memref<72x128xf32, #tpu.memory_space<vmem_shared>>
      %dma_start3A_335 = arith.constant 0 : i32
      %dma_start3A_336 = tpu.memref_slice %arg5[%add3A_26, %dma_start3A_335] : memref<10112x128xf32, #tpu.memory_space<vmem_shared>> -> memref<72x128xf32, #tpu.memory_space<vmem_shared>>
      %dma_start3A_337 = arith.constant 0 : i32
      %dma_start3A_338 = arith.constant 0 : i32
      %dma_start3A_339 = tpu.memref_slice %arg10[%dma_start3A_337, %dma_start3A_338] : memref<80x128xf32, #tpu.memory_space<vmem>> -> memref<72x128xf32, #tpu.memory_space<vmem>>
      tpu.enqueue_dma source(%dma_start3A_339 : memref<72x128xf32, #tpu.memory_space<vmem>>) target(%dma_start3A_336 : memref<72x128xf32, #tpu.memory_space<vmem_shared>>) target_semaphore(%run_scoped3A : memref<!tpu.dma_semaphore, #tpu.memory_space<semaphore_mem>>)
      %dma_wait3A_340 = arith.constant 0 : i32
      %dma_wait3A_341 = arith.constant 0 : i32
      %dma_wait3A_342 = tpu.memref_slice %arg10[%dma_wait3A_340, %dma_wait3A_341] : memref<80x128xf32, #tpu.memory_space<vmem>> -> memref<72x128xf32, #tpu.memory_space<vmem>>
      %dma_wait3A_343 = arith.constant 0 : i32
      %dma_wait3A_344 = tpu.memref_slice %arg5[%add3A_26, %dma_wait3A_343] : memref<10112x128xf32, #tpu.memory_space<vmem_shared>> -> memref<72x128xf32, #tpu.memory_space<vmem_shared>>
      %dma_wait3A_345 = arith.constant 0 : i32
      %dma_wait3A_346 = tpu.memref_slice %arg5[%add3A_26, %dma_wait3A_345] : memref<10112x128xf32, #tpu.memory_space<vmem_shared>> -> memref<72x128xf32, #tpu.memory_space<vmem_shared>>
      %dma_wait3A_347 = arith.constant 0 : i32
      %dma_wait3A_348 = arith.constant 0 : i32
      %dma_wait3A_349 = tpu.memref_slice %arg10[%dma_wait3A_347, %dma_wait3A_348] : memref<80x128xf32, #tpu.memory_space<vmem>> -> memref<72x128xf32, #tpu.memory_space<vmem>>
      tpu.wait_dma2 semaphore(%run_scoped3A : memref<!tpu.dma_semaphore, #tpu.memory_space<semaphore_mem>>) src(%dma_wait3A_349 : memref<72x128xf32, #tpu.memory_space<vmem>>) dst(%dma_wait3A_346 : memref<72x128xf32, #tpu.memory_space<vmem_shared>>)
      tpu.yield
    }) : () -> ()
    %barrier3A = arith.constant 0 : index
    tpu.barrier barrier_id(%barrier3A)
    %add3A_27 = arith.constant 0 : i32
    %add3A_28 = arith.addi %select_n3A_8, %add3A_27 : i32
    %dma_start3A = arith.constant 0 : i32
    %dma_start3A_29 = arith.constant 0 : i32
    %dma_start3A_30 = tpu.memref_slice %arg2[%add3A_28, %dma_start3A, %dma_start3A_29] : memref<641x8x128xi32, #tpu.memory_space<hbm>> -> memref<1x8x128xi32, #tpu.memory_space<hbm>>
    %dma_start3A_31 = tpu.memref_squeeze %dma_start3A_30 : memref<1x8x128xi32, #tpu.memory_space<hbm>> -> memref<8x128xi32, #tpu.memory_space<hbm>>
    %dma_start3A_32 = arith.constant 0 : i32
    %dma_start3A_33 = arith.constant 0 : i32
    %dma_start3A_34 = tpu.memref_slice %arg2[%add3A_28, %dma_start3A_32, %dma_start3A_33] : memref<641x8x128xi32, #tpu.memory_space<hbm>> -> memref<1x8x128xi32, #tpu.memory_space<hbm>>
    %dma_start3A_35 = tpu.memref_squeeze %dma_start3A_34 : memref<1x8x128xi32, #tpu.memory_space<hbm>> -> memref<8x128xi32, #tpu.memory_space<hbm>>
    tpu.enqueue_dma source(%dma_start3A_35 : memref<8x128xi32, #tpu.memory_space<hbm>>) target(%arg6 : memref<8x128xi32, #tpu.memory_space<vmem>>) target_semaphore(%arg11 : memref<!tpu.dma_semaphore, #tpu.memory_space<semaphore_mem>>)
    %dma_wait3A = arith.constant 0 : i32
    %dma_wait3A_36 = arith.constant 0 : i32
    %dma_wait3A_37 = tpu.memref_slice %arg2[%select_n3A_8, %dma_wait3A, %dma_wait3A_36] : memref<641x8x128xi32, #tpu.memory_space<hbm>> -> memref<1x8x128xi32, #tpu.memory_space<hbm>>
    %dma_wait3A_38 = tpu.memref_squeeze %dma_wait3A_37 : memref<1x8x128xi32, #tpu.memory_space<hbm>> -> memref<8x128xi32, #tpu.memory_space<hbm>>
    %dma_wait3A_39 = arith.constant 0 : i32
    %dma_wait3A_40 = arith.constant 0 : i32
    %dma_wait3A_41 = tpu.memref_slice %arg2[%select_n3A_8, %dma_wait3A_39, %dma_wait3A_40] : memref<641x8x128xi32, #tpu.memory_space<hbm>> -> memref<1x8x128xi32, #tpu.memory_space<hbm>>
    %dma_wait3A_42 = tpu.memref_squeeze %dma_wait3A_41 : memref<1x8x128xi32, #tpu.memory_space<hbm>> -> memref<8x128xi32, #tpu.memory_space<hbm>>
    tpu.wait_dma2 semaphore(%arg11 : memref<!tpu.dma_semaphore, #tpu.memory_space<semaphore_mem>>) src(%dma_wait3A_42 : memref<8x128xi32, #tpu.memory_space<hbm>>) dst(%arg6 : memref<8x128xi32, #tpu.memory_space<vmem>>)
    %dma_start3A_43 = arith.constant 0 : i32
    %dma_start3A_44 = arith.constant 0 : i32
    %dma_start3A_45 = tpu.memref_slice %arg6[%dma_start3A_43, %dma_start3A_44] : memref<8x128xi32, #tpu.memory_space<vmem>> -> memref<1x128xi32, #tpu.memory_space<vmem>>
    %dma_start3A_46 = tpu.memref_squeeze %dma_start3A_45 : memref<1x128xi32, #tpu.memory_space<vmem>> -> memref<128xi32, #tpu.memory_space<vmem>>
    %dma_start3A_47 = arith.constant 0 : i32
    %dma_start3A_48 = arith.constant 0 : i32
    %dma_start3A_49 = tpu.memref_slice %arg3[%dma_start3A_47, %dma_start3A_48] : memref<10000x128xf32, #tpu.memory_space<hbm>> -> memref<10000x128xf32, #tpu.memory_space<hbm>>
    tpu.enqueue_indirect_dma source(%dma_start3A_49 : memref<10000x128xf32, #tpu.memory_space<hbm>>) target(%arg8 : memref<128x128xf32, #tpu.memory_space<vmem>>) offsets(%dma_start3A_46 : memref<128xi32, #tpu.memory_space<vmem>>) semaphore(%arg13 : memref<!tpu.dma_semaphore, #tpu.memory_space<semaphore_mem>>)
    %add3A_50 = arith.constant 1 : i32
    %add3A_51 = arith.addi %select_n3A_8, %add3A_50 : i32
    %dma_start3A_52 = arith.constant 0 : i32
    %dma_start3A_53 = arith.constant 0 : i32
    %dma_start3A_54 = tpu.memref_slice %arg2[%add3A_51, %dma_start3A_52, %dma_start3A_53] : memref<641x8x128xi32, #tpu.memory_space<hbm>> -> memref<1x8x128xi32, #tpu.memory_space<hbm>>
    %dma_start3A_55 = tpu.memref_squeeze %dma_start3A_54 : memref<1x8x128xi32, #tpu.memory_space<hbm>> -> memref<8x128xi32, #tpu.memory_space<hbm>>
    %dma_start3A_56 = arith.constant 0 : i32
    %dma_start3A_57 = arith.constant 0 : i32
    %dma_start3A_58 = tpu.memref_slice %arg2[%add3A_51, %dma_start3A_56, %dma_start3A_57] : memref<641x8x128xi32, #tpu.memory_space<hbm>> -> memref<1x8x128xi32, #tpu.memory_space<hbm>>
    %dma_start3A_59 = tpu.memref_squeeze %dma_start3A_58 : memref<1x8x128xi32, #tpu.memory_space<hbm>> -> memref<8x128xi32, #tpu.memory_space<hbm>>
    tpu.enqueue_dma source(%dma_start3A_59 : memref<8x128xi32, #tpu.memory_space<hbm>>) target(%arg7 : memref<8x128xi32, #tpu.memory_space<vmem>>) target_semaphore(%arg12 : memref<!tpu.dma_semaphore, #tpu.memory_space<semaphore_mem>>)
    %dma_start3A_60 = arith.constant 2 : i32
    %dma_start3A_61 = arith.constant 0 : i32
    %dma_start3A_62 = tpu.memref_slice %arg6[%dma_start3A_60, %dma_start3A_61] : memref<8x128xi32, #tpu.memory_space<vmem>> -> memref<1x128xi32, #tpu.memory_space<vmem>>
    %dma_start3A_63 = tpu.memref_squeeze %dma_start3A_62 : memref<1x128xi32, #tpu.memory_space<vmem>> -> memref<128xi32, #tpu.memory_space<vmem>>
    %dma_start3A_64 = arith.constant 0 : i32
    %dma_start3A_65 = arith.constant 0 : i32
    %dma_start3A_66 = tpu.memref_slice %arg3[%dma_start3A_64, %dma_start3A_65] : memref<10000x128xf32, #tpu.memory_space<hbm>> -> memref<10000x128xf32, #tpu.memory_space<hbm>>
    tpu.enqueue_indirect_dma source(%dma_start3A_66 : memref<10000x128xf32, #tpu.memory_space<hbm>>) target(%arg9 : memref<128x128xf32, #tpu.memory_space<vmem>>) offsets(%dma_start3A_63 : memref<128xi32, #tpu.memory_space<vmem>>) semaphore(%arg14 : memref<!tpu.dma_semaphore, #tpu.memory_space<semaphore_mem>>)
    %dma_wait3A_67 = arith.constant 0 : i32
    %dma_wait3A_68 = arith.constant 0 : i32
    %dma_wait3A_69 = tpu.memref_slice %arg3[%dma_wait3A_67, %dma_wait3A_68] : memref<10000x128xf32, #tpu.memory_space<hbm>> -> memref<128x128xf32, #tpu.memory_space<hbm>>
    %dma_wait3A_70 = arith.constant 0 : i32
    %dma_wait3A_71 = arith.constant 0 : i32
    %dma_wait3A_72 = tpu.memref_slice %arg3[%dma_wait3A_70, %dma_wait3A_71] : memref<10000x128xf32, #tpu.memory_space<hbm>> -> memref<128x128xf32, #tpu.memory_space<hbm>>
    tpu.wait_dma2 semaphore(%arg13 : memref<!tpu.dma_semaphore, #tpu.memory_space<semaphore_mem>>) src(%dma_wait3A_72 : memref<128x128xf32, #tpu.memory_space<hbm>>) dst(%arg8 : memref<128x128xf32, #tpu.memory_space<vmem>>)
    %dma_start3A_73 = arith.constant 1 : i32
    %dma_start3A_74 = arith.constant 0 : i32
    %dma_start3A_75 = tpu.memref_slice %arg6[%dma_start3A_73, %dma_start3A_74] : memref<8x128xi32, #tpu.memory_space<vmem>> -> memref<1x128xi32, #tpu.memory_space<vmem>>
    %dma_start3A_76 = tpu.memref_squeeze %dma_start3A_75 : memref<1x128xi32, #tpu.memory_space<vmem>> -> memref<128xi32, #tpu.memory_space<vmem>>
    %dma_start3A_77 = arith.constant 0 : i32
    %dma_start3A_78 = arith.constant 0 : i32
    %dma_start3A_79 = tpu.memref_slice %arg5[%dma_start3A_77, %dma_start3A_78] : memref<10112x128xf32, #tpu.memory_space<vmem_shared>> -> memref<10112x128xf32, #tpu.memory_space<vmem_shared>>
    tpu.enqueue_indirect_dma source(%arg8 : memref<128x128xf32, #tpu.memory_space<vmem>>) target(%dma_start3A_79 : memref<10112x128xf32, #tpu.memory_space<vmem_shared>>) offsets(%dma_start3A_76 : memref<128xi32, #tpu.memory_space<vmem>>) semaphore(%arg15 : memref<!tpu.dma_semaphore, #tpu.memory_space<semaphore_mem>>) {add = true}
    %dma_wait3A_80 = arith.constant 0 : i32
    %dma_wait3A_81 = arith.constant 0 : i32
    %dma_wait3A_82 = tpu.memref_slice %arg3[%dma_wait3A_80, %dma_wait3A_81] : memref<10000x128xf32, #tpu.memory_space<hbm>> -> memref<128x128xf32, #tpu.memory_space<hbm>>
    %dma_wait3A_83 = arith.constant 0 : i32
    %dma_wait3A_84 = arith.constant 0 : i32
    %dma_wait3A_85 = tpu.memref_slice %arg3[%dma_wait3A_83, %dma_wait3A_84] : memref<10000x128xf32, #tpu.memory_space<hbm>> -> memref<128x128xf32, #tpu.memory_space<hbm>>
    tpu.wait_dma2 semaphore(%arg15 : memref<!tpu.dma_semaphore, #tpu.memory_space<semaphore_mem>>) src(%dma_wait3A_85 : memref<128x128xf32, #tpu.memory_space<hbm>>) dst(%arg8 : memref<128x128xf32, #tpu.memory_space<vmem>>)
    %dma_start3A_86 = arith.constant 4 : i32
    %dma_start3A_87 = arith.constant 0 : i32
    %dma_start3A_88 = tpu.memref_slice %arg6[%dma_start3A_86, %dma_start3A_87] : memref<8x128xi32, #tpu.memory_space<vmem>> -> memref<1x128xi32, #tpu.memory_space<vmem>>
    %dma_start3A_89 = tpu.memref_squeeze %dma_start3A_88 : memref<1x128xi32, #tpu.memory_space<vmem>> -> memref<128xi32, #tpu.memory_space<vmem>>
    %dma_start3A_90 = arith.constant 0 : i32
    %dma_start3A_91 = arith.constant 0 : i32
    %dma_start3A_92 = tpu.memref_slice %arg3[%dma_start3A_90, %dma_start3A_91] : memref<10000x128xf32, #tpu.memory_space<hbm>> -> memref<10000x128xf32, #tpu.memory_space<hbm>>
    tpu.enqueue_indirect_dma source(%dma_start3A_92 : memref<10000x128xf32, #tpu.memory_space<hbm>>) target(%arg8 : memref<128x128xf32, #tpu.memory_space<vmem>>) offsets(%dma_start3A_89 : memref<128xi32, #tpu.memory_space<vmem>>) semaphore(%arg13 : memref<!tpu.dma_semaphore, #tpu.memory_space<semaphore_mem>>)
    %dma_wait3A_93 = arith.constant 0 : i32
    %dma_wait3A_94 = arith.constant 0 : i32
    %dma_wait3A_95 = tpu.memref_slice %arg3[%dma_wait3A_93, %dma_wait3A_94] : memref<10000x128xf32, #tpu.memory_space<hbm>> -> memref<128x128xf32, #tpu.memory_space<hbm>>
    %dma_wait3A_96 = arith.constant 0 : i32
    %dma_wait3A_97 = arith.constant 0 : i32
    %dma_wait3A_98 = tpu.memref_slice %arg3[%dma_wait3A_96, %dma_wait3A_97] : memref<10000x128xf32, #tpu.memory_space<hbm>> -> memref<128x128xf32, #tpu.memory_space<hbm>>
    tpu.wait_dma2 semaphore(%arg14 : memref<!tpu.dma_semaphore, #tpu.memory_space<semaphore_mem>>) src(%dma_wait3A_98 : memref<128x128xf32, #tpu.memory_space<hbm>>) dst(%arg9 : memref<128x128xf32, #tpu.memory_space<vmem>>)
    %dma_start3A_99 = arith.constant 3 : i32
    %dma_start3A_100 = arith.constant 0 : i32
    %dma_start3A_101 = tpu.memref_slice %arg6[%dma_start3A_99, %dma_start3A_100] : memref<8x128xi32, #tpu.memory_space<vmem>> -> memref<1x128xi32, #tpu.memory_space<vmem>>
    %dma_start3A_102 = tpu.memref_squeeze %dma_start3A_101 : memref<1x128xi32, #tpu.memory_space<vmem>> -> memref<128xi32, #tpu.memory_space<vmem>>
    %dma_start3A_103 = arith.constant 0 : i32
    %dma_start3A_104 = arith.constant 0 : i32
    %dma_start3A_105 = tpu.memref_slice %arg5[%dma_start3A_103, %dma_start3A_104] : memref<10112x128xf32, #tpu.memory_space<vmem_shared>> -> memref<10112x128xf32, #tpu.memory_space<vmem_shared>>
    tpu.enqueue_indirect_dma source(%arg9 : memref<128x128xf32, #tpu.memory_space<vmem>>) target(%dma_start3A_105 : memref<10112x128xf32, #tpu.memory_space<vmem_shared>>) offsets(%dma_start3A_102 : memref<128xi32, #tpu.memory_space<vmem>>) semaphore(%arg16 : memref<!tpu.dma_semaphore, #tpu.memory_space<semaphore_mem>>) {add = true}
    %dma_wait3A_106 = arith.constant 0 : i32
    %dma_wait3A_107 = arith.constant 0 : i32
    %dma_wait3A_108 = tpu.memref_slice %arg3[%dma_wait3A_106, %dma_wait3A_107] : memref<10000x128xf32, #tpu.memory_space<hbm>> -> memref<128x128xf32, #tpu.memory_space<hbm>>
    %dma_wait3A_109 = arith.constant 0 : i32
    %dma_wait3A_110 = arith.constant 0 : i32
    %dma_wait3A_111 = tpu.memref_slice %arg3[%dma_wait3A_109, %dma_wait3A_110] : memref<10000x128xf32, #tpu.memory_space<hbm>> -> memref<128x128xf32, #tpu.memory_space<hbm>>
    tpu.wait_dma2 semaphore(%arg16 : memref<!tpu.dma_semaphore, #tpu.memory_space<semaphore_mem>>) src(%dma_wait3A_111 : memref<128x128xf32, #tpu.memory_space<hbm>>) dst(%arg9 : memref<128x128xf32, #tpu.memory_space<vmem>>)
    %dma_start3A_112 = arith.constant 6 : i32
    %dma_start3A_113 = arith.constant 0 : i32
    %dma_start3A_114 = tpu.memref_slice %arg6[%dma_start3A_112, %dma_start3A_113] : memref<8x128xi32, #tpu.memory_space<vmem>> -> memref<1x128xi32, #tpu.memory_space<vmem>>
    %dma_start3A_115 = tpu.memref_squeeze %dma_start3A_114 : memref<1x128xi32, #tpu.memory_space<vmem>> -> memref<128xi32, #tpu.memory_space<vmem>>
    %dma_start3A_116 = arith.constant 0 : i32
    %dma_start3A_117 = arith.constant 0 : i32
    %dma_start3A_118 = tpu.memref_slice %arg3[%dma_start3A_116, %dma_start3A_117] : memref<10000x128xf32, #tpu.memory_space<hbm>> -> memref<10000x128xf32, #tpu.memory_space<hbm>>
    tpu.enqueue_indirect_dma source(%dma_start3A_118 : memref<10000x128xf32, #tpu.memory_space<hbm>>) target(%arg9 : memref<128x128xf32, #tpu.memory_space<vmem>>) offsets(%dma_start3A_115 : memref<128xi32, #tpu.memory_space<vmem>>) semaphore(%arg14 : memref<!tpu.dma_semaphore, #tpu.memory_space<semaphore_mem>>)
    %dma_wait3A_119 = arith.constant 0 : i32
    %dma_wait3A_120 = arith.constant 0 : i32
    %dma_wait3A_121 = tpu.memref_slice %arg3[%dma_wait3A_119, %dma_wait3A_120] : memref<10000x128xf32, #tpu.memory_space<hbm>> -> memref<128x128xf32, #tpu.memory_space<hbm>>
    %dma_wait3A_122 = arith.constant 0 : i32
    %dma_wait3A_123 = arith.constant 0 : i32
    %dma_wait3A_124 = tpu.memref_slice %arg3[%dma_wait3A_122, %dma_wait3A_123] : memref<10000x128xf32, #tpu.memory_space<hbm>> -> memref<128x128xf32, #tpu.memory_space<hbm>>
    tpu.wait_dma2 semaphore(%arg13 : memref<!tpu.dma_semaphore, #tpu.memory_space<semaphore_mem>>) src(%dma_wait3A_124 : memref<128x128xf32, #tpu.memory_space<hbm>>) dst(%arg8 : memref<128x128xf32, #tpu.memory_space<vmem>>)
    %dma_start3A_125 = arith.constant 5 : i32
    %dma_start3A_126 = arith.constant 0 : i32
    %dma_start3A_127 = tpu.memref_slice %arg6[%dma_start3A_125, %dma_start3A_126] : memref<8x128xi32, #tpu.memory_space<vmem>> -> memref<1x128xi32, #tpu.memory_space<vmem>>
    %dma_start3A_128 = tpu.memref_squeeze %dma_start3A_127 : memref<1x128xi32, #tpu.memory_space<vmem>> -> memref<128xi32, #tpu.memory_space<vmem>>
    %dma_start3A_129 = arith.constant 0 : i32
    %dma_start3A_130 = arith.constant 0 : i32
    %dma_start3A_131 = tpu.memref_slice %arg5[%dma_start3A_129, %dma_start3A_130] : memref<10112x128xf32, #tpu.memory_space<vmem_shared>> -> memref<10112x128xf32, #tpu.memory_space<vmem_shared>>
    tpu.enqueue_indirect_dma source(%arg8 : memref<128x128xf32, #tpu.memory_space<vmem>>) target(%dma_start3A_131 : memref<10112x128xf32, #tpu.memory_space<vmem_shared>>) offsets(%dma_start3A_128 : memref<128xi32, #tpu.memory_space<vmem>>) semaphore(%arg15 : memref<!tpu.dma_semaphore, #tpu.memory_space<semaphore_mem>>) {add = true}
    %dma_wait3A_132 = arith.constant 0 : i32
    %dma_wait3A_133 = arith.constant 0 : i32
    %dma_wait3A_134 = tpu.memref_slice %arg2[%select_n3A_8, %dma_wait3A_132, %dma_wait3A_133] : memref<641x8x128xi32, #tpu.memory_space<hbm>> -> memref<1x8x128xi32, #tpu.memory_space<hbm>>
    %dma_wait3A_135 = tpu.memref_squeeze %dma_wait3A_134 : memref<1x8x128xi32, #tpu.memory_space<hbm>> -> memref<8x128xi32, #tpu.memory_space<hbm>>
    %dma_wait3A_136 = arith.constant 0 : i32
    %dma_wait3A_137 = arith.constant 0 : i32
    %dma_wait3A_138 = tpu.memref_slice %arg2[%select_n3A_8, %dma_wait3A_136, %dma_wait3A_137] : memref<641x8x128xi32, #tpu.memory_space<hbm>> -> memref<1x8x128xi32, #tpu.memory_space<hbm>>
    %dma_wait3A_139 = tpu.memref_squeeze %dma_wait3A_138 : memref<1x8x128xi32, #tpu.memory_space<hbm>> -> memref<8x128xi32, #tpu.memory_space<hbm>>
    tpu.wait_dma2 semaphore(%arg12 : memref<!tpu.dma_semaphore, #tpu.memory_space<semaphore_mem>>) src(%dma_wait3A_139 : memref<8x128xi32, #tpu.memory_space<hbm>>) dst(%arg7 : memref<8x128xi32, #tpu.memory_space<vmem>>)
    %dma_wait3A_140 = arith.constant 0 : i32
    %dma_wait3A_141 = arith.constant 0 : i32
    %dma_wait3A_142 = tpu.memref_slice %arg3[%dma_wait3A_140, %dma_wait3A_141] : memref<10000x128xf32, #tpu.memory_space<hbm>> -> memref<128x128xf32, #tpu.memory_space<hbm>>
    %dma_wait3A_143 = arith.constant 0 : i32
    %dma_wait3A_144 = arith.constant 0 : i32
    %dma_wait3A_145 = tpu.memref_slice %arg3[%dma_wait3A_143, %dma_wait3A_144] : memref<10000x128xf32, #tpu.memory_space<hbm>> -> memref<128x128xf32, #tpu.memory_space<hbm>>
    tpu.wait_dma2 semaphore(%arg15 : memref<!tpu.dma_semaphore, #tpu.memory_space<semaphore_mem>>) src(%dma_wait3A_145 : memref<128x128xf32, #tpu.memory_space<hbm>>) dst(%arg8 : memref<128x128xf32, #tpu.memory_space<vmem>>)
    %dma_start3A_146 = arith.constant 0 : i32
    %dma_start3A_147 = arith.constant 0 : i32
    %dma_start3A_148 = tpu.memref_slice %arg7[%dma_start3A_146, %dma_start3A_147] : memref<8x128xi32, #tpu.memory_space<vmem>> -> memref<1x128xi32, #tpu.memory_space<vmem>>
    %dma_start3A_149 = tpu.memref_squeeze %dma_start3A_148 : memref<1x128xi32, #tpu.memory_space<vmem>> -> memref<128xi32, #tpu.memory_space<vmem>>
    %dma_start3A_150 = arith.constant 0 : i32
    %dma_start3A_151 = arith.constant 0 : i32
    %dma_start3A_152 = tpu.memref_slice %arg3[%dma_start3A_150, %dma_start3A_151] : memref<10000x128xf32, #tpu.memory_space<hbm>> -> memref<10000x128xf32, #tpu.memory_space<hbm>>
    tpu.enqueue_indirect_dma source(%dma_start3A_152 : memref<10000x128xf32, #tpu.memory_space<hbm>>) target(%arg8 : memref<128x128xf32, #tpu.memory_space<vmem>>) offsets(%dma_start3A_149 : memref<128xi32, #tpu.memory_space<vmem>>) semaphore(%arg13 : memref<!tpu.dma_semaphore, #tpu.memory_space<semaphore_mem>>)
    %dma_wait3A_153 = arith.constant 0 : i32
    %dma_wait3A_154 = arith.constant 0 : i32
    %dma_wait3A_155 = tpu.memref_slice %arg3[%dma_wait3A_153, %dma_wait3A_154] : memref<10000x128xf32, #tpu.memory_space<hbm>> -> memref<128x128xf32, #tpu.memory_space<hbm>>
    %dma_wait3A_156 = arith.constant 0 : i32
    %dma_wait3A_157 = arith.constant 0 : i32
    %dma_wait3A_158 = tpu.memref_slice %arg3[%dma_wait3A_156, %dma_wait3A_157] : memref<10000x128xf32, #tpu.memory_space<hbm>> -> memref<128x128xf32, #tpu.memory_space<hbm>>
    tpu.wait_dma2 semaphore(%arg14 : memref<!tpu.dma_semaphore, #tpu.memory_space<semaphore_mem>>) src(%dma_wait3A_158 : memref<128x128xf32, #tpu.memory_space<hbm>>) dst(%arg9 : memref<128x128xf32, #tpu.memory_space<vmem>>)
    %dma_start3A_159 = arith.constant 7 : i32
    %dma_start3A_160 = arith.constant 0 : i32
    %dma_start3A_161 = tpu.memref_slice %arg6[%dma_start3A_159, %dma_start3A_160] : memref<8x128xi32, #tpu.memory_space<vmem>> -> memref<1x128xi32, #tpu.memory_space<vmem>>
    %dma_start3A_162 = tpu.memref_squeeze %dma_start3A_161 : memref<1x128xi32, #tpu.memory_space<vmem>> -> memref<128xi32, #tpu.memory_space<vmem>>
    %dma_start3A_163 = arith.constant 0 : i32
    %dma_start3A_164 = arith.constant 0 : i32
    %dma_start3A_165 = tpu.memref_slice %arg5[%dma_start3A_163, %dma_start3A_164] : memref<10112x128xf32, #tpu.memory_space<vmem_shared>> -> memref<10112x128xf32, #tpu.memory_space<vmem_shared>>
    tpu.enqueue_indirect_dma source(%arg9 : memref<128x128xf32, #tpu.memory_space<vmem>>) target(%dma_start3A_165 : memref<10112x128xf32, #tpu.memory_space<vmem_shared>>) offsets(%dma_start3A_162 : memref<128xi32, #tpu.memory_space<vmem>>) semaphore(%arg16 : memref<!tpu.dma_semaphore, #tpu.memory_space<semaphore_mem>>) {add = true}
    %dma_wait3A_166 = arith.constant 0 : i32
    %dma_wait3A_167 = arith.constant 0 : i32
    %dma_wait3A_168 = tpu.memref_slice %arg3[%dma_wait3A_166, %dma_wait3A_167] : memref<10000x128xf32, #tpu.memory_space<hbm>> -> memref<128x128xf32, #tpu.memory_space<hbm>>
    %dma_wait3A_169 = arith.constant 0 : i32
    %dma_wait3A_170 = arith.constant 0 : i32
    %dma_wait3A_171 = tpu.memref_slice %arg3[%dma_wait3A_169, %dma_wait3A_170] : memref<10000x128xf32, #tpu.memory_space<hbm>> -> memref<128x128xf32, #tpu.memory_space<hbm>>
    tpu.wait_dma2 semaphore(%arg16 : memref<!tpu.dma_semaphore, #tpu.memory_space<semaphore_mem>>) src(%dma_wait3A_171 : memref<128x128xf32, #tpu.memory_space<hbm>>) dst(%arg9 : memref<128x128xf32, #tpu.memory_space<vmem>>)
    %add3A_172 = arith.constant 2 : i32
    %add3A_173 = arith.addi %select_n3A_8, %add3A_172 : i32
    %dma_start3A_174 = arith.constant 0 : i32
    %dma_start3A_175 = arith.constant 0 : i32
    %dma_start3A_176 = tpu.memref_slice %arg2[%add3A_173, %dma_start3A_174, %dma_start3A_175] : memref<641x8x128xi32, #tpu.memory_space<hbm>> -> memref<1x8x128xi32, #tpu.memory_space<hbm>>
    %dma_start3A_177 = tpu.memref_squeeze %dma_start3A_176 : memref<1x8x128xi32, #tpu.memory_space<hbm>> -> memref<8x128xi32, #tpu.memory_space<hbm>>
    %dma_start3A_178 = arith.constant 0 : i32
    %dma_start3A_179 = arith.constant 0 : i32
    %dma_start3A_180 = tpu.memref_slice %arg2[%add3A_173, %dma_start3A_178, %dma_start3A_179] : memref<641x8x128xi32, #tpu.memory_space<hbm>> -> memref<1x8x128xi32, #tpu.memory_space<hbm>>
    %dma_start3A_181 = tpu.memref_squeeze %dma_start3A_180 : memref<1x8x128xi32, #tpu.memory_space<hbm>> -> memref<8x128xi32, #tpu.memory_space<hbm>>
    tpu.enqueue_dma source(%dma_start3A_181 : memref<8x128xi32, #tpu.memory_space<hbm>>) target(%arg6 : memref<8x128xi32, #tpu.memory_space<vmem>>) target_semaphore(%arg11 : memref<!tpu.dma_semaphore, #tpu.memory_space<semaphore_mem>>)
    %dma_start3A_182 = arith.constant 2 : i32
    %dma_start3A_183 = arith.constant 0 : i32
    %dma_start3A_184 = tpu.memref_slice %arg7[%dma_start3A_182, %dma_start3A_183] : memref<8x128xi32, #tpu.memory_space<vmem>> -> memref<1x128xi32, #tpu.memory_space<vmem>>
    %dma_start3A_185 = tpu.memref_squeeze %dma_start3A_184 : memref<1x128xi32, #tpu.memory_space<vmem>> -> memref<128xi32, #tpu.memory_space<vmem>>
    %dma_start3A_186 = arith.constant 0 : i32
    %dma_start3A_187 = arith.constant 0 : i32
    %dma_start3A_188 = tpu.memref_slice %arg3[%dma_start3A_186, %dma_start3A_187] : memref<10000x128xf32, #tpu.memory_space<hbm>> -> memref<10000x128xf32, #tpu.memory_space<hbm>>
    tpu.enqueue_indirect_dma source(%dma_start3A_188 : memref<10000x128xf32, #tpu.memory_space<hbm>>) target(%arg9 : memref<128x128xf32, #tpu.memory_space<vmem>>) offsets(%dma_start3A_185 : memref<128xi32, #tpu.memory_space<vmem>>) semaphore(%arg14 : memref<!tpu.dma_semaphore, #tpu.memory_space<semaphore_mem>>)
    %dma_wait3A_189 = arith.constant 0 : i32
    %dma_wait3A_190 = arith.constant 0 : i32
    %dma_wait3A_191 = tpu.memref_slice %arg3[%dma_wait3A_189, %dma_wait3A_190] : memref<10000x128xf32, #tpu.memory_space<hbm>> -> memref<128x128xf32, #tpu.memory_space<hbm>>
    %dma_wait3A_192 = arith.constant 0 : i32
    %dma_wait3A_193 = arith.constant 0 : i32
    %dma_wait3A_194 = tpu.memref_slice %arg3[%dma_wait3A_192, %dma_wait3A_193] : memref<10000x128xf32, #tpu.memory_space<hbm>> -> memref<128x128xf32, #tpu.memory_space<hbm>>
    tpu.wait_dma2 semaphore(%arg13 : memref<!tpu.dma_semaphore, #tpu.memory_space<semaphore_mem>>) src(%dma_wait3A_194 : memref<128x128xf32, #tpu.memory_space<hbm>>) dst(%arg8 : memref<128x128xf32, #tpu.memory_space<vmem>>)
    %dma_start3A_195 = arith.constant 1 : i32
    %dma_start3A_196 = arith.constant 0 : i32
    %dma_start3A_197 = tpu.memref_slice %arg7[%dma_start3A_195, %dma_start3A_196] : memref<8x128xi32, #tpu.memory_space<vmem>> -> memref<1x128xi32, #tpu.memory_space<vmem>>
    %dma_start3A_198 = tpu.memref_squeeze %dma_start3A_197 : memref<1x128xi32, #tpu.memory_space<vmem>> -> memref<128xi32, #tpu.memory_space<vmem>>
    %dma_start3A_199 = arith.constant 0 : i32
    %dma_start3A_200 = arith.constant 0 : i32
    %dma_start3A_201 = tpu.memref_slice %arg5[%dma_start3A_199, %dma_start3A_200] : memref<10112x128xf32, #tpu.memory_space<vmem_shared>> -> memref<10112x128xf32, #tpu.memory_space<vmem_shared>>
    tpu.enqueue_indirect_dma source(%arg8 : memref<128x128xf32, #tpu.memory_space<vmem>>) target(%dma_start3A_201 : memref<10112x128xf32, #tpu.memory_space<vmem_shared>>) offsets(%dma_start3A_198 : memref<128xi32, #tpu.memory_space<vmem>>) semaphore(%arg15 : memref<!tpu.dma_semaphore, #tpu.memory_space<semaphore_mem>>) {add = true}
    %dma_wait3A_202 = arith.constant 0 : i32
    %dma_wait3A_203 = arith.constant 0 : i32
    %dma_wait3A_204 = tpu.memref_slice %arg3[%dma_wait3A_202, %dma_wait3A_203] : memref<10000x128xf32, #tpu.memory_space<hbm>> -> memref<128x128xf32, #tpu.memory_space<hbm>>
    %dma_wait3A_205 = arith.constant 0 : i32
    %dma_wait3A_206 = arith.constant 0 : i32
    %dma_wait3A_207 = tpu.memref_slice %arg3[%dma_wait3A_205, %dma_wait3A_206] : memref<10000x128xf32, #tpu.memory_space<hbm>> -> memref<128x128xf32, #tpu.memory_space<hbm>>
    tpu.wait_dma2 semaphore(%arg15 : memref<!tpu.dma_semaphore, #tpu.memory_space<semaphore_mem>>) src(%dma_wait3A_207 : memref<128x128xf32, #tpu.memory_space<hbm>>) dst(%arg8 : memref<128x128xf32, #tpu.memory_space<vmem>>)
    %dma_start3A_208 = arith.constant 4 : i32
    %dma_start3A_209 = arith.constant 0 : i32
    %dma_start3A_210 = tpu.memref_slice %arg7[%dma_start3A_208, %dma_start3A_209] : memref<8x128xi32, #tpu.memory_space<vmem>> -> memref<1x128xi32, #tpu.memory_space<vmem>>
    %dma_start3A_211 = tpu.memref_squeeze %dma_start3A_210 : memref<1x128xi32, #tpu.memory_space<vmem>> -> memref<128xi32, #tpu.memory_space<vmem>>
    %dma_start3A_212 = arith.constant 0 : i32
    %dma_start3A_213 = arith.constant 0 : i32
    %dma_start3A_214 = tpu.memref_slice %arg3[%dma_start3A_212, %dma_start3A_213] : memref<10000x128xf32, #tpu.memory_space<hbm>> -> memref<10000x128xf32, #tpu.memory_space<hbm>>
    tpu.enqueue_indirect_dma source(%dma_start3A_214 : memref<10000x128xf32, #tpu.memory_space<hbm>>) target(%arg8 : memref<128x128xf32, #tpu.memory_space<vmem>>) offsets(%dma_start3A_211 : memref<128xi32, #tpu.memory_space<vmem>>) semaphore(%arg13 : memref<!tpu.dma_semaphore, #tpu.memory_space<semaphore_mem>>)
    %dma_wait3A_215 = arith.constant 0 : i32
    %dma_wait3A_216 = arith.constant 0 : i32
    %dma_wait3A_217 = tpu.memref_slice %arg3[%dma_wait3A_215, %dma_wait3A_216] : memref<10000x128xf32, #tpu.memory_space<hbm>> -> memref<128x128xf32, #tpu.memory_space<hbm>>
    %dma_wait3A_218 = arith.constant 0 : i32
    %dma_wait3A_219 = arith.constant 0 : i32
    %dma_wait3A_220 = tpu.memref_slice %arg3[%dma_wait3A_218, %dma_wait3A_219] : memref<10000x128xf32, #tpu.memory_space<hbm>> -> memref<128x128xf32, #tpu.memory_space<hbm>>
    tpu.wait_dma2 semaphore(%arg14 : memref<!tpu.dma_semaphore, #tpu.memory_space<semaphore_mem>>) src(%dma_wait3A_220 : memref<128x128xf32, #tpu.memory_space<hbm>>) dst(%arg9 : memref<128x128xf32, #tpu.memory_space<vmem>>)
    %dma_start3A_221 = arith.constant 3 : i32
    %dma_start3A_222 = arith.constant 0 : i32
    %dma_start3A_223 = tpu.memref_slice %arg7[%dma_start3A_221, %dma_start3A_222] : memref<8x128xi32, #tpu.memory_space<vmem>> -> memref<1x128xi32, #tpu.memory_space<vmem>>
    %dma_start3A_224 = tpu.memref_squeeze %dma_start3A_223 : memref<1x128xi32, #tpu.memory_space<vmem>> -> memref<128xi32, #tpu.memory_space<vmem>>
    %dma_start3A_225 = arith.constant 0 : i32
    %dma_start3A_226 = arith.constant 0 : i32
    %dma_start3A_227 = tpu.memref_slice %arg5[%dma_start3A_225, %dma_start3A_226] : memref<10112x128xf32, #tpu.memory_space<vmem_shared>> -> memref<10112x128xf32, #tpu.memory_space<vmem_shared>>
    tpu.enqueue_indirect_dma source(%arg9 : memref<128x128xf32, #tpu.memory_space<vmem>>) target(%dma_start3A_227 : memref<10112x128xf32, #tpu.memory_space<vmem_shared>>) offsets(%dma_start3A_224 : memref<128xi32, #tpu.memory_space<vmem>>) semaphore(%arg16 : memref<!tpu.dma_semaphore, #tpu.memory_space<semaphore_mem>>) {add = true}
    %dma_wait3A_228 = arith.constant 0 : i32
    %dma_wait3A_229 = arith.constant 0 : i32
    %dma_wait3A_230 = tpu.memref_slice %arg3[%dma_wait3A_228, %dma_wait3A_229] : memref<10000x128xf32, #tpu.memory_space<hbm>> -> memref<128x128xf32, #tpu.memory_space<hbm>>
    %dma_wait3A_231 = arith.constant 0 : i32
    %dma_wait3A_232 = arith.constant 0 : i32
    %dma_wait3A_233 = tpu.memref_slice %arg3[%dma_wait3A_231, %dma_wait3A_232] : memref<10000x128xf32, #tpu.memory_space<hbm>> -> memref<128x128xf32, #tpu.memory_space<hbm>>
    tpu.wait_dma2 semaphore(%arg16 : memref<!tpu.dma_semaphore, #tpu.memory_space<semaphore_mem>>) src(%dma_wait3A_233 : memref<128x128xf32, #tpu.memory_space<hbm>>) dst(%arg9 : memref<128x128xf32, #tpu.memory_space<vmem>>)
    %dma_start3A_234 = arith.constant 6 : i32
    %dma_start3A_235 = arith.constant 0 : i32
    %dma_start3A_236 = tpu.memref_slice %arg7[%dma_start3A_234, %dma_start3A_235] : memref<8x128xi32, #tpu.memory_space<vmem>> -> memref<1x128xi32, #tpu.memory_space<vmem>>
    %dma_start3A_237 = tpu.memref_squeeze %dma_start3A_236 : memref<1x128xi32, #tpu.memory_space<vmem>> -> memref<128xi32, #tpu.memory_space<vmem>>
    %dma_start3A_238 = arith.constant 0 : i32
    %dma_start3A_239 = arith.constant 0 : i32
    %dma_start3A_240 = tpu.memref_slice %arg3[%dma_start3A_238, %dma_start3A_239] : memref<10000x128xf32, #tpu.memory_space<hbm>> -> memref<10000x128xf32, #tpu.memory_space<hbm>>
    tpu.enqueue_indirect_dma source(%dma_start3A_240 : memref<10000x128xf32, #tpu.memory_space<hbm>>) target(%arg9 : memref<128x128xf32, #tpu.memory_space<vmem>>) offsets(%dma_start3A_237 : memref<128xi32, #tpu.memory_space<vmem>>) semaphore(%arg14 : memref<!tpu.dma_semaphore, #tpu.memory_space<semaphore_mem>>)
    %dma_wait3A_241 = arith.constant 0 : i32
    %dma_wait3A_242 = arith.constant 0 : i32
    %dma_wait3A_243 = tpu.memref_slice %arg3[%dma_wait3A_241, %dma_wait3A_242] : memref<10000x128xf32, #tpu.memory_space<hbm>> -> memref<128x128xf32, #tpu.memory_space<hbm>>
    %dma_wait3A_244 = arith.constant 0 : i32
    %dma_wait3A_245 = arith.constant 0 : i32
    %dma_wait3A_246 = tpu.memref_slice %arg3[%dma_wait3A_244, %dma_wait3A_245] : memref<10000x128xf32, #tpu.memory_space<hbm>> -> memref<128x128xf32, #tpu.memory_space<hbm>>
    tpu.wait_dma2 semaphore(%arg13 : memref<!tpu.dma_semaphore, #tpu.memory_space<semaphore_mem>>) src(%dma_wait3A_246 : memref<128x128xf32, #tpu.memory_space<hbm>>) dst(%arg8 : memref<128x128xf32, #tpu.memory_space<vmem>>)
    %dma_start3A_247 = arith.constant 5 : i32
    %dma_start3A_248 = arith.constant 0 : i32
    %dma_start3A_249 = tpu.memref_slice %arg7[%dma_start3A_247, %dma_start3A_248] : memref<8x128xi32, #tpu.memory_space<vmem>> -> memref<1x128xi32, #tpu.memory_space<vmem>>
    %dma_start3A_250 = tpu.memref_squeeze %dma_start3A_249 : memref<1x128xi32, #tpu.memory_space<vmem>> -> memref<128xi32, #tpu.memory_space<vmem>>
    %dma_start3A_251 = arith.constant 0 : i32
    %dma_start3A_252 = arith.constant 0 : i32
    %dma_start3A_253 = tpu.memref_slice %arg5[%dma_start3A_251, %dma_start3A_252] : memref<10112x128xf32, #tpu.memory_space<vmem_shared>> -> memref<10112x128xf32, #tpu.memory_space<vmem_shared>>
    tpu.enqueue_indirect_dma source(%arg8 : memref<128x128xf32, #tpu.memory_space<vmem>>) target(%dma_start3A_253 : memref<10112x128xf32, #tpu.memory_space<vmem_shared>>) offsets(%dma_start3A_250 : memref<128xi32, #tpu.memory_space<vmem>>) semaphore(%arg15 : memref<!tpu.dma_semaphore, #tpu.memory_space<semaphore_mem>>) {add = true}
    %sub3A = arith.constant 2 : i32
    %sub3A_254 = arith.subi %select_n3A, %sub3A : i32
    %jit3A_255 = arith.constant 2 : i32
    %div3A = arith.divsi %sub3A_254, %jit3A_255 : i32
    %sign3A = arith.constant 0 : i32
    %sign3A_256 = arith.cmpi sgt, %sub3A_254, %sign3A : i32
    %sign3A_257 = arith.extui %sign3A_256 : i1 to i32
    %sign3A_258 = arith.constant 0 : i32
    %sign3A_259 = arith.cmpi slt, %sub3A_254, %sign3A_258 : i32
    %sign3A_260 = arith.extui %sign3A_259 : i1 to i32
    %sign3A_261 = arith.subi %sign3A_257, %sign3A_260 : i32
    %sign3A_262 = arith.constant 0 : i32
    %sign3A_263 = arith.cmpi sgt, %jit3A_255, %sign3A_262 : i32
    %sign3A_264 = arith.extui %sign3A_263 : i1 to i32
    %sign3A_265 = arith.constant 0 : i32
    %sign3A_266 = arith.cmpi slt, %jit3A_255, %sign3A_265 : i32
    %sign3A_267 = arith.extui %sign3A_266 : i1 to i32
    %sign3A_268 = arith.subi %sign3A_264, %sign3A_267 : i32
    %ne3A = arith.cmpi ne, %sign3A_261, %sign3A_268 : i32
    %rem3A = arith.remsi %sub3A_254, %jit3A_255 : i32
    %ne3A_269 = arith.constant 0 : i32
    %ne3A_270 = arith.cmpi ne, %rem3A, %ne3A_269 : i32
    %and3A = arith.andi %ne3A, %ne3A_270 : i1
    %sub3A_271 = arith.constant 1 : i32
    %sub3A_272 = arith.subi %div3A, %sub3A_271 : i32
    %select_n3A_273 = arith.select %and3A, %sub3A_272, %div3A : i32
    %while3A = arith.constant 0 : i32
    %while3A_274 = arith.constant 0 : i32
    %while3A_275 = arith.subi %select_n3A_273, %while3A : i32
    %while3A_276 = arith.addi %while3A, %while3A_275 : i32
    %while3A_277 = arith.constant 1 : i32
    %while3A_278 = arith.divsi %while3A_275, %while3A_277 : i32
    %while3A_279 = arith.muli %while3A_278, %while3A_277 : i32
    %while3A_280 = arith.addi %while3A, %while3A_279 : i32
    %while3A_281 = arith.constant 1 : i32
    %while3A_282 = scf.for %while3A_330 = %while3A to %while3A_280 step %while3A_281 iter_args(%while3A_331 = %while3A_274) -> (i32)  : i32 {
      %mul3A_332 = arith.constant 2 : i32
      %mul3A_333 = arith.muli %mul3A_332, %while3A_330 : i32
      %add3A_334 = arith.constant 2 : i32
      %add3A_335 = arith.addi %add3A_334, %mul3A_333 : i32
      %add3A_336 = arith.constant 1 : i32
      %add3A_337 = arith.addi %add3A_335, %add3A_336 : i32
      %dma_wait3A_338 = arith.constant 0 : i32
      %dma_wait3A_339 = arith.constant 0 : i32
      %dma_wait3A_340 = tpu.memref_slice %arg2[%select_n3A_8, %dma_wait3A_338, %dma_wait3A_339] : memref<641x8x128xi32, #tpu.memory_space<hbm>> -> memref<1x8x128xi32, #tpu.memory_space<hbm>>
      %dma_wait3A_341 = tpu.memref_squeeze %dma_wait3A_340 : memref<1x8x128xi32, #tpu.memory_space<hbm>> -> memref<8x128xi32, #tpu.memory_space<hbm>>
      %dma_wait3A_342 = arith.constant 0 : i32
      %dma_wait3A_343 = arith.constant 0 : i32
      %dma_wait3A_344 = tpu.memref_slice %arg2[%select_n3A_8, %dma_wait3A_342, %dma_wait3A_343] : memref<641x8x128xi32, #tpu.memory_space<hbm>> -> memref<1x8x128xi32, #tpu.memory_space<hbm>>
      %dma_wait3A_345 = tpu.memref_squeeze %dma_wait3A_344 : memref<1x8x128xi32, #tpu.memory_space<hbm>> -> memref<8x128xi32, #tpu.memory_space<hbm>>
      tpu.wait_dma2 semaphore(%arg11 : memref<!tpu.dma_semaphore, #tpu.memory_space<semaphore_mem>>) src(%dma_wait3A_345 : memref<8x128xi32, #tpu.memory_space<hbm>>) dst(%arg6 : memref<8x128xi32, #tpu.memory_space<vmem>>)
      %dma_wait3A_346 = arith.constant 0 : i32
      %dma_wait3A_347 = arith.constant 0 : i32
      %dma_wait3A_348 = tpu.memref_slice %arg3[%dma_wait3A_346, %dma_wait3A_347] : memref<10000x128xf32, #tpu.memory_space<hbm>> -> memref<128x128xf32, #tpu.memory_space<hbm>>
      %dma_wait3A_349 = arith.constant 0 : i32
      %dma_wait3A_350 = arith.constant 0 : i32
      %dma_wait3A_351 = tpu.memref_slice %arg3[%dma_wait3A_349, %dma_wait3A_350] : memref<10000x128xf32, #tpu.memory_space<hbm>> -> memref<128x128xf32, #tpu.memory_space<hbm>>
      tpu.wait_dma2 semaphore(%arg15 : memref<!tpu.dma_semaphore, #tpu.memory_space<semaphore_mem>>) src(%dma_wait3A_351 : memref<128x128xf32, #tpu.memory_space<hbm>>) dst(%arg8 : memref<128x128xf32, #tpu.memory_space<vmem>>)
      %dma_start3A_352 = arith.constant 0 : i32
      %dma_start3A_353 = arith.constant 0 : i32
      %dma_start3A_354 = tpu.memref_slice %arg6[%dma_start3A_352, %dma_start3A_353] : memref<8x128xi32, #tpu.memory_space<vmem>> -> memref<1x128xi32, #tpu.memory_space<vmem>>
      %dma_start3A_355 = tpu.memref_squeeze %dma_start3A_354 : memref<1x128xi32, #tpu.memory_space<vmem>> -> memref<128xi32, #tpu.memory_space<vmem>>
      %dma_start3A_356 = arith.constant 0 : i32
      %dma_start3A_357 = arith.constant 0 : i32
      %dma_start3A_358 = tpu.memref_slice %arg3[%dma_start3A_356, %dma_start3A_357] : memref<10000x128xf32, #tpu.memory_space<hbm>> -> memref<10000x128xf32, #tpu.memory_space<hbm>>
      tpu.enqueue_indirect_dma source(%dma_start3A_358 : memref<10000x128xf32, #tpu.memory_space<hbm>>) target(%arg8 : memref<128x128xf32, #tpu.memory_space<vmem>>) offsets(%dma_start3A_355 : memref<128xi32, #tpu.memory_space<vmem>>) semaphore(%arg13 : memref<!tpu.dma_semaphore, #tpu.memory_space<semaphore_mem>>)
      %dma_wait3A_359 = arith.constant 0 : i32
      %dma_wait3A_360 = arith.constant 0 : i32
      %dma_wait3A_361 = tpu.memref_slice %arg3[%dma_wait3A_359, %dma_wait3A_360] : memref<10000x128xf32, #tpu.memory_space<hbm>> -> memref<128x128xf32, #tpu.memory_space<hbm>>
      %dma_wait3A_362 = arith.constant 0 : i32
      %dma_wait3A_363 = arith.constant 0 : i32
      %dma_wait3A_364 = tpu.memref_slice %arg3[%dma_wait3A_362, %dma_wait3A_363] : memref<10000x128xf32, #tpu.memory_space<hbm>> -> memref<128x128xf32, #tpu.memory_space<hbm>>
      tpu.wait_dma2 semaphore(%arg14 : memref<!tpu.dma_semaphore, #tpu.memory_space<semaphore_mem>>) src(%dma_wait3A_364 : memref<128x128xf32, #tpu.memory_space<hbm>>) dst(%arg9 : memref<128x128xf32, #tpu.memory_space<vmem>>)
      %dma_start3A_365 = arith.constant 7 : i32
      %dma_start3A_366 = arith.constant 0 : i32
      %dma_start3A_367 = tpu.memref_slice %arg7[%dma_start3A_365, %dma_start3A_366] : memref<8x128xi32, #tpu.memory_space<vmem>> -> memref<1x128xi32, #tpu.memory_space<vmem>>
      %dma_start3A_368 = tpu.memref_squeeze %dma_start3A_367 : memref<1x128xi32, #tpu.memory_space<vmem>> -> memref<128xi32, #tpu.memory_space<vmem>>
      %dma_start3A_369 = arith.constant 0 : i32
      %dma_start3A_370 = arith.constant 0 : i32
      %dma_start3A_371 = tpu.memref_slice %arg5[%dma_start3A_369, %dma_start3A_370] : memref<10112x128xf32, #tpu.memory_space<vmem_shared>> -> memref<10112x128xf32, #tpu.memory_space<vmem_shared>>
      tpu.enqueue_indirect_dma source(%arg9 : memref<128x128xf32, #tpu.memory_space<vmem>>) target(%dma_start3A_371 : memref<10112x128xf32, #tpu.memory_space<vmem_shared>>) offsets(%dma_start3A_368 : memref<128xi32, #tpu.memory_space<vmem>>) semaphore(%arg16 : memref<!tpu.dma_semaphore, #tpu.memory_space<semaphore_mem>>) {add = true}
      %dma_wait3A_372 = arith.constant 0 : i32
      %dma_wait3A_373 = arith.constant 0 : i32
      %dma_wait3A_374 = tpu.memref_slice %arg3[%dma_wait3A_372, %dma_wait3A_373] : memref<10000x128xf32, #tpu.memory_space<hbm>> -> memref<128x128xf32, #tpu.memory_space<hbm>>
      %dma_wait3A_375 = arith.constant 0 : i32
      %dma_wait3A_376 = arith.constant 0 : i32
      %dma_wait3A_377 = tpu.memref_slice %arg3[%dma_wait3A_375, %dma_wait3A_376] : memref<10000x128xf32, #tpu.memory_space<hbm>> -> memref<128x128xf32, #tpu.memory_space<hbm>>
      tpu.wait_dma2 semaphore(%arg16 : memref<!tpu.dma_semaphore, #tpu.memory_space<semaphore_mem>>) src(%dma_wait3A_377 : memref<128x128xf32, #tpu.memory_space<hbm>>) dst(%arg9 : memref<128x128xf32, #tpu.memory_space<vmem>>)
      %add3A_378 = arith.constant 1 : i32
      %add3A_379 = arith.addi %add3A_335, %add3A_378 : i32
      %add3A_380 = arith.addi %select_n3A_8, %add3A_379 : i32
      %dma_start3A_381 = arith.constant 0 : i32
      %dma_start3A_382 = arith.constant 0 : i32
      %dma_start3A_383 = tpu.memref_slice %arg2[%add3A_380, %dma_start3A_381, %dma_start3A_382] : memref<641x8x128xi32, #tpu.memory_space<hbm>> -> memref<1x8x128xi32, #tpu.memory_space<hbm>>
      %dma_start3A_384 = tpu.memref_squeeze %dma_start3A_383 : memref<1x8x128xi32, #tpu.memory_space<hbm>> -> memref<8x128xi32, #tpu.memory_space<hbm>>
      %dma_start3A_385 = arith.constant 0 : i32
      %dma_start3A_386 = arith.constant 0 : i32
      %dma_start3A_387 = tpu.memref_slice %arg2[%add3A_380, %dma_start3A_385, %dma_start3A_386] : memref<641x8x128xi32, #tpu.memory_space<hbm>> -> memref<1x8x128xi32, #tpu.memory_space<hbm>>
      %dma_start3A_388 = tpu.memref_squeeze %dma_start3A_387 : memref<1x8x128xi32, #tpu.memory_space<hbm>> -> memref<8x128xi32, #tpu.memory_space<hbm>>
      tpu.enqueue_dma source(%dma_start3A_388 : memref<8x128xi32, #tpu.memory_space<hbm>>) target(%arg7 : memref<8x128xi32, #tpu.memory_space<vmem>>) target_semaphore(%arg12 : memref<!tpu.dma_semaphore, #tpu.memory_space<semaphore_mem>>)
      %dma_start3A_389 = arith.constant 2 : i32
      %dma_start3A_390 = arith.constant 0 : i32
      %dma_start3A_391 = tpu.memref_slice %arg6[%dma_start3A_389, %dma_start3A_390] : memref<8x128xi32, #tpu.memory_space<vmem>> -> memref<1x128xi32, #tpu.memory_space<vmem>>
      %dma_start3A_392 = tpu.memref_squeeze %dma_start3A_391 : memref<1x128xi32, #tpu.memory_space<vmem>> -> memref<128xi32, #tpu.memory_space<vmem>>
      %dma_start3A_393 = arith.constant 0 : i32
      %dma_start3A_394 = arith.constant 0 : i32
      %dma_start3A_395 = tpu.memref_slice %arg3[%dma_start3A_393, %dma_start3A_394] : memref<10000x128xf32, #tpu.memory_space<hbm>> -> memref<10000x128xf32, #tpu.memory_space<hbm>>
      tpu.enqueue_indirect_dma source(%dma_start3A_395 : memref<10000x128xf32, #tpu.memory_space<hbm>>) target(%arg9 : memref<128x128xf32, #tpu.memory_space<vmem>>) offsets(%dma_start3A_392 : memref<128xi32, #tpu.memory_space<vmem>>) semaphore(%arg14 : memref<!tpu.dma_semaphore, #tpu.memory_space<semaphore_mem>>)
      %dma_wait3A_396 = arith.constant 0 : i32
      %dma_wait3A_397 = arith.constant 0 : i32
      %dma_wait3A_398 = tpu.memref_slice %arg3[%dma_wait3A_396, %dma_wait3A_397] : memref<10000x128xf32, #tpu.memory_space<hbm>> -> memref<128x128xf32, #tpu.memory_space<hbm>>
      %dma_wait3A_399 = arith.constant 0 : i32
      %dma_wait3A_400 = arith.constant 0 : i32
      %dma_wait3A_401 = tpu.memref_slice %arg3[%dma_wait3A_399, %dma_wait3A_400] : memref<10000x128xf32, #tpu.memory_space<hbm>> -> memref<128x128xf32, #tpu.memory_space<hbm>>
      tpu.wait_dma2 semaphore(%arg13 : memref<!tpu.dma_semaphore, #tpu.memory_space<semaphore_mem>>) src(%dma_wait3A_401 : memref<128x128xf32, #tpu.memory_space<hbm>>) dst(%arg8 : memref<128x128xf32, #tpu.memory_space<vmem>>)
      %dma_start3A_402 = arith.constant 1 : i32
      %dma_start3A_403 = arith.constant 0 : i32
      %dma_start3A_404 = tpu.memref_slice %arg6[%dma_start3A_402, %dma_start3A_403] : memref<8x128xi32, #tpu.memory_space<vmem>> -> memref<1x128xi32, #tpu.memory_space<vmem>>
      %dma_start3A_405 = tpu.memref_squeeze %dma_start3A_404 : memref<1x128xi32, #tpu.memory_space<vmem>> -> memref<128xi32, #tpu.memory_space<vmem>>
      %dma_start3A_406 = arith.constant 0 : i32
      %dma_start3A_407 = arith.constant 0 : i32
      %dma_start3A_408 = tpu.memref_slice %arg5[%dma_start3A_406, %dma_start3A_407] : memref<10112x128xf32, #tpu.memory_space<vmem_shared>> -> memref<10112x128xf32, #tpu.memory_space<vmem_shared>>
      tpu.enqueue_indirect_dma source(%arg8 : memref<128x128xf32, #tpu.memory_space<vmem>>) target(%dma_start3A_408 : memref<10112x128xf32, #tpu.memory_space<vmem_shared>>) offsets(%dma_start3A_405 : memref<128xi32, #tpu.memory_space<vmem>>) semaphore(%arg15 : memref<!tpu.dma_semaphore, #tpu.memory_space<semaphore_mem>>) {add = true}
      %dma_wait3A_409 = arith.constant 0 : i32
      %dma_wait3A_410 = arith.constant 0 : i32
      %dma_wait3A_411 = tpu.memref_slice %arg3[%dma_wait3A_409, %dma_wait3A_410] : memref<10000x128xf32, #tpu.memory_space<hbm>> -> memref<128x128xf32, #tpu.memory_space<hbm>>
      %dma_wait3A_412 = arith.constant 0 : i32
      %dma_wait3A_413 = arith.constant 0 : i32
      %dma_wait3A_414 = tpu.memref_slice %arg3[%dma_wait3A_412, %dma_wait3A_413] : memref<10000x128xf32, #tpu.memory_space<hbm>> -> memref<128x128xf32, #tpu.memory_space<hbm>>
      tpu.wait_dma2 semaphore(%arg15 : memref<!tpu.dma_semaphore, #tpu.memory_space<semaphore_mem>>) src(%dma_wait3A_414 : memref<128x128xf32, #tpu.memory_space<hbm>>) dst(%arg8 : memref<128x128xf32, #tpu.memory_space<vmem>>)
      %dma_start3A_415 = arith.constant 4 : i32
      %dma_start3A_416 = arith.constant 0 : i32
      %dma_start3A_417 = tpu.memref_slice %arg6[%dma_start3A_415, %dma_start3A_416] : memref<8x128xi32, #tpu.memory_space<vmem>> -> memref<1x128xi32, #tpu.memory_space<vmem>>
      %dma_start3A_418 = tpu.memref_squeeze %dma_start3A_417 : memref<1x128xi32, #tpu.memory_space<vmem>> -> memref<128xi32, #tpu.memory_space<vmem>>
      %dma_start3A_419 = arith.constant 0 : i32
      %dma_start3A_420 = arith.constant 0 : i32
      %dma_start3A_421 = tpu.memref_slice %arg3[%dma_start3A_419, %dma_start3A_420] : memref<10000x128xf32, #tpu.memory_space<hbm>> -> memref<10000x128xf32, #tpu.memory_space<hbm>>
      tpu.enqueue_indirect_dma source(%dma_start3A_421 : memref<10000x128xf32, #tpu.memory_space<hbm>>) target(%arg8 : memref<128x128xf32, #tpu.memory_space<vmem>>) offsets(%dma_start3A_418 : memref<128xi32, #tpu.memory_space<vmem>>) semaphore(%arg13 : memref<!tpu.dma_semaphore, #tpu.memory_space<semaphore_mem>>)
      %dma_wait3A_422 = arith.constant 0 : i32
      %dma_wait3A_423 = arith.constant 0 : i32
      %dma_wait3A_424 = tpu.memref_slice %arg3[%dma_wait3A_422, %dma_wait3A_423] : memref<10000x128xf32, #tpu.memory_space<hbm>> -> memref<128x128xf32, #tpu.memory_space<hbm>>
      %dma_wait3A_425 = arith.constant 0 : i32
      %dma_wait3A_426 = arith.constant 0 : i32
      %dma_wait3A_427 = tpu.memref_slice %arg3[%dma_wait3A_425, %dma_wait3A_426] : memref<10000x128xf32, #tpu.memory_space<hbm>> -> memref<128x128xf32, #tpu.memory_space<hbm>>
      tpu.wait_dma2 semaphore(%arg14 : memref<!tpu.dma_semaphore, #tpu.memory_space<semaphore_mem>>) src(%dma_wait3A_427 : memref<128x128xf32, #tpu.memory_space<hbm>>) dst(%arg9 : memref<128x128xf32, #tpu.memory_space<vmem>>)
      %dma_start3A_428 = arith.constant 3 : i32
      %dma_start3A_429 = arith.constant 0 : i32
      %dma_start3A_430 = tpu.memref_slice %arg6[%dma_start3A_428, %dma_start3A_429] : memref<8x128xi32, #tpu.memory_space<vmem>> -> memref<1x128xi32, #tpu.memory_space<vmem>>
      %dma_start3A_431 = tpu.memref_squeeze %dma_start3A_430 : memref<1x128xi32, #tpu.memory_space<vmem>> -> memref<128xi32, #tpu.memory_space<vmem>>
      %dma_start3A_432 = arith.constant 0 : i32
      %dma_start3A_433 = arith.constant 0 : i32
      %dma_start3A_434 = tpu.memref_slice %arg5[%dma_start3A_432, %dma_start3A_433] : memref<10112x128xf32, #tpu.memory_space<vmem_shared>> -> memref<10112x128xf32, #tpu.memory_space<vmem_shared>>
      tpu.enqueue_indirect_dma source(%arg9 : memref<128x128xf32, #tpu.memory_space<vmem>>) target(%dma_start3A_434 : memref<10112x128xf32, #tpu.memory_space<vmem_shared>>) offsets(%dma_start3A_431 : memref<128xi32, #tpu.memory_space<vmem>>) semaphore(%arg16 : memref<!tpu.dma_semaphore, #tpu.memory_space<semaphore_mem>>) {add = true}
      %dma_wait3A_435 = arith.constant 0 : i32
      %dma_wait3A_436 = arith.constant 0 : i32
      %dma_wait3A_437 = tpu.memref_slice %arg3[%dma_wait3A_435, %dma_wait3A_436] : memref<10000x128xf32, #tpu.memory_space<hbm>> -> memref<128x128xf32, #tpu.memory_space<hbm>>
      %dma_wait3A_438 = arith.constant 0 : i32
      %dma_wait3A_439 = arith.constant 0 : i32
      %dma_wait3A_440 = tpu.memref_slice %arg3[%dma_wait3A_438, %dma_wait3A_439] : memref<10000x128xf32, #tpu.memory_space<hbm>> -> memref<128x128xf32, #tpu.memory_space<hbm>>
      tpu.wait_dma2 semaphore(%arg16 : memref<!tpu.dma_semaphore, #tpu.memory_space<semaphore_mem>>) src(%dma_wait3A_440 : memref<128x128xf32, #tpu.memory_space<hbm>>) dst(%arg9 : memref<128x128xf32, #tpu.memory_space<vmem>>)
      %dma_start3A_441 = arith.constant 6 : i32
      %dma_start3A_442 = arith.constant 0 : i32
      %dma_start3A_443 = tpu.memref_slice %arg6[%dma_start3A_441, %dma_start3A_442] : memref<8x128xi32, #tpu.memory_space<vmem>> -> memref<1x128xi32, #tpu.memory_space<vmem>>
      %dma_start3A_444 = tpu.memref_squeeze %dma_start3A_443 : memref<1x128xi32, #tpu.memory_space<vmem>> -> memref<128xi32, #tpu.memory_space<vmem>>
      %dma_start3A_445 = arith.constant 0 : i32
      %dma_start3A_446 = arith.constant 0 : i32
      %dma_start3A_447 = tpu.memref_slice %arg3[%dma_start3A_445, %dma_start3A_446] : memref<10000x128xf32, #tpu.memory_space<hbm>> -> memref<10000x128xf32, #tpu.memory_space<hbm>>
      tpu.enqueue_indirect_dma source(%dma_start3A_447 : memref<10000x128xf32, #tpu.memory_space<hbm>>) target(%arg9 : memref<128x128xf32, #tpu.memory_space<vmem>>) offsets(%dma_start3A_444 : memref<128xi32, #tpu.memory_space<vmem>>) semaphore(%arg14 : memref<!tpu.dma_semaphore, #tpu.memory_space<semaphore_mem>>)
      %dma_wait3A_448 = arith.constant 0 : i32
      %dma_wait3A_449 = arith.constant 0 : i32
      %dma_wait3A_450 = tpu.memref_slice %arg3[%dma_wait3A_448, %dma_wait3A_449] : memref<10000x128xf32, #tpu.memory_space<hbm>> -> memref<128x128xf32, #tpu.memory_space<hbm>>
      %dma_wait3A_451 = arith.constant 0 : i32
      %dma_wait3A_452 = arith.constant 0 : i32
      %dma_wait3A_453 = tpu.memref_slice %arg3[%dma_wait3A_451, %dma_wait3A_452] : memref<10000x128xf32, #tpu.memory_space<hbm>> -> memref<128x128xf32, #tpu.memory_space<hbm>>
      tpu.wait_dma2 semaphore(%arg13 : memref<!tpu.dma_semaphore, #tpu.memory_space<semaphore_mem>>) src(%dma_wait3A_453 : memref<128x128xf32, #tpu.memory_space<hbm>>) dst(%arg8 : memref<128x128xf32, #tpu.memory_space<vmem>>)
      %dma_start3A_454 = arith.constant 5 : i32
      %dma_start3A_455 = arith.constant 0 : i32
      %dma_start3A_456 = tpu.memref_slice %arg6[%dma_start3A_454, %dma_start3A_455] : memref<8x128xi32, #tpu.memory_space<vmem>> -> memref<1x128xi32, #tpu.memory_space<vmem>>
      %dma_start3A_457 = tpu.memref_squeeze %dma_start3A_456 : memref<1x128xi32, #tpu.memory_space<vmem>> -> memref<128xi32, #tpu.memory_space<vmem>>
      %dma_start3A_458 = arith.constant 0 : i32
      %dma_start3A_459 = arith.constant 0 : i32
      %dma_start3A_460 = tpu.memref_slice %arg5[%dma_start3A_458, %dma_start3A_459] : memref<10112x128xf32, #tpu.memory_space<vmem_shared>> -> memref<10112x128xf32, #tpu.memory_space<vmem_shared>>
      tpu.enqueue_indirect_dma source(%arg8 : memref<128x128xf32, #tpu.memory_space<vmem>>) target(%dma_start3A_460 : memref<10112x128xf32, #tpu.memory_space<vmem_shared>>) offsets(%dma_start3A_457 : memref<128xi32, #tpu.memory_space<vmem>>) semaphore(%arg15 : memref<!tpu.dma_semaphore, #tpu.memory_space<semaphore_mem>>) {add = true}
      %dma_wait3A_461 = arith.constant 0 : i32
      %dma_wait3A_462 = arith.constant 0 : i32
      %dma_wait3A_463 = tpu.memref_slice %arg2[%select_n3A_8, %dma_wait3A_461, %dma_wait3A_462] : memref<641x8x128xi32, #tpu.memory_space<hbm>> -> memref<1x8x128xi32, #tpu.memory_space<hbm>>
      %dma_wait3A_464 = tpu.memref_squeeze %dma_wait3A_463 : memref<1x8x128xi32, #tpu.memory_space<hbm>> -> memref<8x128xi32, #tpu.memory_space<hbm>>
      %dma_wait3A_465 = arith.constant 0 : i32
      %dma_wait3A_466 = arith.constant 0 : i32
      %dma_wait3A_467 = tpu.memref_slice %arg2[%select_n3A_8, %dma_wait3A_465, %dma_wait3A_466] : memref<641x8x128xi32, #tpu.memory_space<hbm>> -> memref<1x8x128xi32, #tpu.memory_space<hbm>>
      %dma_wait3A_468 = tpu.memref_squeeze %dma_wait3A_467 : memref<1x8x128xi32, #tpu.memory_space<hbm>> -> memref<8x128xi32, #tpu.memory_space<hbm>>
      tpu.wait_dma2 semaphore(%arg12 : memref<!tpu.dma_semaphore, #tpu.memory_space<semaphore_mem>>) src(%dma_wait3A_468 : memref<8x128xi32, #tpu.memory_space<hbm>>) dst(%arg7 : memref<8x128xi32, #tpu.memory_space<vmem>>)
      %dma_wait3A_469 = arith.constant 0 : i32
      %dma_wait3A_470 = arith.constant 0 : i32
      %dma_wait3A_471 = tpu.memref_slice %arg3[%dma_wait3A_469, %dma_wait3A_470] : memref<10000x128xf32, #tpu.memory_space<hbm>> -> memref<128x128xf32, #tpu.memory_space<hbm>>
      %dma_wait3A_472 = arith.constant 0 : i32
      %dma_wait3A_473 = arith.constant 0 : i32
      %dma_wait3A_474 = tpu.memref_slice %arg3[%dma_wait3A_472, %dma_wait3A_473] : memref<10000x128xf32, #tpu.memory_space<hbm>> -> memref<128x128xf32, #tpu.memory_space<hbm>>
      tpu.wait_dma2 semaphore(%arg15 : memref<!tpu.dma_semaphore, #tpu.memory_space<semaphore_mem>>) src(%dma_wait3A_474 : memref<128x128xf32, #tpu.memory_space<hbm>>) dst(%arg8 : memref<128x128xf32, #tpu.memory_space<vmem>>)
      %dma_start3A_475 = arith.constant 0 : i32
      %dma_start3A_476 = arith.constant 0 : i32
      %dma_start3A_477 = tpu.memref_slice %arg7[%dma_start3A_475, %dma_start3A_476] : memref<8x128xi32, #tpu.memory_space<vmem>> -> memref<1x128xi32, #tpu.memory_space<vmem>>
      %dma_start3A_478 = tpu.memref_squeeze %dma_start3A_477 : memref<1x128xi32, #tpu.memory_space<vmem>> -> memref<128xi32, #tpu.memory_space<vmem>>
      %dma_start3A_479 = arith.constant 0 : i32
      %dma_start3A_480 = arith.constant 0 : i32
      %dma_start3A_481 = tpu.memref_slice %arg3[%dma_start3A_479, %dma_start3A_480] : memref<10000x128xf32, #tpu.memory_space<hbm>> -> memref<10000x128xf32, #tpu.memory_space<hbm>>
      tpu.enqueue_indirect_dma source(%dma_start3A_481 : memref<10000x128xf32, #tpu.memory_space<hbm>>) target(%arg8 : memref<128x128xf32, #tpu.memory_space<vmem>>) offsets(%dma_start3A_478 : memref<128xi32, #tpu.memory_space<vmem>>) semaphore(%arg13 : memref<!tpu.dma_semaphore, #tpu.memory_space<semaphore_mem>>)
      %dma_wait3A_482 = arith.constant 0 : i32
      %dma_wait3A_483 = arith.constant 0 : i32
      %dma_wait3A_484 = tpu.memref_slice %arg3[%dma_wait3A_482, %dma_wait3A_483] : memref<10000x128xf32, #tpu.memory_space<hbm>> -> memref<128x128xf32, #tpu.memory_space<hbm>>
      %dma_wait3A_485 = arith.constant 0 : i32
      %dma_wait3A_486 = arith.constant 0 : i32
      %dma_wait3A_487 = tpu.memref_slice %arg3[%dma_wait3A_485, %dma_wait3A_486] : memref<10000x128xf32, #tpu.memory_space<hbm>> -> memref<128x128xf32, #tpu.memory_space<hbm>>
      tpu.wait_dma2 semaphore(%arg14 : memref<!tpu.dma_semaphore, #tpu.memory_space<semaphore_mem>>) src(%dma_wait3A_487 : memref<128x128xf32, #tpu.memory_space<hbm>>) dst(%arg9 : memref<128x128xf32, #tpu.memory_space<vmem>>)
      %dma_start3A_488 = arith.constant 7 : i32
      %dma_start3A_489 = arith.constant 0 : i32
      %dma_start3A_490 = tpu.memref_slice %arg6[%dma_start3A_488, %dma_start3A_489] : memref<8x128xi32, #tpu.memory_space<vmem>> -> memref<1x128xi32, #tpu.memory_space<vmem>>
      %dma_start3A_491 = tpu.memref_squeeze %dma_start3A_490 : memref<1x128xi32, #tpu.memory_space<vmem>> -> memref<128xi32, #tpu.memory_space<vmem>>
      %dma_start3A_492 = arith.constant 0 : i32
      %dma_start3A_493 = arith.constant 0 : i32
      %dma_start3A_494 = tpu.memref_slice %arg5[%dma_start3A_492, %dma_start3A_493] : memref<10112x128xf32, #tpu.memory_space<vmem_shared>> -> memref<10112x128xf32, #tpu.memory_space<vmem_shared>>
      tpu.enqueue_indirect_dma source(%arg9 : memref<128x128xf32, #tpu.memory_space<vmem>>) target(%dma_start3A_494 : memref<10112x128xf32, #tpu.memory_space<vmem_shared>>) offsets(%dma_start3A_491 : memref<128xi32, #tpu.memory_space<vmem>>) semaphore(%arg16 : memref<!tpu.dma_semaphore, #tpu.memory_space<semaphore_mem>>) {add = true}
      %dma_wait3A_495 = arith.constant 0 : i32
      %dma_wait3A_496 = arith.constant 0 : i32
      %dma_wait3A_497 = tpu.memref_slice %arg3[%dma_wait3A_495, %dma_wait3A_496] : memref<10000x128xf32, #tpu.memory_space<hbm>> -> memref<128x128xf32, #tpu.memory_space<hbm>>
      %dma_wait3A_498 = arith.constant 0 : i32
      %dma_wait3A_499 = arith.constant 0 : i32
      %dma_wait3A_500 = tpu.memref_slice %arg3[%dma_wait3A_498, %dma_wait3A_499] : memref<10000x128xf32, #tpu.memory_space<hbm>> -> memref<128x128xf32, #tpu.memory_space<hbm>>
      tpu.wait_dma2 semaphore(%arg16 : memref<!tpu.dma_semaphore, #tpu.memory_space<semaphore_mem>>) src(%dma_wait3A_500 : memref<128x128xf32, #tpu.memory_space<hbm>>) dst(%arg9 : memref<128x128xf32, #tpu.memory_space<vmem>>)
      %add3A_501 = arith.constant 1 : i32
      %add3A_502 = arith.addi %add3A_337, %add3A_501 : i32
      %add3A_503 = arith.addi %select_n3A_8, %add3A_502 : i32
      %dma_start3A_504 = arith.constant 0 : i32
      %dma_start3A_505 = arith.constant 0 : i32
      %dma_start3A_506 = tpu.memref_slice %arg2[%add3A_503, %dma_start3A_504, %dma_start3A_505] : memref<641x8x128xi32, #tpu.memory_space<hbm>> -> memref<1x8x128xi32, #tpu.memory_space<hbm>>
      %dma_start3A_507 = tpu.memref_squeeze %dma_start3A_506 : memref<1x8x128xi32, #tpu.memory_space<hbm>> -> memref<8x128xi32, #tpu.memory_space<hbm>>
      %dma_start3A_508 = arith.constant 0 : i32
      %dma_start3A_509 = arith.constant 0 : i32
      %dma_start3A_510 = tpu.memref_slice %arg2[%add3A_503, %dma_start3A_508, %dma_start3A_509] : memref<641x8x128xi32, #tpu.memory_space<hbm>> -> memref<1x8x128xi32, #tpu.memory_space<hbm>>
      %dma_start3A_511 = tpu.memref_squeeze %dma_start3A_510 : memref<1x8x128xi32, #tpu.memory_space<hbm>> -> memref<8x128xi32, #tpu.memory_space<hbm>>
      tpu.enqueue_dma source(%dma_start3A_511 : memref<8x128xi32, #tpu.memory_space<hbm>>) target(%arg6 : memref<8x128xi32, #tpu.memory_space<vmem>>) target_semaphore(%arg11 : memref<!tpu.dma_semaphore, #tpu.memory_space<semaphore_mem>>)
      %dma_start3A_512 = arith.constant 2 : i32
      %dma_start3A_513 = arith.constant 0 : i32
      %dma_start3A_514 = tpu.memref_slice %arg7[%dma_start3A_512, %dma_start3A_513] : memref<8x128xi32, #tpu.memory_space<vmem>> -> memref<1x128xi32, #tpu.memory_space<vmem>>
      %dma_start3A_515 = tpu.memref_squeeze %dma_start3A_514 : memref<1x128xi32, #tpu.memory_space<vmem>> -> memref<128xi32, #tpu.memory_space<vmem>>
      %dma_start3A_516 = arith.constant 0 : i32
      %dma_start3A_517 = arith.constant 0 : i32
      %dma_start3A_518 = tpu.memref_slice %arg3[%dma_start3A_516, %dma_start3A_517] : memref<10000x128xf32, #tpu.memory_space<hbm>> -> memref<10000x128xf32, #tpu.memory_space<hbm>>
      tpu.enqueue_indirect_dma source(%dma_start3A_518 : memref<10000x128xf32, #tpu.memory_space<hbm>>) target(%arg9 : memref<128x128xf32, #tpu.memory_space<vmem>>) offsets(%dma_start3A_515 : memref<128xi32, #tpu.memory_space<vmem>>) semaphore(%arg14 : memref<!tpu.dma_semaphore, #tpu.memory_space<semaphore_mem>>)
      %dma_wait3A_519 = arith.constant 0 : i32
      %dma_wait3A_520 = arith.constant 0 : i32
      %dma_wait3A_521 = tpu.memref_slice %arg3[%dma_wait3A_519, %dma_wait3A_520] : memref<10000x128xf32, #tpu.memory_space<hbm>> -> memref<128x128xf32, #tpu.memory_space<hbm>>
      %dma_wait3A_522 = arith.constant 0 : i32
      %dma_wait3A_523 = arith.constant 0 : i32
      %dma_wait3A_524 = tpu.memref_slice %arg3[%dma_wait3A_522, %dma_wait3A_523] : memref<10000x128xf32, #tpu.memory_space<hbm>> -> memref<128x128xf32, #tpu.memory_space<hbm>>
      tpu.wait_dma2 semaphore(%arg13 : memref<!tpu.dma_semaphore, #tpu.memory_space<semaphore_mem>>) src(%dma_wait3A_524 : memref<128x128xf32, #tpu.memory_space<hbm>>) dst(%arg8 : memref<128x128xf32, #tpu.memory_space<vmem>>)
      %dma_start3A_525 = arith.constant 1 : i32
      %dma_start3A_526 = arith.constant 0 : i32
      %dma_start3A_527 = tpu.memref_slice %arg7[%dma_start3A_525, %dma_start3A_526] : memref<8x128xi32, #tpu.memory_space<vmem>> -> memref<1x128xi32, #tpu.memory_space<vmem>>
      %dma_start3A_528 = tpu.memref_squeeze %dma_start3A_527 : memref<1x128xi32, #tpu.memory_space<vmem>> -> memref<128xi32, #tpu.memory_space<vmem>>
      %dma_start3A_529 = arith.constant 0 : i32
      %dma_start3A_530 = arith.constant 0 : i32
      %dma_start3A_531 = tpu.memref_slice %arg5[%dma_start3A_529, %dma_start3A_530] : memref<10112x128xf32, #tpu.memory_space<vmem_shared>> -> memref<10112x128xf32, #tpu.memory_space<vmem_shared>>
      tpu.enqueue_indirect_dma source(%arg8 : memref<128x128xf32, #tpu.memory_space<vmem>>) target(%dma_start3A_531 : memref<10112x128xf32, #tpu.memory_space<vmem_shared>>) offsets(%dma_start3A_528 : memref<128xi32, #tpu.memory_space<vmem>>) semaphore(%arg15 : memref<!tpu.dma_semaphore, #tpu.memory_space<semaphore_mem>>) {add = true}
      %dma_wait3A_532 = arith.constant 0 : i32
      %dma_wait3A_533 = arith.constant 0 : i32
      %dma_wait3A_534 = tpu.memref_slice %arg3[%dma_wait3A_532, %dma_wait3A_533] : memref<10000x128xf32, #tpu.memory_space<hbm>> -> memref<128x128xf32, #tpu.memory_space<hbm>>
      %dma_wait3A_535 = arith.constant 0 : i32
      %dma_wait3A_536 = arith.constant 0 : i32
      %dma_wait3A_537 = tpu.memref_slice %arg3[%dma_wait3A_535, %dma_wait3A_536] : memref<10000x128xf32, #tpu.memory_space<hbm>> -> memref<128x128xf32, #tpu.memory_space<hbm>>
      tpu.wait_dma2 semaphore(%arg15 : memref<!tpu.dma_semaphore, #tpu.memory_space<semaphore_mem>>) src(%dma_wait3A_537 : memref<128x128xf32, #tpu.memory_space<hbm>>) dst(%arg8 : memref<128x128xf32, #tpu.memory_space<vmem>>)
      %dma_start3A_538 = arith.constant 4 : i32
      %dma_start3A_539 = arith.constant 0 : i32
      %dma_start3A_540 = tpu.memref_slice %arg7[%dma_start3A_538, %dma_start3A_539] : memref<8x128xi32, #tpu.memory_space<vmem>> -> memref<1x128xi32, #tpu.memory_space<vmem>>
      %dma_start3A_541 = tpu.memref_squeeze %dma_start3A_540 : memref<1x128xi32, #tpu.memory_space<vmem>> -> memref<128xi32, #tpu.memory_space<vmem>>
      %dma_start3A_542 = arith.constant 0 : i32
      %dma_start3A_543 = arith.constant 0 : i32
      %dma_start3A_544 = tpu.memref_slice %arg3[%dma_start3A_542, %dma_start3A_543] : memref<10000x128xf32, #tpu.memory_space<hbm>> -> memref<10000x128xf32, #tpu.memory_space<hbm>>
      tpu.enqueue_indirect_dma source(%dma_start3A_544 : memref<10000x128xf32, #tpu.memory_space<hbm>>) target(%arg8 : memref<128x128xf32, #tpu.memory_space<vmem>>) offsets(%dma_start3A_541 : memref<128xi32, #tpu.memory_space<vmem>>) semaphore(%arg13 : memref<!tpu.dma_semaphore, #tpu.memory_space<semaphore_mem>>)
      %dma_wait3A_545 = arith.constant 0 : i32
      %dma_wait3A_546 = arith.constant 0 : i32
      %dma_wait3A_547 = tpu.memref_slice %arg3[%dma_wait3A_545, %dma_wait3A_546] : memref<10000x128xf32, #tpu.memory_space<hbm>> -> memref<128x128xf32, #tpu.memory_space<hbm>>
      %dma_wait3A_548 = arith.constant 0 : i32
      %dma_wait3A_549 = arith.constant 0 : i32
      %dma_wait3A_550 = tpu.memref_slice %arg3[%dma_wait3A_548, %dma_wait3A_549] : memref<10000x128xf32, #tpu.memory_space<hbm>> -> memref<128x128xf32, #tpu.memory_space<hbm>>
      tpu.wait_dma2 semaphore(%arg14 : memref<!tpu.dma_semaphore, #tpu.memory_space<semaphore_mem>>) src(%dma_wait3A_550 : memref<128x128xf32, #tpu.memory_space<hbm>>) dst(%arg9 : memref<128x128xf32, #tpu.memory_space<vmem>>)
      %dma_start3A_551 = arith.constant 3 : i32
      %dma_start3A_552 = arith.constant 0 : i32
      %dma_start3A_553 = tpu.memref_slice %arg7[%dma_start3A_551, %dma_start3A_552] : memref<8x128xi32, #tpu.memory_space<vmem>> -> memref<1x128xi32, #tpu.memory_space<vmem>>
      %dma_start3A_554 = tpu.memref_squeeze %dma_start3A_553 : memref<1x128xi32, #tpu.memory_space<vmem>> -> memref<128xi32, #tpu.memory_space<vmem>>
      %dma_start3A_555 = arith.constant 0 : i32
      %dma_start3A_556 = arith.constant 0 : i32
      %dma_start3A_557 = tpu.memref_slice %arg5[%dma_start3A_555, %dma_start3A_556] : memref<10112x128xf32, #tpu.memory_space<vmem_shared>> -> memref<10112x128xf32, #tpu.memory_space<vmem_shared>>
      tpu.enqueue_indirect_dma source(%arg9 : memref<128x128xf32, #tpu.memory_space<vmem>>) target(%dma_start3A_557 : memref<10112x128xf32, #tpu.memory_space<vmem_shared>>) offsets(%dma_start3A_554 : memref<128xi32, #tpu.memory_space<vmem>>) semaphore(%arg16 : memref<!tpu.dma_semaphore, #tpu.memory_space<semaphore_mem>>) {add = true}
      %dma_wait3A_558 = arith.constant 0 : i32
      %dma_wait3A_559 = arith.constant 0 : i32
      %dma_wait3A_560 = tpu.memref_slice %arg3[%dma_wait3A_558, %dma_wait3A_559] : memref<10000x128xf32, #tpu.memory_space<hbm>> -> memref<128x128xf32, #tpu.memory_space<hbm>>
      %dma_wait3A_561 = arith.constant 0 : i32
      %dma_wait3A_562 = arith.constant 0 : i32
      %dma_wait3A_563 = tpu.memref_slice %arg3[%dma_wait3A_561, %dma_wait3A_562] : memref<10000x128xf32, #tpu.memory_space<hbm>> -> memref<128x128xf32, #tpu.memory_space<hbm>>
      tpu.wait_dma2 semaphore(%arg16 : memref<!tpu.dma_semaphore, #tpu.memory_space<semaphore_mem>>) src(%dma_wait3A_563 : memref<128x128xf32, #tpu.memory_space<hbm>>) dst(%arg9 : memref<128x128xf32, #tpu.memory_space<vmem>>)
      %dma_start3A_564 = arith.constant 6 : i32
      %dma_start3A_565 = arith.constant 0 : i32
      %dma_start3A_566 = tpu.memref_slice %arg7[%dma_start3A_564, %dma_start3A_565] : memref<8x128xi32, #tpu.memory_space<vmem>> -> memref<1x128xi32, #tpu.memory_space<vmem>>
      %dma_start3A_567 = tpu.memref_squeeze %dma_start3A_566 : memref<1x128xi32, #tpu.memory_space<vmem>> -> memref<128xi32, #tpu.memory_space<vmem>>
      %dma_start3A_568 = arith.constant 0 : i32
      %dma_start3A_569 = arith.constant 0 : i32
      %dma_start3A_570 = tpu.memref_slice %arg3[%dma_start3A_568, %dma_start3A_569] : memref<10000x128xf32, #tpu.memory_space<hbm>> -> memref<10000x128xf32, #tpu.memory_space<hbm>>
      tpu.enqueue_indirect_dma source(%dma_start3A_570 : memref<10000x128xf32, #tpu.memory_space<hbm>>) target(%arg9 : memref<128x128xf32, #tpu.memory_space<vmem>>) offsets(%dma_start3A_567 : memref<128xi32, #tpu.memory_space<vmem>>) semaphore(%arg14 : memref<!tpu.dma_semaphore, #tpu.memory_space<semaphore_mem>>)
      %dma_wait3A_571 = arith.constant 0 : i32
      %dma_wait3A_572 = arith.constant 0 : i32
      %dma_wait3A_573 = tpu.memref_slice %arg3[%dma_wait3A_571, %dma_wait3A_572] : memref<10000x128xf32, #tpu.memory_space<hbm>> -> memref<128x128xf32, #tpu.memory_space<hbm>>
      %dma_wait3A_574 = arith.constant 0 : i32
      %dma_wait3A_575 = arith.constant 0 : i32
      %dma_wait3A_576 = tpu.memref_slice %arg3[%dma_wait3A_574, %dma_wait3A_575] : memref<10000x128xf32, #tpu.memory_space<hbm>> -> memref<128x128xf32, #tpu.memory_space<hbm>>
      tpu.wait_dma2 semaphore(%arg13 : memref<!tpu.dma_semaphore, #tpu.memory_space<semaphore_mem>>) src(%dma_wait3A_576 : memref<128x128xf32, #tpu.memory_space<hbm>>) dst(%arg8 : memref<128x128xf32, #tpu.memory_space<vmem>>)
      %dma_start3A_577 = arith.constant 5 : i32
      %dma_start3A_578 = arith.constant 0 : i32
      %dma_start3A_579 = tpu.memref_slice %arg7[%dma_start3A_577, %dma_start3A_578] : memref<8x128xi32, #tpu.memory_space<vmem>> -> memref<1x128xi32, #tpu.memory_space<vmem>>
      %dma_start3A_580 = tpu.memref_squeeze %dma_start3A_579 : memref<1x128xi32, #tpu.memory_space<vmem>> -> memref<128xi32, #tpu.memory_space<vmem>>
      %dma_start3A_581 = arith.constant 0 : i32
      %dma_start3A_582 = arith.constant 0 : i32
      %dma_start3A_583 = tpu.memref_slice %arg5[%dma_start3A_581, %dma_start3A_582] : memref<10112x128xf32, #tpu.memory_space<vmem_shared>> -> memref<10112x128xf32, #tpu.memory_space<vmem_shared>>
      tpu.enqueue_indirect_dma source(%arg8 : memref<128x128xf32, #tpu.memory_space<vmem>>) target(%dma_start3A_583 : memref<10112x128xf32, #tpu.memory_space<vmem_shared>>) offsets(%dma_start3A_580 : memref<128xi32, #tpu.memory_space<vmem>>) semaphore(%arg15 : memref<!tpu.dma_semaphore, #tpu.memory_space<semaphore_mem>>) {add = true}
      %while3A_584 = arith.constant 0 : i32
      scf.yield %while3A_584 : i32
    }
    %while3A_283 = arith.constant 1 : i32
    %while3A_284 = scf.for %while3A_330 = %while3A_280 to %while3A_276 step %while3A_283 iter_args(%while3A_331 = %while3A_282) -> (i32)  : i32 {
      %mul3A_332 = arith.constant 2 : i32
      %mul3A_333 = arith.muli %mul3A_332, %while3A_330 : i32
      %add3A_334 = arith.constant 2 : i32
      %add3A_335 = arith.addi %add3A_334, %mul3A_333 : i32
      %add3A_336 = arith.constant 1 : i32
      %add3A_337 = arith.addi %add3A_335, %add3A_336 : i32
      %dma_wait3A_338 = arith.constant 0 : i32
      %dma_wait3A_339 = arith.constant 0 : i32
      %dma_wait3A_340 = tpu.memref_slice %arg2[%select_n3A_8, %dma_wait3A_338, %dma_wait3A_339] : memref<641x8x128xi32, #tpu.memory_space<hbm>> -> memref<1x8x128xi32, #tpu.memory_space<hbm>>
      %dma_wait3A_341 = tpu.memref_squeeze %dma_wait3A_340 : memref<1x8x128xi32, #tpu.memory_space<hbm>> -> memref<8x128xi32, #tpu.memory_space<hbm>>
      %dma_wait3A_342 = arith.constant 0 : i32
      %dma_wait3A_343 = arith.constant 0 : i32
      %dma_wait3A_344 = tpu.memref_slice %arg2[%select_n3A_8, %dma_wait3A_342, %dma_wait3A_343] : memref<641x8x128xi32, #tpu.memory_space<hbm>> -> memref<1x8x128xi32, #tpu.memory_space<hbm>>
      %dma_wait3A_345 = tpu.memref_squeeze %dma_wait3A_344 : memref<1x8x128xi32, #tpu.memory_space<hbm>> -> memref<8x128xi32, #tpu.memory_space<hbm>>
      tpu.wait_dma2 semaphore(%arg11 : memref<!tpu.dma_semaphore, #tpu.memory_space<semaphore_mem>>) src(%dma_wait3A_345 : memref<8x128xi32, #tpu.memory_space<hbm>>) dst(%arg6 : memref<8x128xi32, #tpu.memory_space<vmem>>)
      %dma_wait3A_346 = arith.constant 0 : i32
      %dma_wait3A_347 = arith.constant 0 : i32
      %dma_wait3A_348 = tpu.memref_slice %arg3[%dma_wait3A_346, %dma_wait3A_347] : memref<10000x128xf32, #tpu.memory_space<hbm>> -> memref<128x128xf32, #tpu.memory_space<hbm>>
      %dma_wait3A_349 = arith.constant 0 : i32
      %dma_wait3A_350 = arith.constant 0 : i32
      %dma_wait3A_351 = tpu.memref_slice %arg3[%dma_wait3A_349, %dma_wait3A_350] : memref<10000x128xf32, #tpu.memory_space<hbm>> -> memref<128x128xf32, #tpu.memory_space<hbm>>
      tpu.wait_dma2 semaphore(%arg15 : memref<!tpu.dma_semaphore, #tpu.memory_space<semaphore_mem>>) src(%dma_wait3A_351 : memref<128x128xf32, #tpu.memory_space<hbm>>) dst(%arg8 : memref<128x128xf32, #tpu.memory_space<vmem>>)
      %dma_start3A_352 = arith.constant 0 : i32
      %dma_start3A_353 = arith.constant 0 : i32
      %dma_start3A_354 = tpu.memref_slice %arg6[%dma_start3A_352, %dma_start3A_353] : memref<8x128xi32, #tpu.memory_space<vmem>> -> memref<1x128xi32, #tpu.memory_space<vmem>>
      %dma_start3A_355 = tpu.memref_squeeze %dma_start3A_354 : memref<1x128xi32, #tpu.memory_space<vmem>> -> memref<128xi32, #tpu.memory_space<vmem>>
      %dma_start3A_356 = arith.constant 0 : i32
      %dma_start3A_357 = arith.constant 0 : i32
      %dma_start3A_358 = tpu.memref_slice %arg3[%dma_start3A_356, %dma_start3A_357] : memref<10000x128xf32, #tpu.memory_space<hbm>> -> memref<10000x128xf32, #tpu.memory_space<hbm>>
      tpu.enqueue_indirect_dma source(%dma_start3A_358 : memref<10000x128xf32, #tpu.memory_space<hbm>>) target(%arg8 : memref<128x128xf32, #tpu.memory_space<vmem>>) offsets(%dma_start3A_355 : memref<128xi32, #tpu.memory_space<vmem>>) semaphore(%arg13 : memref<!tpu.dma_semaphore, #tpu.memory_space<semaphore_mem>>)
      %dma_wait3A_359 = arith.constant 0 : i32
      %dma_wait3A_360 = arith.constant 0 : i32
      %dma_wait3A_361 = tpu.memref_slice %arg3[%dma_wait3A_359, %dma_wait3A_360] : memref<10000x128xf32, #tpu.memory_space<hbm>> -> memref<128x128xf32, #tpu.memory_space<hbm>>
      %dma_wait3A_362 = arith.constant 0 : i32
      %dma_wait3A_363 = arith.constant 0 : i32
      %dma_wait3A_364 = tpu.memref_slice %arg3[%dma_wait3A_362, %dma_wait3A_363] : memref<10000x128xf32, #tpu.memory_space<hbm>> -> memref<128x128xf32, #tpu.memory_space<hbm>>
      tpu.wait_dma2 semaphore(%arg14 : memref<!tpu.dma_semaphore, #tpu.memory_space<semaphore_mem>>) src(%dma_wait3A_364 : memref<128x128xf32, #tpu.memory_space<hbm>>) dst(%arg9 : memref<128x128xf32, #tpu.memory_space<vmem>>)
      %dma_start3A_365 = arith.constant 7 : i32
      %dma_start3A_366 = arith.constant 0 : i32
      %dma_start3A_367 = tpu.memref_slice %arg7[%dma_start3A_365, %dma_start3A_366] : memref<8x128xi32, #tpu.memory_space<vmem>> -> memref<1x128xi32, #tpu.memory_space<vmem>>
      %dma_start3A_368 = tpu.memref_squeeze %dma_start3A_367 : memref<1x128xi32, #tpu.memory_space<vmem>> -> memref<128xi32, #tpu.memory_space<vmem>>
      %dma_start3A_369 = arith.constant 0 : i32
      %dma_start3A_370 = arith.constant 0 : i32
      %dma_start3A_371 = tpu.memref_slice %arg5[%dma_start3A_369, %dma_start3A_370] : memref<10112x128xf32, #tpu.memory_space<vmem_shared>> -> memref<10112x128xf32, #tpu.memory_space<vmem_shared>>
      tpu.enqueue_indirect_dma source(%arg9 : memref<128x128xf32, #tpu.memory_space<vmem>>) target(%dma_start3A_371 : memref<10112x128xf32, #tpu.memory_space<vmem_shared>>) offsets(%dma_start3A_368 : memref<128xi32, #tpu.memory_space<vmem>>) semaphore(%arg16 : memref<!tpu.dma_semaphore, #tpu.memory_space<semaphore_mem>>) {add = true}
      %dma_wait3A_372 = arith.constant 0 : i32
      %dma_wait3A_373 = arith.constant 0 : i32
      %dma_wait3A_374 = tpu.memref_slice %arg3[%dma_wait3A_372, %dma_wait3A_373] : memref<10000x128xf32, #tpu.memory_space<hbm>> -> memref<128x128xf32, #tpu.memory_space<hbm>>
      %dma_wait3A_375 = arith.constant 0 : i32
      %dma_wait3A_376 = arith.constant 0 : i32
      %dma_wait3A_377 = tpu.memref_slice %arg3[%dma_wait3A_375, %dma_wait3A_376] : memref<10000x128xf32, #tpu.memory_space<hbm>> -> memref<128x128xf32, #tpu.memory_space<hbm>>
      tpu.wait_dma2 semaphore(%arg16 : memref<!tpu.dma_semaphore, #tpu.memory_space<semaphore_mem>>) src(%dma_wait3A_377 : memref<128x128xf32, #tpu.memory_space<hbm>>) dst(%arg9 : memref<128x128xf32, #tpu.memory_space<vmem>>)
      %add3A_378 = arith.constant 1 : i32
      %add3A_379 = arith.addi %add3A_335, %add3A_378 : i32
      %add3A_380 = arith.addi %select_n3A_8, %add3A_379 : i32
      %dma_start3A_381 = arith.constant 0 : i32
      %dma_start3A_382 = arith.constant 0 : i32
      %dma_start3A_383 = tpu.memref_slice %arg2[%add3A_380, %dma_start3A_381, %dma_start3A_382] : memref<641x8x128xi32, #tpu.memory_space<hbm>> -> memref<1x8x128xi32, #tpu.memory_space<hbm>>
      %dma_start3A_384 = tpu.memref_squeeze %dma_start3A_383 : memref<1x8x128xi32, #tpu.memory_space<hbm>> -> memref<8x128xi32, #tpu.memory_space<hbm>>
      %dma_start3A_385 = arith.constant 0 : i32
      %dma_start3A_386 = arith.constant 0 : i32
      %dma_start3A_387 = tpu.memref_slice %arg2[%add3A_380, %dma_start3A_385, %dma_start3A_386] : memref<641x8x128xi32, #tpu.memory_space<hbm>> -> memref<1x8x128xi32, #tpu.memory_space<hbm>>
      %dma_start3A_388 = tpu.memref_squeeze %dma_start3A_387 : memref<1x8x128xi32, #tpu.memory_space<hbm>> -> memref<8x128xi32, #tpu.memory_space<hbm>>
      tpu.enqueue_dma source(%dma_start3A_388 : memref<8x128xi32, #tpu.memory_space<hbm>>) target(%arg7 : memref<8x128xi32, #tpu.memory_space<vmem>>) target_semaphore(%arg12 : memref<!tpu.dma_semaphore, #tpu.memory_space<semaphore_mem>>)
      %dma_start3A_389 = arith.constant 2 : i32
      %dma_start3A_390 = arith.constant 0 : i32
      %dma_start3A_391 = tpu.memref_slice %arg6[%dma_start3A_389, %dma_start3A_390] : memref<8x128xi32, #tpu.memory_space<vmem>> -> memref<1x128xi32, #tpu.memory_space<vmem>>
      %dma_start3A_392 = tpu.memref_squeeze %dma_start3A_391 : memref<1x128xi32, #tpu.memory_space<vmem>> -> memref<128xi32, #tpu.memory_space<vmem>>
      %dma_start3A_393 = arith.constant 0 : i32
      %dma_start3A_394 = arith.constant 0 : i32
      %dma_start3A_395 = tpu.memref_slice %arg3[%dma_start3A_393, %dma_start3A_394] : memref<10000x128xf32, #tpu.memory_space<hbm>> -> memref<10000x128xf32, #tpu.memory_space<hbm>>
      tpu.enqueue_indirect_dma source(%dma_start3A_395 : memref<10000x128xf32, #tpu.memory_space<hbm>>) target(%arg9 : memref<128x128xf32, #tpu.memory_space<vmem>>) offsets(%dma_start3A_392 : memref<128xi32, #tpu.memory_space<vmem>>) semaphore(%arg14 : memref<!tpu.dma_semaphore, #tpu.memory_space<semaphore_mem>>)
      %dma_wait3A_396 = arith.constant 0 : i32
      %dma_wait3A_397 = arith.constant 0 : i32
      %dma_wait3A_398 = tpu.memref_slice %arg3[%dma_wait3A_396, %dma_wait3A_397] : memref<10000x128xf32, #tpu.memory_space<hbm>> -> memref<128x128xf32, #tpu.memory_space<hbm>>
      %dma_wait3A_399 = arith.constant 0 : i32
      %dma_wait3A_400 = arith.constant 0 : i32
      %dma_wait3A_401 = tpu.memref_slice %arg3[%dma_wait3A_399, %dma_wait3A_400] : memref<10000x128xf32, #tpu.memory_space<hbm>> -> memref<128x128xf32, #tpu.memory_space<hbm>>
      tpu.wait_dma2 semaphore(%arg13 : memref<!tpu.dma_semaphore, #tpu.memory_space<semaphore_mem>>) src(%dma_wait3A_401 : memref<128x128xf32, #tpu.memory_space<hbm>>) dst(%arg8 : memref<128x128xf32, #tpu.memory_space<vmem>>)
      %dma_start3A_402 = arith.constant 1 : i32
      %dma_start3A_403 = arith.constant 0 : i32
      %dma_start3A_404 = tpu.memref_slice %arg6[%dma_start3A_402, %dma_start3A_403] : memref<8x128xi32, #tpu.memory_space<vmem>> -> memref<1x128xi32, #tpu.memory_space<vmem>>
      %dma_start3A_405 = tpu.memref_squeeze %dma_start3A_404 : memref<1x128xi32, #tpu.memory_space<vmem>> -> memref<128xi32, #tpu.memory_space<vmem>>
      %dma_start3A_406 = arith.constant 0 : i32
      %dma_start3A_407 = arith.constant 0 : i32
      %dma_start3A_408 = tpu.memref_slice %arg5[%dma_start3A_406, %dma_start3A_407] : memref<10112x128xf32, #tpu.memory_space<vmem_shared>> -> memref<10112x128xf32, #tpu.memory_space<vmem_shared>>
      tpu.enqueue_indirect_dma source(%arg8 : memref<128x128xf32, #tpu.memory_space<vmem>>) target(%dma_start3A_408 : memref<10112x128xf32, #tpu.memory_space<vmem_shared>>) offsets(%dma_start3A_405 : memref<128xi32, #tpu.memory_space<vmem>>) semaphore(%arg15 : memref<!tpu.dma_semaphore, #tpu.memory_space<semaphore_mem>>) {add = true}
      %dma_wait3A_409 = arith.constant 0 : i32
      %dma_wait3A_410 = arith.constant 0 : i32
      %dma_wait3A_411 = tpu.memref_slice %arg3[%dma_wait3A_409, %dma_wait3A_410] : memref<10000x128xf32, #tpu.memory_space<hbm>> -> memref<128x128xf32, #tpu.memory_space<hbm>>
      %dma_wait3A_412 = arith.constant 0 : i32
      %dma_wait3A_413 = arith.constant 0 : i32
      %dma_wait3A_414 = tpu.memref_slice %arg3[%dma_wait3A_412, %dma_wait3A_413] : memref<10000x128xf32, #tpu.memory_space<hbm>> -> memref<128x128xf32, #tpu.memory_space<hbm>>
      tpu.wait_dma2 semaphore(%arg15 : memref<!tpu.dma_semaphore, #tpu.memory_space<semaphore_mem>>) src(%dma_wait3A_414 : memref<128x128xf32, #tpu.memory_space<hbm>>) dst(%arg8 : memref<128x128xf32, #tpu.memory_space<vmem>>)
      %dma_start3A_415 = arith.constant 4 : i32
      %dma_start3A_416 = arith.constant 0 : i32
      %dma_start3A_417 = tpu.memref_slice %arg6[%dma_start3A_415, %dma_start3A_416] : memref<8x128xi32, #tpu.memory_space<vmem>> -> memref<1x128xi32, #tpu.memory_space<vmem>>
      %dma_start3A_418 = tpu.memref_squeeze %dma_start3A_417 : memref<1x128xi32, #tpu.memory_space<vmem>> -> memref<128xi32, #tpu.memory_space<vmem>>
      %dma_start3A_419 = arith.constant 0 : i32
      %dma_start3A_420 = arith.constant 0 : i32
      %dma_start3A_421 = tpu.memref_slice %arg3[%dma_start3A_419, %dma_start3A_420] : memref<10000x128xf32, #tpu.memory_space<hbm>> -> memref<10000x128xf32, #tpu.memory_space<hbm>>
      tpu.enqueue_indirect_dma source(%dma_start3A_421 : memref<10000x128xf32, #tpu.memory_space<hbm>>) target(%arg8 : memref<128x128xf32, #tpu.memory_space<vmem>>) offsets(%dma_start3A_418 : memref<128xi32, #tpu.memory_space<vmem>>) semaphore(%arg13 : memref<!tpu.dma_semaphore, #tpu.memory_space<semaphore_mem>>)
      %dma_wait3A_422 = arith.constant 0 : i32
      %dma_wait3A_423 = arith.constant 0 : i32
      %dma_wait3A_424 = tpu.memref_slice %arg3[%dma_wait3A_422, %dma_wait3A_423] : memref<10000x128xf32, #tpu.memory_space<hbm>> -> memref<128x128xf32, #tpu.memory_space<hbm>>
      %dma_wait3A_425 = arith.constant 0 : i32
      %dma_wait3A_426 = arith.constant 0 : i32
      %dma_wait3A_427 = tpu.memref_slice %arg3[%dma_wait3A_425, %dma_wait3A_426] : memref<10000x128xf32, #tpu.memory_space<hbm>> -> memref<128x128xf32, #tpu.memory_space<hbm>>
      tpu.wait_dma2 semaphore(%arg14 : memref<!tpu.dma_semaphore, #tpu.memory_space<semaphore_mem>>) src(%dma_wait3A_427 : memref<128x128xf32, #tpu.memory_space<hbm>>) dst(%arg9 : memref<128x128xf32, #tpu.memory_space<vmem>>)
      %dma_start3A_428 = arith.constant 3 : i32
      %dma_start3A_429 = arith.constant 0 : i32
      %dma_start3A_430 = tpu.memref_slice %arg6[%dma_start3A_428, %dma_start3A_429] : memref<8x128xi32, #tpu.memory_space<vmem>> -> memref<1x128xi32, #tpu.memory_space<vmem>>
      %dma_start3A_431 = tpu.memref_squeeze %dma_start3A_430 : memref<1x128xi32, #tpu.memory_space<vmem>> -> memref<128xi32, #tpu.memory_space<vmem>>
      %dma_start3A_432 = arith.constant 0 : i32
      %dma_start3A_433 = arith.constant 0 : i32
      %dma_start3A_434 = tpu.memref_slice %arg5[%dma_start3A_432, %dma_start3A_433] : memref<10112x128xf32, #tpu.memory_space<vmem_shared>> -> memref<10112x128xf32, #tpu.memory_space<vmem_shared>>
      tpu.enqueue_indirect_dma source(%arg9 : memref<128x128xf32, #tpu.memory_space<vmem>>) target(%dma_start3A_434 : memref<10112x128xf32, #tpu.memory_space<vmem_shared>>) offsets(%dma_start3A_431 : memref<128xi32, #tpu.memory_space<vmem>>) semaphore(%arg16 : memref<!tpu.dma_semaphore, #tpu.memory_space<semaphore_mem>>) {add = true}
      %dma_wait3A_435 = arith.constant 0 : i32
      %dma_wait3A_436 = arith.constant 0 : i32
      %dma_wait3A_437 = tpu.memref_slice %arg3[%dma_wait3A_435, %dma_wait3A_436] : memref<10000x128xf32, #tpu.memory_space<hbm>> -> memref<128x128xf32, #tpu.memory_space<hbm>>
      %dma_wait3A_438 = arith.constant 0 : i32
      %dma_wait3A_439 = arith.constant 0 : i32
      %dma_wait3A_440 = tpu.memref_slice %arg3[%dma_wait3A_438, %dma_wait3A_439] : memref<10000x128xf32, #tpu.memory_space<hbm>> -> memref<128x128xf32, #tpu.memory_space<hbm>>
      tpu.wait_dma2 semaphore(%arg16 : memref<!tpu.dma_semaphore, #tpu.memory_space<semaphore_mem>>) src(%dma_wait3A_440 : memref<128x128xf32, #tpu.memory_space<hbm>>) dst(%arg9 : memref<128x128xf32, #tpu.memory_space<vmem>>)
      %dma_start3A_441 = arith.constant 6 : i32
      %dma_start3A_442 = arith.constant 0 : i32
      %dma_start3A_443 = tpu.memref_slice %arg6[%dma_start3A_441, %dma_start3A_442] : memref<8x128xi32, #tpu.memory_space<vmem>> -> memref<1x128xi32, #tpu.memory_space<vmem>>
      %dma_start3A_444 = tpu.memref_squeeze %dma_start3A_443 : memref<1x128xi32, #tpu.memory_space<vmem>> -> memref<128xi32, #tpu.memory_space<vmem>>
      %dma_start3A_445 = arith.constant 0 : i32
      %dma_start3A_446 = arith.constant 0 : i32
      %dma_start3A_447 = tpu.memref_slice %arg3[%dma_start3A_445, %dma_start3A_446] : memref<10000x128xf32, #tpu.memory_space<hbm>> -> memref<10000x128xf32, #tpu.memory_space<hbm>>
      tpu.enqueue_indirect_dma source(%dma_start3A_447 : memref<10000x128xf32, #tpu.memory_space<hbm>>) target(%arg9 : memref<128x128xf32, #tpu.memory_space<vmem>>) offsets(%dma_start3A_444 : memref<128xi32, #tpu.memory_space<vmem>>) semaphore(%arg14 : memref<!tpu.dma_semaphore, #tpu.memory_space<semaphore_mem>>)
      %dma_wait3A_448 = arith.constant 0 : i32
      %dma_wait3A_449 = arith.constant 0 : i32
      %dma_wait3A_450 = tpu.memref_slice %arg3[%dma_wait3A_448, %dma_wait3A_449] : memref<10000x128xf32, #tpu.memory_space<hbm>> -> memref<128x128xf32, #tpu.memory_space<hbm>>
      %dma_wait3A_451 = arith.constant 0 : i32
      %dma_wait3A_452 = arith.constant 0 : i32
      %dma_wait3A_453 = tpu.memref_slice %arg3[%dma_wait3A_451, %dma_wait3A_452] : memref<10000x128xf32, #tpu.memory_space<hbm>> -> memref<128x128xf32, #tpu.memory_space<hbm>>
      tpu.wait_dma2 semaphore(%arg13 : memref<!tpu.dma_semaphore, #tpu.memory_space<semaphore_mem>>) src(%dma_wait3A_453 : memref<128x128xf32, #tpu.memory_space<hbm>>) dst(%arg8 : memref<128x128xf32, #tpu.memory_space<vmem>>)
      %dma_start3A_454 = arith.constant 5 : i32
      %dma_start3A_455 = arith.constant 0 : i32
      %dma_start3A_456 = tpu.memref_slice %arg6[%dma_start3A_454, %dma_start3A_455] : memref<8x128xi32, #tpu.memory_space<vmem>> -> memref<1x128xi32, #tpu.memory_space<vmem>>
      %dma_start3A_457 = tpu.memref_squeeze %dma_start3A_456 : memref<1x128xi32, #tpu.memory_space<vmem>> -> memref<128xi32, #tpu.memory_space<vmem>>
      %dma_start3A_458 = arith.constant 0 : i32
      %dma_start3A_459 = arith.constant 0 : i32
      %dma_start3A_460 = tpu.memref_slice %arg5[%dma_start3A_458, %dma_start3A_459] : memref<10112x128xf32, #tpu.memory_space<vmem_shared>> -> memref<10112x128xf32, #tpu.memory_space<vmem_shared>>
      tpu.enqueue_indirect_dma source(%arg8 : memref<128x128xf32, #tpu.memory_space<vmem>>) target(%dma_start3A_460 : memref<10112x128xf32, #tpu.memory_space<vmem_shared>>) offsets(%dma_start3A_457 : memref<128xi32, #tpu.memory_space<vmem>>) semaphore(%arg15 : memref<!tpu.dma_semaphore, #tpu.memory_space<semaphore_mem>>) {add = true}
      %dma_wait3A_461 = arith.constant 0 : i32
      %dma_wait3A_462 = arith.constant 0 : i32
      %dma_wait3A_463 = tpu.memref_slice %arg2[%select_n3A_8, %dma_wait3A_461, %dma_wait3A_462] : memref<641x8x128xi32, #tpu.memory_space<hbm>> -> memref<1x8x128xi32, #tpu.memory_space<hbm>>
      %dma_wait3A_464 = tpu.memref_squeeze %dma_wait3A_463 : memref<1x8x128xi32, #tpu.memory_space<hbm>> -> memref<8x128xi32, #tpu.memory_space<hbm>>
      %dma_wait3A_465 = arith.constant 0 : i32
      %dma_wait3A_466 = arith.constant 0 : i32
      %dma_wait3A_467 = tpu.memref_slice %arg2[%select_n3A_8, %dma_wait3A_465, %dma_wait3A_466] : memref<641x8x128xi32, #tpu.memory_space<hbm>> -> memref<1x8x128xi32, #tpu.memory_space<hbm>>
      %dma_wait3A_468 = tpu.memref_squeeze %dma_wait3A_467 : memref<1x8x128xi32, #tpu.memory_space<hbm>> -> memref<8x128xi32, #tpu.memory_space<hbm>>
      tpu.wait_dma2 semaphore(%arg12 : memref<!tpu.dma_semaphore, #tpu.memory_space<semaphore_mem>>) src(%dma_wait3A_468 : memref<8x128xi32, #tpu.memory_space<hbm>>) dst(%arg7 : memref<8x128xi32, #tpu.memory_space<vmem>>)
      %dma_wait3A_469 = arith.constant 0 : i32
      %dma_wait3A_470 = arith.constant 0 : i32
      %dma_wait3A_471 = tpu.memref_slice %arg3[%dma_wait3A_469, %dma_wait3A_470] : memref<10000x128xf32, #tpu.memory_space<hbm>> -> memref<128x128xf32, #tpu.memory_space<hbm>>
      %dma_wait3A_472 = arith.constant 0 : i32
      %dma_wait3A_473 = arith.constant 0 : i32
      %dma_wait3A_474 = tpu.memref_slice %arg3[%dma_wait3A_472, %dma_wait3A_473] : memref<10000x128xf32, #tpu.memory_space<hbm>> -> memref<128x128xf32, #tpu.memory_space<hbm>>
      tpu.wait_dma2 semaphore(%arg15 : memref<!tpu.dma_semaphore, #tpu.memory_space<semaphore_mem>>) src(%dma_wait3A_474 : memref<128x128xf32, #tpu.memory_space<hbm>>) dst(%arg8 : memref<128x128xf32, #tpu.memory_space<vmem>>)
      %dma_start3A_475 = arith.constant 0 : i32
      %dma_start3A_476 = arith.constant 0 : i32
      %dma_start3A_477 = tpu.memref_slice %arg7[%dma_start3A_475, %dma_start3A_476] : memref<8x128xi32, #tpu.memory_space<vmem>> -> memref<1x128xi32, #tpu.memory_space<vmem>>
      %dma_start3A_478 = tpu.memref_squeeze %dma_start3A_477 : memref<1x128xi32, #tpu.memory_space<vmem>> -> memref<128xi32, #tpu.memory_space<vmem>>
      %dma_start3A_479 = arith.constant 0 : i32
      %dma_start3A_480 = arith.constant 0 : i32
      %dma_start3A_481 = tpu.memref_slice %arg3[%dma_start3A_479, %dma_start3A_480] : memref<10000x128xf32, #tpu.memory_space<hbm>> -> memref<10000x128xf32, #tpu.memory_space<hbm>>
      tpu.enqueue_indirect_dma source(%dma_start3A_481 : memref<10000x128xf32, #tpu.memory_space<hbm>>) target(%arg8 : memref<128x128xf32, #tpu.memory_space<vmem>>) offsets(%dma_start3A_478 : memref<128xi32, #tpu.memory_space<vmem>>) semaphore(%arg13 : memref<!tpu.dma_semaphore, #tpu.memory_space<semaphore_mem>>)
      %dma_wait3A_482 = arith.constant 0 : i32
      %dma_wait3A_483 = arith.constant 0 : i32
      %dma_wait3A_484 = tpu.memref_slice %arg3[%dma_wait3A_482, %dma_wait3A_483] : memref<10000x128xf32, #tpu.memory_space<hbm>> -> memref<128x128xf32, #tpu.memory_space<hbm>>
      %dma_wait3A_485 = arith.constant 0 : i32
      %dma_wait3A_486 = arith.constant 0 : i32
      %dma_wait3A_487 = tpu.memref_slice %arg3[%dma_wait3A_485, %dma_wait3A_486] : memref<10000x128xf32, #tpu.memory_space<hbm>> -> memref<128x128xf32, #tpu.memory_space<hbm>>
      tpu.wait_dma2 semaphore(%arg14 : memref<!tpu.dma_semaphore, #tpu.memory_space<semaphore_mem>>) src(%dma_wait3A_487 : memref<128x128xf32, #tpu.memory_space<hbm>>) dst(%arg9 : memref<128x128xf32, #tpu.memory_space<vmem>>)
      %dma_start3A_488 = arith.constant 7 : i32
      %dma_start3A_489 = arith.constant 0 : i32
      %dma_start3A_490 = tpu.memref_slice %arg6[%dma_start3A_488, %dma_start3A_489] : memref<8x128xi32, #tpu.memory_space<vmem>> -> memref<1x128xi32, #tpu.memory_space<vmem>>
      %dma_start3A_491 = tpu.memref_squeeze %dma_start3A_490 : memref<1x128xi32, #tpu.memory_space<vmem>> -> memref<128xi32, #tpu.memory_space<vmem>>
      %dma_start3A_492 = arith.constant 0 : i32
      %dma_start3A_493 = arith.constant 0 : i32
      %dma_start3A_494 = tpu.memref_slice %arg5[%dma_start3A_492, %dma_start3A_493] : memref<10112x128xf32, #tpu.memory_space<vmem_shared>> -> memref<10112x128xf32, #tpu.memory_space<vmem_shared>>
      tpu.enqueue_indirect_dma source(%arg9 : memref<128x128xf32, #tpu.memory_space<vmem>>) target(%dma_start3A_494 : memref<10112x128xf32, #tpu.memory_space<vmem_shared>>) offsets(%dma_start3A_491 : memref<128xi32, #tpu.memory_space<vmem>>) semaphore(%arg16 : memref<!tpu.dma_semaphore, #tpu.memory_space<semaphore_mem>>) {add = true}
      %dma_wait3A_495 = arith.constant 0 : i32
      %dma_wait3A_496 = arith.constant 0 : i32
      %dma_wait3A_497 = tpu.memref_slice %arg3[%dma_wait3A_495, %dma_wait3A_496] : memref<10000x128xf32, #tpu.memory_space<hbm>> -> memref<128x128xf32, #tpu.memory_space<hbm>>
      %dma_wait3A_498 = arith.constant 0 : i32
      %dma_wait3A_499 = arith.constant 0 : i32
      %dma_wait3A_500 = tpu.memref_slice %arg3[%dma_wait3A_498, %dma_wait3A_499] : memref<10000x128xf32, #tpu.memory_space<hbm>> -> memref<128x128xf32, #tpu.memory_space<hbm>>
      tpu.wait_dma2 semaphore(%arg16 : memref<!tpu.dma_semaphore, #tpu.memory_space<semaphore_mem>>) src(%dma_wait3A_500 : memref<128x128xf32, #tpu.memory_space<hbm>>) dst(%arg9 : memref<128x128xf32, #tpu.memory_space<vmem>>)
      %add3A_501 = arith.constant 1 : i32
      %add3A_502 = arith.addi %add3A_337, %add3A_501 : i32
      %add3A_503 = arith.addi %select_n3A_8, %add3A_502 : i32
      %dma_start3A_504 = arith.constant 0 : i32
      %dma_start3A_505 = arith.constant 0 : i32
      %dma_start3A_506 = tpu.memref_slice %arg2[%add3A_503, %dma_start3A_504, %dma_start3A_505] : memref<641x8x128xi32, #tpu.memory_space<hbm>> -> memref<1x8x128xi32, #tpu.memory_space<hbm>>
      %dma_start3A_507 = tpu.memref_squeeze %dma_start3A_506 : memref<1x8x128xi32, #tpu.memory_space<hbm>> -> memref<8x128xi32, #tpu.memory_space<hbm>>
      %dma_start3A_508 = arith.constant 0 : i32
      %dma_start3A_509 = arith.constant 0 : i32
      %dma_start3A_510 = tpu.memref_slice %arg2[%add3A_503, %dma_start3A_508, %dma_start3A_509] : memref<641x8x128xi32, #tpu.memory_space<hbm>> -> memref<1x8x128xi32, #tpu.memory_space<hbm>>
      %dma_start3A_511 = tpu.memref_squeeze %dma_start3A_510 : memref<1x8x128xi32, #tpu.memory_space<hbm>> -> memref<8x128xi32, #tpu.memory_space<hbm>>
      tpu.enqueue_dma source(%dma_start3A_511 : memref<8x128xi32, #tpu.memory_space<hbm>>) target(%arg6 : memref<8x128xi32, #tpu.memory_space<vmem>>) target_semaphore(%arg11 : memref<!tpu.dma_semaphore, #tpu.memory_space<semaphore_mem>>)
      %dma_start3A_512 = arith.constant 2 : i32
      %dma_start3A_513 = arith.constant 0 : i32
      %dma_start3A_514 = tpu.memref_slice %arg7[%dma_start3A_512, %dma_start3A_513] : memref<8x128xi32, #tpu.memory_space<vmem>> -> memref<1x128xi32, #tpu.memory_space<vmem>>
      %dma_start3A_515 = tpu.memref_squeeze %dma_start3A_514 : memref<1x128xi32, #tpu.memory_space<vmem>> -> memref<128xi32, #tpu.memory_space<vmem>>
      %dma_start3A_516 = arith.constant 0 : i32
      %dma_start3A_517 = arith.constant 0 : i32
      %dma_start3A_518 = tpu.memref_slice %arg3[%dma_start3A_516, %dma_start3A_517] : memref<10000x128xf32, #tpu.memory_space<hbm>> -> memref<10000x128xf32, #tpu.memory_space<hbm>>
      tpu.enqueue_indirect_dma source(%dma_start3A_518 : memref<10000x128xf32, #tpu.memory_space<hbm>>) target(%arg9 : memref<128x128xf32, #tpu.memory_space<vmem>>) offsets(%dma_start3A_515 : memref<128xi32, #tpu.memory_space<vmem>>) semaphore(%arg14 : memref<!tpu.dma_semaphore, #tpu.memory_space<semaphore_mem>>)
      %dma_wait3A_519 = arith.constant 0 : i32
      %dma_wait3A_520 = arith.constant 0 : i32
      %dma_wait3A_521 = tpu.memref_slice %arg3[%dma_wait3A_519, %dma_wait3A_520] : memref<10000x128xf32, #tpu.memory_space<hbm>> -> memref<128x128xf32, #tpu.memory_space<hbm>>
      %dma_wait3A_522 = arith.constant 0 : i32
      %dma_wait3A_523 = arith.constant 0 : i32
      %dma_wait3A_524 = tpu.memref_slice %arg3[%dma_wait3A_522, %dma_wait3A_523] : memref<10000x128xf32, #tpu.memory_space<hbm>> -> memref<128x128xf32, #tpu.memory_space<hbm>>
      tpu.wait_dma2 semaphore(%arg13 : memref<!tpu.dma_semaphore, #tpu.memory_space<semaphore_mem>>) src(%dma_wait3A_524 : memref<128x128xf32, #tpu.memory_space<hbm>>) dst(%arg8 : memref<128x128xf32, #tpu.memory_space<vmem>>)
      %dma_start3A_525 = arith.constant 1 : i32
      %dma_start3A_526 = arith.constant 0 : i32
      %dma_start3A_527 = tpu.memref_slice %arg7[%dma_start3A_525, %dma_start3A_526] : memref<8x128xi32, #tpu.memory_space<vmem>> -> memref<1x128xi32, #tpu.memory_space<vmem>>
      %dma_start3A_528 = tpu.memref_squeeze %dma_start3A_527 : memref<1x128xi32, #tpu.memory_space<vmem>> -> memref<128xi32, #tpu.memory_space<vmem>>
      %dma_start3A_529 = arith.constant 0 : i32
      %dma_start3A_530 = arith.constant 0 : i32
      %dma_start3A_531 = tpu.memref_slice %arg5[%dma_start3A_529, %dma_start3A_530] : memref<10112x128xf32, #tpu.memory_space<vmem_shared>> -> memref<10112x128xf32, #tpu.memory_space<vmem_shared>>
      tpu.enqueue_indirect_dma source(%arg8 : memref<128x128xf32, #tpu.memory_space<vmem>>) target(%dma_start3A_531 : memref<10112x128xf32, #tpu.memory_space<vmem_shared>>) offsets(%dma_start3A_528 : memref<128xi32, #tpu.memory_space<vmem>>) semaphore(%arg15 : memref<!tpu.dma_semaphore, #tpu.memory_space<semaphore_mem>>) {add = true}
      %dma_wait3A_532 = arith.constant 0 : i32
      %dma_wait3A_533 = arith.constant 0 : i32
      %dma_wait3A_534 = tpu.memref_slice %arg3[%dma_wait3A_532, %dma_wait3A_533] : memref<10000x128xf32, #tpu.memory_space<hbm>> -> memref<128x128xf32, #tpu.memory_space<hbm>>
      %dma_wait3A_535 = arith.constant 0 : i32
      %dma_wait3A_536 = arith.constant 0 : i32
      %dma_wait3A_537 = tpu.memref_slice %arg3[%dma_wait3A_535, %dma_wait3A_536] : memref<10000x128xf32, #tpu.memory_space<hbm>> -> memref<128x128xf32, #tpu.memory_space<hbm>>
      tpu.wait_dma2 semaphore(%arg15 : memref<!tpu.dma_semaphore, #tpu.memory_space<semaphore_mem>>) src(%dma_wait3A_537 : memref<128x128xf32, #tpu.memory_space<hbm>>) dst(%arg8 : memref<128x128xf32, #tpu.memory_space<vmem>>)
      %dma_start3A_538 = arith.constant 4 : i32
      %dma_start3A_539 = arith.constant 0 : i32
      %dma_start3A_540 = tpu.memref_slice %arg7[%dma_start3A_538, %dma_start3A_539] : memref<8x128xi32, #tpu.memory_space<vmem>> -> memref<1x128xi32, #tpu.memory_space<vmem>>
      %dma_start3A_541 = tpu.memref_squeeze %dma_start3A_540 : memref<1x128xi32, #tpu.memory_space<vmem>> -> memref<128xi32, #tpu.memory_space<vmem>>
      %dma_start3A_542 = arith.constant 0 : i32
      %dma_start3A_543 = arith.constant 0 : i32
      %dma_start3A_544 = tpu.memref_slice %arg3[%dma_start3A_542, %dma_start3A_543] : memref<10000x128xf32, #tpu.memory_space<hbm>> -> memref<10000x128xf32, #tpu.memory_space<hbm>>
      tpu.enqueue_indirect_dma source(%dma_start3A_544 : memref<10000x128xf32, #tpu.memory_space<hbm>>) target(%arg8 : memref<128x128xf32, #tpu.memory_space<vmem>>) offsets(%dma_start3A_541 : memref<128xi32, #tpu.memory_space<vmem>>) semaphore(%arg13 : memref<!tpu.dma_semaphore, #tpu.memory_space<semaphore_mem>>)
      %dma_wait3A_545 = arith.constant 0 : i32
      %dma_wait3A_546 = arith.constant 0 : i32
      %dma_wait3A_547 = tpu.memref_slice %arg3[%dma_wait3A_545, %dma_wait3A_546] : memref<10000x128xf32, #tpu.memory_space<hbm>> -> memref<128x128xf32, #tpu.memory_space<hbm>>
      %dma_wait3A_548 = arith.constant 0 : i32
      %dma_wait3A_549 = arith.constant 0 : i32
      %dma_wait3A_550 = tpu.memref_slice %arg3[%dma_wait3A_548, %dma_wait3A_549] : memref<10000x128xf32, #tpu.memory_space<hbm>> -> memref<128x128xf32, #tpu.memory_space<hbm>>
      tpu.wait_dma2 semaphore(%arg14 : memref<!tpu.dma_semaphore, #tpu.memory_space<semaphore_mem>>) src(%dma_wait3A_550 : memref<128x128xf32, #tpu.memory_space<hbm>>) dst(%arg9 : memref<128x128xf32, #tpu.memory_space<vmem>>)
      %dma_start3A_551 = arith.constant 3 : i32
      %dma_start3A_552 = arith.constant 0 : i32
      %dma_start3A_553 = tpu.memref_slice %arg7[%dma_start3A_551, %dma_start3A_552] : memref<8x128xi32, #tpu.memory_space<vmem>> -> memref<1x128xi32, #tpu.memory_space<vmem>>
      %dma_start3A_554 = tpu.memref_squeeze %dma_start3A_553 : memref<1x128xi32, #tpu.memory_space<vmem>> -> memref<128xi32, #tpu.memory_space<vmem>>
      %dma_start3A_555 = arith.constant 0 : i32
      %dma_start3A_556 = arith.constant 0 : i32
      %dma_start3A_557 = tpu.memref_slice %arg5[%dma_start3A_555, %dma_start3A_556] : memref<10112x128xf32, #tpu.memory_space<vmem_shared>> -> memref<10112x128xf32, #tpu.memory_space<vmem_shared>>
      tpu.enqueue_indirect_dma source(%arg9 : memref<128x128xf32, #tpu.memory_space<vmem>>) target(%dma_start3A_557 : memref<10112x128xf32, #tpu.memory_space<vmem_shared>>) offsets(%dma_start3A_554 : memref<128xi32, #tpu.memory_space<vmem>>) semaphore(%arg16 : memref<!tpu.dma_semaphore, #tpu.memory_space<semaphore_mem>>) {add = true}
      %dma_wait3A_558 = arith.constant 0 : i32
      %dma_wait3A_559 = arith.constant 0 : i32
      %dma_wait3A_560 = tpu.memref_slice %arg3[%dma_wait3A_558, %dma_wait3A_559] : memref<10000x128xf32, #tpu.memory_space<hbm>> -> memref<128x128xf32, #tpu.memory_space<hbm>>
      %dma_wait3A_561 = arith.constant 0 : i32
      %dma_wait3A_562 = arith.constant 0 : i32
      %dma_wait3A_563 = tpu.memref_slice %arg3[%dma_wait3A_561, %dma_wait3A_562] : memref<10000x128xf32, #tpu.memory_space<hbm>> -> memref<128x128xf32, #tpu.memory_space<hbm>>
      tpu.wait_dma2 semaphore(%arg16 : memref<!tpu.dma_semaphore, #tpu.memory_space<semaphore_mem>>) src(%dma_wait3A_563 : memref<128x128xf32, #tpu.memory_space<hbm>>) dst(%arg9 : memref<128x128xf32, #tpu.memory_space<vmem>>)
      %dma_start3A_564 = arith.constant 6 : i32
      %dma_start3A_565 = arith.constant 0 : i32
      %dma_start3A_566 = tpu.memref_slice %arg7[%dma_start3A_564, %dma_start3A_565] : memref<8x128xi32, #tpu.memory_space<vmem>> -> memref<1x128xi32, #tpu.memory_space<vmem>>
      %dma_start3A_567 = tpu.memref_squeeze %dma_start3A_566 : memref<1x128xi32, #tpu.memory_space<vmem>> -> memref<128xi32, #tpu.memory_space<vmem>>
      %dma_start3A_568 = arith.constant 0 : i32
      %dma_start3A_569 = arith.constant 0 : i32
      %dma_start3A_570 = tpu.memref_slice %arg3[%dma_start3A_568, %dma_start3A_569] : memref<10000x128xf32, #tpu.memory_space<hbm>> -> memref<10000x128xf32, #tpu.memory_space<hbm>>
      tpu.enqueue_indirect_dma source(%dma_start3A_570 : memref<10000x128xf32, #tpu.memory_space<hbm>>) target(%arg9 : memref<128x128xf32, #tpu.memory_space<vmem>>) offsets(%dma_start3A_567 : memref<128xi32, #tpu.memory_space<vmem>>) semaphore(%arg14 : memref<!tpu.dma_semaphore, #tpu.memory_space<semaphore_mem>>)
      %dma_wait3A_571 = arith.constant 0 : i32
      %dma_wait3A_572 = arith.constant 0 : i32
      %dma_wait3A_573 = tpu.memref_slice %arg3[%dma_wait3A_571, %dma_wait3A_572] : memref<10000x128xf32, #tpu.memory_space<hbm>> -> memref<128x128xf32, #tpu.memory_space<hbm>>
      %dma_wait3A_574 = arith.constant 0 : i32
      %dma_wait3A_575 = arith.constant 0 : i32
      %dma_wait3A_576 = tpu.memref_slice %arg3[%dma_wait3A_574, %dma_wait3A_575] : memref<10000x128xf32, #tpu.memory_space<hbm>> -> memref<128x128xf32, #tpu.memory_space<hbm>>
      tpu.wait_dma2 semaphore(%arg13 : memref<!tpu.dma_semaphore, #tpu.memory_space<semaphore_mem>>) src(%dma_wait3A_576 : memref<128x128xf32, #tpu.memory_space<hbm>>) dst(%arg8 : memref<128x128xf32, #tpu.memory_space<vmem>>)
      %dma_start3A_577 = arith.constant 5 : i32
      %dma_start3A_578 = arith.constant 0 : i32
      %dma_start3A_579 = tpu.memref_slice %arg7[%dma_start3A_577, %dma_start3A_578] : memref<8x128xi32, #tpu.memory_space<vmem>> -> memref<1x128xi32, #tpu.memory_space<vmem>>
      %dma_start3A_580 = tpu.memref_squeeze %dma_start3A_579 : memref<1x128xi32, #tpu.memory_space<vmem>> -> memref<128xi32, #tpu.memory_space<vmem>>
      %dma_start3A_581 = arith.constant 0 : i32
      %dma_start3A_582 = arith.constant 0 : i32
      %dma_start3A_583 = tpu.memref_slice %arg5[%dma_start3A_581, %dma_start3A_582] : memref<10112x128xf32, #tpu.memory_space<vmem_shared>> -> memref<10112x128xf32, #tpu.memory_space<vmem_shared>>
      tpu.enqueue_indirect_dma source(%arg8 : memref<128x128xf32, #tpu.memory_space<vmem>>) target(%dma_start3A_583 : memref<10112x128xf32, #tpu.memory_space<vmem_shared>>) offsets(%dma_start3A_580 : memref<128xi32, #tpu.memory_space<vmem>>) semaphore(%arg15 : memref<!tpu.dma_semaphore, #tpu.memory_space<semaphore_mem>>) {add = true}
      %while3A_584 = arith.constant 0 : i32
      scf.yield %while3A_584 : i32
    }
    %dma_wait3A_285 = arith.constant 0 : i32
    %dma_wait3A_286 = arith.constant 0 : i32
    %dma_wait3A_287 = tpu.memref_slice %arg3[%dma_wait3A_285, %dma_wait3A_286] : memref<10000x128xf32, #tpu.memory_space<hbm>> -> memref<128x128xf32, #tpu.memory_space<hbm>>
    %dma_wait3A_288 = arith.constant 0 : i32
    %dma_wait3A_289 = arith.constant 0 : i32
    %dma_wait3A_290 = tpu.memref_slice %arg3[%dma_wait3A_288, %dma_wait3A_289] : memref<10000x128xf32, #tpu.memory_space<hbm>> -> memref<128x128xf32, #tpu.memory_space<hbm>>
    tpu.wait_dma2 semaphore(%arg14 : memref<!tpu.dma_semaphore, #tpu.memory_space<semaphore_mem>>) src(%dma_wait3A_290 : memref<128x128xf32, #tpu.memory_space<hbm>>) dst(%arg9 : memref<128x128xf32, #tpu.memory_space<vmem>>)
    %dma_start3A_291 = arith.constant 7 : i32
    %dma_start3A_292 = arith.constant 0 : i32
    %dma_start3A_293 = tpu.memref_slice %arg7[%dma_start3A_291, %dma_start3A_292] : memref<8x128xi32, #tpu.memory_space<vmem>> -> memref<1x128xi32, #tpu.memory_space<vmem>>
    %dma_start3A_294 = tpu.memref_squeeze %dma_start3A_293 : memref<1x128xi32, #tpu.memory_space<vmem>> -> memref<128xi32, #tpu.memory_space<vmem>>
    %dma_start3A_295 = arith.constant 0 : i32
    %dma_start3A_296 = arith.constant 0 : i32
    %dma_start3A_297 = tpu.memref_slice %arg5[%dma_start3A_295, %dma_start3A_296] : memref<10112x128xf32, #tpu.memory_space<vmem_shared>> -> memref<10112x128xf32, #tpu.memory_space<vmem_shared>>
    tpu.enqueue_indirect_dma source(%arg9 : memref<128x128xf32, #tpu.memory_space<vmem>>) target(%dma_start3A_297 : memref<10112x128xf32, #tpu.memory_space<vmem_shared>>) offsets(%dma_start3A_294 : memref<128xi32, #tpu.memory_space<vmem>>) semaphore(%arg16 : memref<!tpu.dma_semaphore, #tpu.memory_space<semaphore_mem>>) {add = true}
    %dma_wait3A_298 = arith.constant 0 : i32
    %dma_wait3A_299 = arith.constant 0 : i32
    %dma_wait3A_300 = tpu.memref_slice %arg3[%dma_wait3A_298, %dma_wait3A_299] : memref<10000x128xf32, #tpu.memory_space<hbm>> -> memref<128x128xf32, #tpu.memory_space<hbm>>
    %dma_wait3A_301 = arith.constant 0 : i32
    %dma_wait3A_302 = arith.constant 0 : i32
    %dma_wait3A_303 = tpu.memref_slice %arg3[%dma_wait3A_301, %dma_wait3A_302] : memref<10000x128xf32, #tpu.memory_space<hbm>> -> memref<128x128xf32, #tpu.memory_space<hbm>>
    tpu.wait_dma2 semaphore(%arg15 : memref<!tpu.dma_semaphore, #tpu.memory_space<semaphore_mem>>) src(%dma_wait3A_303 : memref<128x128xf32, #tpu.memory_space<hbm>>) dst(%arg8 : memref<128x128xf32, #tpu.memory_space<vmem>>)
    %dma_wait3A_304 = arith.constant 0 : i32
    %dma_wait3A_305 = arith.constant 0 : i32
    %dma_wait3A_306 = tpu.memref_slice %arg3[%dma_wait3A_304, %dma_wait3A_305] : memref<10000x128xf32, #tpu.memory_space<hbm>> -> memref<128x128xf32, #tpu.memory_space<hbm>>
    %dma_wait3A_307 = arith.constant 0 : i32
    %dma_wait3A_308 = arith.constant 0 : i32
    %dma_wait3A_309 = tpu.memref_slice %arg3[%dma_wait3A_307, %dma_wait3A_308] : memref<10000x128xf32, #tpu.memory_space<hbm>> -> memref<128x128xf32, #tpu.memory_space<hbm>>
    tpu.wait_dma2 semaphore(%arg16 : memref<!tpu.dma_semaphore, #tpu.memory_space<semaphore_mem>>) src(%dma_wait3A_309 : memref<128x128xf32, #tpu.memory_space<hbm>>) dst(%arg9 : memref<128x128xf32, #tpu.memory_space<vmem>>)
    %dma_wait3A_310 = arith.constant 0 : i32
    %dma_wait3A_311 = arith.constant 0 : i32
    %dma_wait3A_312 = tpu.memref_slice %arg2[%select_n3A_8, %dma_wait3A_310, %dma_wait3A_311] : memref<641x8x128xi32, #tpu.memory_space<hbm>> -> memref<1x8x128xi32, #tpu.memory_space<hbm>>
    %dma_wait3A_313 = tpu.memref_squeeze %dma_wait3A_312 : memref<1x8x128xi32, #tpu.memory_space<hbm>> -> memref<8x128xi32, #tpu.memory_space<hbm>>
    %dma_wait3A_314 = arith.constant 0 : i32
    %dma_wait3A_315 = arith.constant 0 : i32
    %dma_wait3A_316 = tpu.memref_slice %arg2[%select_n3A_8, %dma_wait3A_314, %dma_wait3A_315] : memref<641x8x128xi32, #tpu.memory_space<hbm>> -> memref<1x8x128xi32, #tpu.memory_space<hbm>>
    %dma_wait3A_317 = tpu.memref_squeeze %dma_wait3A_316 : memref<1x8x128xi32, #tpu.memory_space<hbm>> -> memref<8x128xi32, #tpu.memory_space<hbm>>
    tpu.wait_dma2 semaphore(%arg11 : memref<!tpu.dma_semaphore, #tpu.memory_space<semaphore_mem>>) src(%dma_wait3A_317 : memref<8x128xi32, #tpu.memory_space<hbm>>) dst(%arg6 : memref<8x128xi32, #tpu.memory_space<vmem>>)
    %barrier3A_318 = arith.constant 0 : index
    tpu.barrier barrier_id(%barrier3A_318)
    %scan3A_319 = arith.constant 0 : i32
    %scan3A_320 = arith.constant 0 : i32
    %scan3A_321 = arith.constant 7 : i32
    %scan3A_322 = arith.addi %scan3A_320, %scan3A_321 : i32
    %scan3A_323 = arith.constant 1 : i32
    %scan3A_324 = scf.for %scan3A_330 = %scan3A_320 to %scan3A_322 step %scan3A_323 iter_args(%scan3A_331 = %scan3A_319) -> (i32)  : i32 {
      %mul3A_332 = arith.constant 80 : i32
      %mul3A_333 = arith.muli %scan3A_330, %mul3A_332 : i32
      %add3A_334 = arith.addi %mul3A_17, %mul3A_333 : i32
      "tpu.region"() ({
        %run_scoped3A = tpu.sem_alloc : memref<!tpu.dma_semaphore, #tpu.memory_space<semaphore_mem>>
        %dma_start3A_339 = arith.constant 0 : i32
        %dma_start3A_340 = tpu.memref_slice %arg5[%add3A_334, %dma_start3A_339] : memref<10112x128xf32, #tpu.memory_space<vmem_shared>> -> memref<80x128xf32, #tpu.memory_space<vmem_shared>>
        %dma_start3A_341 = arith.constant 0 : i32
        %dma_start3A_342 = tpu.memref_slice %arg5[%add3A_334, %dma_start3A_341] : memref<10112x128xf32, #tpu.memory_space<vmem_shared>> -> memref<80x128xf32, #tpu.memory_space<vmem_shared>>
        tpu.enqueue_dma source(%dma_start3A_342 : memref<80x128xf32, #tpu.memory_space<vmem_shared>>) target(%arg10 : memref<80x128xf32, #tpu.memory_space<vmem>>) target_semaphore(%run_scoped3A : memref<!tpu.dma_semaphore, #tpu.memory_space<semaphore_mem>>)
        %dma_wait3A_343 = arith.constant 0 : i32
        %dma_wait3A_344 = tpu.memref_slice %arg5[%add3A_334, %dma_wait3A_343] : memref<10112x128xf32, #tpu.memory_space<vmem_shared>> -> memref<80x128xf32, #tpu.memory_space<vmem_shared>>
        %dma_wait3A_345 = arith.constant 0 : i32
        %dma_wait3A_346 = tpu.memref_slice %arg5[%add3A_334, %dma_wait3A_345] : memref<10112x128xf32, #tpu.memory_space<vmem_shared>> -> memref<80x128xf32, #tpu.memory_space<vmem_shared>>
        tpu.wait_dma2 semaphore(%run_scoped3A : memref<!tpu.dma_semaphore, #tpu.memory_space<semaphore_mem>>) src(%dma_wait3A_346 : memref<80x128xf32, #tpu.memory_space<vmem_shared>>) dst(%arg10 : memref<80x128xf32, #tpu.memory_space<vmem>>)
        tpu.yield
      }) : () -> ()
      %mul3A_335 = arith.constant 80 : i32
      %mul3A_336 = arith.muli %scan3A_330, %mul3A_335 : i32
      %add3A_337 = arith.addi %mul3A_17, %mul3A_336 : i32
      "tpu.region"() ({
        %run_scoped3A = tpu.sem_alloc : memref<!tpu.dma_semaphore, #tpu.memory_space<semaphore_mem>>
        %dma_start3A_339 = arith.constant 0 : i32
        %dma_start3A_340 = tpu.memref_slice %arg4[%arg0, %add3A_337, %dma_start3A_339] : memref<2x10112x128xf32, #tpu.memory_space<hbm>> -> memref<1x80x128xf32, #tpu.memory_space<hbm>>
        %dma_start3A_341 = tpu.memref_squeeze %dma_start3A_340 : memref<1x80x128xf32, #tpu.memory_space<hbm>> -> memref<80x128xf32, #tpu.memory_space<hbm>>
        %dma_start3A_342 = arith.constant 0 : i32
        %dma_start3A_343 = tpu.memref_slice %arg4[%arg0, %add3A_337, %dma_start3A_342] : memref<2x10112x128xf32, #tpu.memory_space<hbm>> -> memref<1x80x128xf32, #tpu.memory_space<hbm>>
        %dma_start3A_344 = tpu.memref_squeeze %dma_start3A_343 : memref<1x80x128xf32, #tpu.memory_space<hbm>> -> memref<80x128xf32, #tpu.memory_space<hbm>>
        tpu.enqueue_dma source(%arg10 : memref<80x128xf32, #tpu.memory_space<vmem>>) target(%dma_start3A_344 : memref<80x128xf32, #tpu.memory_space<hbm>>) target_semaphore(%run_scoped3A : memref<!tpu.dma_semaphore, #tpu.memory_space<semaphore_mem>>)
        %dma_wait3A_345 = arith.constant 0 : i32
        %dma_wait3A_346 = tpu.memref_slice %arg4[%arg0, %add3A_337, %dma_wait3A_345] : memref<2x10112x128xf32, #tpu.memory_space<hbm>> -> memref<1x80x128xf32, #tpu.memory_space<hbm>>
        %dma_wait3A_347 = tpu.memref_squeeze %dma_wait3A_346 : memref<1x80x128xf32, #tpu.memory_space<hbm>> -> memref<80x128xf32, #tpu.memory_space<hbm>>
        %dma_wait3A_348 = arith.constant 0 : i32
        %dma_wait3A_349 = tpu.memref_slice %arg4[%arg0, %add3A_337, %dma_wait3A_348] : memref<2x10112x128xf32, #tpu.memory_space<hbm>> -> memref<1x80x128xf32, #tpu.memory_space<hbm>>
        %dma_wait3A_350 = tpu.memref_squeeze %dma_wait3A_349 : memref<1x80x128xf32, #tpu.memory_space<hbm>> -> memref<80x128xf32, #tpu.memory_space<hbm>>
        tpu.wait_dma2 semaphore(%run_scoped3A : memref<!tpu.dma_semaphore, #tpu.memory_space<semaphore_mem>>) src(%arg10 : memref<80x128xf32, #tpu.memory_space<vmem>>) dst(%dma_wait3A_350 : memref<80x128xf32, #tpu.memory_space<hbm>>)
        tpu.yield
      }) : () -> ()
      %scan3A_338 = arith.constant 0 : i32
      scf.yield %scan3A_338 : i32
    }
    %scan3A_325 = arith.constant 7 : i32
    %add3A_326 = arith.constant 560 : i32
    %add3A_327 = arith.addi %mul3A_17, %add3A_326 : i32
    "tpu.region"() ({
      %run_scoped3A = tpu.sem_alloc : memref<!tpu.dma_semaphore, #tpu.memory_space<semaphore_mem>>
      %dma_start3A_330 = arith.constant 0 : i32
      %dma_start3A_331 = arith.constant 0 : i32
      %dma_start3A_332 = tpu.memref_slice %arg10[%dma_start3A_330, %dma_start3A_331] : memref<80x128xf32, #tpu.memory_space<vmem>> -> memref<72x128xf32, #tpu.memory_space<vmem>>
      %dma_start3A_333 = arith.constant 0 : i32
      %dma_start3A_334 = tpu.memref_slice %arg5[%add3A_327, %dma_start3A_333] : memref<10112x128xf32, #tpu.memory_space<vmem_shared>> -> memref<72x128xf32, #tpu.memory_space<vmem_shared>>
      %dma_start3A_335 = arith.constant 0 : i32
      %dma_start3A_336 = arith.constant 0 : i32
      %dma_start3A_337 = tpu.memref_slice %arg10[%dma_start3A_335, %dma_start3A_336] : memref<80x128xf32, #tpu.memory_space<vmem>> -> memref<72x128xf32, #tpu.memory_space<vmem>>
      %dma_start3A_338 = arith.constant 0 : i32
      %dma_start3A_339 = tpu.memref_slice %arg5[%add3A_327, %dma_start3A_338] : memref<10112x128xf32, #tpu.memory_space<vmem_shared>> -> memref<72x128xf32, #tpu.memory_space<vmem_shared>>
      tpu.enqueue_dma source(%dma_start3A_339 : memref<72x128xf32, #tpu.memory_space<vmem_shared>>) target(%dma_start3A_337 : memref<72x128xf32, #tpu.memory_space<vmem>>) target_semaphore(%run_scoped3A : memref<!tpu.dma_semaphore, #tpu.memory_space<semaphore_mem>>)
      %dma_wait3A_340 = arith.constant 0 : i32
      %dma_wait3A_341 = arith.constant 0 : i32
      %dma_wait3A_342 = tpu.memref_slice %arg10[%dma_wait3A_340, %dma_wait3A_341] : memref<80x128xf32, #tpu.memory_space<vmem>> -> memref<72x128xf32, #tpu.memory_space<vmem>>
      %dma_wait3A_343 = arith.constant 0 : i32
      %dma_wait3A_344 = tpu.memref_slice %arg5[%add3A_327, %dma_wait3A_343] : memref<10112x128xf32, #tpu.memory_space<vmem_shared>> -> memref<72x128xf32, #tpu.memory_space<vmem_shared>>
      %dma_wait3A_345 = arith.constant 0 : i32
      %dma_wait3A_346 = arith.constant 0 : i32
      %dma_wait3A_347 = tpu.memref_slice %arg10[%dma_wait3A_345, %dma_wait3A_346] : memref<80x128xf32, #tpu.memory_space<vmem>> -> memref<72x128xf32, #tpu.memory_space<vmem>>
      %dma_wait3A_348 = arith.constant 0 : i32
      %dma_wait3A_349 = tpu.memref_slice %arg5[%add3A_327, %dma_wait3A_348] : memref<10112x128xf32, #tpu.memory_space<vmem_shared>> -> memref<72x128xf32, #tpu.memory_space<vmem_shared>>
      tpu.wait_dma2 semaphore(%run_scoped3A : memref<!tpu.dma_semaphore, #tpu.memory_space<semaphore_mem>>) src(%dma_wait3A_349 : memref<72x128xf32, #tpu.memory_space<vmem_shared>>) dst(%dma_wait3A_347 : memref<72x128xf32, #tpu.memory_space<vmem>>)
      tpu.yield
    }) : () -> ()
    %add3A_328 = arith.constant 560 : i32
    %add3A_329 = arith.addi %mul3A_17, %add3A_328 : i32
    "tpu.region"() ({
      %run_scoped3A = tpu.sem_alloc : memref<!tpu.dma_semaphore, #tpu.memory_space<semaphore_mem>>
      %dma_start3A_330 = arith.constant 0 : i32
      %dma_start3A_331 = arith.constant 0 : i32
      %dma_start3A_332 = tpu.memref_slice %arg10[%dma_start3A_330, %dma_start3A_331] : memref<80x128xf32, #tpu.memory_space<vmem>> -> memref<72x128xf32, #tpu.memory_space<vmem>>
      %dma_start3A_333 = arith.constant 0 : i32
      %dma_start3A_334 = tpu.memref_slice %arg4[%arg0, %add3A_329, %dma_start3A_333] : memref<2x10112x128xf32, #tpu.memory_space<hbm>> -> memref<1x72x128xf32, #tpu.memory_space<hbm>>
      %dma_start3A_335 = tpu.memref_squeeze %dma_start3A_334 : memref<1x72x128xf32, #tpu.memory_space<hbm>> -> memref<72x128xf32, #tpu.memory_space<hbm>>
      %dma_start3A_336 = arith.constant 0 : i32
      %dma_start3A_337 = tpu.memref_slice %arg4[%arg0, %add3A_329, %dma_start3A_336] : memref<2x10112x128xf32, #tpu.memory_space<hbm>> -> memref<1x72x128xf32, #tpu.memory_space<hbm>>
      %dma_start3A_338 = tpu.memref_squeeze %dma_start3A_337 : memref<1x72x128xf32, #tpu.memory_space<hbm>> -> memref<72x128xf32, #tpu.memory_space<hbm>>
      %dma_start3A_339 = arith.constant 0 : i32
      %dma_start3A_340 = arith.constant 0 : i32
      %dma_start3A_341 = tpu.memref_slice %arg10[%dma_start3A_339, %dma_start3A_340] : memref<80x128xf32, #tpu.memory_space<vmem>> -> memref<72x128xf32, #tpu.memory_space<vmem>>
      tpu.enqueue_dma source(%dma_start3A_341 : memref<72x128xf32, #tpu.memory_space<vmem>>) target(%dma_start3A_338 : memref<72x128xf32, #tpu.memory_space<hbm>>) target_semaphore(%run_scoped3A : memref<!tpu.dma_semaphore, #tpu.memory_space<semaphore_mem>>)
      %dma_wait3A_342 = arith.constant 0 : i32
      %dma_wait3A_343 = arith.constant 0 : i32
      %dma_wait3A_344 = tpu.memref_slice %arg10[%dma_wait3A_342, %dma_wait3A_343] : memref<80x128xf32, #tpu.memory_space<vmem>> -> memref<72x128xf32, #tpu.memory_space<vmem>>
      %dma_wait3A_345 = arith.constant 0 : i32
      %dma_wait3A_346 = tpu.memref_slice %arg4[%arg0, %add3A_329, %dma_wait3A_345] : memref<2x10112x128xf32, #tpu.memory_space<hbm>> -> memref<1x72x128xf32, #tpu.memory_space<hbm>>
      %dma_wait3A_347 = tpu.memref_squeeze %dma_wait3A_346 : memref<1x72x128xf32, #tpu.memory_space<hbm>> -> memref<72x128xf32, #tpu.memory_space<hbm>>
      %dma_wait3A_348 = arith.constant 0 : i32
      %dma_wait3A_349 = tpu.memref_slice %arg4[%arg0, %add3A_329, %dma_wait3A_348] : memref<2x10112x128xf32, #tpu.memory_space<hbm>> -> memref<1x72x128xf32, #tpu.memory_space<hbm>>
      %dma_wait3A_350 = tpu.memref_squeeze %dma_wait3A_349 : memref<1x72x128xf32, #tpu.memory_space<hbm>> -> memref<72x128xf32, #tpu.memory_space<hbm>>
      %dma_wait3A_351 = arith.constant 0 : i32
      %dma_wait3A_352 = arith.constant 0 : i32
      %dma_wait3A_353 = tpu.memref_slice %arg10[%dma_wait3A_351, %dma_wait3A_352] : memref<80x128xf32, #tpu.memory_space<vmem>> -> memref<72x128xf32, #tpu.memory_space<vmem>>
      tpu.wait_dma2 semaphore(%run_scoped3A : memref<!tpu.dma_semaphore, #tpu.memory_space<semaphore_mem>>) src(%dma_wait3A_353 : memref<72x128xf32, #tpu.memory_space<vmem>>) dst(%dma_wait3A_350 : memref<72x128xf32, #tpu.memory_space<hbm>>)
      tpu.yield
    }) : () -> ()
    return
  }
}

#map = affine_map<(d0, d1) -> (0, 0, 0)>
#map1 = affine_map<(d0, d1) -> (0, 0)>
module attributes {stable_mosaic.version = 14 : i64} {
  func.func @body(%arg0: i32, %arg1: i32, %arg2: memref<641x8x128xi32, #tpu.memory_space<hbm>>, %arg3: memref<10000x128xf32, #tpu.memory_space<hbm>>, %arg4: memref<2x10112x128xf32, #tpu.memory_space<hbm>>, %arg5: memref<10112x128xf32, #tpu.memory_space<vmem_shared>>, %arg6: memref<8x128xi32, #tpu.memory_space<vmem>>, %arg7: memref<8x128xi32, #tpu.memory_space<vmem>>, %arg8: memref<128x128xf32, #tpu.memory_space<vmem>>, %arg9: memref<128x128xf32, #tpu.memory_space<vmem>>, %arg10: memref<80x128xf32, #tpu.memory_space<vmem>>, %arg11: memref<!tpu.dma_semaphore, #tpu.memory_space<semaphore_mem>>, %arg12: memref<!tpu.dma_semaphore, #tpu.memory_space<semaphore_mem>>, %arg13: memref<!tpu.dma_semaphore, #tpu.memory_space<semaphore_mem>>, %arg14: memref<!tpu.dma_semaphore, #tpu.memory_space<semaphore_mem>>, %arg15: memref<!tpu.dma_semaphore, #tpu.memory_space<semaphore_mem>>, %arg16: memref<!tpu.dma_semaphore, #tpu.memory_space<semaphore_mem>>) attributes {dimension_semantics = [#tpu.dimension_semantics<core_parallel>, #tpu.dimension_semantics<subcore_parallel>], iteration_bounds = array<i64: 2, 16>, scalar_prefetch = 0 : i64, scratch_operands = 12 : i64, tpu.core_type = #tpu.core_type<sc_vector_subcore>, window_params = [{transform_indices = #map}, {transform_indices = #map1}, {transform_indices = #map}]} {
    %eq3A = arith.constant 0 : i32
    %eq3A_0 = arith.cmpi eq, %arg0, %eq3A : i32
    %jit3A = arith.constant 36 : i32
    %jit3A_1 = arith.constant 4 : i32
    %select_n3A = arith.select %eq3A_0, %jit3A, %jit3A_1 : i32
    %eq3A_2 = arith.constant 0 : i32
    %eq3A_3 = arith.cmpi eq, %arg0, %eq3A_2 : i32
    %mul3A = arith.constant 36 : i32
    %mul3A_4 = arith.muli %arg1, %mul3A : i32
    %mul3A_5 = arith.constant 4 : i32
    %mul3A_6 = arith.muli %arg1, %mul3A_5 : i32
    %add3A = arith.constant 576 : i32
    %add3A_7 = arith.addi %add3A, %mul3A_6 : i32
    %select_n3A_8 = arith.select %eq3A_3, %mul3A_4, %add3A_7 : i32
    %broadcast_in_dim3A = arith.constant 0.000000e+00 : f32
    %broadcast_in_dim3A_9 = vector.broadcast %broadcast_in_dim3A : f32 to vector<16xf32>
    %scan3A = arith.constant 0 : i32
    %scan3A_10 = arith.constant 0 : i32
    %scan3A_11 = arith.constant 80 : i32
    %scan3A_12 = arith.addi %scan3A_10, %scan3A_11 : i32
    %scan3A_13 = arith.constant 1 : i32
    %scan3A_14 = scf.for %scan3A_330 = %scan3A_10 to %scan3A_12 step %scan3A_13 iter_args(%scan3A_331 = %scan3A) -> (i32)  : i32 {
      %scan3A_332 = arith.constant 0 : i32
      %scan3A_333 = arith.constant 0 : i32
      %scan3A_334 = arith.constant 8 : i32
      %scan3A_335 = arith.addi %scan3A_333, %scan3A_334 : i32
      %scan3A_336 = arith.constant 1 : i32
      %scan3A_337 = scf.for %scan3A_340 = %scan3A_333 to %scan3A_335 step %scan3A_336 iter_args(%scan3A_341 = %scan3A_332) -> (i32)  : i32 {
        %mul3A_342 = arith.constant 16 : i32
        %mul3A_343 = arith.muli %scan3A_340, %mul3A_342 : i32
        %swap3A = arith.index_cast %scan3A_330 : i32 to index
        %swap3A_344 = arith.index_cast %mul3A_343 : i32 to index
        %swap3A_345 = tpu.vector_load %arg10[%swap3A, %swap3A_344] {strides = array<i32>} : memref<80x128xf32, #tpu.memory_space<vmem>>, vector<1x16xf32>,
        %swap3A_346 = vector.shape_cast %swap3A_345 : vector<1x16xf32> to vector<16xf32>
        %swap3A_347 = vector.shape_cast %broadcast_in_dim3A_9 : vector<16xf32> to vector<1x16xf32>
        tpu.vector_store %arg10[%swap3A, %swap3A_344], %swap3A_347 {strides = array<i32>} : memref<80x128xf32, #tpu.memory_space<vmem>>, vector<1x16xf32>,
        %scan3A_348 = arith.constant 0 : i32
        scf.yield %scan3A_348 : i32
      }
      %scan3A_338 = arith.constant 8 : i32
      %scan3A_339 = arith.constant 0 : i32
      scf.yield %scan3A_339 : i32
    }
    %scan3A_15 = arith.constant 80 : i32
    %mul3A_16 = arith.constant 632 : i32
    %mul3A_17 = arith.muli %arg1, %mul3A_16 : i32
    %scan3A_18 = arith.constant 0 : i32
    %scan3A_19 = arith.constant 0 : i32
    %scan3A_20 = arith.constant 7 : i32
    %scan3A_21 = arith.addi %scan3A_19, %scan3A_20 : i32
    %scan3A_22 = arith.constant 1 : i32
    %scan3A_23 = scf.for %scan3A_330 = %scan3A_19 to %scan3A_21 step %scan3A_22 iter_args(%scan3A_331 = %scan3A_18) -> (i32)  : i32 {
      %mul3A_332 = arith.constant 80 : i32
      %mul3A_333 = arith.muli %scan3A_330, %mul3A_332 : i32
      %add3A_334 = arith.addi %mul3A_17, %mul3A_333 : i32
      "tpu.region"() ({
        %run_scoped3A = tpu.sem_alloc : memref<!tpu.dma_semaphore, #tpu.memory_space<semaphore_mem>>
        %dma_start3A_336 = arith.constant 0 : i32
        %dma_start3A_337 = tpu.memref_slice %arg5[%add3A_334, %dma_start3A_336] : memref<10112x128xf32, #tpu.memory_space<vmem_shared>> -> memref<80x128xf32, #tpu.memory_space<vmem_shared>>
        %dma_start3A_338 = arith.constant 0 : i32
        %dma_start3A_339 = tpu.memref_slice %arg5[%add3A_334, %dma_start3A_338] : memref<10112x128xf32, #tpu.memory_space<vmem_shared>> -> memref<80x128xf32, #tpu.memory_space<vmem_shared>>
        tpu.enqueue_dma source(%arg10 : memref<80x128xf32, #tpu.memory_space<vmem>>) target(%dma_start3A_339 : memref<80x128xf32, #tpu.memory_space<vmem_shared>>) target_semaphore(%run_scoped3A : memref<!tpu.dma_semaphore, #tpu.memory_space<semaphore_mem>>)
        %dma_wait3A_340 = arith.constant 0 : i32
        %dma_wait3A_341 = tpu.memref_slice %arg5[%add3A_334, %dma_wait3A_340] : memref<10112x128xf32, #tpu.memory_space<vmem_shared>> -> memref<80x128xf32, #tpu.memory_space<vmem_shared>>
        %dma_wait3A_342 = arith.constant 0 : i32
        %dma_wait3A_343 = tpu.memref_slice %arg5[%add3A_334, %dma_wait3A_342] : memref<10112x128xf32, #tpu.memory_space<vmem_shared>> -> memref<80x128xf32, #tpu.memory_space<vmem_shared>>
        tpu.wait_dma2 semaphore(%run_scoped3A : memref<!tpu.dma_semaphore, #tpu.memory_space<semaphore_mem>>) src(%arg10 : memref<80x128xf32, #tpu.memory_space<vmem>>) dst(%dma_wait3A_343 : memref<80x128xf32, #tpu.memory_space<vmem_shared>>)
        tpu.yield
      }) : () -> ()
      %scan3A_335 = arith.constant 0 : i32
      scf.yield %scan3A_335 : i32
    }
    %scan3A_24 = arith.constant 7 : i32
    %add3A_25 = arith.constant 560 : i32
    %add3A_26 = arith.addi %mul3A_17, %add3A_25 : i32
    "tpu.region"() ({
      %run_scoped3A = tpu.sem_alloc : memref<!tpu.dma_semaphore, #tpu.memory_space<semaphore_mem>>
      %dma_start3A_330 = arith.constant 0 : i32
      %dma_start3A_331 = arith.constant 0 : i32
      %dma_start3A_332 = tpu.memref_slice %arg10[%dma_start3A_330, %dma_start3A_331] : memref<80x128xf32, #tpu.memory_space<vmem>> -> memref<72x128xf32, #tpu.memory_space<vmem>>
      %dma_start3A_333 = arith.constant 0 : i32
      %dma_start3A_334 = tpu.memref_slice %arg5[%add3A_26, %dma_start3A_333] : memref<10112x128xf32, #tpu.memory_space<vmem_shared>> -> memref<72x128xf32, #tpu.memory_space<vmem_shared>>
      %dma_start3A_335 = arith.constant 0 : i32
      %dma_start3A_336 = tpu.memref_slice %arg5[%add3A_26, %dma_start3A_335] : memref<10112x128xf32, #tpu.memory_space<vmem_shared>> -> memref<72x128xf32, #tpu.memory_space<vmem_shared>>
      %dma_start3A_337 = arith.constant 0 : i32
      %dma_start3A_338 = arith.constant 0 : i32
      %dma_start3A_339 = tpu.memref_slice %arg10[%dma_start3A_337, %dma_start3A_338] : memref<80x128xf32, #tpu.memory_space<vmem>> -> memref<72x128xf32, #tpu.memory_space<vmem>>
      tpu.enqueue_dma source(%dma_start3A_339 : memref<72x128xf32, #tpu.memory_space<vmem>>) target(%dma_start3A_336 : memref<72x128xf32, #tpu.memory_space<vmem_shared>>) target_semaphore(%run_scoped3A : memref<!tpu.dma_semaphore, #tpu.memory_space<semaphore_mem>>)
      %dma_wait3A_340 = arith.constant 0 : i32
      %dma_wait3A_341 = arith.constant 0 : i32
      %dma_wait3A_342 = tpu.memref_slice %arg10[%dma_wait3A_340, %dma_wait3A_341] : memref<80x128xf32, #tpu.memory_space<vmem>> -> memref<72x128xf32, #tpu.memory_space<vmem>>
      %dma_wait3A_343 = arith.constant 0 : i32
      %dma_wait3A_344 = tpu.memref_slice %arg5[%add3A_26, %dma_wait3A_343] : memref<10112x128xf32, #tpu.memory_space<vmem_shared>> -> memref<72x128xf32, #tpu.memory_space<vmem_shared>>
      %dma_wait3A_345 = arith.constant 0 : i32
      %dma_wait3A_346 = tpu.memref_slice %arg5[%add3A_26, %dma_wait3A_345] : memref<10112x128xf32, #tpu.memory_space<vmem_shared>> -> memref<72x128xf32, #tpu.memory_space<vmem_shared>>
      %dma_wait3A_347 = arith.constant 0 : i32
      %dma_wait3A_348 = arith.constant 0 : i32
      %dma_wait3A_349 = tpu.memref_slice %arg10[%dma_wait3A_347, %dma_wait3A_348] : memref<80x128xf32, #tpu.memory_space<vmem>> -> memref<72x128xf32, #tpu.memory_space<vmem>>
      tpu.wait_dma2 semaphore(%run_scoped3A : memref<!tpu.dma_semaphore, #tpu.memory_space<semaphore_mem>>) src(%dma_wait3A_349 : memref<72x128xf32, #tpu.memory_space<vmem>>) dst(%dma_wait3A_346 : memref<72x128xf32, #tpu.memory_space<vmem_shared>>)
      tpu.yield
    }) : () -> ()
    %barrier3A = arith.constant 0 : index
    tpu.barrier barrier_id(%barrier3A)
    %add3A_27 = arith.constant 0 : i32
    %add3A_28 = arith.addi %select_n3A_8, %add3A_27 : i32
    %dma_start3A = arith.constant 0 : i32
    %dma_start3A_29 = arith.constant 0 : i32
    %dma_start3A_30 = tpu.memref_slice %arg2[%add3A_28, %dma_start3A, %dma_start3A_29] : memref<641x8x128xi32, #tpu.memory_space<hbm>> -> memref<1x8x128xi32, #tpu.memory_space<hbm>>
    %dma_start3A_31 = tpu.memref_squeeze %dma_start3A_30 : memref<1x8x128xi32, #tpu.memory_space<hbm>> -> memref<8x128xi32, #tpu.memory_space<hbm>>
    %dma_start3A_32 = arith.constant 0 : i32
    %dma_start3A_33 = arith.constant 0 : i32
    %dma_start3A_34 = tpu.memref_slice %arg2[%add3A_28, %dma_start3A_32, %dma_start3A_33] : memref<641x8x128xi32, #tpu.memory_space<hbm>> -> memref<1x8x128xi32, #tpu.memory_space<hbm>>
    %dma_start3A_35 = tpu.memref_squeeze %dma_start3A_34 : memref<1x8x128xi32, #tpu.memory_space<hbm>> -> memref<8x128xi32, #tpu.memory_space<hbm>>
    tpu.enqueue_dma source(%dma_start3A_35 : memref<8x128xi32, #tpu.memory_space<hbm>>) target(%arg6 : memref<8x128xi32, #tpu.memory_space<vmem>>) target_semaphore(%arg11 : memref<!tpu.dma_semaphore, #tpu.memory_space<semaphore_mem>>)
    %dma_wait3A = arith.constant 0 : i32
    %dma_wait3A_36 = arith.constant 0 : i32
    %dma_wait3A_37 = tpu.memref_slice %arg2[%select_n3A_8, %dma_wait3A, %dma_wait3A_36] : memref<641x8x128xi32, #tpu.memory_space<hbm>> -> memref<1x8x128xi32, #tpu.memory_space<hbm>>
    %dma_wait3A_38 = tpu.memref_squeeze %dma_wait3A_37 : memref<1x8x128xi32, #tpu.memory_space<hbm>> -> memref<8x128xi32, #tpu.memory_space<hbm>>
    %dma_wait3A_39 = arith.constant 0 : i32
    %dma_wait3A_40 = arith.constant 0 : i32
    %dma_wait3A_41 = tpu.memref_slice %arg2[%select_n3A_8, %dma_wait3A_39, %dma_wait3A_40] : memref<641x8x128xi32, #tpu.memory_space<hbm>> -> memref<1x8x128xi32, #tpu.memory_space<hbm>>
    %dma_wait3A_42 = tpu.memref_squeeze %dma_wait3A_41 : memref<1x8x128xi32, #tpu.memory_space<hbm>> -> memref<8x128xi32, #tpu.memory_space<hbm>>
    tpu.wait_dma2 semaphore(%arg11 : memref<!tpu.dma_semaphore, #tpu.memory_space<semaphore_mem>>) src(%dma_wait3A_42 : memref<8x128xi32, #tpu.memory_space<hbm>>) dst(%arg6 : memref<8x128xi32, #tpu.memory_space<vmem>>)
    %dma_start3A_43 = arith.constant 0 : i32
    %dma_start3A_44 = arith.constant 0 : i32
    %dma_start3A_45 = tpu.memref_slice %arg6[%dma_start3A_43, %dma_start3A_44] : memref<8x128xi32, #tpu.memory_space<vmem>> -> memref<1x128xi32, #tpu.memory_space<vmem>>
    %dma_start3A_46 = tpu.memref_squeeze %dma_start3A_45 : memref<1x128xi32, #tpu.memory_space<vmem>> -> memref<128xi32, #tpu.memory_space<vmem>>
    %dma_start3A_47 = arith.constant 0 : i32
    %dma_start3A_48 = arith.constant 0 : i32
    %dma_start3A_49 = tpu.memref_slice %arg3[%dma_start3A_47, %dma_start3A_48] : memref<10000x128xf32, #tpu.memory_space<hbm>> -> memref<10000x128xf32, #tpu.memory_space<hbm>>
    tpu.enqueue_indirect_dma source(%dma_start3A_49 : memref<10000x128xf32, #tpu.memory_space<hbm>>) target(%arg8 : memref<128x128xf32, #tpu.memory_space<vmem>>) offsets(%dma_start3A_46 : memref<128xi32, #tpu.memory_space<vmem>>) semaphore(%arg13 : memref<!tpu.dma_semaphore, #tpu.memory_space<semaphore_mem>>)
    %add3A_50 = arith.constant 1 : i32
    %add3A_51 = arith.addi %select_n3A_8, %add3A_50 : i32
    %dma_start3A_52 = arith.constant 0 : i32
    %dma_start3A_53 = arith.constant 0 : i32
    %dma_start3A_54 = tpu.memref_slice %arg2[%add3A_51, %dma_start3A_52, %dma_start3A_53] : memref<641x8x128xi32, #tpu.memory_space<hbm>> -> memref<1x8x128xi32, #tpu.memory_space<hbm>>
    %dma_start3A_55 = tpu.memref_squeeze %dma_start3A_54 : memref<1x8x128xi32, #tpu.memory_space<hbm>> -> memref<8x128xi32, #tpu.memory_space<hbm>>
    %dma_start3A_56 = arith.constant 0 : i32
    %dma_start3A_57 = arith.constant 0 : i32
    %dma_start3A_58 = tpu.memref_slice %arg2[%add3A_51, %dma_start3A_56, %dma_start3A_57] : memref<641x8x128xi32, #tpu.memory_space<hbm>> -> memref<1x8x128xi32, #tpu.memory_space<hbm>>
    %dma_start3A_59 = tpu.memref_squeeze %dma_start3A_58 : memref<1x8x128xi32, #tpu.memory_space<hbm>> -> memref<8x128xi32, #tpu.memory_space<hbm>>
    tpu.enqueue_dma source(%dma_start3A_59 : memref<8x128xi32, #tpu.memory_space<hbm>>) target(%arg7 : memref<8x128xi32, #tpu.memory_space<vmem>>) target_semaphore(%arg12 : memref<!tpu.dma_semaphore, #tpu.memory_space<semaphore_mem>>)
    %dma_start3A_60 = arith.constant 2 : i32
    %dma_start3A_61 = arith.constant 0 : i32
    %dma_start3A_62 = tpu.memref_slice %arg6[%dma_start3A_60, %dma_start3A_61] : memref<8x128xi32, #tpu.memory_space<vmem>> -> memref<1x128xi32, #tpu.memory_space<vmem>>
    %dma_start3A_63 = tpu.memref_squeeze %dma_start3A_62 : memref<1x128xi32, #tpu.memory_space<vmem>> -> memref<128xi32, #tpu.memory_space<vmem>>
    %dma_start3A_64 = arith.constant 0 : i32
    %dma_start3A_65 = arith.constant 0 : i32
    %dma_start3A_66 = tpu.memref_slice %arg3[%dma_start3A_64, %dma_start3A_65] : memref<10000x128xf32, #tpu.memory_space<hbm>> -> memref<10000x128xf32, #tpu.memory_space<hbm>>
    tpu.enqueue_indirect_dma source(%dma_start3A_66 : memref<10000x128xf32, #tpu.memory_space<hbm>>) target(%arg9 : memref<128x128xf32, #tpu.memory_space<vmem>>) offsets(%dma_start3A_63 : memref<128xi32, #tpu.memory_space<vmem>>) semaphore(%arg14 : memref<!tpu.dma_semaphore, #tpu.memory_space<semaphore_mem>>)
    %dma_wait3A_67 = arith.constant 0 : i32
    %dma_wait3A_68 = arith.constant 0 : i32
    %dma_wait3A_69 = tpu.memref_slice %arg3[%dma_wait3A_67, %dma_wait3A_68] : memref<10000x128xf32, #tpu.memory_space<hbm>> -> memref<128x128xf32, #tpu.memory_space<hbm>>
    %dma_wait3A_70 = arith.constant 0 : i32
    %dma_wait3A_71 = arith.constant 0 : i32
    %dma_wait3A_72 = tpu.memref_slice %arg3[%dma_wait3A_70, %dma_wait3A_71] : memref<10000x128xf32, #tpu.memory_space<hbm>> -> memref<128x128xf32, #tpu.memory_space<hbm>>
    tpu.wait_dma2 semaphore(%arg13 : memref<!tpu.dma_semaphore, #tpu.memory_space<semaphore_mem>>) src(%dma_wait3A_72 : memref<128x128xf32, #tpu.memory_space<hbm>>) dst(%arg8 : memref<128x128xf32, #tpu.memory_space<vmem>>)
    %dma_start3A_73 = arith.constant 1 : i32
    %dma_start3A_74 = arith.constant 0 : i32
    %dma_start3A_75 = tpu.memref_slice %arg6[%dma_start3A_73, %dma_start3A_74] : memref<8x128xi32, #tpu.memory_space<vmem>> -> memref<1x128xi32, #tpu.memory_space<vmem>>
    %dma_start3A_76 = tpu.memref_squeeze %dma_start3A_75 : memref<1x128xi32, #tpu.memory_space<vmem>> -> memref<128xi32, #tpu.memory_space<vmem>>
    %dma_start3A_77 = arith.constant 0 : i32
    %dma_start3A_78 = arith.constant 0 : i32
    %dma_start3A_79 = tpu.memref_slice %arg5[%dma_start3A_77, %dma_start3A_78] : memref<10112x128xf32, #tpu.memory_space<vmem_shared>> -> memref<10112x128xf32, #tpu.memory_space<vmem_shared>>
    tpu.enqueue_indirect_dma source(%arg8 : memref<128x128xf32, #tpu.memory_space<vmem>>) target(%dma_start3A_79 : memref<10112x128xf32, #tpu.memory_space<vmem_shared>>) offsets(%dma_start3A_76 : memref<128xi32, #tpu.memory_space<vmem>>) semaphore(%arg15 : memref<!tpu.dma_semaphore, #tpu.memory_space<semaphore_mem>>) {add = true}
    %dma_wait3A_80 = arith.constant 0 : i32
    %dma_wait3A_81 = arith.constant 0 : i32
    %dma_wait3A_82 = tpu.memref_slice %arg3[%dma_wait3A_80, %dma_wait3A_81] : memref<10000x128xf32, #tpu.memory_space<hbm>> -> memref<128x128xf32, #tpu.memory_space<hbm>>
    %dma_wait3A_83 = arith.constant 0 : i32
    %dma_wait3A_84 = arith.constant 0 : i32
    %dma_wait3A_85 = tpu.memref_slice %arg3[%dma_wait3A_83, %dma_wait3A_84] : memref<10000x128xf32, #tpu.memory_space<hbm>> -> memref<128x128xf32, #tpu.memory_space<hbm>>
    tpu.wait_dma2 semaphore(%arg15 : memref<!tpu.dma_semaphore, #tpu.memory_space<semaphore_mem>>) src(%dma_wait3A_85 : memref<128x128xf32, #tpu.memory_space<hbm>>) dst(%arg8 : memref<128x128xf32, #tpu.memory_space<vmem>>)
    %dma_start3A_86 = arith.constant 4 : i32
    %dma_start3A_87 = arith.constant 0 : i32
    %dma_start3A_88 = tpu.memref_slice %arg6[%dma_start3A_86, %dma_start3A_87] : memref<8x128xi32, #tpu.memory_space<vmem>> -> memref<1x128xi32, #tpu.memory_space<vmem>>
    %dma_start3A_89 = tpu.memref_squeeze %dma_start3A_88 : memref<1x128xi32, #tpu.memory_space<vmem>> -> memref<128xi32, #tpu.memory_space<vmem>>
    %dma_start3A_90 = arith.constant 0 : i32
    %dma_start3A_91 = arith.constant 0 : i32
    %dma_start3A_92 = tpu.memref_slice %arg3[%dma_start3A_90, %dma_start3A_91] : memref<10000x128xf32, #tpu.memory_space<hbm>> -> memref<10000x128xf32, #tpu.memory_space<hbm>>
    tpu.enqueue_indirect_dma source(%dma_start3A_92 : memref<10000x128xf32, #tpu.memory_space<hbm>>) target(%arg8 : memref<128x128xf32, #tpu.memory_space<vmem>>) offsets(%dma_start3A_89 : memref<128xi32, #tpu.memory_space<vmem>>) semaphore(%arg13 : memref<!tpu.dma_semaphore, #tpu.memory_space<semaphore_mem>>)
    %dma_wait3A_93 = arith.constant 0 : i32
    %dma_wait3A_94 = arith.constant 0 : i32
    %dma_wait3A_95 = tpu.memref_slice %arg3[%dma_wait3A_93, %dma_wait3A_94] : memref<10000x128xf32, #tpu.memory_space<hbm>> -> memref<128x128xf32, #tpu.memory_space<hbm>>
    %dma_wait3A_96 = arith.constant 0 : i32
    %dma_wait3A_97 = arith.constant 0 : i32
    %dma_wait3A_98 = tpu.memref_slice %arg3[%dma_wait3A_96, %dma_wait3A_97] : memref<10000x128xf32, #tpu.memory_space<hbm>> -> memref<128x128xf32, #tpu.memory_space<hbm>>
    tpu.wait_dma2 semaphore(%arg14 : memref<!tpu.dma_semaphore, #tpu.memory_space<semaphore_mem>>) src(%dma_wait3A_98 : memref<128x128xf32, #tpu.memory_space<hbm>>) dst(%arg9 : memref<128x128xf32, #tpu.memory_space<vmem>>)
    %dma_start3A_99 = arith.constant 3 : i32
    %dma_start3A_100 = arith.constant 0 : i32
    %dma_start3A_101 = tpu.memref_slice %arg6[%dma_start3A_99, %dma_start3A_100] : memref<8x128xi32, #tpu.memory_space<vmem>> -> memref<1x128xi32, #tpu.memory_space<vmem>>
    %dma_start3A_102 = tpu.memref_squeeze %dma_start3A_101 : memref<1x128xi32, #tpu.memory_space<vmem>> -> memref<128xi32, #tpu.memory_space<vmem>>
    %dma_start3A_103 = arith.constant 0 : i32
    %dma_start3A_104 = arith.constant 0 : i32
    %dma_start3A_105 = tpu.memref_slice %arg5[%dma_start3A_103, %dma_start3A_104] : memref<10112x128xf32, #tpu.memory_space<vmem_shared>> -> memref<10112x128xf32, #tpu.memory_space<vmem_shared>>
    tpu.enqueue_indirect_dma source(%arg9 : memref<128x128xf32, #tpu.memory_space<vmem>>) target(%dma_start3A_105 : memref<10112x128xf32, #tpu.memory_space<vmem_shared>>) offsets(%dma_start3A_102 : memref<128xi32, #tpu.memory_space<vmem>>) semaphore(%arg16 : memref<!tpu.dma_semaphore, #tpu.memory_space<semaphore_mem>>) {add = true}
    %dma_wait3A_106 = arith.constant 0 : i32
    %dma_wait3A_107 = arith.constant 0 : i32
    %dma_wait3A_108 = tpu.memref_slice %arg3[%dma_wait3A_106, %dma_wait3A_107] : memref<10000x128xf32, #tpu.memory_space<hbm>> -> memref<128x128xf32, #tpu.memory_space<hbm>>
    %dma_wait3A_109 = arith.constant 0 : i32
    %dma_wait3A_110 = arith.constant 0 : i32
    %dma_wait3A_111 = tpu.memref_slice %arg3[%dma_wait3A_109, %dma_wait3A_110] : memref<10000x128xf32, #tpu.memory_space<hbm>> -> memref<128x128xf32, #tpu.memory_space<hbm>>
    tpu.wait_dma2 semaphore(%arg16 : memref<!tpu.dma_semaphore, #tpu.memory_space<semaphore_mem>>) src(%dma_wait3A_111 : memref<128x128xf32, #tpu.memory_space<hbm>>) dst(%arg9 : memref<128x128xf32, #tpu.memory_space<vmem>>)
    %dma_start3A_112 = arith.constant 6 : i32
    %dma_start3A_113 = arith.constant 0 : i32
    %dma_start3A_114 = tpu.memref_slice %arg6[%dma_start3A_112, %dma_start3A_113] : memref<8x128xi32, #tpu.memory_space<vmem>> -> memref<1x128xi32, #tpu.memory_space<vmem>>
    %dma_start3A_115 = tpu.memref_squeeze %dma_start3A_114 : memref<1x128xi32, #tpu.memory_space<vmem>> -> memref<128xi32, #tpu.memory_space<vmem>>
    %dma_start3A_116 = arith.constant 0 : i32
    %dma_start3A_117 = arith.constant 0 : i32
    %dma_start3A_118 = tpu.memref_slice %arg3[%dma_start3A_116, %dma_start3A_117] : memref<10000x128xf32, #tpu.memory_space<hbm>> -> memref<10000x128xf32, #tpu.memory_space<hbm>>
    tpu.enqueue_indirect_dma source(%dma_start3A_118 : memref<10000x128xf32, #tpu.memory_space<hbm>>) target(%arg9 : memref<128x128xf32, #tpu.memory_space<vmem>>) offsets(%dma_start3A_115 : memref<128xi32, #tpu.memory_space<vmem>>) semaphore(%arg14 : memref<!tpu.dma_semaphore, #tpu.memory_space<semaphore_mem>>)
    %dma_wait3A_119 = arith.constant 0 : i32
    %dma_wait3A_120 = arith.constant 0 : i32
    %dma_wait3A_121 = tpu.memref_slice %arg3[%dma_wait3A_119, %dma_wait3A_120] : memref<10000x128xf32, #tpu.memory_space<hbm>> -> memref<128x128xf32, #tpu.memory_space<hbm>>
    %dma_wait3A_122 = arith.constant 0 : i32
    %dma_wait3A_123 = arith.constant 0 : i32
    %dma_wait3A_124 = tpu.memref_slice %arg3[%dma_wait3A_122, %dma_wait3A_123] : memref<10000x128xf32, #tpu.memory_space<hbm>> -> memref<128x128xf32, #tpu.memory_space<hbm>>
    tpu.wait_dma2 semaphore(%arg13 : memref<!tpu.dma_semaphore, #tpu.memory_space<semaphore_mem>>) src(%dma_wait3A_124 : memref<128x128xf32, #tpu.memory_space<hbm>>) dst(%arg8 : memref<128x128xf32, #tpu.memory_space<vmem>>)
    %dma_start3A_125 = arith.constant 5 : i32
    %dma_start3A_126 = arith.constant 0 : i32
    %dma_start3A_127 = tpu.memref_slice %arg6[%dma_start3A_125, %dma_start3A_126] : memref<8x128xi32, #tpu.memory_space<vmem>> -> memref<1x128xi32, #tpu.memory_space<vmem>>
    %dma_start3A_128 = tpu.memref_squeeze %dma_start3A_127 : memref<1x128xi32, #tpu.memory_space<vmem>> -> memref<128xi32, #tpu.memory_space<vmem>>
    %dma_start3A_129 = arith.constant 0 : i32
    %dma_start3A_130 = arith.constant 0 : i32
    %dma_start3A_131 = tpu.memref_slice %arg5[%dma_start3A_129, %dma_start3A_130] : memref<10112x128xf32, #tpu.memory_space<vmem_shared>> -> memref<10112x128xf32, #tpu.memory_space<vmem_shared>>
    tpu.enqueue_indirect_dma source(%arg8 : memref<128x128xf32, #tpu.memory_space<vmem>>) target(%dma_start3A_131 : memref<10112x128xf32, #tpu.memory_space<vmem_shared>>) offsets(%dma_start3A_128 : memref<128xi32, #tpu.memory_space<vmem>>) semaphore(%arg15 : memref<!tpu.dma_semaphore, #tpu.memory_space<semaphore_mem>>) {add = true}
    %dma_wait3A_132 = arith.constant 0 : i32
    %dma_wait3A_133 = arith.constant 0 : i32
    %dma_wait3A_134 = tpu.memref_slice %arg2[%select_n3A_8, %dma_wait3A_132, %dma_wait3A_133] : memref<641x8x128xi32, #tpu.memory_space<hbm>> -> memref<1x8x128xi32, #tpu.memory_space<hbm>>
    %dma_wait3A_135 = tpu.memref_squeeze %dma_wait3A_134 : memref<1x8x128xi32, #tpu.memory_space<hbm>> -> memref<8x128xi32, #tpu.memory_space<hbm>>
    %dma_wait3A_136 = arith.constant 0 : i32
    %dma_wait3A_137 = arith.constant 0 : i32
    %dma_wait3A_138 = tpu.memref_slice %arg2[%select_n3A_8, %dma_wait3A_136, %dma_wait3A_137] : memref<641x8x128xi32, #tpu.memory_space<hbm>> -> memref<1x8x128xi32, #tpu.memory_space<hbm>>
    %dma_wait3A_139 = tpu.memref_squeeze %dma_wait3A_138 : memref<1x8x128xi32, #tpu.memory_space<hbm>> -> memref<8x128xi32, #tpu.memory_space<hbm>>
    tpu.wait_dma2 semaphore(%arg12 : memref<!tpu.dma_semaphore, #tpu.memory_space<semaphore_mem>>) src(%dma_wait3A_139 : memref<8x128xi32, #tpu.memory_space<hbm>>) dst(%arg7 : memref<8x128xi32, #tpu.memory_space<vmem>>)
    %dma_wait3A_140 = arith.constant 0 : i32
    %dma_wait3A_141 = arith.constant 0 : i32
    %dma_wait3A_142 = tpu.memref_slice %arg3[%dma_wait3A_140, %dma_wait3A_141] : memref<10000x128xf32, #tpu.memory_space<hbm>> -> memref<128x128xf32, #tpu.memory_space<hbm>>
    %dma_wait3A_143 = arith.constant 0 : i32
    %dma_wait3A_144 = arith.constant 0 : i32
    %dma_wait3A_145 = tpu.memref_slice %arg3[%dma_wait3A_143, %dma_wait3A_144] : memref<10000x128xf32, #tpu.memory_space<hbm>> -> memref<128x128xf32, #tpu.memory_space<hbm>>
    tpu.wait_dma2 semaphore(%arg15 : memref<!tpu.dma_semaphore, #tpu.memory_space<semaphore_mem>>) src(%dma_wait3A_145 : memref<128x128xf32, #tpu.memory_space<hbm>>) dst(%arg8 : memref<128x128xf32, #tpu.memory_space<vmem>>)
    %dma_start3A_146 = arith.constant 0 : i32
    %dma_start3A_147 = arith.constant 0 : i32
    %dma_start3A_148 = tpu.memref_slice %arg7[%dma_start3A_146, %dma_start3A_147] : memref<8x128xi32, #tpu.memory_space<vmem>> -> memref<1x128xi32, #tpu.memory_space<vmem>>
    %dma_start3A_149 = tpu.memref_squeeze %dma_start3A_148 : memref<1x128xi32, #tpu.memory_space<vmem>> -> memref<128xi32, #tpu.memory_space<vmem>>
    %dma_start3A_150 = arith.constant 0 : i32
    %dma_start3A_151 = arith.constant 0 : i32
    %dma_start3A_152 = tpu.memref_slice %arg3[%dma_start3A_150, %dma_start3A_151] : memref<10000x128xf32, #tpu.memory_space<hbm>> -> memref<10000x128xf32, #tpu.memory_space<hbm>>
    tpu.enqueue_indirect_dma source(%dma_start3A_152 : memref<10000x128xf32, #tpu.memory_space<hbm>>) target(%arg8 : memref<128x128xf32, #tpu.memory_space<vmem>>) offsets(%dma_start3A_149 : memref<128xi32, #tpu.memory_space<vmem>>) semaphore(%arg13 : memref<!tpu.dma_semaphore, #tpu.memory_space<semaphore_mem>>)
    %dma_wait3A_153 = arith.constant 0 : i32
    %dma_wait3A_154 = arith.constant 0 : i32
    %dma_wait3A_155 = tpu.memref_slice %arg3[%dma_wait3A_153, %dma_wait3A_154] : memref<10000x128xf32, #tpu.memory_space<hbm>> -> memref<128x128xf32, #tpu.memory_space<hbm>>
    %dma_wait3A_156 = arith.constant 0 : i32
    %dma_wait3A_157 = arith.constant 0 : i32
    %dma_wait3A_158 = tpu.memref_slice %arg3[%dma_wait3A_156, %dma_wait3A_157] : memref<10000x128xf32, #tpu.memory_space<hbm>> -> memref<128x128xf32, #tpu.memory_space<hbm>>
    tpu.wait_dma2 semaphore(%arg14 : memref<!tpu.dma_semaphore, #tpu.memory_space<semaphore_mem>>) src(%dma_wait3A_158 : memref<128x128xf32, #tpu.memory_space<hbm>>) dst(%arg9 : memref<128x128xf32, #tpu.memory_space<vmem>>)
    %dma_start3A_159 = arith.constant 7 : i32
    %dma_start3A_160 = arith.constant 0 : i32
    %dma_start3A_161 = tpu.memref_slice %arg6[%dma_start3A_159, %dma_start3A_160] : memref<8x128xi32, #tpu.memory_space<vmem>> -> memref<1x128xi32, #tpu.memory_space<vmem>>
    %dma_start3A_162 = tpu.memref_squeeze %dma_start3A_161 : memref<1x128xi32, #tpu.memory_space<vmem>> -> memref<128xi32, #tpu.memory_space<vmem>>
    %dma_start3A_163 = arith.constant 0 : i32
    %dma_start3A_164 = arith.constant 0 : i32
    %dma_start3A_165 = tpu.memref_slice %arg5[%dma_start3A_163, %dma_start3A_164] : memref<10112x128xf32, #tpu.memory_space<vmem_shared>> -> memref<10112x128xf32, #tpu.memory_space<vmem_shared>>
    tpu.enqueue_indirect_dma source(%arg9 : memref<128x128xf32, #tpu.memory_space<vmem>>) target(%dma_start3A_165 : memref<10112x128xf32, #tpu.memory_space<vmem_shared>>) offsets(%dma_start3A_162 : memref<128xi32, #tpu.memory_space<vmem>>) semaphore(%arg16 : memref<!tpu.dma_semaphore, #tpu.memory_space<semaphore_mem>>) {add = true}
    %dma_wait3A_166 = arith.constant 0 : i32
    %dma_wait3A_167 = arith.constant 0 : i32
    %dma_wait3A_168 = tpu.memref_slice %arg3[%dma_wait3A_166, %dma_wait3A_167] : memref<10000x128xf32, #tpu.memory_space<hbm>> -> memref<128x128xf32, #tpu.memory_space<hbm>>
    %dma_wait3A_169 = arith.constant 0 : i32
    %dma_wait3A_170 = arith.constant 0 : i32
    %dma_wait3A_171 = tpu.memref_slice %arg3[%dma_wait3A_169, %dma_wait3A_170] : memref<10000x128xf32, #tpu.memory_space<hbm>> -> memref<128x128xf32, #tpu.memory_space<hbm>>
    tpu.wait_dma2 semaphore(%arg16 : memref<!tpu.dma_semaphore, #tpu.memory_space<semaphore_mem>>) src(%dma_wait3A_171 : memref<128x128xf32, #tpu.memory_space<hbm>>) dst(%arg9 : memref<128x128xf32, #tpu.memory_space<vmem>>)
    %add3A_172 = arith.constant 2 : i32
    %add3A_173 = arith.addi %select_n3A_8, %add3A_172 : i32
    %dma_start3A_174 = arith.constant 0 : i32
    %dma_start3A_175 = arith.constant 0 : i32
    %dma_start3A_176 = tpu.memref_slice %arg2[%add3A_173, %dma_start3A_174, %dma_start3A_175] : memref<641x8x128xi32, #tpu.memory_space<hbm>> -> memref<1x8x128xi32, #tpu.memory_space<hbm>>
    %dma_start3A_177 = tpu.memref_squeeze %dma_start3A_176 : memref<1x8x128xi32, #tpu.memory_space<hbm>> -> memref<8x128xi32, #tpu.memory_space<hbm>>
    %dma_start3A_178 = arith.constant 0 : i32
    %dma_start3A_179 = arith.constant 0 : i32
    %dma_start3A_180 = tpu.memref_slice %arg2[%add3A_173, %dma_start3A_178, %dma_start3A_179] : memref<641x8x128xi32, #tpu.memory_space<hbm>> -> memref<1x8x128xi32, #tpu.memory_space<hbm>>
    %dma_start3A_181 = tpu.memref_squeeze %dma_start3A_180 : memref<1x8x128xi32, #tpu.memory_space<hbm>> -> memref<8x128xi32, #tpu.memory_space<hbm>>
    tpu.enqueue_dma source(%dma_start3A_181 : memref<8x128xi32, #tpu.memory_space<hbm>>) target(%arg6 : memref<8x128xi32, #tpu.memory_space<vmem>>) target_semaphore(%arg11 : memref<!tpu.dma_semaphore, #tpu.memory_space<semaphore_mem>>)
    %dma_start3A_182 = arith.constant 2 : i32
    %dma_start3A_183 = arith.constant 0 : i32
    %dma_start3A_184 = tpu.memref_slice %arg7[%dma_start3A_182, %dma_start3A_183] : memref<8x128xi32, #tpu.memory_space<vmem>> -> memref<1x128xi32, #tpu.memory_space<vmem>>
    %dma_start3A_185 = tpu.memref_squeeze %dma_start3A_184 : memref<1x128xi32, #tpu.memory_space<vmem>> -> memref<128xi32, #tpu.memory_space<vmem>>
    %dma_start3A_186 = arith.constant 0 : i32
    %dma_start3A_187 = arith.constant 0 : i32
    %dma_start3A_188 = tpu.memref_slice %arg3[%dma_start3A_186, %dma_start3A_187] : memref<10000x128xf32, #tpu.memory_space<hbm>> -> memref<10000x128xf32, #tpu.memory_space<hbm>>
    tpu.enqueue_indirect_dma source(%dma_start3A_188 : memref<10000x128xf32, #tpu.memory_space<hbm>>) target(%arg9 : memref<128x128xf32, #tpu.memory_space<vmem>>) offsets(%dma_start3A_185 : memref<128xi32, #tpu.memory_space<vmem>>) semaphore(%arg14 : memref<!tpu.dma_semaphore, #tpu.memory_space<semaphore_mem>>)
    %dma_wait3A_189 = arith.constant 0 : i32
    %dma_wait3A_190 = arith.constant 0 : i32
    %dma_wait3A_191 = tpu.memref_slice %arg3[%dma_wait3A_189, %dma_wait3A_190] : memref<10000x128xf32, #tpu.memory_space<hbm>> -> memref<128x128xf32, #tpu.memory_space<hbm>>
    %dma_wait3A_192 = arith.constant 0 : i32
    %dma_wait3A_193 = arith.constant 0 : i32
    %dma_wait3A_194 = tpu.memref_slice %arg3[%dma_wait3A_192, %dma_wait3A_193] : memref<10000x128xf32, #tpu.memory_space<hbm>> -> memref<128x128xf32, #tpu.memory_space<hbm>>
    tpu.wait_dma2 semaphore(%arg13 : memref<!tpu.dma_semaphore, #tpu.memory_space<semaphore_mem>>) src(%dma_wait3A_194 : memref<128x128xf32, #tpu.memory_space<hbm>>) dst(%arg8 : memref<128x128xf32, #tpu.memory_space<vmem>>)
    %dma_start3A_195 = arith.constant 1 : i32
    %dma_start3A_196 = arith.constant 0 : i32
    %dma_start3A_197 = tpu.memref_slice %arg7[%dma_start3A_195, %dma_start3A_196] : memref<8x128xi32, #tpu.memory_space<vmem>> -> memref<1x128xi32, #tpu.memory_space<vmem>>
    %dma_start3A_198 = tpu.memref_squeeze %dma_start3A_197 : memref<1x128xi32, #tpu.memory_space<vmem>> -> memref<128xi32, #tpu.memory_space<vmem>>
    %dma_start3A_199 = arith.constant 0 : i32
    %dma_start3A_200 = arith.constant 0 : i32
    %dma_start3A_201 = tpu.memref_slice %arg5[%dma_start3A_199, %dma_start3A_200] : memref<10112x128xf32, #tpu.memory_space<vmem_shared>> -> memref<10112x128xf32, #tpu.memory_space<vmem_shared>>
    tpu.enqueue_indirect_dma source(%arg8 : memref<128x128xf32, #tpu.memory_space<vmem>>) target(%dma_start3A_201 : memref<10112x128xf32, #tpu.memory_space<vmem_shared>>) offsets(%dma_start3A_198 : memref<128xi32, #tpu.memory_space<vmem>>) semaphore(%arg15 : memref<!tpu.dma_semaphore, #tpu.memory_space<semaphore_mem>>) {add = true}
    %dma_wait3A_202 = arith.constant 0 : i32
    %dma_wait3A_203 = arith.constant 0 : i32
    %dma_wait3A_204 = tpu.memref_slice %arg3[%dma_wait3A_202, %dma_wait3A_203] : memref<10000x128xf32, #tpu.memory_space<hbm>> -> memref<128x128xf32, #tpu.memory_space<hbm>>
    %dma_wait3A_205 = arith.constant 0 : i32
    %dma_wait3A_206 = arith.constant 0 : i32
    %dma_wait3A_207 = tpu.memref_slice %arg3[%dma_wait3A_205, %dma_wait3A_206] : memref<10000x128xf32, #tpu.memory_space<hbm>> -> memref<128x128xf32, #tpu.memory_space<hbm>>
    tpu.wait_dma2 semaphore(%arg15 : memref<!tpu.dma_semaphore, #tpu.memory_space<semaphore_mem>>) src(%dma_wait3A_207 : memref<128x128xf32, #tpu.memory_space<hbm>>) dst(%arg8 : memref<128x128xf32, #tpu.memory_space<vmem>>)
    %dma_start3A_208 = arith.constant 4 : i32
    %dma_start3A_209 = arith.constant 0 : i32
    %dma_start3A_210 = tpu.memref_slice %arg7[%dma_start3A_208, %dma_start3A_209] : memref<8x128xi32, #tpu.memory_space<vmem>> -> memref<1x128xi32, #tpu.memory_space<vmem>>
    %dma_start3A_211 = tpu.memref_squeeze %dma_start3A_210 : memref<1x128xi32, #tpu.memory_space<vmem>> -> memref<128xi32, #tpu.memory_space<vmem>>
    %dma_start3A_212 = arith.constant 0 : i32
    %dma_start3A_213 = arith.constant 0 : i32
    %dma_start3A_214 = tpu.memref_slice %arg3[%dma_start3A_212, %dma_start3A_213] : memref<10000x128xf32, #tpu.memory_space<hbm>> -> memref<10000x128xf32, #tpu.memory_space<hbm>>
    tpu.enqueue_indirect_dma source(%dma_start3A_214 : memref<10000x128xf32, #tpu.memory_space<hbm>>) target(%arg8 : memref<128x128xf32, #tpu.memory_space<vmem>>) offsets(%dma_start3A_211 : memref<128xi32, #tpu.memory_space<vmem>>) semaphore(%arg13 : memref<!tpu.dma_semaphore, #tpu.memory_space<semaphore_mem>>)
    %dma_wait3A_215 = arith.constant 0 : i32
    %dma_wait3A_216 = arith.constant 0 : i32
    %dma_wait3A_217 = tpu.memref_slice %arg3[%dma_wait3A_215, %dma_wait3A_216] : memref<10000x128xf32, #tpu.memory_space<hbm>> -> memref<128x128xf32, #tpu.memory_space<hbm>>
    %dma_wait3A_218 = arith.constant 0 : i32
    %dma_wait3A_219 = arith.constant 0 : i32
    %dma_wait3A_220 = tpu.memref_slice %arg3[%dma_wait3A_218, %dma_wait3A_219] : memref<10000x128xf32, #tpu.memory_space<hbm>> -> memref<128x128xf32, #tpu.memory_space<hbm>>
    tpu.wait_dma2 semaphore(%arg14 : memref<!tpu.dma_semaphore, #tpu.memory_space<semaphore_mem>>) src(%dma_wait3A_220 : memref<128x128xf32, #tpu.memory_space<hbm>>) dst(%arg9 : memref<128x128xf32, #tpu.memory_space<vmem>>)
    %dma_start3A_221 = arith.constant 3 : i32
    %dma_start3A_222 = arith.constant 0 : i32
    %dma_start3A_223 = tpu.memref_slice %arg7[%dma_start3A_221, %dma_start3A_222] : memref<8x128xi32, #tpu.memory_space<vmem>> -> memref<1x128xi32, #tpu.memory_space<vmem>>
    %dma_start3A_224 = tpu.memref_squeeze %dma_start3A_223 : memref<1x128xi32, #tpu.memory_space<vmem>> -> memref<128xi32, #tpu.memory_space<vmem>>
    %dma_start3A_225 = arith.constant 0 : i32
    %dma_start3A_226 = arith.constant 0 : i32
    %dma_start3A_227 = tpu.memref_slice %arg5[%dma_start3A_225, %dma_start3A_226] : memref<10112x128xf32, #tpu.memory_space<vmem_shared>> -> memref<10112x128xf32, #tpu.memory_space<vmem_shared>>
    tpu.enqueue_indirect_dma source(%arg9 : memref<128x128xf32, #tpu.memory_space<vmem>>) target(%dma_start3A_227 : memref<10112x128xf32, #tpu.memory_space<vmem_shared>>) offsets(%dma_start3A_224 : memref<128xi32, #tpu.memory_space<vmem>>) semaphore(%arg16 : memref<!tpu.dma_semaphore, #tpu.memory_space<semaphore_mem>>) {add = true}
    %dma_wait3A_228 = arith.constant 0 : i32
    %dma_wait3A_229 = arith.constant 0 : i32
    %dma_wait3A_230 = tpu.memref_slice %arg3[%dma_wait3A_228, %dma_wait3A_229] : memref<10000x128xf32, #tpu.memory_space<hbm>> -> memref<128x128xf32, #tpu.memory_space<hbm>>
    %dma_wait3A_231 = arith.constant 0 : i32
    %dma_wait3A_232 = arith.constant 0 : i32
    %dma_wait3A_233 = tpu.memref_slice %arg3[%dma_wait3A_231, %dma_wait3A_232] : memref<10000x128xf32, #tpu.memory_space<hbm>> -> memref<128x128xf32, #tpu.memory_space<hbm>>
    tpu.wait_dma2 semaphore(%arg16 : memref<!tpu.dma_semaphore, #tpu.memory_space<semaphore_mem>>) src(%dma_wait3A_233 : memref<128x128xf32, #tpu.memory_space<hbm>>) dst(%arg9 : memref<128x128xf32, #tpu.memory_space<vmem>>)
    %dma_start3A_234 = arith.constant 6 : i32
    %dma_start3A_235 = arith.constant 0 : i32
    %dma_start3A_236 = tpu.memref_slice %arg7[%dma_start3A_234, %dma_start3A_235] : memref<8x128xi32, #tpu.memory_space<vmem>> -> memref<1x128xi32, #tpu.memory_space<vmem>>
    %dma_start3A_237 = tpu.memref_squeeze %dma_start3A_236 : memref<1x128xi32, #tpu.memory_space<vmem>> -> memref<128xi32, #tpu.memory_space<vmem>>
    %dma_start3A_238 = arith.constant 0 : i32
    %dma_start3A_239 = arith.constant 0 : i32
    %dma_start3A_240 = tpu.memref_slice %arg3[%dma_start3A_238, %dma_start3A_239] : memref<10000x128xf32, #tpu.memory_space<hbm>> -> memref<10000x128xf32, #tpu.memory_space<hbm>>
    tpu.enqueue_indirect_dma source(%dma_start3A_240 : memref<10000x128xf32, #tpu.memory_space<hbm>>) target(%arg9 : memref<128x128xf32, #tpu.memory_space<vmem>>) offsets(%dma_start3A_237 : memref<128xi32, #tpu.memory_space<vmem>>) semaphore(%arg14 : memref<!tpu.dma_semaphore, #tpu.memory_space<semaphore_mem>>)
    %dma_wait3A_241 = arith.constant 0 : i32
    %dma_wait3A_242 = arith.constant 0 : i32
    %dma_wait3A_243 = tpu.memref_slice %arg3[%dma_wait3A_241, %dma_wait3A_242] : memref<10000x128xf32, #tpu.memory_space<hbm>> -> memref<128x128xf32, #tpu.memory_space<hbm>>
    %dma_wait3A_244 = arith.constant 0 : i32
    %dma_wait3A_245 = arith.constant 0 : i32
    %dma_wait3A_246 = tpu.memref_slice %arg3[%dma_wait3A_244, %dma_wait3A_245] : memref<10000x128xf32, #tpu.memory_space<hbm>> -> memref<128x128xf32, #tpu.memory_space<hbm>>
    tpu.wait_dma2 semaphore(%arg13 : memref<!tpu.dma_semaphore, #tpu.memory_space<semaphore_mem>>) src(%dma_wait3A_246 : memref<128x128xf32, #tpu.memory_space<hbm>>) dst(%arg8 : memref<128x128xf32, #tpu.memory_space<vmem>>)
    %dma_start3A_247 = arith.constant 5 : i32
    %dma_start3A_248 = arith.constant 0 : i32
    %dma_start3A_249 = tpu.memref_slice %arg7[%dma_start3A_247, %dma_start3A_248] : memref<8x128xi32, #tpu.memory_space<vmem>> -> memref<1x128xi32, #tpu.memory_space<vmem>>
    %dma_start3A_250 = tpu.memref_squeeze %dma_start3A_249 : memref<1x128xi32, #tpu.memory_space<vmem>> -> memref<128xi32, #tpu.memory_space<vmem>>
    %dma_start3A_251 = arith.constant 0 : i32
    %dma_start3A_252 = arith.constant 0 : i32
    %dma_start3A_253 = tpu.memref_slice %arg5[%dma_start3A_251, %dma_start3A_252] : memref<10112x128xf32, #tpu.memory_space<vmem_shared>> -> memref<10112x128xf32, #tpu.memory_space<vmem_shared>>
    tpu.enqueue_indirect_dma source(%arg8 : memref<128x128xf32, #tpu.memory_space<vmem>>) target(%dma_start3A_253 : memref<10112x128xf32, #tpu.memory_space<vmem_shared>>) offsets(%dma_start3A_250 : memref<128xi32, #tpu.memory_space<vmem>>) semaphore(%arg15 : memref<!tpu.dma_semaphore, #tpu.memory_space<semaphore_mem>>) {add = true}
    %sub3A = arith.constant 2 : i32
    %sub3A_254 = arith.subi %select_n3A, %sub3A : i32
    %jit3A_255 = arith.constant 2 : i32
    %div3A = arith.divsi %sub3A_254, %jit3A_255 : i32
    %sign3A = arith.constant 0 : i32
    %sign3A_256 = arith.cmpi sgt, %sub3A_254, %sign3A : i32
    %sign3A_257 = arith.extui %sign3A_256 : i1 to i32
    %sign3A_258 = arith.constant 0 : i32
    %sign3A_259 = arith.cmpi slt, %sub3A_254, %sign3A_258 : i32
    %sign3A_260 = arith.extui %sign3A_259 : i1 to i32
    %sign3A_261 = arith.subi %sign3A_257, %sign3A_260 : i32
    %sign3A_262 = arith.constant 0 : i32
    %sign3A_263 = arith.cmpi sgt, %jit3A_255, %sign3A_262 : i32
    %sign3A_264 = arith.extui %sign3A_263 : i1 to i32
    %sign3A_265 = arith.constant 0 : i32
    %sign3A_266 = arith.cmpi slt, %jit3A_255, %sign3A_265 : i32
    %sign3A_267 = arith.extui %sign3A_266 : i1 to i32
    %sign3A_268 = arith.subi %sign3A_264, %sign3A_267 : i32
    %ne3A = arith.cmpi ne, %sign3A_261, %sign3A_268 : i32
    %rem3A = arith.remsi %sub3A_254, %jit3A_255 : i32
    %ne3A_269 = arith.constant 0 : i32
    %ne3A_270 = arith.cmpi ne, %rem3A, %ne3A_269 : i32
    %and3A = arith.andi %ne3A, %ne3A_270 : i1
    %sub3A_271 = arith.constant 1 : i32
    %sub3A_272 = arith.subi %div3A, %sub3A_271 : i32
    %select_n3A_273 = arith.select %and3A, %sub3A_272, %div3A : i32
    %while3A = arith.constant 0 : i32
    %while3A_274 = arith.constant 0 : i32
    %while3A_275 = arith.subi %select_n3A_273, %while3A : i32
    %while3A_276 = arith.addi %while3A, %while3A_275 : i32
    %while3A_277 = arith.constant 1 : i32
    %while3A_278 = arith.divsi %while3A_275, %while3A_277 : i32
    %while3A_279 = arith.muli %while3A_278, %while3A_277 : i32
    %while3A_280 = arith.addi %while3A, %while3A_279 : i32
    %while3A_281 = arith.constant 1 : i32
    %while3A_282 = scf.for %while3A_330 = %while3A to %while3A_280 step %while3A_281 iter_args(%while3A_331 = %while3A_274) -> (i32)  : i32 {
      %mul3A_332 = arith.constant 2 : i32
      %mul3A_333 = arith.muli %mul3A_332, %while3A_330 : i32
      %add3A_334 = arith.constant 2 : i32
      %add3A_335 = arith.addi %add3A_334, %mul3A_333 : i32
      %add3A_336 = arith.constant 1 : i32
      %add3A_337 = arith.addi %add3A_335, %add3A_336 : i32
      %dma_wait3A_338 = arith.constant 0 : i32
      %dma_wait3A_339 = arith.constant 0 : i32
      %dma_wait3A_340 = tpu.memref_slice %arg2[%select_n3A_8, %dma_wait3A_338, %dma_wait3A_339] : memref<641x8x128xi32, #tpu.memory_space<hbm>> -> memref<1x8x128xi32, #tpu.memory_space<hbm>>
      %dma_wait3A_341 = tpu.memref_squeeze %dma_wait3A_340 : memref<1x8x128xi32, #tpu.memory_space<hbm>> -> memref<8x128xi32, #tpu.memory_space<hbm>>
      %dma_wait3A_342 = arith.constant 0 : i32
      %dma_wait3A_343 = arith.constant 0 : i32
      %dma_wait3A_344 = tpu.memref_slice %arg2[%select_n3A_8, %dma_wait3A_342, %dma_wait3A_343] : memref<641x8x128xi32, #tpu.memory_space<hbm>> -> memref<1x8x128xi32, #tpu.memory_space<hbm>>
      %dma_wait3A_345 = tpu.memref_squeeze %dma_wait3A_344 : memref<1x8x128xi32, #tpu.memory_space<hbm>> -> memref<8x128xi32, #tpu.memory_space<hbm>>
      tpu.wait_dma2 semaphore(%arg11 : memref<!tpu.dma_semaphore, #tpu.memory_space<semaphore_mem>>) src(%dma_wait3A_345 : memref<8x128xi32, #tpu.memory_space<hbm>>) dst(%arg6 : memref<8x128xi32, #tpu.memory_space<vmem>>)
      %dma_wait3A_346 = arith.constant 0 : i32
      %dma_wait3A_347 = arith.constant 0 : i32
      %dma_wait3A_348 = tpu.memref_slice %arg3[%dma_wait3A_346, %dma_wait3A_347] : memref<10000x128xf32, #tpu.memory_space<hbm>> -> memref<128x128xf32, #tpu.memory_space<hbm>>
      %dma_wait3A_349 = arith.constant 0 : i32
      %dma_wait3A_350 = arith.constant 0 : i32
      %dma_wait3A_351 = tpu.memref_slice %arg3[%dma_wait3A_349, %dma_wait3A_350] : memref<10000x128xf32, #tpu.memory_space<hbm>> -> memref<128x128xf32, #tpu.memory_space<hbm>>
      tpu.wait_dma2 semaphore(%arg15 : memref<!tpu.dma_semaphore, #tpu.memory_space<semaphore_mem>>) src(%dma_wait3A_351 : memref<128x128xf32, #tpu.memory_space<hbm>>) dst(%arg8 : memref<128x128xf32, #tpu.memory_space<vmem>>)
      %dma_start3A_352 = arith.constant 0 : i32
      %dma_start3A_353 = arith.constant 0 : i32
      %dma_start3A_354 = tpu.memref_slice %arg6[%dma_start3A_352, %dma_start3A_353] : memref<8x128xi32, #tpu.memory_space<vmem>> -> memref<1x128xi32, #tpu.memory_space<vmem>>
      %dma_start3A_355 = tpu.memref_squeeze %dma_start3A_354 : memref<1x128xi32, #tpu.memory_space<vmem>> -> memref<128xi32, #tpu.memory_space<vmem>>
      %dma_start3A_356 = arith.constant 0 : i32
      %dma_start3A_357 = arith.constant 0 : i32
      %dma_start3A_358 = tpu.memref_slice %arg3[%dma_start3A_356, %dma_start3A_357] : memref<10000x128xf32, #tpu.memory_space<hbm>> -> memref<10000x128xf32, #tpu.memory_space<hbm>>
      tpu.enqueue_indirect_dma source(%dma_start3A_358 : memref<10000x128xf32, #tpu.memory_space<hbm>>) target(%arg8 : memref<128x128xf32, #tpu.memory_space<vmem>>) offsets(%dma_start3A_355 : memref<128xi32, #tpu.memory_space<vmem>>) semaphore(%arg13 : memref<!tpu.dma_semaphore, #tpu.memory_space<semaphore_mem>>)
      %dma_wait3A_359 = arith.constant 0 : i32
      %dma_wait3A_360 = arith.constant 0 : i32
      %dma_wait3A_361 = tpu.memref_slice %arg3[%dma_wait3A_359, %dma_wait3A_360] : memref<10000x128xf32, #tpu.memory_space<hbm>> -> memref<128x128xf32, #tpu.memory_space<hbm>>
      %dma_wait3A_362 = arith.constant 0 : i32
      %dma_wait3A_363 = arith.constant 0 : i32
      %dma_wait3A_364 = tpu.memref_slice %arg3[%dma_wait3A_362, %dma_wait3A_363] : memref<10000x128xf32, #tpu.memory_space<hbm>> -> memref<128x128xf32, #tpu.memory_space<hbm>>
      tpu.wait_dma2 semaphore(%arg14 : memref<!tpu.dma_semaphore, #tpu.memory_space<semaphore_mem>>) src(%dma_wait3A_364 : memref<128x128xf32, #tpu.memory_space<hbm>>) dst(%arg9 : memref<128x128xf32, #tpu.memory_space<vmem>>)
      %dma_start3A_365 = arith.constant 7 : i32
      %dma_start3A_366 = arith.constant 0 : i32
      %dma_start3A_367 = tpu.memref_slice %arg7[%dma_start3A_365, %dma_start3A_366] : memref<8x128xi32, #tpu.memory_space<vmem>> -> memref<1x128xi32, #tpu.memory_space<vmem>>
      %dma_start3A_368 = tpu.memref_squeeze %dma_start3A_367 : memref<1x128xi32, #tpu.memory_space<vmem>> -> memref<128xi32, #tpu.memory_space<vmem>>
      %dma_start3A_369 = arith.constant 0 : i32
      %dma_start3A_370 = arith.constant 0 : i32
      %dma_start3A_371 = tpu.memref_slice %arg5[%dma_start3A_369, %dma_start3A_370] : memref<10112x128xf32, #tpu.memory_space<vmem_shared>> -> memref<10112x128xf32, #tpu.memory_space<vmem_shared>>
      tpu.enqueue_indirect_dma source(%arg9 : memref<128x128xf32, #tpu.memory_space<vmem>>) target(%dma_start3A_371 : memref<10112x128xf32, #tpu.memory_space<vmem_shared>>) offsets(%dma_start3A_368 : memref<128xi32, #tpu.memory_space<vmem>>) semaphore(%arg16 : memref<!tpu.dma_semaphore, #tpu.memory_space<semaphore_mem>>) {add = true}
      %dma_wait3A_372 = arith.constant 0 : i32
      %dma_wait3A_373 = arith.constant 0 : i32
      %dma_wait3A_374 = tpu.memref_slice %arg3[%dma_wait3A_372, %dma_wait3A_373] : memref<10000x128xf32, #tpu.memory_space<hbm>> -> memref<128x128xf32, #tpu.memory_space<hbm>>
      %dma_wait3A_375 = arith.constant 0 : i32
      %dma_wait3A_376 = arith.constant 0 : i32
      %dma_wait3A_377 = tpu.memref_slice %arg3[%dma_wait3A_375, %dma_wait3A_376] : memref<10000x128xf32, #tpu.memory_space<hbm>> -> memref<128x128xf32, #tpu.memory_space<hbm>>
      tpu.wait_dma2 semaphore(%arg16 : memref<!tpu.dma_semaphore, #tpu.memory_space<semaphore_mem>>) src(%dma_wait3A_377 : memref<128x128xf32, #tpu.memory_space<hbm>>) dst(%arg9 : memref<128x128xf32, #tpu.memory_space<vmem>>)
      %add3A_378 = arith.constant 1 : i32
      %add3A_379 = arith.addi %add3A_335, %add3A_378 : i32
      %add3A_380 = arith.addi %select_n3A_8, %add3A_379 : i32
      %dma_start3A_381 = arith.constant 0 : i32
      %dma_start3A_382 = arith.constant 0 : i32
      %dma_start3A_383 = tpu.memref_slice %arg2[%add3A_380, %dma_start3A_381, %dma_start3A_382] : memref<641x8x128xi32, #tpu.memory_space<hbm>> -> memref<1x8x128xi32, #tpu.memory_space<hbm>>
      %dma_start3A_384 = tpu.memref_squeeze %dma_start3A_383 : memref<1x8x128xi32, #tpu.memory_space<hbm>> -> memref<8x128xi32, #tpu.memory_space<hbm>>
      %dma_start3A_385 = arith.constant 0 : i32
      %dma_start3A_386 = arith.constant 0 : i32
      %dma_start3A_387 = tpu.memref_slice %arg2[%add3A_380, %dma_start3A_385, %dma_start3A_386] : memref<641x8x128xi32, #tpu.memory_space<hbm>> -> memref<1x8x128xi32, #tpu.memory_space<hbm>>
      %dma_start3A_388 = tpu.memref_squeeze %dma_start3A_387 : memref<1x8x128xi32, #tpu.memory_space<hbm>> -> memref<8x128xi32, #tpu.memory_space<hbm>>
      tpu.enqueue_dma source(%dma_start3A_388 : memref<8x128xi32, #tpu.memory_space<hbm>>) target(%arg7 : memref<8x128xi32, #tpu.memory_space<vmem>>) target_semaphore(%arg12 : memref<!tpu.dma_semaphore, #tpu.memory_space<semaphore_mem>>)
      %dma_start3A_389 = arith.constant 2 : i32
      %dma_start3A_390 = arith.constant 0 : i32
      %dma_start3A_391 = tpu.memref_slice %arg6[%dma_start3A_389, %dma_start3A_390] : memref<8x128xi32, #tpu.memory_space<vmem>> -> memref<1x128xi32, #tpu.memory_space<vmem>>
      %dma_start3A_392 = tpu.memref_squeeze %dma_start3A_391 : memref<1x128xi32, #tpu.memory_space<vmem>> -> memref<128xi32, #tpu.memory_space<vmem>>
      %dma_start3A_393 = arith.constant 0 : i32
      %dma_start3A_394 = arith.constant 0 : i32
      %dma_start3A_395 = tpu.memref_slice %arg3[%dma_start3A_393, %dma_start3A_394] : memref<10000x128xf32, #tpu.memory_space<hbm>> -> memref<10000x128xf32, #tpu.memory_space<hbm>>
      tpu.enqueue_indirect_dma source(%dma_start3A_395 : memref<10000x128xf32, #tpu.memory_space<hbm>>) target(%arg9 : memref<128x128xf32, #tpu.memory_space<vmem>>) offsets(%dma_start3A_392 : memref<128xi32, #tpu.memory_space<vmem>>) semaphore(%arg14 : memref<!tpu.dma_semaphore, #tpu.memory_space<semaphore_mem>>)
      %dma_wait3A_396 = arith.constant 0 : i32
      %dma_wait3A_397 = arith.constant 0 : i32
      %dma_wait3A_398 = tpu.memref_slice %arg3[%dma_wait3A_396, %dma_wait3A_397] : memref<10000x128xf32, #tpu.memory_space<hbm>> -> memref<128x128xf32, #tpu.memory_space<hbm>>
      %dma_wait3A_399 = arith.constant 0 : i32
      %dma_wait3A_400 = arith.constant 0 : i32
      %dma_wait3A_401 = tpu.memref_slice %arg3[%dma_wait3A_399, %dma_wait3A_400] : memref<10000x128xf32, #tpu.memory_space<hbm>> -> memref<128x128xf32, #tpu.memory_space<hbm>>
      tpu.wait_dma2 semaphore(%arg13 : memref<!tpu.dma_semaphore, #tpu.memory_space<semaphore_mem>>) src(%dma_wait3A_401 : memref<128x128xf32, #tpu.memory_space<hbm>>) dst(%arg8 : memref<128x128xf32, #tpu.memory_space<vmem>>)
      %dma_start3A_402 = arith.constant 1 : i32
      %dma_start3A_403 = arith.constant 0 : i32
      %dma_start3A_404 = tpu.memref_slice %arg6[%dma_start3A_402, %dma_start3A_403] : memref<8x128xi32, #tpu.memory_space<vmem>> -> memref<1x128xi32, #tpu.memory_space<vmem>>
      %dma_start3A_405 = tpu.memref_squeeze %dma_start3A_404 : memref<1x128xi32, #tpu.memory_space<vmem>> -> memref<128xi32, #tpu.memory_space<vmem>>
      %dma_start3A_406 = arith.constant 0 : i32
      %dma_start3A_407 = arith.constant 0 : i32
      %dma_start3A_408 = tpu.memref_slice %arg5[%dma_start3A_406, %dma_start3A_407] : memref<10112x128xf32, #tpu.memory_space<vmem_shared>> -> memref<10112x128xf32, #tpu.memory_space<vmem_shared>>
      tpu.enqueue_indirect_dma source(%arg8 : memref<128x128xf32, #tpu.memory_space<vmem>>) target(%dma_start3A_408 : memref<10112x128xf32, #tpu.memory_space<vmem_shared>>) offsets(%dma_start3A_405 : memref<128xi32, #tpu.memory_space<vmem>>) semaphore(%arg15 : memref<!tpu.dma_semaphore, #tpu.memory_space<semaphore_mem>>) {add = true}
      %dma_wait3A_409 = arith.constant 0 : i32
      %dma_wait3A_410 = arith.constant 0 : i32
      %dma_wait3A_411 = tpu.memref_slice %arg3[%dma_wait3A_409, %dma_wait3A_410] : memref<10000x128xf32, #tpu.memory_space<hbm>> -> memref<128x128xf32, #tpu.memory_space<hbm>>
      %dma_wait3A_412 = arith.constant 0 : i32
      %dma_wait3A_413 = arith.constant 0 : i32
      %dma_wait3A_414 = tpu.memref_slice %arg3[%dma_wait3A_412, %dma_wait3A_413] : memref<10000x128xf32, #tpu.memory_space<hbm>> -> memref<128x128xf32, #tpu.memory_space<hbm>>
      tpu.wait_dma2 semaphore(%arg15 : memref<!tpu.dma_semaphore, #tpu.memory_space<semaphore_mem>>) src(%dma_wait3A_414 : memref<128x128xf32, #tpu.memory_space<hbm>>) dst(%arg8 : memref<128x128xf32, #tpu.memory_space<vmem>>)
      %dma_start3A_415 = arith.constant 4 : i32
      %dma_start3A_416 = arith.constant 0 : i32
      %dma_start3A_417 = tpu.memref_slice %arg6[%dma_start3A_415, %dma_start3A_416] : memref<8x128xi32, #tpu.memory_space<vmem>> -> memref<1x128xi32, #tpu.memory_space<vmem>>
      %dma_start3A_418 = tpu.memref_squeeze %dma_start3A_417 : memref<1x128xi32, #tpu.memory_space<vmem>> -> memref<128xi32, #tpu.memory_space<vmem>>
      %dma_start3A_419 = arith.constant 0 : i32
      %dma_start3A_420 = arith.constant 0 : i32
      %dma_start3A_421 = tpu.memref_slice %arg3[%dma_start3A_419, %dma_start3A_420] : memref<10000x128xf32, #tpu.memory_space<hbm>> -> memref<10000x128xf32, #tpu.memory_space<hbm>>
      tpu.enqueue_indirect_dma source(%dma_start3A_421 : memref<10000x128xf32, #tpu.memory_space<hbm>>) target(%arg8 : memref<128x128xf32, #tpu.memory_space<vmem>>) offsets(%dma_start3A_418 : memref<128xi32, #tpu.memory_space<vmem>>) semaphore(%arg13 : memref<!tpu.dma_semaphore, #tpu.memory_space<semaphore_mem>>)
      %dma_wait3A_422 = arith.constant 0 : i32
      %dma_wait3A_423 = arith.constant 0 : i32
      %dma_wait3A_424 = tpu.memref_slice %arg3[%dma_wait3A_422, %dma_wait3A_423] : memref<10000x128xf32, #tpu.memory_space<hbm>> -> memref<128x128xf32, #tpu.memory_space<hbm>>
      %dma_wait3A_425 = arith.constant 0 : i32
      %dma_wait3A_426 = arith.constant 0 : i32
      %dma_wait3A_427 = tpu.memref_slice %arg3[%dma_wait3A_425, %dma_wait3A_426] : memref<10000x128xf32, #tpu.memory_space<hbm>> -> memref<128x128xf32, #tpu.memory_space<hbm>>
      tpu.wait_dma2 semaphore(%arg14 : memref<!tpu.dma_semaphore, #tpu.memory_space<semaphore_mem>>) src(%dma_wait3A_427 : memref<128x128xf32, #tpu.memory_space<hbm>>) dst(%arg9 : memref<128x128xf32, #tpu.memory_space<vmem>>)
      %dma_start3A_428 = arith.constant 3 : i32
      %dma_start3A_429 = arith.constant 0 : i32
      %dma_start3A_430 = tpu.memref_slice %arg6[%dma_start3A_428, %dma_start3A_429] : memref<8x128xi32, #tpu.memory_space<vmem>> -> memref<1x128xi32, #tpu.memory_space<vmem>>
      %dma_start3A_431 = tpu.memref_squeeze %dma_start3A_430 : memref<1x128xi32, #tpu.memory_space<vmem>> -> memref<128xi32, #tpu.memory_space<vmem>>
      %dma_start3A_432 = arith.constant 0 : i32
      %dma_start3A_433 = arith.constant 0 : i32
      %dma_start3A_434 = tpu.memref_slice %arg5[%dma_start3A_432, %dma_start3A_433] : memref<10112x128xf32, #tpu.memory_space<vmem_shared>> -> memref<10112x128xf32, #tpu.memory_space<vmem_shared>>
      tpu.enqueue_indirect_dma source(%arg9 : memref<128x128xf32, #tpu.memory_space<vmem>>) target(%dma_start3A_434 : memref<10112x128xf32, #tpu.memory_space<vmem_shared>>) offsets(%dma_start3A_431 : memref<128xi32, #tpu.memory_space<vmem>>) semaphore(%arg16 : memref<!tpu.dma_semaphore, #tpu.memory_space<semaphore_mem>>) {add = true}
      %dma_wait3A_435 = arith.constant 0 : i32
      %dma_wait3A_436 = arith.constant 0 : i32
      %dma_wait3A_437 = tpu.memref_slice %arg3[%dma_wait3A_435, %dma_wait3A_436] : memref<10000x128xf32, #tpu.memory_space<hbm>> -> memref<128x128xf32, #tpu.memory_space<hbm>>
      %dma_wait3A_438 = arith.constant 0 : i32
      %dma_wait3A_439 = arith.constant 0 : i32
      %dma_wait3A_440 = tpu.memref_slice %arg3[%dma_wait3A_438, %dma_wait3A_439] : memref<10000x128xf32, #tpu.memory_space<hbm>> -> memref<128x128xf32, #tpu.memory_space<hbm>>
      tpu.wait_dma2 semaphore(%arg16 : memref<!tpu.dma_semaphore, #tpu.memory_space<semaphore_mem>>) src(%dma_wait3A_440 : memref<128x128xf32, #tpu.memory_space<hbm>>) dst(%arg9 : memref<128x128xf32, #tpu.memory_space<vmem>>)
      %dma_start3A_441 = arith.constant 6 : i32
      %dma_start3A_442 = arith.constant 0 : i32
      %dma_start3A_443 = tpu.memref_slice %arg6[%dma_start3A_441, %dma_start3A_442] : memref<8x128xi32, #tpu.memory_space<vmem>> -> memref<1x128xi32, #tpu.memory_space<vmem>>
      %dma_start3A_444 = tpu.memref_squeeze %dma_start3A_443 : memref<1x128xi32, #tpu.memory_space<vmem>> -> memref<128xi32, #tpu.memory_space<vmem>>
      %dma_start3A_445 = arith.constant 0 : i32
      %dma_start3A_446 = arith.constant 0 : i32
      %dma_start3A_447 = tpu.memref_slice %arg3[%dma_start3A_445, %dma_start3A_446] : memref<10000x128xf32, #tpu.memory_space<hbm>> -> memref<10000x128xf32, #tpu.memory_space<hbm>>
      tpu.enqueue_indirect_dma source(%dma_start3A_447 : memref<10000x128xf32, #tpu.memory_space<hbm>>) target(%arg9 : memref<128x128xf32, #tpu.memory_space<vmem>>) offsets(%dma_start3A_444 : memref<128xi32, #tpu.memory_space<vmem>>) semaphore(%arg14 : memref<!tpu.dma_semaphore, #tpu.memory_space<semaphore_mem>>)
      %dma_wait3A_448 = arith.constant 0 : i32
      %dma_wait3A_449 = arith.constant 0 : i32
      %dma_wait3A_450 = tpu.memref_slice %arg3[%dma_wait3A_448, %dma_wait3A_449] : memref<10000x128xf32, #tpu.memory_space<hbm>> -> memref<128x128xf32, #tpu.memory_space<hbm>>
      %dma_wait3A_451 = arith.constant 0 : i32
      %dma_wait3A_452 = arith.constant 0 : i32
      %dma_wait3A_453 = tpu.memref_slice %arg3[%dma_wait3A_451, %dma_wait3A_452] : memref<10000x128xf32, #tpu.memory_space<hbm>> -> memref<128x128xf32, #tpu.memory_space<hbm>>
      tpu.wait_dma2 semaphore(%arg13 : memref<!tpu.dma_semaphore, #tpu.memory_space<semaphore_mem>>) src(%dma_wait3A_453 : memref<128x128xf32, #tpu.memory_space<hbm>>) dst(%arg8 : memref<128x128xf32, #tpu.memory_space<vmem>>)
      %dma_start3A_454 = arith.constant 5 : i32
      %dma_start3A_455 = arith.constant 0 : i32
      %dma_start3A_456 = tpu.memref_slice %arg6[%dma_start3A_454, %dma_start3A_455] : memref<8x128xi32, #tpu.memory_space<vmem>> -> memref<1x128xi32, #tpu.memory_space<vmem>>
      %dma_start3A_457 = tpu.memref_squeeze %dma_start3A_456 : memref<1x128xi32, #tpu.memory_space<vmem>> -> memref<128xi32, #tpu.memory_space<vmem>>
      %dma_start3A_458 = arith.constant 0 : i32
      %dma_start3A_459 = arith.constant 0 : i32
      %dma_start3A_460 = tpu.memref_slice %arg5[%dma_start3A_458, %dma_start3A_459] : memref<10112x128xf32, #tpu.memory_space<vmem_shared>> -> memref<10112x128xf32, #tpu.memory_space<vmem_shared>>
      tpu.enqueue_indirect_dma source(%arg8 : memref<128x128xf32, #tpu.memory_space<vmem>>) target(%dma_start3A_460 : memref<10112x128xf32, #tpu.memory_space<vmem_shared>>) offsets(%dma_start3A_457 : memref<128xi32, #tpu.memory_space<vmem>>) semaphore(%arg15 : memref<!tpu.dma_semaphore, #tpu.memory_space<semaphore_mem>>) {add = true}
      %dma_wait3A_461 = arith.constant 0 : i32
      %dma_wait3A_462 = arith.constant 0 : i32
      %dma_wait3A_463 = tpu.memref_slice %arg2[%select_n3A_8, %dma_wait3A_461, %dma_wait3A_462] : memref<641x8x128xi32, #tpu.memory_space<hbm>> -> memref<1x8x128xi32, #tpu.memory_space<hbm>>
      %dma_wait3A_464 = tpu.memref_squeeze %dma_wait3A_463 : memref<1x8x128xi32, #tpu.memory_space<hbm>> -> memref<8x128xi32, #tpu.memory_space<hbm>>
      %dma_wait3A_465 = arith.constant 0 : i32
      %dma_wait3A_466 = arith.constant 0 : i32
      %dma_wait3A_467 = tpu.memref_slice %arg2[%select_n3A_8, %dma_wait3A_465, %dma_wait3A_466] : memref<641x8x128xi32, #tpu.memory_space<hbm>> -> memref<1x8x128xi32, #tpu.memory_space<hbm>>
      %dma_wait3A_468 = tpu.memref_squeeze %dma_wait3A_467 : memref<1x8x128xi32, #tpu.memory_space<hbm>> -> memref<8x128xi32, #tpu.memory_space<hbm>>
      tpu.wait_dma2 semaphore(%arg12 : memref<!tpu.dma_semaphore, #tpu.memory_space<semaphore_mem>>) src(%dma_wait3A_468 : memref<8x128xi32, #tpu.memory_space<hbm>>) dst(%arg7 : memref<8x128xi32, #tpu.memory_space<vmem>>)
      %dma_wait3A_469 = arith.constant 0 : i32
      %dma_wait3A_470 = arith.constant 0 : i32
      %dma_wait3A_471 = tpu.memref_slice %arg3[%dma_wait3A_469, %dma_wait3A_470] : memref<10000x128xf32, #tpu.memory_space<hbm>> -> memref<128x128xf32, #tpu.memory_space<hbm>>
      %dma_wait3A_472 = arith.constant 0 : i32
      %dma_wait3A_473 = arith.constant 0 : i32
      %dma_wait3A_474 = tpu.memref_slice %arg3[%dma_wait3A_472, %dma_wait3A_473] : memref<10000x128xf32, #tpu.memory_space<hbm>> -> memref<128x128xf32, #tpu.memory_space<hbm>>
      tpu.wait_dma2 semaphore(%arg15 : memref<!tpu.dma_semaphore, #tpu.memory_space<semaphore_mem>>) src(%dma_wait3A_474 : memref<128x128xf32, #tpu.memory_space<hbm>>) dst(%arg8 : memref<128x128xf32, #tpu.memory_space<vmem>>)
      %dma_start3A_475 = arith.constant 0 : i32
      %dma_start3A_476 = arith.constant 0 : i32
      %dma_start3A_477 = tpu.memref_slice %arg7[%dma_start3A_475, %dma_start3A_476] : memref<8x128xi32, #tpu.memory_space<vmem>> -> memref<1x128xi32, #tpu.memory_space<vmem>>
      %dma_start3A_478 = tpu.memref_squeeze %dma_start3A_477 : memref<1x128xi32, #tpu.memory_space<vmem>> -> memref<128xi32, #tpu.memory_space<vmem>>
      %dma_start3A_479 = arith.constant 0 : i32
      %dma_start3A_480 = arith.constant 0 : i32
      %dma_start3A_481 = tpu.memref_slice %arg3[%dma_start3A_479, %dma_start3A_480] : memref<10000x128xf32, #tpu.memory_space<hbm>> -> memref<10000x128xf32, #tpu.memory_space<hbm>>
      tpu.enqueue_indirect_dma source(%dma_start3A_481 : memref<10000x128xf32, #tpu.memory_space<hbm>>) target(%arg8 : memref<128x128xf32, #tpu.memory_space<vmem>>) offsets(%dma_start3A_478 : memref<128xi32, #tpu.memory_space<vmem>>) semaphore(%arg13 : memref<!tpu.dma_semaphore, #tpu.memory_space<semaphore_mem>>)
      %dma_wait3A_482 = arith.constant 0 : i32
      %dma_wait3A_483 = arith.constant 0 : i32
      %dma_wait3A_484 = tpu.memref_slice %arg3[%dma_wait3A_482, %dma_wait3A_483] : memref<10000x128xf32, #tpu.memory_space<hbm>> -> memref<128x128xf32, #tpu.memory_space<hbm>>
      %dma_wait3A_485 = arith.constant 0 : i32
      %dma_wait3A_486 = arith.constant 0 : i32
      %dma_wait3A_487 = tpu.memref_slice %arg3[%dma_wait3A_485, %dma_wait3A_486] : memref<10000x128xf32, #tpu.memory_space<hbm>> -> memref<128x128xf32, #tpu.memory_space<hbm>>
      tpu.wait_dma2 semaphore(%arg14 : memref<!tpu.dma_semaphore, #tpu.memory_space<semaphore_mem>>) src(%dma_wait3A_487 : memref<128x128xf32, #tpu.memory_space<hbm>>) dst(%arg9 : memref<128x128xf32, #tpu.memory_space<vmem>>)
      %dma_start3A_488 = arith.constant 7 : i32
      %dma_start3A_489 = arith.constant 0 : i32
      %dma_start3A_490 = tpu.memref_slice %arg6[%dma_start3A_488, %dma_start3A_489] : memref<8x128xi32, #tpu.memory_space<vmem>> -> memref<1x128xi32, #tpu.memory_space<vmem>>
      %dma_start3A_491 = tpu.memref_squeeze %dma_start3A_490 : memref<1x128xi32, #tpu.memory_space<vmem>> -> memref<128xi32, #tpu.memory_space<vmem>>
      %dma_start3A_492 = arith.constant 0 : i32
      %dma_start3A_493 = arith.constant 0 : i32
      %dma_start3A_494 = tpu.memref_slice %arg5[%dma_start3A_492, %dma_start3A_493] : memref<10112x128xf32, #tpu.memory_space<vmem_shared>> -> memref<10112x128xf32, #tpu.memory_space<vmem_shared>>
      tpu.enqueue_indirect_dma source(%arg9 : memref<128x128xf32, #tpu.memory_space<vmem>>) target(%dma_start3A_494 : memref<10112x128xf32, #tpu.memory_space<vmem_shared>>) offsets(%dma_start3A_491 : memref<128xi32, #tpu.memory_space<vmem>>) semaphore(%arg16 : memref<!tpu.dma_semaphore, #tpu.memory_space<semaphore_mem>>) {add = true}
      %dma_wait3A_495 = arith.constant 0 : i32
      %dma_wait3A_496 = arith.constant 0 : i32
      %dma_wait3A_497 = tpu.memref_slice %arg3[%dma_wait3A_495, %dma_wait3A_496] : memref<10000x128xf32, #tpu.memory_space<hbm>> -> memref<128x128xf32, #tpu.memory_space<hbm>>
      %dma_wait3A_498 = arith.constant 0 : i32
      %dma_wait3A_499 = arith.constant 0 : i32
      %dma_wait3A_500 = tpu.memref_slice %arg3[%dma_wait3A_498, %dma_wait3A_499] : memref<10000x128xf32, #tpu.memory_space<hbm>> -> memref<128x128xf32, #tpu.memory_space<hbm>>
      tpu.wait_dma2 semaphore(%arg16 : memref<!tpu.dma_semaphore, #tpu.memory_space<semaphore_mem>>) src(%dma_wait3A_500 : memref<128x128xf32, #tpu.memory_space<hbm>>) dst(%arg9 : memref<128x128xf32, #tpu.memory_space<vmem>>)
      %add3A_501 = arith.constant 1 : i32
      %add3A_502 = arith.addi %add3A_337, %add3A_501 : i32
      %add3A_503 = arith.addi %select_n3A_8, %add3A_502 : i32
      %dma_start3A_504 = arith.constant 0 : i32
      %dma_start3A_505 = arith.constant 0 : i32
      %dma_start3A_506 = tpu.memref_slice %arg2[%add3A_503, %dma_start3A_504, %dma_start3A_505] : memref<641x8x128xi32, #tpu.memory_space<hbm>> -> memref<1x8x128xi32, #tpu.memory_space<hbm>>
      %dma_start3A_507 = tpu.memref_squeeze %dma_start3A_506 : memref<1x8x128xi32, #tpu.memory_space<hbm>> -> memref<8x128xi32, #tpu.memory_space<hbm>>
      %dma_start3A_508 = arith.constant 0 : i32
      %dma_start3A_509 = arith.constant 0 : i32
      %dma_start3A_510 = tpu.memref_slice %arg2[%add3A_503, %dma_start3A_508, %dma_start3A_509] : memref<641x8x128xi32, #tpu.memory_space<hbm>> -> memref<1x8x128xi32, #tpu.memory_space<hbm>>
      %dma_start3A_511 = tpu.memref_squeeze %dma_start3A_510 : memref<1x8x128xi32, #tpu.memory_space<hbm>> -> memref<8x128xi32, #tpu.memory_space<hbm>>
      tpu.enqueue_dma source(%dma_start3A_511 : memref<8x128xi32, #tpu.memory_space<hbm>>) target(%arg6 : memref<8x128xi32, #tpu.memory_space<vmem>>) target_semaphore(%arg11 : memref<!tpu.dma_semaphore, #tpu.memory_space<semaphore_mem>>)
      %dma_start3A_512 = arith.constant 2 : i32
      %dma_start3A_513 = arith.constant 0 : i32
      %dma_start3A_514 = tpu.memref_slice %arg7[%dma_start3A_512, %dma_start3A_513] : memref<8x128xi32, #tpu.memory_space<vmem>> -> memref<1x128xi32, #tpu.memory_space<vmem>>
      %dma_start3A_515 = tpu.memref_squeeze %dma_start3A_514 : memref<1x128xi32, #tpu.memory_space<vmem>> -> memref<128xi32, #tpu.memory_space<vmem>>
      %dma_start3A_516 = arith.constant 0 : i32
      %dma_start3A_517 = arith.constant 0 : i32
      %dma_start3A_518 = tpu.memref_slice %arg3[%dma_start3A_516, %dma_start3A_517] : memref<10000x128xf32, #tpu.memory_space<hbm>> -> memref<10000x128xf32, #tpu.memory_space<hbm>>
      tpu.enqueue_indirect_dma source(%dma_start3A_518 : memref<10000x128xf32, #tpu.memory_space<hbm>>) target(%arg9 : memref<128x128xf32, #tpu.memory_space<vmem>>) offsets(%dma_start3A_515 : memref<128xi32, #tpu.memory_space<vmem>>) semaphore(%arg14 : memref<!tpu.dma_semaphore, #tpu.memory_space<semaphore_mem>>)
      %dma_wait3A_519 = arith.constant 0 : i32
      %dma_wait3A_520 = arith.constant 0 : i32
      %dma_wait3A_521 = tpu.memref_slice %arg3[%dma_wait3A_519, %dma_wait3A_520] : memref<10000x128xf32, #tpu.memory_space<hbm>> -> memref<128x128xf32, #tpu.memory_space<hbm>>
      %dma_wait3A_522 = arith.constant 0 : i32
      %dma_wait3A_523 = arith.constant 0 : i32
      %dma_wait3A_524 = tpu.memref_slice %arg3[%dma_wait3A_522, %dma_wait3A_523] : memref<10000x128xf32, #tpu.memory_space<hbm>> -> memref<128x128xf32, #tpu.memory_space<hbm>>
      tpu.wait_dma2 semaphore(%arg13 : memref<!tpu.dma_semaphore, #tpu.memory_space<semaphore_mem>>) src(%dma_wait3A_524 : memref<128x128xf32, #tpu.memory_space<hbm>>) dst(%arg8 : memref<128x128xf32, #tpu.memory_space<vmem>>)
      %dma_start3A_525 = arith.constant 1 : i32
      %dma_start3A_526 = arith.constant 0 : i32
      %dma_start3A_527 = tpu.memref_slice %arg7[%dma_start3A_525, %dma_start3A_526] : memref<8x128xi32, #tpu.memory_space<vmem>> -> memref<1x128xi32, #tpu.memory_space<vmem>>
      %dma_start3A_528 = tpu.memref_squeeze %dma_start3A_527 : memref<1x128xi32, #tpu.memory_space<vmem>> -> memref<128xi32, #tpu.memory_space<vmem>>
      %dma_start3A_529 = arith.constant 0 : i32
      %dma_start3A_530 = arith.constant 0 : i32
      %dma_start3A_531 = tpu.memref_slice %arg5[%dma_start3A_529, %dma_start3A_530] : memref<10112x128xf32, #tpu.memory_space<vmem_shared>> -> memref<10112x128xf32, #tpu.memory_space<vmem_shared>>
      tpu.enqueue_indirect_dma source(%arg8 : memref<128x128xf32, #tpu.memory_space<vmem>>) target(%dma_start3A_531 : memref<10112x128xf32, #tpu.memory_space<vmem_shared>>) offsets(%dma_start3A_528 : memref<128xi32, #tpu.memory_space<vmem>>) semaphore(%arg15 : memref<!tpu.dma_semaphore, #tpu.memory_space<semaphore_mem>>) {add = true}
      %dma_wait3A_532 = arith.constant 0 : i32
      %dma_wait3A_533 = arith.constant 0 : i32
      %dma_wait3A_534 = tpu.memref_slice %arg3[%dma_wait3A_532, %dma_wait3A_533] : memref<10000x128xf32, #tpu.memory_space<hbm>> -> memref<128x128xf32, #tpu.memory_space<hbm>>
      %dma_wait3A_535 = arith.constant 0 : i32
      %dma_wait3A_536 = arith.constant 0 : i32
      %dma_wait3A_537 = tpu.memref_slice %arg3[%dma_wait3A_535, %dma_wait3A_536] : memref<10000x128xf32, #tpu.memory_space<hbm>> -> memref<128x128xf32, #tpu.memory_space<hbm>>
      tpu.wait_dma2 semaphore(%arg15 : memref<!tpu.dma_semaphore, #tpu.memory_space<semaphore_mem>>) src(%dma_wait3A_537 : memref<128x128xf32, #tpu.memory_space<hbm>>) dst(%arg8 : memref<128x128xf32, #tpu.memory_space<vmem>>)
      %dma_start3A_538 = arith.constant 4 : i32
      %dma_start3A_539 = arith.constant 0 : i32
      %dma_start3A_540 = tpu.memref_slice %arg7[%dma_start3A_538, %dma_start3A_539] : memref<8x128xi32, #tpu.memory_space<vmem>> -> memref<1x128xi32, #tpu.memory_space<vmem>>
      %dma_start3A_541 = tpu.memref_squeeze %dma_start3A_540 : memref<1x128xi32, #tpu.memory_space<vmem>> -> memref<128xi32, #tpu.memory_space<vmem>>
      %dma_start3A_542 = arith.constant 0 : i32
      %dma_start3A_543 = arith.constant 0 : i32
      %dma_start3A_544 = tpu.memref_slice %arg3[%dma_start3A_542, %dma_start3A_543] : memref<10000x128xf32, #tpu.memory_space<hbm>> -> memref<10000x128xf32, #tpu.memory_space<hbm>>
      tpu.enqueue_indirect_dma source(%dma_start3A_544 : memref<10000x128xf32, #tpu.memory_space<hbm>>) target(%arg8 : memref<128x128xf32, #tpu.memory_space<vmem>>) offsets(%dma_start3A_541 : memref<128xi32, #tpu.memory_space<vmem>>) semaphore(%arg13 : memref<!tpu.dma_semaphore, #tpu.memory_space<semaphore_mem>>)
      %dma_wait3A_545 = arith.constant 0 : i32
      %dma_wait3A_546 = arith.constant 0 : i32
      %dma_wait3A_547 = tpu.memref_slice %arg3[%dma_wait3A_545, %dma_wait3A_546] : memref<10000x128xf32, #tpu.memory_space<hbm>> -> memref<128x128xf32, #tpu.memory_space<hbm>>
      %dma_wait3A_548 = arith.constant 0 : i32
      %dma_wait3A_549 = arith.constant 0 : i32
      %dma_wait3A_550 = tpu.memref_slice %arg3[%dma_wait3A_548, %dma_wait3A_549] : memref<10000x128xf32, #tpu.memory_space<hbm>> -> memref<128x128xf32, #tpu.memory_space<hbm>>
      tpu.wait_dma2 semaphore(%arg14 : memref<!tpu.dma_semaphore, #tpu.memory_space<semaphore_mem>>) src(%dma_wait3A_550 : memref<128x128xf32, #tpu.memory_space<hbm>>) dst(%arg9 : memref<128x128xf32, #tpu.memory_space<vmem>>)
      %dma_start3A_551 = arith.constant 3 : i32
      %dma_start3A_552 = arith.constant 0 : i32
      %dma_start3A_553 = tpu.memref_slice %arg7[%dma_start3A_551, %dma_start3A_552] : memref<8x128xi32, #tpu.memory_space<vmem>> -> memref<1x128xi32, #tpu.memory_space<vmem>>
      %dma_start3A_554 = tpu.memref_squeeze %dma_start3A_553 : memref<1x128xi32, #tpu.memory_space<vmem>> -> memref<128xi32, #tpu.memory_space<vmem>>
      %dma_start3A_555 = arith.constant 0 : i32
      %dma_start3A_556 = arith.constant 0 : i32
      %dma_start3A_557 = tpu.memref_slice %arg5[%dma_start3A_555, %dma_start3A_556] : memref<10112x128xf32, #tpu.memory_space<vmem_shared>> -> memref<10112x128xf32, #tpu.memory_space<vmem_shared>>
      tpu.enqueue_indirect_dma source(%arg9 : memref<128x128xf32, #tpu.memory_space<vmem>>) target(%dma_start3A_557 : memref<10112x128xf32, #tpu.memory_space<vmem_shared>>) offsets(%dma_start3A_554 : memref<128xi32, #tpu.memory_space<vmem>>) semaphore(%arg16 : memref<!tpu.dma_semaphore, #tpu.memory_space<semaphore_mem>>) {add = true}
      %dma_wait3A_558 = arith.constant 0 : i32
      %dma_wait3A_559 = arith.constant 0 : i32
      %dma_wait3A_560 = tpu.memref_slice %arg3[%dma_wait3A_558, %dma_wait3A_559] : memref<10000x128xf32, #tpu.memory_space<hbm>> -> memref<128x128xf32, #tpu.memory_space<hbm>>
      %dma_wait3A_561 = arith.constant 0 : i32
      %dma_wait3A_562 = arith.constant 0 : i32
      %dma_wait3A_563 = tpu.memref_slice %arg3[%dma_wait3A_561, %dma_wait3A_562] : memref<10000x128xf32, #tpu.memory_space<hbm>> -> memref<128x128xf32, #tpu.memory_space<hbm>>
      tpu.wait_dma2 semaphore(%arg16 : memref<!tpu.dma_semaphore, #tpu.memory_space<semaphore_mem>>) src(%dma_wait3A_563 : memref<128x128xf32, #tpu.memory_space<hbm>>) dst(%arg9 : memref<128x128xf32, #tpu.memory_space<vmem>>)
      %dma_start3A_564 = arith.constant 6 : i32
      %dma_start3A_565 = arith.constant 0 : i32
      %dma_start3A_566 = tpu.memref_slice %arg7[%dma_start3A_564, %dma_start3A_565] : memref<8x128xi32, #tpu.memory_space<vmem>> -> memref<1x128xi32, #tpu.memory_space<vmem>>
      %dma_start3A_567 = tpu.memref_squeeze %dma_start3A_566 : memref<1x128xi32, #tpu.memory_space<vmem>> -> memref<128xi32, #tpu.memory_space<vmem>>
      %dma_start3A_568 = arith.constant 0 : i32
      %dma_start3A_569 = arith.constant 0 : i32
      %dma_start3A_570 = tpu.memref_slice %arg3[%dma_start3A_568, %dma_start3A_569] : memref<10000x128xf32, #tpu.memory_space<hbm>> -> memref<10000x128xf32, #tpu.memory_space<hbm>>
      tpu.enqueue_indirect_dma source(%dma_start3A_570 : memref<10000x128xf32, #tpu.memory_space<hbm>>) target(%arg9 : memref<128x128xf32, #tpu.memory_space<vmem>>) offsets(%dma_start3A_567 : memref<128xi32, #tpu.memory_space<vmem>>) semaphore(%arg14 : memref<!tpu.dma_semaphore, #tpu.memory_space<semaphore_mem>>)
      %dma_wait3A_571 = arith.constant 0 : i32
      %dma_wait3A_572 = arith.constant 0 : i32
      %dma_wait3A_573 = tpu.memref_slice %arg3[%dma_wait3A_571, %dma_wait3A_572] : memref<10000x128xf32, #tpu.memory_space<hbm>> -> memref<128x128xf32, #tpu.memory_space<hbm>>
      %dma_wait3A_574 = arith.constant 0 : i32
      %dma_wait3A_575 = arith.constant 0 : i32
      %dma_wait3A_576 = tpu.memref_slice %arg3[%dma_wait3A_574, %dma_wait3A_575] : memref<10000x128xf32, #tpu.memory_space<hbm>> -> memref<128x128xf32, #tpu.memory_space<hbm>>
      tpu.wait_dma2 semaphore(%arg13 : memref<!tpu.dma_semaphore, #tpu.memory_space<semaphore_mem>>) src(%dma_wait3A_576 : memref<128x128xf32, #tpu.memory_space<hbm>>) dst(%arg8 : memref<128x128xf32, #tpu.memory_space<vmem>>)
      %dma_start3A_577 = arith.constant 5 : i32
      %dma_start3A_578 = arith.constant 0 : i32
      %dma_start3A_579 = tpu.memref_slice %arg7[%dma_start3A_577, %dma_start3A_578] : memref<8x128xi32, #tpu.memory_space<vmem>> -> memref<1x128xi32, #tpu.memory_space<vmem>>
      %dma_start3A_580 = tpu.memref_squeeze %dma_start3A_579 : memref<1x128xi32, #tpu.memory_space<vmem>> -> memref<128xi32, #tpu.memory_space<vmem>>
      %dma_start3A_581 = arith.constant 0 : i32
      %dma_start3A_582 = arith.constant 0 : i32
      %dma_start3A_583 = tpu.memref_slice %arg5[%dma_start3A_581, %dma_start3A_582] : memref<10112x128xf32, #tpu.memory_space<vmem_shared>> -> memref<10112x128xf32, #tpu.memory_space<vmem_shared>>
      tpu.enqueue_indirect_dma source(%arg8 : memref<128x128xf32, #tpu.memory_space<vmem>>) target(%dma_start3A_583 : memref<10112x128xf32, #tpu.memory_space<vmem_shared>>) offsets(%dma_start3A_580 : memref<128xi32, #tpu.memory_space<vmem>>) semaphore(%arg15 : memref<!tpu.dma_semaphore, #tpu.memory_space<semaphore_mem>>) {add = true}
      %while3A_584 = arith.constant 0 : i32
      scf.yield %while3A_584 : i32
    }
    %while3A_283 = arith.constant 1 : i32
    %while3A_284 = scf.for %while3A_330 = %while3A_280 to %while3A_276 step %while3A_283 iter_args(%while3A_331 = %while3A_282) -> (i32)  : i32 {
      %mul3A_332 = arith.constant 2 : i32
      %mul3A_333 = arith.muli %mul3A_332, %while3A_330 : i32
      %add3A_334 = arith.constant 2 : i32
      %add3A_335 = arith.addi %add3A_334, %mul3A_333 : i32
      %add3A_336 = arith.constant 1 : i32
      %add3A_337 = arith.addi %add3A_335, %add3A_336 : i32
      %dma_wait3A_338 = arith.constant 0 : i32
      %dma_wait3A_339 = arith.constant 0 : i32
      %dma_wait3A_340 = tpu.memref_slice %arg2[%select_n3A_8, %dma_wait3A_338, %dma_wait3A_339] : memref<641x8x128xi32, #tpu.memory_space<hbm>> -> memref<1x8x128xi32, #tpu.memory_space<hbm>>
      %dma_wait3A_341 = tpu.memref_squeeze %dma_wait3A_340 : memref<1x8x128xi32, #tpu.memory_space<hbm>> -> memref<8x128xi32, #tpu.memory_space<hbm>>
      %dma_wait3A_342 = arith.constant 0 : i32
      %dma_wait3A_343 = arith.constant 0 : i32
      %dma_wait3A_344 = tpu.memref_slice %arg2[%select_n3A_8, %dma_wait3A_342, %dma_wait3A_343] : memref<641x8x128xi32, #tpu.memory_space<hbm>> -> memref<1x8x128xi32, #tpu.memory_space<hbm>>
      %dma_wait3A_345 = tpu.memref_squeeze %dma_wait3A_344 : memref<1x8x128xi32, #tpu.memory_space<hbm>> -> memref<8x128xi32, #tpu.memory_space<hbm>>
      tpu.wait_dma2 semaphore(%arg11 : memref<!tpu.dma_semaphore, #tpu.memory_space<semaphore_mem>>) src(%dma_wait3A_345 : memref<8x128xi32, #tpu.memory_space<hbm>>) dst(%arg6 : memref<8x128xi32, #tpu.memory_space<vmem>>)
      %dma_wait3A_346 = arith.constant 0 : i32
      %dma_wait3A_347 = arith.constant 0 : i32
      %dma_wait3A_348 = tpu.memref_slice %arg3[%dma_wait3A_346, %dma_wait3A_347] : memref<10000x128xf32, #tpu.memory_space<hbm>> -> memref<128x128xf32, #tpu.memory_space<hbm>>
      %dma_wait3A_349 = arith.constant 0 : i32
      %dma_wait3A_350 = arith.constant 0 : i32
      %dma_wait3A_351 = tpu.memref_slice %arg3[%dma_wait3A_349, %dma_wait3A_350] : memref<10000x128xf32, #tpu.memory_space<hbm>> -> memref<128x128xf32, #tpu.memory_space<hbm>>
      tpu.wait_dma2 semaphore(%arg15 : memref<!tpu.dma_semaphore, #tpu.memory_space<semaphore_mem>>) src(%dma_wait3A_351 : memref<128x128xf32, #tpu.memory_space<hbm>>) dst(%arg8 : memref<128x128xf32, #tpu.memory_space<vmem>>)
      %dma_start3A_352 = arith.constant 0 : i32
      %dma_start3A_353 = arith.constant 0 : i32
      %dma_start3A_354 = tpu.memref_slice %arg6[%dma_start3A_352, %dma_start3A_353] : memref<8x128xi32, #tpu.memory_space<vmem>> -> memref<1x128xi32, #tpu.memory_space<vmem>>
      %dma_start3A_355 = tpu.memref_squeeze %dma_start3A_354 : memref<1x128xi32, #tpu.memory_space<vmem>> -> memref<128xi32, #tpu.memory_space<vmem>>
      %dma_start3A_356 = arith.constant 0 : i32
      %dma_start3A_357 = arith.constant 0 : i32
      %dma_start3A_358 = tpu.memref_slice %arg3[%dma_start3A_356, %dma_start3A_357] : memref<10000x128xf32, #tpu.memory_space<hbm>> -> memref<10000x128xf32, #tpu.memory_space<hbm>>
      tpu.enqueue_indirect_dma source(%dma_start3A_358 : memref<10000x128xf32, #tpu.memory_space<hbm>>) target(%arg8 : memref<128x128xf32, #tpu.memory_space<vmem>>) offsets(%dma_start3A_355 : memref<128xi32, #tpu.memory_space<vmem>>) semaphore(%arg13 : memref<!tpu.dma_semaphore, #tpu.memory_space<semaphore_mem>>)
      %dma_wait3A_359 = arith.constant 0 : i32
      %dma_wait3A_360 = arith.constant 0 : i32
      %dma_wait3A_361 = tpu.memref_slice %arg3[%dma_wait3A_359, %dma_wait3A_360] : memref<10000x128xf32, #tpu.memory_space<hbm>> -> memref<128x128xf32, #tpu.memory_space<hbm>>
      %dma_wait3A_362 = arith.constant 0 : i32
      %dma_wait3A_363 = arith.constant 0 : i32
      %dma_wait3A_364 = tpu.memref_slice %arg3[%dma_wait3A_362, %dma_wait3A_363] : memref<10000x128xf32, #tpu.memory_space<hbm>> -> memref<128x128xf32, #tpu.memory_space<hbm>>
      tpu.wait_dma2 semaphore(%arg14 : memref<!tpu.dma_semaphore, #tpu.memory_space<semaphore_mem>>) src(%dma_wait3A_364 : memref<128x128xf32, #tpu.memory_space<hbm>>) dst(%arg9 : memref<128x128xf32, #tpu.memory_space<vmem>>)
      %dma_start3A_365 = arith.constant 7 : i32
      %dma_start3A_366 = arith.constant 0 : i32
      %dma_start3A_367 = tpu.memref_slice %arg7[%dma_start3A_365, %dma_start3A_366] : memref<8x128xi32, #tpu.memory_space<vmem>> -> memref<1x128xi32, #tpu.memory_space<vmem>>
      %dma_start3A_368 = tpu.memref_squeeze %dma_start3A_367 : memref<1x128xi32, #tpu.memory_space<vmem>> -> memref<128xi32, #tpu.memory_space<vmem>>
      %dma_start3A_369 = arith.constant 0 : i32
      %dma_start3A_370 = arith.constant 0 : i32
      %dma_start3A_371 = tpu.memref_slice %arg5[%dma_start3A_369, %dma_start3A_370] : memref<10112x128xf32, #tpu.memory_space<vmem_shared>> -> memref<10112x128xf32, #tpu.memory_space<vmem_shared>>
      tpu.enqueue_indirect_dma source(%arg9 : memref<128x128xf32, #tpu.memory_space<vmem>>) target(%dma_start3A_371 : memref<10112x128xf32, #tpu.memory_space<vmem_shared>>) offsets(%dma_start3A_368 : memref<128xi32, #tpu.memory_space<vmem>>) semaphore(%arg16 : memref<!tpu.dma_semaphore, #tpu.memory_space<semaphore_mem>>) {add = true}
      %dma_wait3A_372 = arith.constant 0 : i32
      %dma_wait3A_373 = arith.constant 0 : i32
      %dma_wait3A_374 = tpu.memref_slice %arg3[%dma_wait3A_372, %dma_wait3A_373] : memref<10000x128xf32, #tpu.memory_space<hbm>> -> memref<128x128xf32, #tpu.memory_space<hbm>>
      %dma_wait3A_375 = arith.constant 0 : i32
      %dma_wait3A_376 = arith.constant 0 : i32
      %dma_wait3A_377 = tpu.memref_slice %arg3[%dma_wait3A_375, %dma_wait3A_376] : memref<10000x128xf32, #tpu.memory_space<hbm>> -> memref<128x128xf32, #tpu.memory_space<hbm>>
      tpu.wait_dma2 semaphore(%arg16 : memref<!tpu.dma_semaphore, #tpu.memory_space<semaphore_mem>>) src(%dma_wait3A_377 : memref<128x128xf32, #tpu.memory_space<hbm>>) dst(%arg9 : memref<128x128xf32, #tpu.memory_space<vmem>>)
      %add3A_378 = arith.constant 1 : i32
      %add3A_379 = arith.addi %add3A_335, %add3A_378 : i32
      %add3A_380 = arith.addi %select_n3A_8, %add3A_379 : i32
      %dma_start3A_381 = arith.constant 0 : i32
      %dma_start3A_382 = arith.constant 0 : i32
      %dma_start3A_383 = tpu.memref_slice %arg2[%add3A_380, %dma_start3A_381, %dma_start3A_382] : memref<641x8x128xi32, #tpu.memory_space<hbm>> -> memref<1x8x128xi32, #tpu.memory_space<hbm>>
      %dma_start3A_384 = tpu.memref_squeeze %dma_start3A_383 : memref<1x8x128xi32, #tpu.memory_space<hbm>> -> memref<8x128xi32, #tpu.memory_space<hbm>>
      %dma_start3A_385 = arith.constant 0 : i32
      %dma_start3A_386 = arith.constant 0 : i32
      %dma_start3A_387 = tpu.memref_slice %arg2[%add3A_380, %dma_start3A_385, %dma_start3A_386] : memref<641x8x128xi32, #tpu.memory_space<hbm>> -> memref<1x8x128xi32, #tpu.memory_space<hbm>>
      %dma_start3A_388 = tpu.memref_squeeze %dma_start3A_387 : memref<1x8x128xi32, #tpu.memory_space<hbm>> -> memref<8x128xi32, #tpu.memory_space<hbm>>
      tpu.enqueue_dma source(%dma_start3A_388 : memref<8x128xi32, #tpu.memory_space<hbm>>) target(%arg7 : memref<8x128xi32, #tpu.memory_space<vmem>>) target_semaphore(%arg12 : memref<!tpu.dma_semaphore, #tpu.memory_space<semaphore_mem>>)
      %dma_start3A_389 = arith.constant 2 : i32
      %dma_start3A_390 = arith.constant 0 : i32
      %dma_start3A_391 = tpu.memref_slice %arg6[%dma_start3A_389, %dma_start3A_390] : memref<8x128xi32, #tpu.memory_space<vmem>> -> memref<1x128xi32, #tpu.memory_space<vmem>>
      %dma_start3A_392 = tpu.memref_squeeze %dma_start3A_391 : memref<1x128xi32, #tpu.memory_space<vmem>> -> memref<128xi32, #tpu.memory_space<vmem>>
      %dma_start3A_393 = arith.constant 0 : i32
      %dma_start3A_394 = arith.constant 0 : i32
      %dma_start3A_395 = tpu.memref_slice %arg3[%dma_start3A_393, %dma_start3A_394] : memref<10000x128xf32, #tpu.memory_space<hbm>> -> memref<10000x128xf32, #tpu.memory_space<hbm>>
      tpu.enqueue_indirect_dma source(%dma_start3A_395 : memref<10000x128xf32, #tpu.memory_space<hbm>>) target(%arg9 : memref<128x128xf32, #tpu.memory_space<vmem>>) offsets(%dma_start3A_392 : memref<128xi32, #tpu.memory_space<vmem>>) semaphore(%arg14 : memref<!tpu.dma_semaphore, #tpu.memory_space<semaphore_mem>>)
      %dma_wait3A_396 = arith.constant 0 : i32
      %dma_wait3A_397 = arith.constant 0 : i32
      %dma_wait3A_398 = tpu.memref_slice %arg3[%dma_wait3A_396, %dma_wait3A_397] : memref<10000x128xf32, #tpu.memory_space<hbm>> -> memref<128x128xf32, #tpu.memory_space<hbm>>
      %dma_wait3A_399 = arith.constant 0 : i32
      %dma_wait3A_400 = arith.constant 0 : i32
      %dma_wait3A_401 = tpu.memref_slice %arg3[%dma_wait3A_399, %dma_wait3A_400] : memref<10000x128xf32, #tpu.memory_space<hbm>> -> memref<128x128xf32, #tpu.memory_space<hbm>>
      tpu.wait_dma2 semaphore(%arg13 : memref<!tpu.dma_semaphore, #tpu.memory_space<semaphore_mem>>) src(%dma_wait3A_401 : memref<128x128xf32, #tpu.memory_space<hbm>>) dst(%arg8 : memref<128x128xf32, #tpu.memory_space<vmem>>)
      %dma_start3A_402 = arith.constant 1 : i32
      %dma_start3A_403 = arith.constant 0 : i32
      %dma_start3A_404 = tpu.memref_slice %arg6[%dma_start3A_402, %dma_start3A_403] : memref<8x128xi32, #tpu.memory_space<vmem>> -> memref<1x128xi32, #tpu.memory_space<vmem>>
      %dma_start3A_405 = tpu.memref_squeeze %dma_start3A_404 : memref<1x128xi32, #tpu.memory_space<vmem>> -> memref<128xi32, #tpu.memory_space<vmem>>
      %dma_start3A_406 = arith.constant 0 : i32
      %dma_start3A_407 = arith.constant 0 : i32
      %dma_start3A_408 = tpu.memref_slice %arg5[%dma_start3A_406, %dma_start3A_407] : memref<10112x128xf32, #tpu.memory_space<vmem_shared>> -> memref<10112x128xf32, #tpu.memory_space<vmem_shared>>
      tpu.enqueue_indirect_dma source(%arg8 : memref<128x128xf32, #tpu.memory_space<vmem>>) target(%dma_start3A_408 : memref<10112x128xf32, #tpu.memory_space<vmem_shared>>) offsets(%dma_start3A_405 : memref<128xi32, #tpu.memory_space<vmem>>) semaphore(%arg15 : memref<!tpu.dma_semaphore, #tpu.memory_space<semaphore_mem>>) {add = true}
      %dma_wait3A_409 = arith.constant 0 : i32
      %dma_wait3A_410 = arith.constant 0 : i32
      %dma_wait3A_411 = tpu.memref_slice %arg3[%dma_wait3A_409, %dma_wait3A_410] : memref<10000x128xf32, #tpu.memory_space<hbm>> -> memref<128x128xf32, #tpu.memory_space<hbm>>
      %dma_wait3A_412 = arith.constant 0 : i32
      %dma_wait3A_413 = arith.constant 0 : i32
      %dma_wait3A_414 = tpu.memref_slice %arg3[%dma_wait3A_412, %dma_wait3A_413] : memref<10000x128xf32, #tpu.memory_space<hbm>> -> memref<128x128xf32, #tpu.memory_space<hbm>>
      tpu.wait_dma2 semaphore(%arg15 : memref<!tpu.dma_semaphore, #tpu.memory_space<semaphore_mem>>) src(%dma_wait3A_414 : memref<128x128xf32, #tpu.memory_space<hbm>>) dst(%arg8 : memref<128x128xf32, #tpu.memory_space<vmem>>)
      %dma_start3A_415 = arith.constant 4 : i32
      %dma_start3A_416 = arith.constant 0 : i32
      %dma_start3A_417 = tpu.memref_slice %arg6[%dma_start3A_415, %dma_start3A_416] : memref<8x128xi32, #tpu.memory_space<vmem>> -> memref<1x128xi32, #tpu.memory_space<vmem>>
      %dma_start3A_418 = tpu.memref_squeeze %dma_start3A_417 : memref<1x128xi32, #tpu.memory_space<vmem>> -> memref<128xi32, #tpu.memory_space<vmem>>
      %dma_start3A_419 = arith.constant 0 : i32
      %dma_start3A_420 = arith.constant 0 : i32
      %dma_start3A_421 = tpu.memref_slice %arg3[%dma_start3A_419, %dma_start3A_420] : memref<10000x128xf32, #tpu.memory_space<hbm>> -> memref<10000x128xf32, #tpu.memory_space<hbm>>
      tpu.enqueue_indirect_dma source(%dma_start3A_421 : memref<10000x128xf32, #tpu.memory_space<hbm>>) target(%arg8 : memref<128x128xf32, #tpu.memory_space<vmem>>) offsets(%dma_start3A_418 : memref<128xi32, #tpu.memory_space<vmem>>) semaphore(%arg13 : memref<!tpu.dma_semaphore, #tpu.memory_space<semaphore_mem>>)
      %dma_wait3A_422 = arith.constant 0 : i32
      %dma_wait3A_423 = arith.constant 0 : i32
      %dma_wait3A_424 = tpu.memref_slice %arg3[%dma_wait3A_422, %dma_wait3A_423] : memref<10000x128xf32, #tpu.memory_space<hbm>> -> memref<128x128xf32, #tpu.memory_space<hbm>>
      %dma_wait3A_425 = arith.constant 0 : i32
      %dma_wait3A_426 = arith.constant 0 : i32
      %dma_wait3A_427 = tpu.memref_slice %arg3[%dma_wait3A_425, %dma_wait3A_426] : memref<10000x128xf32, #tpu.memory_space<hbm>> -> memref<128x128xf32, #tpu.memory_space<hbm>>
      tpu.wait_dma2 semaphore(%arg14 : memref<!tpu.dma_semaphore, #tpu.memory_space<semaphore_mem>>) src(%dma_wait3A_427 : memref<128x128xf32, #tpu.memory_space<hbm>>) dst(%arg9 : memref<128x128xf32, #tpu.memory_space<vmem>>)
      %dma_start3A_428 = arith.constant 3 : i32
      %dma_start3A_429 = arith.constant 0 : i32
      %dma_start3A_430 = tpu.memref_slice %arg6[%dma_start3A_428, %dma_start3A_429] : memref<8x128xi32, #tpu.memory_space<vmem>> -> memref<1x128xi32, #tpu.memory_space<vmem>>
      %dma_start3A_431 = tpu.memref_squeeze %dma_start3A_430 : memref<1x128xi32, #tpu.memory_space<vmem>> -> memref<128xi32, #tpu.memory_space<vmem>>
      %dma_start3A_432 = arith.constant 0 : i32
      %dma_start3A_433 = arith.constant 0 : i32
      %dma_start3A_434 = tpu.memref_slice %arg5[%dma_start3A_432, %dma_start3A_433] : memref<10112x128xf32, #tpu.memory_space<vmem_shared>> -> memref<10112x128xf32, #tpu.memory_space<vmem_shared>>
      tpu.enqueue_indirect_dma source(%arg9 : memref<128x128xf32, #tpu.memory_space<vmem>>) target(%dma_start3A_434 : memref<10112x128xf32, #tpu.memory_space<vmem_shared>>) offsets(%dma_start3A_431 : memref<128xi32, #tpu.memory_space<vmem>>) semaphore(%arg16 : memref<!tpu.dma_semaphore, #tpu.memory_space<semaphore_mem>>) {add = true}
      %dma_wait3A_435 = arith.constant 0 : i32
      %dma_wait3A_436 = arith.constant 0 : i32
      %dma_wait3A_437 = tpu.memref_slice %arg3[%dma_wait3A_435, %dma_wait3A_436] : memref<10000x128xf32, #tpu.memory_space<hbm>> -> memref<128x128xf32, #tpu.memory_space<hbm>>
      %dma_wait3A_438 = arith.constant 0 : i32
      %dma_wait3A_439 = arith.constant 0 : i32
      %dma_wait3A_440 = tpu.memref_slice %arg3[%dma_wait3A_438, %dma_wait3A_439] : memref<10000x128xf32, #tpu.memory_space<hbm>> -> memref<128x128xf32, #tpu.memory_space<hbm>>
      tpu.wait_dma2 semaphore(%arg16 : memref<!tpu.dma_semaphore, #tpu.memory_space<semaphore_mem>>) src(%dma_wait3A_440 : memref<128x128xf32, #tpu.memory_space<hbm>>) dst(%arg9 : memref<128x128xf32, #tpu.memory_space<vmem>>)
      %dma_start3A_441 = arith.constant 6 : i32
      %dma_start3A_442 = arith.constant 0 : i32
      %dma_start3A_443 = tpu.memref_slice %arg6[%dma_start3A_441, %dma_start3A_442] : memref<8x128xi32, #tpu.memory_space<vmem>> -> memref<1x128xi32, #tpu.memory_space<vmem>>
      %dma_start3A_444 = tpu.memref_squeeze %dma_start3A_443 : memref<1x128xi32, #tpu.memory_space<vmem>> -> memref<128xi32, #tpu.memory_space<vmem>>
      %dma_start3A_445 = arith.constant 0 : i32
      %dma_start3A_446 = arith.constant 0 : i32
      %dma_start3A_447 = tpu.memref_slice %arg3[%dma_start3A_445, %dma_start3A_446] : memref<10000x128xf32, #tpu.memory_space<hbm>> -> memref<10000x128xf32, #tpu.memory_space<hbm>>
      tpu.enqueue_indirect_dma source(%dma_start3A_447 : memref<10000x128xf32, #tpu.memory_space<hbm>>) target(%arg9 : memref<128x128xf32, #tpu.memory_space<vmem>>) offsets(%dma_start3A_444 : memref<128xi32, #tpu.memory_space<vmem>>) semaphore(%arg14 : memref<!tpu.dma_semaphore, #tpu.memory_space<semaphore_mem>>)
      %dma_wait3A_448 = arith.constant 0 : i32
      %dma_wait3A_449 = arith.constant 0 : i32
      %dma_wait3A_450 = tpu.memref_slice %arg3[%dma_wait3A_448, %dma_wait3A_449] : memref<10000x128xf32, #tpu.memory_space<hbm>> -> memref<128x128xf32, #tpu.memory_space<hbm>>
      %dma_wait3A_451 = arith.constant 0 : i32
      %dma_wait3A_452 = arith.constant 0 : i32
      %dma_wait3A_453 = tpu.memref_slice %arg3[%dma_wait3A_451, %dma_wait3A_452] : memref<10000x128xf32, #tpu.memory_space<hbm>> -> memref<128x128xf32, #tpu.memory_space<hbm>>
      tpu.wait_dma2 semaphore(%arg13 : memref<!tpu.dma_semaphore, #tpu.memory_space<semaphore_mem>>) src(%dma_wait3A_453 : memref<128x128xf32, #tpu.memory_space<hbm>>) dst(%arg8 : memref<128x128xf32, #tpu.memory_space<vmem>>)
      %dma_start3A_454 = arith.constant 5 : i32
      %dma_start3A_455 = arith.constant 0 : i32
      %dma_start3A_456 = tpu.memref_slice %arg6[%dma_start3A_454, %dma_start3A_455] : memref<8x128xi32, #tpu.memory_space<vmem>> -> memref<1x128xi32, #tpu.memory_space<vmem>>
      %dma_start3A_457 = tpu.memref_squeeze %dma_start3A_456 : memref<1x128xi32, #tpu.memory_space<vmem>> -> memref<128xi32, #tpu.memory_space<vmem>>
      %dma_start3A_458 = arith.constant 0 : i32
      %dma_start3A_459 = arith.constant 0 : i32
      %dma_start3A_460 = tpu.memref_slice %arg5[%dma_start3A_458, %dma_start3A_459] : memref<10112x128xf32, #tpu.memory_space<vmem_shared>> -> memref<10112x128xf32, #tpu.memory_space<vmem_shared>>
      tpu.enqueue_indirect_dma source(%arg8 : memref<128x128xf32, #tpu.memory_space<vmem>>) target(%dma_start3A_460 : memref<10112x128xf32, #tpu.memory_space<vmem_shared>>) offsets(%dma_start3A_457 : memref<128xi32, #tpu.memory_space<vmem>>) semaphore(%arg15 : memref<!tpu.dma_semaphore, #tpu.memory_space<semaphore_mem>>) {add = true}
      %dma_wait3A_461 = arith.constant 0 : i32
      %dma_wait3A_462 = arith.constant 0 : i32
      %dma_wait3A_463 = tpu.memref_slice %arg2[%select_n3A_8, %dma_wait3A_461, %dma_wait3A_462] : memref<641x8x128xi32, #tpu.memory_space<hbm>> -> memref<1x8x128xi32, #tpu.memory_space<hbm>>
      %dma_wait3A_464 = tpu.memref_squeeze %dma_wait3A_463 : memref<1x8x128xi32, #tpu.memory_space<hbm>> -> memref<8x128xi32, #tpu.memory_space<hbm>>
      %dma_wait3A_465 = arith.constant 0 : i32
      %dma_wait3A_466 = arith.constant 0 : i32
      %dma_wait3A_467 = tpu.memref_slice %arg2[%select_n3A_8, %dma_wait3A_465, %dma_wait3A_466] : memref<641x8x128xi32, #tpu.memory_space<hbm>> -> memref<1x8x128xi32, #tpu.memory_space<hbm>>
      %dma_wait3A_468 = tpu.memref_squeeze %dma_wait3A_467 : memref<1x8x128xi32, #tpu.memory_space<hbm>> -> memref<8x128xi32, #tpu.memory_space<hbm>>
      tpu.wait_dma2 semaphore(%arg12 : memref<!tpu.dma_semaphore, #tpu.memory_space<semaphore_mem>>) src(%dma_wait3A_468 : memref<8x128xi32, #tpu.memory_space<hbm>>) dst(%arg7 : memref<8x128xi32, #tpu.memory_space<vmem>>)
      %dma_wait3A_469 = arith.constant 0 : i32
      %dma_wait3A_470 = arith.constant 0 : i32
      %dma_wait3A_471 = tpu.memref_slice %arg3[%dma_wait3A_469, %dma_wait3A_470] : memref<10000x128xf32, #tpu.memory_space<hbm>> -> memref<128x128xf32, #tpu.memory_space<hbm>>
      %dma_wait3A_472 = arith.constant 0 : i32
      %dma_wait3A_473 = arith.constant 0 : i32
      %dma_wait3A_474 = tpu.memref_slice %arg3[%dma_wait3A_472, %dma_wait3A_473] : memref<10000x128xf32, #tpu.memory_space<hbm>> -> memref<128x128xf32, #tpu.memory_space<hbm>>
      tpu.wait_dma2 semaphore(%arg15 : memref<!tpu.dma_semaphore, #tpu.memory_space<semaphore_mem>>) src(%dma_wait3A_474 : memref<128x128xf32, #tpu.memory_space<hbm>>) dst(%arg8 : memref<128x128xf32, #tpu.memory_space<vmem>>)
      %dma_start3A_475 = arith.constant 0 : i32
      %dma_start3A_476 = arith.constant 0 : i32
      %dma_start3A_477 = tpu.memref_slice %arg7[%dma_start3A_475, %dma_start3A_476] : memref<8x128xi32, #tpu.memory_space<vmem>> -> memref<1x128xi32, #tpu.memory_space<vmem>>
      %dma_start3A_478 = tpu.memref_squeeze %dma_start3A_477 : memref<1x128xi32, #tpu.memory_space<vmem>> -> memref<128xi32, #tpu.memory_space<vmem>>
      %dma_start3A_479 = arith.constant 0 : i32
      %dma_start3A_480 = arith.constant 0 : i32
      %dma_start3A_481 = tpu.memref_slice %arg3[%dma_start3A_479, %dma_start3A_480] : memref<10000x128xf32, #tpu.memory_space<hbm>> -> memref<10000x128xf32, #tpu.memory_space<hbm>>
      tpu.enqueue_indirect_dma source(%dma_start3A_481 : memref<10000x128xf32, #tpu.memory_space<hbm>>) target(%arg8 : memref<128x128xf32, #tpu.memory_space<vmem>>) offsets(%dma_start3A_478 : memref<128xi32, #tpu.memory_space<vmem>>) semaphore(%arg13 : memref<!tpu.dma_semaphore, #tpu.memory_space<semaphore_mem>>)
      %dma_wait3A_482 = arith.constant 0 : i32
      %dma_wait3A_483 = arith.constant 0 : i32
      %dma_wait3A_484 = tpu.memref_slice %arg3[%dma_wait3A_482, %dma_wait3A_483] : memref<10000x128xf32, #tpu.memory_space<hbm>> -> memref<128x128xf32, #tpu.memory_space<hbm>>
      %dma_wait3A_485 = arith.constant 0 : i32
      %dma_wait3A_486 = arith.constant 0 : i32
      %dma_wait3A_487 = tpu.memref_slice %arg3[%dma_wait3A_485, %dma_wait3A_486] : memref<10000x128xf32, #tpu.memory_space<hbm>> -> memref<128x128xf32, #tpu.memory_space<hbm>>
      tpu.wait_dma2 semaphore(%arg14 : memref<!tpu.dma_semaphore, #tpu.memory_space<semaphore_mem>>) src(%dma_wait3A_487 : memref<128x128xf32, #tpu.memory_space<hbm>>) dst(%arg9 : memref<128x128xf32, #tpu.memory_space<vmem>>)
      %dma_start3A_488 = arith.constant 7 : i32
      %dma_start3A_489 = arith.constant 0 : i32
      %dma_start3A_490 = tpu.memref_slice %arg6[%dma_start3A_488, %dma_start3A_489] : memref<8x128xi32, #tpu.memory_space<vmem>> -> memref<1x128xi32, #tpu.memory_space<vmem>>
      %dma_start3A_491 = tpu.memref_squeeze %dma_start3A_490 : memref<1x128xi32, #tpu.memory_space<vmem>> -> memref<128xi32, #tpu.memory_space<vmem>>
      %dma_start3A_492 = arith.constant 0 : i32
      %dma_start3A_493 = arith.constant 0 : i32
      %dma_start3A_494 = tpu.memref_slice %arg5[%dma_start3A_492, %dma_start3A_493] : memref<10112x128xf32, #tpu.memory_space<vmem_shared>> -> memref<10112x128xf32, #tpu.memory_space<vmem_shared>>
      tpu.enqueue_indirect_dma source(%arg9 : memref<128x128xf32, #tpu.memory_space<vmem>>) target(%dma_start3A_494 : memref<10112x128xf32, #tpu.memory_space<vmem_shared>>) offsets(%dma_start3A_491 : memref<128xi32, #tpu.memory_space<vmem>>) semaphore(%arg16 : memref<!tpu.dma_semaphore, #tpu.memory_space<semaphore_mem>>) {add = true}
      %dma_wait3A_495 = arith.constant 0 : i32
      %dma_wait3A_496 = arith.constant 0 : i32
      %dma_wait3A_497 = tpu.memref_slice %arg3[%dma_wait3A_495, %dma_wait3A_496] : memref<10000x128xf32, #tpu.memory_space<hbm>> -> memref<128x128xf32, #tpu.memory_space<hbm>>
      %dma_wait3A_498 = arith.constant 0 : i32
      %dma_wait3A_499 = arith.constant 0 : i32
      %dma_wait3A_500 = tpu.memref_slice %arg3[%dma_wait3A_498, %dma_wait3A_499] : memref<10000x128xf32, #tpu.memory_space<hbm>> -> memref<128x128xf32, #tpu.memory_space<hbm>>
      tpu.wait_dma2 semaphore(%arg16 : memref<!tpu.dma_semaphore, #tpu.memory_space<semaphore_mem>>) src(%dma_wait3A_500 : memref<128x128xf32, #tpu.memory_space<hbm>>) dst(%arg9 : memref<128x128xf32, #tpu.memory_space<vmem>>)
      %add3A_501 = arith.constant 1 : i32
      %add3A_502 = arith.addi %add3A_337, %add3A_501 : i32
      %add3A_503 = arith.addi %select_n3A_8, %add3A_502 : i32
      %dma_start3A_504 = arith.constant 0 : i32
      %dma_start3A_505 = arith.constant 0 : i32
      %dma_start3A_506 = tpu.memref_slice %arg2[%add3A_503, %dma_start3A_504, %dma_start3A_505] : memref<641x8x128xi32, #tpu.memory_space<hbm>> -> memref<1x8x128xi32, #tpu.memory_space<hbm>>
      %dma_start3A_507 = tpu.memref_squeeze %dma_start3A_506 : memref<1x8x128xi32, #tpu.memory_space<hbm>> -> memref<8x128xi32, #tpu.memory_space<hbm>>
      %dma_start3A_508 = arith.constant 0 : i32
      %dma_start3A_509 = arith.constant 0 : i32
      %dma_start3A_510 = tpu.memref_slice %arg2[%add3A_503, %dma_start3A_508, %dma_start3A_509] : memref<641x8x128xi32, #tpu.memory_space<hbm>> -> memref<1x8x128xi32, #tpu.memory_space<hbm>>
      %dma_start3A_511 = tpu.memref_squeeze %dma_start3A_510 : memref<1x8x128xi32, #tpu.memory_space<hbm>> -> memref<8x128xi32, #tpu.memory_space<hbm>>
      tpu.enqueue_dma source(%dma_start3A_511 : memref<8x128xi32, #tpu.memory_space<hbm>>) target(%arg6 : memref<8x128xi32, #tpu.memory_space<vmem>>) target_semaphore(%arg11 : memref<!tpu.dma_semaphore, #tpu.memory_space<semaphore_mem>>)
      %dma_start3A_512 = arith.constant 2 : i32
      %dma_start3A_513 = arith.constant 0 : i32
      %dma_start3A_514 = tpu.memref_slice %arg7[%dma_start3A_512, %dma_start3A_513] : memref<8x128xi32, #tpu.memory_space<vmem>> -> memref<1x128xi32, #tpu.memory_space<vmem>>
      %dma_start3A_515 = tpu.memref_squeeze %dma_start3A_514 : memref<1x128xi32, #tpu.memory_space<vmem>> -> memref<128xi32, #tpu.memory_space<vmem>>
      %dma_start3A_516 = arith.constant 0 : i32
      %dma_start3A_517 = arith.constant 0 : i32
      %dma_start3A_518 = tpu.memref_slice %arg3[%dma_start3A_516, %dma_start3A_517] : memref<10000x128xf32, #tpu.memory_space<hbm>> -> memref<10000x128xf32, #tpu.memory_space<hbm>>
      tpu.enqueue_indirect_dma source(%dma_start3A_518 : memref<10000x128xf32, #tpu.memory_space<hbm>>) target(%arg9 : memref<128x128xf32, #tpu.memory_space<vmem>>) offsets(%dma_start3A_515 : memref<128xi32, #tpu.memory_space<vmem>>) semaphore(%arg14 : memref<!tpu.dma_semaphore, #tpu.memory_space<semaphore_mem>>)
      %dma_wait3A_519 = arith.constant 0 : i32
      %dma_wait3A_520 = arith.constant 0 : i32
      %dma_wait3A_521 = tpu.memref_slice %arg3[%dma_wait3A_519, %dma_wait3A_520] : memref<10000x128xf32, #tpu.memory_space<hbm>> -> memref<128x128xf32, #tpu.memory_space<hbm>>
      %dma_wait3A_522 = arith.constant 0 : i32
      %dma_wait3A_523 = arith.constant 0 : i32
      %dma_wait3A_524 = tpu.memref_slice %arg3[%dma_wait3A_522, %dma_wait3A_523] : memref<10000x128xf32, #tpu.memory_space<hbm>> -> memref<128x128xf32, #tpu.memory_space<hbm>>
      tpu.wait_dma2 semaphore(%arg13 : memref<!tpu.dma_semaphore, #tpu.memory_space<semaphore_mem>>) src(%dma_wait3A_524 : memref<128x128xf32, #tpu.memory_space<hbm>>) dst(%arg8 : memref<128x128xf32, #tpu.memory_space<vmem>>)
      %dma_start3A_525 = arith.constant 1 : i32
      %dma_start3A_526 = arith.constant 0 : i32
      %dma_start3A_527 = tpu.memref_slice %arg7[%dma_start3A_525, %dma_start3A_526] : memref<8x128xi32, #tpu.memory_space<vmem>> -> memref<1x128xi32, #tpu.memory_space<vmem>>
      %dma_start3A_528 = tpu.memref_squeeze %dma_start3A_527 : memref<1x128xi32, #tpu.memory_space<vmem>> -> memref<128xi32, #tpu.memory_space<vmem>>
      %dma_start3A_529 = arith.constant 0 : i32
      %dma_start3A_530 = arith.constant 0 : i32
      %dma_start3A_531 = tpu.memref_slice %arg5[%dma_start3A_529, %dma_start3A_530] : memref<10112x128xf32, #tpu.memory_space<vmem_shared>> -> memref<10112x128xf32, #tpu.memory_space<vmem_shared>>
      tpu.enqueue_indirect_dma source(%arg8 : memref<128x128xf32, #tpu.memory_space<vmem>>) target(%dma_start3A_531 : memref<10112x128xf32, #tpu.memory_space<vmem_shared>>) offsets(%dma_start3A_528 : memref<128xi32, #tpu.memory_space<vmem>>) semaphore(%arg15 : memref<!tpu.dma_semaphore, #tpu.memory_space<semaphore_mem>>) {add = true}
      %dma_wait3A_532 = arith.constant 0 : i32
      %dma_wait3A_533 = arith.constant 0 : i32
      %dma_wait3A_534 = tpu.memref_slice %arg3[%dma_wait3A_532, %dma_wait3A_533] : memref<10000x128xf32, #tpu.memory_space<hbm>> -> memref<128x128xf32, #tpu.memory_space<hbm>>
      %dma_wait3A_535 = arith.constant 0 : i32
      %dma_wait3A_536 = arith.constant 0 : i32
      %dma_wait3A_537 = tpu.memref_slice %arg3[%dma_wait3A_535, %dma_wait3A_536] : memref<10000x128xf32, #tpu.memory_space<hbm>> -> memref<128x128xf32, #tpu.memory_space<hbm>>
      tpu.wait_dma2 semaphore(%arg15 : memref<!tpu.dma_semaphore, #tpu.memory_space<semaphore_mem>>) src(%dma_wait3A_537 : memref<128x128xf32, #tpu.memory_space<hbm>>) dst(%arg8 : memref<128x128xf32, #tpu.memory_space<vmem>>)
      %dma_start3A_538 = arith.constant 4 : i32
      %dma_start3A_539 = arith.constant 0 : i32
      %dma_start3A_540 = tpu.memref_slice %arg7[%dma_start3A_538, %dma_start3A_539] : memref<8x128xi32, #tpu.memory_space<vmem>> -> memref<1x128xi32, #tpu.memory_space<vmem>>
      %dma_start3A_541 = tpu.memref_squeeze %dma_start3A_540 : memref<1x128xi32, #tpu.memory_space<vmem>> -> memref<128xi32, #tpu.memory_space<vmem>>
      %dma_start3A_542 = arith.constant 0 : i32
      %dma_start3A_543 = arith.constant 0 : i32
      %dma_start3A_544 = tpu.memref_slice %arg3[%dma_start3A_542, %dma_start3A_543] : memref<10000x128xf32, #tpu.memory_space<hbm>> -> memref<10000x128xf32, #tpu.memory_space<hbm>>
      tpu.enqueue_indirect_dma source(%dma_start3A_544 : memref<10000x128xf32, #tpu.memory_space<hbm>>) target(%arg8 : memref<128x128xf32, #tpu.memory_space<vmem>>) offsets(%dma_start3A_541 : memref<128xi32, #tpu.memory_space<vmem>>) semaphore(%arg13 : memref<!tpu.dma_semaphore, #tpu.memory_space<semaphore_mem>>)
      %dma_wait3A_545 = arith.constant 0 : i32
      %dma_wait3A_546 = arith.constant 0 : i32
      %dma_wait3A_547 = tpu.memref_slice %arg3[%dma_wait3A_545, %dma_wait3A_546] : memref<10000x128xf32, #tpu.memory_space<hbm>> -> memref<128x128xf32, #tpu.memory_space<hbm>>
      %dma_wait3A_548 = arith.constant 0 : i32
      %dma_wait3A_549 = arith.constant 0 : i32
      %dma_wait3A_550 = tpu.memref_slice %arg3[%dma_wait3A_548, %dma_wait3A_549] : memref<10000x128xf32, #tpu.memory_space<hbm>> -> memref<128x128xf32, #tpu.memory_space<hbm>>
      tpu.wait_dma2 semaphore(%arg14 : memref<!tpu.dma_semaphore, #tpu.memory_space<semaphore_mem>>) src(%dma_wait3A_550 : memref<128x128xf32, #tpu.memory_space<hbm>>) dst(%arg9 : memref<128x128xf32, #tpu.memory_space<vmem>>)
      %dma_start3A_551 = arith.constant 3 : i32
      %dma_start3A_552 = arith.constant 0 : i32
      %dma_start3A_553 = tpu.memref_slice %arg7[%dma_start3A_551, %dma_start3A_552] : memref<8x128xi32, #tpu.memory_space<vmem>> -> memref<1x128xi32, #tpu.memory_space<vmem>>
      %dma_start3A_554 = tpu.memref_squeeze %dma_start3A_553 : memref<1x128xi32, #tpu.memory_space<vmem>> -> memref<128xi32, #tpu.memory_space<vmem>>
      %dma_start3A_555 = arith.constant 0 : i32
      %dma_start3A_556 = arith.constant 0 : i32
      %dma_start3A_557 = tpu.memref_slice %arg5[%dma_start3A_555, %dma_start3A_556] : memref<10112x128xf32, #tpu.memory_space<vmem_shared>> -> memref<10112x128xf32, #tpu.memory_space<vmem_shared>>
      tpu.enqueue_indirect_dma source(%arg9 : memref<128x128xf32, #tpu.memory_space<vmem>>) target(%dma_start3A_557 : memref<10112x128xf32, #tpu.memory_space<vmem_shared>>) offsets(%dma_start3A_554 : memref<128xi32, #tpu.memory_space<vmem>>) semaphore(%arg16 : memref<!tpu.dma_semaphore, #tpu.memory_space<semaphore_mem>>) {add = true}
      %dma_wait3A_558 = arith.constant 0 : i32
      %dma_wait3A_559 = arith.constant 0 : i32
      %dma_wait3A_560 = tpu.memref_slice %arg3[%dma_wait3A_558, %dma_wait3A_559] : memref<10000x128xf32, #tpu.memory_space<hbm>> -> memref<128x128xf32, #tpu.memory_space<hbm>>
      %dma_wait3A_561 = arith.constant 0 : i32
      %dma_wait3A_562 = arith.constant 0 : i32
      %dma_wait3A_563 = tpu.memref_slice %arg3[%dma_wait3A_561, %dma_wait3A_562] : memref<10000x128xf32, #tpu.memory_space<hbm>> -> memref<128x128xf32, #tpu.memory_space<hbm>>
      tpu.wait_dma2 semaphore(%arg16 : memref<!tpu.dma_semaphore, #tpu.memory_space<semaphore_mem>>) src(%dma_wait3A_563 : memref<128x128xf32, #tpu.memory_space<hbm>>) dst(%arg9 : memref<128x128xf32, #tpu.memory_space<vmem>>)
      %dma_start3A_564 = arith.constant 6 : i32
      %dma_start3A_565 = arith.constant 0 : i32
      %dma_start3A_566 = tpu.memref_slice %arg7[%dma_start3A_564, %dma_start3A_565] : memref<8x128xi32, #tpu.memory_space<vmem>> -> memref<1x128xi32, #tpu.memory_space<vmem>>
      %dma_start3A_567 = tpu.memref_squeeze %dma_start3A_566 : memref<1x128xi32, #tpu.memory_space<vmem>> -> memref<128xi32, #tpu.memory_space<vmem>>
      %dma_start3A_568 = arith.constant 0 : i32
      %dma_start3A_569 = arith.constant 0 : i32
      %dma_start3A_570 = tpu.memref_slice %arg3[%dma_start3A_568, %dma_start3A_569] : memref<10000x128xf32, #tpu.memory_space<hbm>> -> memref<10000x128xf32, #tpu.memory_space<hbm>>
      tpu.enqueue_indirect_dma source(%dma_start3A_570 : memref<10000x128xf32, #tpu.memory_space<hbm>>) target(%arg9 : memref<128x128xf32, #tpu.memory_space<vmem>>) offsets(%dma_start3A_567 : memref<128xi32, #tpu.memory_space<vmem>>) semaphore(%arg14 : memref<!tpu.dma_semaphore, #tpu.memory_space<semaphore_mem>>)
      %dma_wait3A_571 = arith.constant 0 : i32
      %dma_wait3A_572 = arith.constant 0 : i32
      %dma_wait3A_573 = tpu.memref_slice %arg3[%dma_wait3A_571, %dma_wait3A_572] : memref<10000x128xf32, #tpu.memory_space<hbm>> -> memref<128x128xf32, #tpu.memory_space<hbm>>
      %dma_wait3A_574 = arith.constant 0 : i32
      %dma_wait3A_575 = arith.constant 0 : i32
      %dma_wait3A_576 = tpu.memref_slice %arg3[%dma_wait3A_574, %dma_wait3A_575] : memref<10000x128xf32, #tpu.memory_space<hbm>> -> memref<128x128xf32, #tpu.memory_space<hbm>>
      tpu.wait_dma2 semaphore(%arg13 : memref<!tpu.dma_semaphore, #tpu.memory_space<semaphore_mem>>) src(%dma_wait3A_576 : memref<128x128xf32, #tpu.memory_space<hbm>>) dst(%arg8 : memref<128x128xf32, #tpu.memory_space<vmem>>)
      %dma_start3A_577 = arith.constant 5 : i32
      %dma_start3A_578 = arith.constant 0 : i32
      %dma_start3A_579 = tpu.memref_slice %arg7[%dma_start3A_577, %dma_start3A_578] : memref<8x128xi32, #tpu.memory_space<vmem>> -> memref<1x128xi32, #tpu.memory_space<vmem>>
      %dma_start3A_580 = tpu.memref_squeeze %dma_start3A_579 : memref<1x128xi32, #tpu.memory_space<vmem>> -> memref<128xi32, #tpu.memory_space<vmem>>
      %dma_start3A_581 = arith.constant 0 : i32
      %dma_start3A_582 = arith.constant 0 : i32
      %dma_start3A_583 = tpu.memref_slice %arg5[%dma_start3A_581, %dma_start3A_582] : memref<10112x128xf32, #tpu.memory_space<vmem_shared>> -> memref<10112x128xf32, #tpu.memory_space<vmem_shared>>
      tpu.enqueue_indirect_dma source(%arg8 : memref<128x128xf32, #tpu.memory_space<vmem>>) target(%dma_start3A_583 : memref<10112x128xf32, #tpu.memory_space<vmem_shared>>) offsets(%dma_start3A_580 : memref<128xi32, #tpu.memory_space<vmem>>) semaphore(%arg15 : memref<!tpu.dma_semaphore, #tpu.memory_space<semaphore_mem>>) {add = true}
      %while3A_584 = arith.constant 0 : i32
      scf.yield %while3A_584 : i32
    }
    %dma_wait3A_285 = arith.constant 0 : i32
    %dma_wait3A_286 = arith.constant 0 : i32
    %dma_wait3A_287 = tpu.memref_slice %arg3[%dma_wait3A_285, %dma_wait3A_286] : memref<10000x128xf32, #tpu.memory_space<hbm>> -> memref<128x128xf32, #tpu.memory_space<hbm>>
    %dma_wait3A_288 = arith.constant 0 : i32
    %dma_wait3A_289 = arith.constant 0 : i32
    %dma_wait3A_290 = tpu.memref_slice %arg3[%dma_wait3A_288, %dma_wait3A_289] : memref<10000x128xf32, #tpu.memory_space<hbm>> -> memref<128x128xf32, #tpu.memory_space<hbm>>
    tpu.wait_dma2 semaphore(%arg14 : memref<!tpu.dma_semaphore, #tpu.memory_space<semaphore_mem>>) src(%dma_wait3A_290 : memref<128x128xf32, #tpu.memory_space<hbm>>) dst(%arg9 : memref<128x128xf32, #tpu.memory_space<vmem>>)
    %dma_start3A_291 = arith.constant 7 : i32
    %dma_start3A_292 = arith.constant 0 : i32
    %dma_start3A_293 = tpu.memref_slice %arg7[%dma_start3A_291, %dma_start3A_292] : memref<8x128xi32, #tpu.memory_space<vmem>> -> memref<1x128xi32, #tpu.memory_space<vmem>>
    %dma_start3A_294 = tpu.memref_squeeze %dma_start3A_293 : memref<1x128xi32, #tpu.memory_space<vmem>> -> memref<128xi32, #tpu.memory_space<vmem>>
    %dma_start3A_295 = arith.constant 0 : i32
    %dma_start3A_296 = arith.constant 0 : i32
    %dma_start3A_297 = tpu.memref_slice %arg5[%dma_start3A_295, %dma_start3A_296] : memref<10112x128xf32, #tpu.memory_space<vmem_shared>> -> memref<10112x128xf32, #tpu.memory_space<vmem_shared>>
    tpu.enqueue_indirect_dma source(%arg9 : memref<128x128xf32, #tpu.memory_space<vmem>>) target(%dma_start3A_297 : memref<10112x128xf32, #tpu.memory_space<vmem_shared>>) offsets(%dma_start3A_294 : memref<128xi32, #tpu.memory_space<vmem>>) semaphore(%arg16 : memref<!tpu.dma_semaphore, #tpu.memory_space<semaphore_mem>>) {add = true}
    %dma_wait3A_298 = arith.constant 0 : i32
    %dma_wait3A_299 = arith.constant 0 : i32
    %dma_wait3A_300 = tpu.memref_slice %arg3[%dma_wait3A_298, %dma_wait3A_299] : memref<10000x128xf32, #tpu.memory_space<hbm>> -> memref<128x128xf32, #tpu.memory_space<hbm>>
    %dma_wait3A_301 = arith.constant 0 : i32
    %dma_wait3A_302 = arith.constant 0 : i32
    %dma_wait3A_303 = tpu.memref_slice %arg3[%dma_wait3A_301, %dma_wait3A_302] : memref<10000x128xf32, #tpu.memory_space<hbm>> -> memref<128x128xf32, #tpu.memory_space<hbm>>
    tpu.wait_dma2 semaphore(%arg15 : memref<!tpu.dma_semaphore, #tpu.memory_space<semaphore_mem>>) src(%dma_wait3A_303 : memref<128x128xf32, #tpu.memory_space<hbm>>) dst(%arg8 : memref<128x128xf32, #tpu.memory_space<vmem>>)
    %dma_wait3A_304 = arith.constant 0 : i32
    %dma_wait3A_305 = arith.constant 0 : i32
    %dma_wait3A_306 = tpu.memref_slice %arg3[%dma_wait3A_304, %dma_wait3A_305] : memref<10000x128xf32, #tpu.memory_space<hbm>> -> memref<128x128xf32, #tpu.memory_space<hbm>>
    %dma_wait3A_307 = arith.constant 0 : i32
    %dma_wait3A_308 = arith.constant 0 : i32
    %dma_wait3A_309 = tpu.memref_slice %arg3[%dma_wait3A_307, %dma_wait3A_308] : memref<10000x128xf32, #tpu.memory_space<hbm>> -> memref<128x128xf32, #tpu.memory_space<hbm>>
    tpu.wait_dma2 semaphore(%arg16 : memref<!tpu.dma_semaphore, #tpu.memory_space<semaphore_mem>>) src(%dma_wait3A_309 : memref<128x128xf32, #tpu.memory_space<hbm>>) dst(%arg9 : memref<128x128xf32, #tpu.memory_space<vmem>>)
    %dma_wait3A_310 = arith.constant 0 : i32
    %dma_wait3A_311 = arith.constant 0 : i32
    %dma_wait3A_312 = tpu.memref_slice %arg2[%select_n3A_8, %dma_wait3A_310, %dma_wait3A_311] : memref<641x8x128xi32, #tpu.memory_space<hbm>> -> memref<1x8x128xi32, #tpu.memory_space<hbm>>
    %dma_wait3A_313 = tpu.memref_squeeze %dma_wait3A_312 : memref<1x8x128xi32, #tpu.memory_space<hbm>> -> memref<8x128xi32, #tpu.memory_space<hbm>>
    %dma_wait3A_314 = arith.constant 0 : i32
    %dma_wait3A_315 = arith.constant 0 : i32
    %dma_wait3A_316 = tpu.memref_slice %arg2[%select_n3A_8, %dma_wait3A_314, %dma_wait3A_315] : memref<641x8x128xi32, #tpu.memory_space<hbm>> -> memref<1x8x128xi32, #tpu.memory_space<hbm>>
    %dma_wait3A_317 = tpu.memref_squeeze %dma_wait3A_316 : memref<1x8x128xi32, #tpu.memory_space<hbm>> -> memref<8x128xi32, #tpu.memory_space<hbm>>
    tpu.wait_dma2 semaphore(%arg11 : memref<!tpu.dma_semaphore, #tpu.memory_space<semaphore_mem>>) src(%dma_wait3A_317 : memref<8x128xi32, #tpu.memory_space<hbm>>) dst(%arg6 : memref<8x128xi32, #tpu.memory_space<vmem>>)
    %barrier3A_318 = arith.constant 0 : index
    tpu.barrier barrier_id(%barrier3A_318)
    %scan3A_319 = arith.constant 0 : i32
    %scan3A_320 = arith.constant 0 : i32
    %scan3A_321 = arith.constant 7 : i32
    %scan3A_322 = arith.addi %scan3A_320, %scan3A_321 : i32
    %scan3A_323 = arith.constant 1 : i32
    %scan3A_324 = scf.for %scan3A_330 = %scan3A_320 to %scan3A_322 step %scan3A_323 iter_args(%scan3A_331 = %scan3A_319) -> (i32)  : i32 {
      %mul3A_332 = arith.constant 80 : i32
      %mul3A_333 = arith.muli %scan3A_330, %mul3A_332 : i32
      %add3A_334 = arith.addi %mul3A_17, %mul3A_333 : i32
      "tpu.region"() ({
        %run_scoped3A = tpu.sem_alloc : memref<!tpu.dma_semaphore, #tpu.memory_space<semaphore_mem>>
        %dma_start3A_339 = arith.constant 0 : i32
        %dma_start3A_340 = tpu.memref_slice %arg5[%add3A_334, %dma_start3A_339] : memref<10112x128xf32, #tpu.memory_space<vmem_shared>> -> memref<80x128xf32, #tpu.memory_space<vmem_shared>>
        %dma_start3A_341 = arith.constant 0 : i32
        %dma_start3A_342 = tpu.memref_slice %arg5[%add3A_334, %dma_start3A_341] : memref<10112x128xf32, #tpu.memory_space<vmem_shared>> -> memref<80x128xf32, #tpu.memory_space<vmem_shared>>
        tpu.enqueue_dma source(%dma_start3A_342 : memref<80x128xf32, #tpu.memory_space<vmem_shared>>) target(%arg10 : memref<80x128xf32, #tpu.memory_space<vmem>>) target_semaphore(%run_scoped3A : memref<!tpu.dma_semaphore, #tpu.memory_space<semaphore_mem>>)
        %dma_wait3A_343 = arith.constant 0 : i32
        %dma_wait3A_344 = tpu.memref_slice %arg5[%add3A_334, %dma_wait3A_343] : memref<10112x128xf32, #tpu.memory_space<vmem_shared>> -> memref<80x128xf32, #tpu.memory_space<vmem_shared>>
        %dma_wait3A_345 = arith.constant 0 : i32
        %dma_wait3A_346 = tpu.memref_slice %arg5[%add3A_334, %dma_wait3A_345] : memref<10112x128xf32, #tpu.memory_space<vmem_shared>> -> memref<80x128xf32, #tpu.memory_space<vmem_shared>>
        tpu.wait_dma2 semaphore(%run_scoped3A : memref<!tpu.dma_semaphore, #tpu.memory_space<semaphore_mem>>) src(%dma_wait3A_346 : memref<80x128xf32, #tpu.memory_space<vmem_shared>>) dst(%arg10 : memref<80x128xf32, #tpu.memory_space<vmem>>)
        tpu.yield
      }) : () -> ()
      %mul3A_335 = arith.constant 80 : i32
      %mul3A_336 = arith.muli %scan3A_330, %mul3A_335 : i32
      %add3A_337 = arith.addi %mul3A_17, %mul3A_336 : i32
      "tpu.region"() ({
        %run_scoped3A = tpu.sem_alloc : memref<!tpu.dma_semaphore, #tpu.memory_space<semaphore_mem>>
        %dma_start3A_339 = arith.constant 0 : i32
        %dma_start3A_340 = tpu.memref_slice %arg4[%arg0, %add3A_337, %dma_start3A_339] : memref<2x10112x128xf32, #tpu.memory_space<hbm>> -> memref<1x80x128xf32, #tpu.memory_space<hbm>>
        %dma_start3A_341 = tpu.memref_squeeze %dma_start3A_340 : memref<1x80x128xf32, #tpu.memory_space<hbm>> -> memref<80x128xf32, #tpu.memory_space<hbm>>
        %dma_start3A_342 = arith.constant 0 : i32
        %dma_start3A_343 = tpu.memref_slice %arg4[%arg0, %add3A_337, %dma_start3A_342] : memref<2x10112x128xf32, #tpu.memory_space<hbm>> -> memref<1x80x128xf32, #tpu.memory_space<hbm>>
        %dma_start3A_344 = tpu.memref_squeeze %dma_start3A_343 : memref<1x80x128xf32, #tpu.memory_space<hbm>> -> memref<80x128xf32, #tpu.memory_space<hbm>>
        tpu.enqueue_dma source(%arg10 : memref<80x128xf32, #tpu.memory_space<vmem>>) target(%dma_start3A_344 : memref<80x128xf32, #tpu.memory_space<hbm>>) target_semaphore(%run_scoped3A : memref<!tpu.dma_semaphore, #tpu.memory_space<semaphore_mem>>)
        %dma_wait3A_345 = arith.constant 0 : i32
        %dma_wait3A_346 = tpu.memref_slice %arg4[%arg0, %add3A_337, %dma_wait3A_345] : memref<2x10112x128xf32, #tpu.memory_space<hbm>> -> memref<1x80x128xf32, #tpu.memory_space<hbm>>
        %dma_wait3A_347 = tpu.memref_squeeze %dma_wait3A_346 : memref<1x80x128xf32, #tpu.memory_space<hbm>> -> memref<80x128xf32, #tpu.memory_space<hbm>>
        %dma_wait3A_348 = arith.constant 0 : i32
        %dma_wait3A_349 = tpu.memref_slice %arg4[%arg0, %add3A_337, %dma_wait3A_348] : memref<2x10112x128xf32, #tpu.memory_space<hbm>> -> memref<1x80x128xf32, #tpu.memory_space<hbm>>
        %dma_wait3A_350 = tpu.memref_squeeze %dma_wait3A_349 : memref<1x80x128xf32, #tpu.memory_space<hbm>> -> memref<80x128xf32, #tpu.memory_space<hbm>>
        tpu.wait_dma2 semaphore(%run_scoped3A : memref<!tpu.dma_semaphore, #tpu.memory_space<semaphore_mem>>) src(%arg10 : memref<80x128xf32, #tpu.memory_space<vmem>>) dst(%dma_wait3A_350 : memref<80x128xf32, #tpu.memory_space<hbm>>)
        tpu.yield
      }) : () -> ()
      %scan3A_338 = arith.constant 0 : i32
      scf.yield %scan3A_338 : i32
    }
    %scan3A_325 = arith.constant 7 : i32
    %add3A_326 = arith.constant 560 : i32
    %add3A_327 = arith.addi %mul3A_17, %add3A_326 : i32
    "tpu.region"() ({
      %run_scoped3A = tpu.sem_alloc : memref<!tpu.dma_semaphore, #tpu.memory_space<semaphore_mem>>
      %dma_start3A_330 = arith.constant 0 : i32
      %dma_start3A_331 = arith.constant 0 : i32
      %dma_start3A_332 = tpu.memref_slice %arg10[%dma_start3A_330, %dma_start3A_331] : memref<80x128xf32, #tpu.memory_space<vmem>> -> memref<72x128xf32, #tpu.memory_space<vmem>>
      %dma_start3A_333 = arith.constant 0 : i32
      %dma_start3A_334 = tpu.memref_slice %arg5[%add3A_327, %dma_start3A_333] : memref<10112x128xf32, #tpu.memory_space<vmem_shared>> -> memref<72x128xf32, #tpu.memory_space<vmem_shared>>
      %dma_start3A_335 = arith.constant 0 : i32
      %dma_start3A_336 = arith.constant 0 : i32
      %dma_start3A_337 = tpu.memref_slice %arg10[%dma_start3A_335, %dma_start3A_336] : memref<80x128xf32, #tpu.memory_space<vmem>> -> memref<72x128xf32, #tpu.memory_space<vmem>>
      %dma_start3A_338 = arith.constant 0 : i32
      %dma_start3A_339 = tpu.memref_slice %arg5[%add3A_327, %dma_start3A_338] : memref<10112x128xf32, #tpu.memory_space<vmem_shared>> -> memref<72x128xf32, #tpu.memory_space<vmem_shared>>
      tpu.enqueue_dma source(%dma_start3A_339 : memref<72x128xf32, #tpu.memory_space<vmem_shared>>) target(%dma_start3A_337 : memref<72x128xf32, #tpu.memory_space<vmem>>) target_semaphore(%run_scoped3A : memref<!tpu.dma_semaphore, #tpu.memory_space<semaphore_mem>>)
      %dma_wait3A_340 = arith.constant 0 : i32
      %dma_wait3A_341 = arith.constant 0 : i32
      %dma_wait3A_342 = tpu.memref_slice %arg10[%dma_wait3A_340, %dma_wait3A_341] : memref<80x128xf32, #tpu.memory_space<vmem>> -> memref<72x128xf32, #tpu.memory_space<vmem>>
      %dma_wait3A_343 = arith.constant 0 : i32
      %dma_wait3A_344 = tpu.memref_slice %arg5[%add3A_327, %dma_wait3A_343] : memref<10112x128xf32, #tpu.memory_space<vmem_shared>> -> memref<72x128xf32, #tpu.memory_space<vmem_shared>>
      %dma_wait3A_345 = arith.constant 0 : i32
      %dma_wait3A_346 = arith.constant 0 : i32
      %dma_wait3A_347 = tpu.memref_slice %arg10[%dma_wait3A_345, %dma_wait3A_346] : memref<80x128xf32, #tpu.memory_space<vmem>> -> memref<72x128xf32, #tpu.memory_space<vmem>>
      %dma_wait3A_348 = arith.constant 0 : i32
      %dma_wait3A_349 = tpu.memref_slice %arg5[%add3A_327, %dma_wait3A_348] : memref<10112x128xf32, #tpu.memory_space<vmem_shared>> -> memref<72x128xf32, #tpu.memory_space<vmem_shared>>
      tpu.wait_dma2 semaphore(%run_scoped3A : memref<!tpu.dma_semaphore, #tpu.memory_space<semaphore_mem>>) src(%dma_wait3A_349 : memref<72x128xf32, #tpu.memory_space<vmem_shared>>) dst(%dma_wait3A_347 : memref<72x128xf32, #tpu.memory_space<vmem>>)
      tpu.yield
    }) : () -> ()
    %add3A_328 = arith.constant 560 : i32
    %add3A_329 = arith.addi %mul3A_17, %add3A_328 : i32
    "tpu.region"() ({
      %run_scoped3A = tpu.sem_alloc : memref<!tpu.dma_semaphore, #tpu.memory_space<semaphore_mem>>
      %dma_start3A_330 = arith.constant 0 : i32
      %dma_start3A_331 = arith.constant 0 : i32
      %dma_start3A_332 = tpu.memref_slice %arg10[%dma_start3A_330, %dma_start3A_331] : memref<80x128xf32, #tpu.memory_space<vmem>> -> memref<72x128xf32, #tpu.memory_space<vmem>>
      %dma_start3A_333 = arith.constant 0 : i32
      %dma_start3A_334 = tpu.memref_slice %arg4[%arg0, %add3A_329, %dma_start3A_333] : memref<2x10112x128xf32, #tpu.memory_space<hbm>> -> memref<1x72x128xf32, #tpu.memory_space<hbm>>
      %dma_start3A_335 = tpu.memref_squeeze %dma_start3A_334 : memref<1x72x128xf32, #tpu.memory_space<hbm>> -> memref<72x128xf32, #tpu.memory_space<hbm>>
      %dma_start3A_336 = arith.constant 0 : i32
      %dma_start3A_337 = tpu.memref_slice %arg4[%arg0, %add3A_329, %dma_start3A_336] : memref<2x10112x128xf32, #tpu.memory_space<hbm>> -> memref<1x72x128xf32, #tpu.memory_space<hbm>>
      %dma_start3A_338 = tpu.memref_squeeze %dma_start3A_337 : memref<1x72x128xf32, #tpu.memory_space<hbm>> -> memref<72x128xf32, #tpu.memory_space<hbm>>
      %dma_start3A_339 = arith.constant 0 : i32
      %dma_start3A_340 = arith.constant 0 : i32
      %dma_start3A_341 = tpu.memref_slice %arg10[%dma_start3A_339, %dma_start3A_340] : memref<80x128xf32, #tpu.memory_space<vmem>> -> memref<72x128xf32, #tpu.memory_space<vmem>>
      tpu.enqueue_dma source(%dma_start3A_341 : memref<72x128xf32, #tpu.memory_space<vmem>>) target(%dma_start3A_338 : memref<72x128xf32, #tpu.memory_space<hbm>>) target_semaphore(%run_scoped3A : memref<!tpu.dma_semaphore, #tpu.memory_space<semaphore_mem>>)
      %dma_wait3A_342 = arith.constant 0 : i32
      %dma_wait3A_343 = arith.constant 0 : i32
      %dma_wait3A_344 = tpu.memref_slice %arg10[%dma_wait3A_342, %dma_wait3A_343] : memref<80x128xf32, #tpu.memory_space<vmem>> -> memref<72x128xf32, #tpu.memory_space<vmem>>
      %dma_wait3A_345 = arith.constant 0 : i32
      %dma_wait3A_346 = tpu.memref_slice %arg4[%arg0, %add3A_329, %dma_wait3A_345] : memref<2x10112x128xf32, #tpu.memory_space<hbm>> -> memref<1x72x128xf32, #tpu.memory_space<hbm>>
      %dma_wait3A_347 = tpu.memref_squeeze %dma_wait3A_346 : memref<1x72x128xf32, #tpu.memory_space<hbm>> -> memref<72x128xf32, #tpu.memory_space<hbm>>
      %dma_wait3A_348 = arith.constant 0 : i32
      %dma_wait3A_349 = tpu.memref_slice %arg4[%arg0, %add3A_329, %dma_wait3A_348] : memref<2x10112x128xf32, #tpu.memory_space<hbm>> -> memref<1x72x128xf32, #tpu.memory_space<hbm>>
      %dma_wait3A_350 = tpu.memref_squeeze %dma_wait3A_349 : memref<1x72x128xf32, #tpu.memory_space<hbm>> -> memref<72x128xf32, #tpu.memory_space<hbm>>
      %dma_wait3A_351 = arith.constant 0 : i32
      %dma_wait3A_352 = arith.constant 0 : i32
      %dma_wait3A_353 = tpu.memref_slice %arg10[%dma_wait3A_351, %dma_wait3A_352] : memref<80x128xf32, #tpu.memory_space<vmem>> -> memref<72x128xf32, #tpu.memory_space<vmem>>
      tpu.wait_dma2 semaphore(%run_scoped3A : memref<!tpu.dma_semaphore, #tpu.memory_space<semaphore_mem>>) src(%dma_wait3A_353 : memref<72x128xf32, #tpu.memory_space<vmem>>) dst(%dma_wait3A_350 : memref<72x128xf32, #tpu.memory_space<hbm>>)
      tpu.yield
    }) : () -> ()
    return
  }
}

module attributes {stable_mosaic.version = 14 : i64} {
  func.func @_tc_scale0(%arg0: memref<2x10000x16xf32, #tpu.memory_space<vmem>>, %arg1: memref<10000x128xf32, #tpu.memory_space<vmem>>, %arg2: memref<10000x1xf32, #tpu.memory_space<vmem>>, %arg3: memref<10000x128xf32, #tpu.memory_space<vmem>>) attributes {dimension_semantics = [], scalar_prefetch = 0 : i64, scratch_operands = 0 : i64, tpu.core_type = #tpu.core_type<tc>} {
    %get3A = arith.constant 0 : index
    %get3A_0 = arith.constant 0 : index
    %get3A_1 = arith.constant 0 : index
    %get3A_2 = vector.load %arg0[%get3A, %get3A_0, %get3A_1] : memref<2x10000x16xf32, #tpu.memory_space<vmem>>, vector<1x10000x1xf32>
    %get3A_3 = vector.shape_cast %get3A_2 : vector<1x10000x1xf32> to vector<10000x1xf32>
    %add3A = arith.constant 1.000000e+00 : f32
    %add3A_4 = vector.broadcast %add3A : f32 to vector<10000x1xf32>
    %add3A_5 = arith.addf %add3A_4, %get3A_3 : vector<10000x1xf32>
    %get3A_6 = arith.constant 1 : index
    %get3A_7 = arith.constant 0 : index
    %get3A_8 = arith.constant 0 : index
    %get3A_9 = vector.load %arg0[%get3A_6, %get3A_7, %get3A_8] : memref<2x10000x16xf32, #tpu.memory_space<vmem>>, vector<1x10000x1xf32>
    %get3A_10 = vector.shape_cast %get3A_9 : vector<1x10000x1xf32> to vector<10000x1xf32>
    %add3A_11 = arith.addf %add3A_5, %get3A_10 : vector<10000x1xf32>
    %rsqrt3A = math.rsqrt %add3A_11 : vector<10000x1xf32>
    %swap3A = arith.constant 0 : index
    %swap3A_12 = arith.constant 0 : index
    %swap3A_13 = vector.load %arg2[%swap3A, %swap3A_12] : memref<10000x1xf32, #tpu.memory_space<vmem>>, vector<10000x1xf32>
    tpu.vector_store %arg2[%swap3A, %swap3A_12], %rsqrt3A {strides = array<i32>} : memref<10000x1xf32, #tpu.memory_space<vmem>>, vector<10000x1xf32>,
    %get3A_14 = arith.constant 0 : index
    %get3A_15 = arith.constant 0 : index
    %get3A_16 = vector.load %arg1[%get3A_14, %get3A_15] : memref<10000x128xf32, #tpu.memory_space<vmem>>, vector<10000x128xf32>
    %mul3A = vector.broadcast %rsqrt3A : vector<10000x1xf32> to vector<10000x128xf32>
    %mul3A_17 = arith.mulf %get3A_16, %mul3A : vector<10000x128xf32>
    %swap3A_18 = arith.constant 0 : index
    %swap3A_19 = arith.constant 0 : index
    %swap3A_20 = vector.load %arg3[%swap3A_18, %swap3A_19] : memref<10000x128xf32, #tpu.memory_space<vmem>>, vector<10000x128xf32>
    tpu.vector_store %arg3[%swap3A_18, %swap3A_19], %mul3A_17 {strides = array<i32>} : memref<10000x128xf32, #tpu.memory_space<vmem>>, vector<10000x128xf32>,
    return
  }
}

module attributes {stable_mosaic.version = 14 : i64} {
  func.func @_tc_scale1(%arg0: i32, %arg1: memref<2x2000x128xf32, #tpu.memory_space<vmem>>, %arg2: memref<2000x128xf32, #tpu.memory_space<vmem>>, %arg3: memref<2000x1xf32, #tpu.memory_space<vmem>>, %arg4: memref<2000x128xf32, #tpu.memory_space<vmem>>) attributes {dimension_semantics = [#tpu.dimension_semantics<arbitrary>], iteration_bounds = array<i64: 5>, scalar_prefetch = 0 : i64, scratch_operands = 0 : i64, tpu.core_type = #tpu.core_type<tc>, window_params = [{transform_indices = @transform_0, window_bounds = array<i64: 2, 2000, 128>}, {transform_indices = @transform_1, window_bounds = array<i64: 2000, 128>}, {transform_indices = @transform_2, window_bounds = array<i64: 2000, 1>}, {transform_indices = @transform_3, window_bounds = array<i64: 2000, 128>}]} {
    %get3A = arith.constant 0 : index
    %get3A_0 = arith.constant 0 : index
    %get3A_1 = vector.load %arg3[%get3A, %get3A_0] : memref<2000x1xf32, #tpu.memory_space<vmem>>, vector<2000x1xf32>
    %get3A_2 = arith.constant 0 : index
    %get3A_3 = arith.constant 0 : index
    %get3A_4 = arith.constant 0 : index
    %get3A_5 = vector.load %arg1[%get3A_2, %get3A_3, %get3A_4] : memref<2x2000x128xf32, #tpu.memory_space<vmem>>, vector<1x2000x128xf32>
    %get3A_6 = vector.shape_cast %get3A_5 : vector<1x2000x128xf32> to vector<2000x128xf32>
    %get3A_7 = arith.constant 1 : index
    %get3A_8 = arith.constant 0 : index
    %get3A_9 = arith.constant 0 : index
    %get3A_10 = vector.load %arg1[%get3A_7, %get3A_8, %get3A_9] : memref<2x2000x128xf32, #tpu.memory_space<vmem>>, vector<1x2000x128xf32>
    %get3A_11 = vector.shape_cast %get3A_10 : vector<1x2000x128xf32> to vector<2000x128xf32>
    %add3A = arith.addf %get3A_6, %get3A_11 : vector<2000x128xf32>
    %get3A_12 = arith.constant 0 : index
    %get3A_13 = arith.constant 0 : index
    %get3A_14 = vector.load %arg2[%get3A_12, %get3A_13] : memref<2000x128xf32, #tpu.memory_space<vmem>>, vector<2000x128xf32>
    %add3A_15 = arith.addf %add3A, %get3A_14 : vector<2000x128xf32>
    %mul3A = arith.mulf %get3A_1, %get3A_1 : vector<2000x1xf32>
    %mul3A_16 = vector.broadcast %mul3A : vector<2000x1xf32> to vector<2000x128xf32>
    %mul3A_17 = arith.mulf %add3A_15, %mul3A_16 : vector<2000x128xf32>
    %swap3A = arith.constant 0 : index
    %swap3A_18 = arith.constant 0 : index
    %swap3A_19 = vector.load %arg4[%swap3A, %swap3A_18] : memref<2000x128xf32, #tpu.memory_space<vmem>>, vector<2000x128xf32>
    tpu.vector_store %arg4[%swap3A, %swap3A_18], %mul3A_17 {strides = array<i32>} : memref<2000x128xf32, #tpu.memory_space<vmem>>, vector<2000x128xf32>,
    return
  }
  func.func @transform_0(%arg0: i32) -> (i32, i32, i32) {
    %c0_i32 = arith.constant 0 : i32
    %c0_i32_0 = arith.constant 0 : i32
    %c0_i32_1 = arith.constant 0 : i32
    return %c0_i32, %arg0, %c0_i32_0 : i32, i32, i32
  }
  func.func @transform_1(%arg0: i32) -> (i32, i32) {
    %c0_i32 = arith.constant 0 : i32
    %c0_i32_0 = arith.constant 0 : i32
    return %arg0, %c0_i32 : i32, i32
  }
  func.func @transform_2(%arg0: i32) -> (i32, i32) {
    %c0_i32 = arith.constant 0 : i32
    %c0_i32_0 = arith.constant 0 : i32
    return %arg0, %c0_i32 : i32, i32
  }
  func.func @transform_3(%arg0: i32) -> (i32, i32) {
    %c0_i32 = arith.constant 0 : i32
    %c0_i32_0 = arith.constant 0 : i32
    return %arg0, %c0_i32 : i32, i32
  }
}

module attributes {stable_mosaic.version = 14 : i64} {
  func.func @_tc_final(%arg0: i32, %arg1: memref<2x2000x128xf32, #tpu.memory_space<vmem>>, %arg2: memref<2000x128xf32, #tpu.memory_space<vmem>>, %arg3: memref<2000x1xf32, #tpu.memory_space<vmem>>, %arg4: memref<128x128xf32, #tpu.memory_space<vmem>>, %arg5: memref<1x128xf32, #tpu.memory_space<vmem>>, %arg6: memref<2000x128xf32, #tpu.memory_space<vmem>>) attributes {dimension_semantics = [#tpu.dimension_semantics<arbitrary>], iteration_bounds = array<i64: 5>, scalar_prefetch = 0 : i64, scratch_operands = 0 : i64, tpu.core_type = #tpu.core_type<tc>, window_params = [{transform_indices = @transform_0, window_bounds = array<i64: 2, 2000, 128>}, {transform_indices = @transform_1, window_bounds = array<i64: 2000, 128>}, {transform_indices = @transform_2, window_bounds = array<i64: 2000, 1>}, {pipeline_mode = #tpu.pipeline_mode<synchronous>, transform_indices = @transform_3, window_bounds = array<i64: 128, 128>}, {pipeline_mode = #tpu.pipeline_mode<synchronous>, transform_indices = @transform_4, window_bounds = array<i64: 1, 128>}, {transform_indices = @transform_5, window_bounds = array<i64: 2000, 128>}]} {
    %get3A = arith.constant 0 : index
    %get3A_0 = arith.constant 0 : index
    %get3A_1 = arith.constant 0 : index
    %get3A_2 = vector.load %arg1[%get3A, %get3A_0, %get3A_1] : memref<2x2000x128xf32, #tpu.memory_space<vmem>>, vector<1x2000x128xf32>
    %get3A_3 = vector.shape_cast %get3A_2 : vector<1x2000x128xf32> to vector<2000x128xf32>
    %get3A_4 = arith.constant 1 : index
    %get3A_5 = arith.constant 0 : index
    %get3A_6 = arith.constant 0 : index
    %get3A_7 = vector.load %arg1[%get3A_4, %get3A_5, %get3A_6] : memref<2x2000x128xf32, #tpu.memory_space<vmem>>, vector<1x2000x128xf32>
    %get3A_8 = vector.shape_cast %get3A_7 : vector<1x2000x128xf32> to vector<2000x128xf32>
    %add3A = arith.addf %get3A_3, %get3A_8 : vector<2000x128xf32>
    %get3A_9 = arith.constant 0 : index
    %get3A_10 = arith.constant 0 : index
    %get3A_11 = vector.load %arg2[%get3A_9, %get3A_10] : memref<2000x128xf32, #tpu.memory_space<vmem>>, vector<2000x128xf32>
    %add3A_12 = arith.addf %add3A, %get3A_11 : vector<2000x128xf32>
    %get3A_13 = arith.constant 0 : index
    %get3A_14 = arith.constant 0 : index
    %get3A_15 = vector.load %arg3[%get3A_13, %get3A_14] : memref<2000x1xf32, #tpu.memory_space<vmem>>, vector<2000x1xf32>
    %mul3A = vector.broadcast %get3A_15 : vector<2000x1xf32> to vector<2000x128xf32>
    %mul3A_16 = arith.mulf %add3A_12, %mul3A : vector<2000x128xf32>
    %get3A_17 = arith.constant 0 : index
    %get3A_18 = arith.constant 0 : index
    %get3A_19 = vector.load %arg4[%get3A_17, %get3A_18] : memref<128x128xf32, #tpu.memory_space<vmem>>, vector<128x128xf32>
    %dot_general3A = arith.constant dense<0.000000e+00> : vector<2000x128xf32>
    %dot_general3A_20 = tpu.matmul %mul3A_16, %get3A_19, %dot_general3A {dimension_numbers = #tpu.dot_dimension_numbers<[1], [0], [0], [1], [0, 0, 1, 1], [], []>, transpose_lhs_hint = false} : vector<2000x128xf32>, vector<128x128xf32>, vector<2000x128xf32> -> vector<2000x128xf32>
    %get3A_21 = arith.constant 0 : index
    %get3A_22 = arith.constant 0 : index
    %get3A_23 = vector.load %arg5[%get3A_21, %get3A_22] : memref<1x128xf32, #tpu.memory_space<vmem>>, vector<1x128xf32>
    %add3A_24 = vector.broadcast %get3A_23 : vector<1x128xf32> to vector<2000x128xf32>
    %add3A_25 = arith.addf %dot_general3A_20, %add3A_24 : vector<2000x128xf32>
    %swap3A = arith.constant 0 : index
    %swap3A_26 = arith.constant 0 : index
    %swap3A_27 = vector.load %arg6[%swap3A, %swap3A_26] : memref<2000x128xf32, #tpu.memory_space<vmem>>, vector<2000x128xf32>
    tpu.vector_store %arg6[%swap3A, %swap3A_26], %add3A_25 {strides = array<i32>} : memref<2000x128xf32, #tpu.memory_space<vmem>>, vector<2000x128xf32>,
    return
  }
  func.func @transform_0(%arg0: i32) -> (i32, i32, i32) {
    %c0_i32 = arith.constant 0 : i32
    %c0_i32_0 = arith.constant 0 : i32
    %c0_i32_1 = arith.constant 0 : i32
    return %c0_i32, %arg0, %c0_i32_0 : i32, i32, i32
  }
  func.func @transform_1(%arg0: i32) -> (i32, i32) {
    %c0_i32 = arith.constant 0 : i32
    %c0_i32_0 = arith.constant 0 : i32
    return %arg0, %c0_i32 : i32, i32
  }
  func.func @transform_2(%arg0: i32) -> (i32, i32) {
    %c0_i32 = arith.constant 0 : i32
    %c0_i32_0 = arith.constant 0 : i32
    return %arg0, %c0_i32 : i32, i32
  }
  func.func @transform_3(%arg0: i32) -> (i32, i32) {
    %c0_i32 = arith.constant 0 : i32
    %c0_i32_0 = arith.constant 0 : i32
    %c0_i32_1 = arith.constant 0 : i32
    return %c0_i32, %c0_i32_0 : i32, i32
  }
  func.func @transform_4(%arg0: i32) -> (i32, i32) {
    %c0_i32 = arith.constant 0 : i32
    %c0_i32_0 = arith.constant 0 : i32
    %c0_i32_1 = arith.constant 0 : i32
    return %c0_i32, %c0_i32_0 : i32, i32
  }
  func.func @transform_5(%arg0: i32) -> (i32, i32) {
    %c0_i32 = arith.constant 0 : i32
    %c0_i32_0 = arith.constant 0 : i32
    return %arg0, %c0_i32 : i32, i32
  }
}

</mosaic_0001>

<sc_bundles>
// kernel: kernel.11.cloned.1.call-start
scs
__scs_entry_jumppad:
0x0: {  	(pc) =	sbr.rel $0x88, $3  }
0x1: {  	(tag) =	ssettag $0x0;
	lr =	simm.s32 $0x1  }
0x2: {  	[smem:$0x3F9D] =	sst lr;
	_ =	strace $0xD0000000  }
0x3: {  	_ = 	snop  }
0x4: {  	_ = 	snop  }
0x5: {  	_ = 	snop  }
0x6: {  	_ = 	snop  }
0x7: {  	_ = 	snop  }
__scs_overlays_trampoline_lowered:
0x8: {  	[smem:$0x3FAC] =	sst s0  }
0x9: {  	[smem:$0x3FAD] =	sst s1  }
0xa: {  	[smem:$0x3FAE] =	sst s2  }
0xb: {  	[smem:$0x3FAF] =	sst s3  }
0xc: {  	[smem:$0x3FB0] =	sst s4  }
0xd: {  	[smem:$0x3FB1] =	sst s5  }
0xe: {  	[smem:$0x3FB2] =	sst s6  }
0xf: {  	[smem:$0x3FB3] =	sst s7  }
0x10: {  	[smem:$0x3FB4] =	sst s8  }
0x11: {  	[smem:$0x3FB5] =	sst s9;
	s0 =	simm.s32 @!p0 $0x0  }
0x12: {  	s1 =	sld [smem:$0x3F9B];
	s0 =	simm.s32 @p0 $0x1  }
0x13: {  	[smem:$0x3FB6] =	sst s0;
	s0 =	simm.s32 @!p1 $0x0  }
0x14: {  	s2 =	sld [smem:$0x3F9A];
	s0 =	simm.s32 @p1 $0x1  }
0x15: {  	[smem:$0x3FB7] =	sst s0;
	s0 =	simm.s32 @!p2 $0x0  }
0x16: {  	s3 =	sld [smem:$0x3FDB];
	s0 =	simm.s32 @p2 $0x1  }
0x17: {  	s4 =	simm.s32 $0x1BF5;
	[smem:$0x3FB9] =	sst s0  }
0x18: {  	s0 =	sld [smem:$0x3F9C];
	_ =	swait.ge [sflag:s4], $0x0  }
0x19: {  	s7 =	sld [smem:$0x3F9D]  }
0x1a: {  	s8 =	sadd.s32 $0xFFFFE003, lr  }
0x1b: {  	s9 =	sadd.s32 $0xFFFFFEF7, lr;
	s5 =	simm.s32 $0xFFFFFFFF;
	p2 =	slt.u32 s8, $0xFFFFF086  }
0x1c: {  	p1 =	slt.u32 s9, $0xF7A;
	s5 =	simm.s32 @!p2 $0x0  }
0x1d: {  	s5 =	simm.s32 @p1 $0x1;
	p0 =	seq.s32 s7, s2  }
0x1e: {  	s7 =	smul.u32 @!p0 $0xF7A, s2;
	p2 =	seq.s32 @!p0 s5, $0x0  }
0x1f: {  	s9 =	smul.u32 $0xF7A, s1;
	s8 =	simm.s32 @!p0 $0x1BF5;
	p2 =	por !p2, p0  }
0x20: {  	[sflag:s8] =	ssyncset.s32 @!p0 $0xFFFFF086;
	s6 =	sadd.s32 @!p0 s3, s7;
	s7 =	simm.s32 @!p0 $0x108  }
0x21: {  	s3 =	sadd.s32 s3, s9;
	s6 =	sadd.s32 @!p0 $0x88, s6;
	s7 =	simm.s32 @p2 $0x1082  }
0x22: {  	[simem:s7], [sflag:s8] =	dma.local @!p0 [hbm:s6], $0xF7A  }
0x23: {  	s9 =	sor.u32 $0xD0000000, s2;
	s6 =	simm.s32 $0x108;
	_ =	swait.ge @!p0 [sflag:s8], $0x0  }
0x24: {  	s3 =	sadd.s32 $0x88, s3;
	s6 =	simm.s32 @!p1 $0x1082;
	[sflag:s4] =	ssyncset.s32 $0xFFFFF086  }
0x25: {  	[simem:s6], [sflag:s4] =	dma.local [hbm:s3], $0xF7A  }
0x26: {  	[smem:$0x3F9D] =	sst s1;
	(tag) =	ssettag s2;
	_ =	strace s9  }
0x27: {  	s1 =	sld [smem:$0x3FAD]  }
0x28: {  	s2 =	sld [smem:$0x3FAE]  }
0x29: {  	s4 =	sld [smem:$0x3FB0]  }
0x2a: {  	p0 =	seq.s32 s5, $0x0;
	s5 =	sld [smem:$0x3FB1]  }
0x2b: {  	s6 =	sld [smem:$0x3FB2]  }
0x2c: {  	s7 =	sld [smem:$0x3FB3]  }
0x2d: {  	s3 =	simm.s32 $0x108;
	s8 =	sld [smem:$0x3FB4]  }
0x2e: {  	s3 =	simm.s32 @!p0 $0x1082;
	s9 =	sld [smem:$0x3FB5]  }
0x2f: {  	lr =	sadd.s32 s0, s3;
	s0 =	sld [smem:$0x3FAC]  }
0x30: {  	s3 =	sld [smem:$0x3FAF]  }
0x31: {  	[smem:$0x3FB8] =	sst s10  }
0x32: {  	s10 =	sld [smem:$0x3FB6];
	_ =	sdelay $0x3  }
0x33: {  	p0 =	seq.s32 s10, $0x1;
	s10 =	sld [smem:$0x3FB8];
	_ =	sdelay $0x3  }
0x34: {  	[smem:$0x3FB8] =	sst s10  }
0x35: {  	s10 =	sld [smem:$0x3FB7];
	_ =	sdelay $0x3  }
0x36: {  	p1 =	seq.s32 s10, $0x1;
	s10 =	sld [smem:$0x3FB8];
	_ =	sdelay $0x3  }
0x37: {  	[smem:$0x3FB8] =	sst s10  }
0x38: {  	s10 =	sld [smem:$0x3FB9]  }
0x39: {  	_ = 	snop;
	(pc) =	sbr.ind lr, $3  }
0x3a: {  	_ = 	snop  }
0x3b: {  	_ = 	snop  }
0x3c: {  	p2 =	seq.s32 s10, $0x1;
	s10 =	sld [smem:$0x3FB8]  }
0x3d: {  	_ =	shalt  }
0x3e: {  	_ =	shalt  }
0x3f: {  	_ =	shalt  }
0x40: {  	_ =	shalt  }
0x41: {  	_ =	shalt  }
0x42: {  	_ =	shalt  }
0x43: {  	_ =	shalt  }
0x44: {  	_ =	shalt  }
0x45: {  	_ =	shalt  }
0x46: {  	_ =	shalt  }
0x47: {  	_ =	shalt  }
0x48: {  	_ =	shalt  }
0x49: {  	_ =	shalt  }
0x4a: {  	_ =	shalt  }
0x4b: {  	_ =	shalt  }
0x4c: {  	_ =	shalt  }
0x4d: {  	_ =	shalt  }
0x4e: {  	_ =	shalt  }
0x4f: {  	_ =	shalt  }
0x50: {  	_ =	shalt  }
0x51: {  	_ =	shalt  }
0x52: {  	_ =	shalt  }
0x53: {  	_ =	shalt  }
0x54: {  	_ =	shalt  }
0x55: {  	_ =	shalt  }
0x56: {  	_ =	shalt  }
0x57: {  	_ =	shalt  }
0x58: {  	_ =	shalt  }
0x59: {  	_ =	shalt  }
0x5a: {  	_ =	shalt  }
0x5b: {  	_ =	shalt  }
0x5c: {  	_ =	shalt  }
0x5d: {  	_ =	shalt  }
0x5e: {  	_ =	shalt  }
0x5f: {  	_ =	shalt  }
0x60: {  	_ =	shalt  }
0x61: {  	_ =	shalt  }
0x62: {  	_ =	shalt  }
0x63: {  	_ =	shalt  }
0x64: {  	_ =	shalt  }
0x65: {  	_ =	shalt  }
0x66: {  	_ =	shalt  }
0x67: {  	_ =	shalt  }
0x68: {  	_ =	shalt  }
0x69: {  	_ =	shalt  }
0x6a: {  	_ =	shalt  }
0x6b: {  	_ =	shalt  }
0x6c: {  	_ =	shalt  }
0x6d: {  	_ =	shalt  }
0x6e: {  	_ =	shalt  }
0x6f: {  	_ =	shalt  }
0x70: {  	_ =	shalt  }
0x71: {  	_ =	shalt  }
0x72: {  	_ =	shalt  }
0x73: {  	_ =	shalt  }
0x74: {  	_ =	shalt  }
0x75: {  	_ =	shalt  }
0x76: {  	_ =	shalt  }
0x77: {  	_ =	shalt  }
0x78: {  	_ =	shalt  }
0x79: {  	_ =	shalt  }
0x7a: {  	_ =	shalt  }
0x7b: {  	_ =	shalt  }
0x7c: {  	_ =	shalt  }
0x7d: {  	_ =	shalt  }
0x7e: {  	_ =	shalt  }
0x7f: {  	_ =	shalt  }
0x80: {  	_ =	shalt  }
0x81: {  	_ =	shalt  }
0x82: {  	_ =	shalt  }
0x83: {  	_ =	shalt  }
0x84: {  	_ =	shalt  }
0x85: {  	_ =	shalt  }
0x86: {  	_ =	shalt  }
0x87: {  	_ =	shalt  }
.Lfunc_end0:
.L_simem_size_0:
called_computation.1_lowered:
.L_overlay_start_0:
0x88: {  	s2 =	sld [smem:$0x3FD9]  }
0x89: {  	s3 =	sld [smem:$0x3FFE];
	_ =	sdelay $0x1  }
0x8a: {  	s1 =	srdreg.scid  }
0x8b: {  	s0 =	sand.u32 $0x1, s1  }
0x8c: {  	s17 =	sshll.u32 s0, $0xA;
	s2 =	sadd.s32 s3, s2  }
0x8d: {  	s2 =	sadd.s32 s2, s17  }
0x8e: {  	[smem:$0x3FC4] =	sst s2  }
0x8f: {  	_ = 	snop  }
0x90: {  	s2 =	sld [smem:$0x3FD0];
	(tm) =	ssettm $0x1  }
0x91: {  	s18 =	sld [smem:$0x3FFB];
	_ =	sdelay $0x3  }
0x92: {  	_ =	strace s18  }
0x93: {  	s3 =	sld [smem:$0x3FFC];
	_ =	sdelay $0x3  }
0x94: {  	_ =	strace s3  }
0x95: {  	s3 =	sld [smem:$0x3FFD];
	_ =	sdelay $0x3  }
0x96: {  	_ =	strace s3  }
0x97: {  	_ =	strace $0x8FFFFFFF  }
0x98: {  	s19 =	sld [smem:$0x3FDB];
	_ =	sdelay $0x1  }
0x99: {  	s4 =	simm.s32 $_scs_section_size  }
0x9a: {  	s5 =	simm.s32 $_size__tile_overlayer_lowered;
	s6 =	simm.s32 $_tile_overlayer_lowered  }
0x9b: {  	s22 =	simm.s32 $0x1BFF;
	s21 =	sshll.u32 s6, $0x1;
	s3 =	sadd.s32 s4, s19  }
0x9c: {  	s7 =	simm.s32 $0x0;
	s20 =	sshll.u32 s5, $0x1;
	s5 =	sadd.s32 s21, s3  }
0x9d: {  	[timem:s7], [sflag:s22] =	dma.local [hbm:s5], s20  }
0x9e: {  	_ =	swait.ge [sflag:s22], s20  }
0x9f: {  	s4 =	ssub.s32 $0x0, s20;
	[sflag:s22] =	ssyncset.done $0x0  }
0xa0: {  	[sflag:s22] =	ssyncadd.s32 s4;
	_ =	sdelay $0x1  }
0xa1: {  	s23 =	simm.s32 $0x1B8B  }
0xa2: {  	_ =	swait.ge [sflag:s23], $0x1  }
0xa3: {  	[sflag:s23] =	ssyncset.done $0x0  }
0xa4: {  	s25 =	simm.s32 $0x1B8E;
	s24 =	sld [smem:$0x3FFE];
	[sflag:s23] =	ssyncadd.s32 $0xFFFFFFFF  }
0xa5: {  	s26 =	simm.s32 $execute0_lowered;
	[smem:$0x3FD2] =	sst s25  }
0xa6: {  	s5 =	sshll.u32 s26, $0x1;
	_ =	strace $0x80000049;
	[dreg:$0x1] =	wrdreg $0xFFFFFFFF  }
0xa7: {  	s28 =	simm.s32 $_size_execute0_lowered;
	s3 =	sadd.s32 s3, s5;
	[dreg:$0x0] =	wrdreg $0x0  }
0xa8: {  	s5 =	sshll.u32 s28, $0x1;
	[dreg:$0x2] =	wrdreg s3  }
0xa9: {  	[dreg:$0x3] =	wrdreg s5  }
0xaa: {  	[dreg:$0x4] =	wrdreg $0xC0  }
0xab: {  	_ =	task [dreg:s7], $0x5FFFF  }
0xac: {  	[dreg:$0x1] =	wrdreg $0xFFFFFFFF  }
0xad: {  	[dreg:$0x0] =	wrdreg $0x60  }
0xae: {  	[dreg:$0x2] =	wrdreg s24  }
0xaf: {  	[dreg:$0x3] =	wrdreg s2  }
0xb0: {  	[dreg:$0x4] =	wrdreg $0x0  }
0xb1: {  	[dreg:$0x5] =	wrdreg $0x9  }
0xb2: {  	_ =	task.clear_ibuf [dreg:s7], $0x6FFFF;
	_ =	strace $0x90000049  }
0xb3: {  	s29 =	simm.s32 $0x9;
	_ =	strace $0x8000004B  }
0xb4: {  	_ =	swait.ge [sflag:s29], $0x1  }
0xb5: {  	[sflag:s29] =	ssyncadd.s32 $0xFFFFFFFF  }
0xb6: {  	_ =	strace $0x9000004B  }
0xb7: {  	_ =	sfence  }
0xb8: {  	s30 =	sld [smem:$0x0];
	_ =	sdelay $0x2  }
0xb9: {  	s31 =	sshll.u32 s1, $0xD;
	s1 =	sshrl.u32 s1, $0x2  }
0xba: {  	s3 =	sand.u32 $0x4000, s31;
	s1 =	sadd.s32 s1, s30  }
0xbb: {  	s0 =	sor.u32 s3, s0;
	s1 =	sshll.u32 s1, $0x11  }
0xbc: {  	s0 =	sor.u32 s1, s0  }
0xbd: {  	s0 =	sadd.s32 $0x8F2B, s0  }
0xbe: {  	[sflag:s0] =	ssyncadd.remote.s32 $0x1  }
0xbf: {  	_ =	sfence.sel $0xFFFF  }
0xc0: {  	[dreg:$0x0] =	wrdreg $0xFFFFFFFF;
	(pc) =	sbr.abs _section_cstart, $3  }
0xc1: {  	[dreg:$0x1] =	wrdreg $0xFFFFFFFF  }
0xc2: {  	_ =	task.clear_ibuf [dreg:s7], $0x2FFFF;
	_ =	strace $0x9FFFFFFF  }
0xc3: {  	(tm) =	ssettm $0x7FFFFFFF  }
tec
execute0_lowered:
.L_overlay_start_1:
0x0: {  	(tag) =	ssettag $0x1  }
0x1: {  	s0 =	rddreg [dreg:$0x0]  }
0x2: {  	s1 =	rddreg [dreg:$0x1]  }
0x3: {  	s2 =	rddreg [dreg:$0x2];
	s4 =	simm.s32 $0x0  }
0x4: {  	s3 =	srdreg.scid;
	s12 =	stileid.u32;
	s29 =	simm.s32 $0x13C00  }
0x5: {  	s30 =	simm.s32 $0x1;
	s31 =	simm.s32 $0x80;
	s5 =	smul.u32 $0x24, s12  }
0x6: {  	s28 =	simm.s32 $0x14380;
	[smem:$0x7FF] =	sst s4;
	s7 =	smul.u32 $0x13C00, s12  }
0x7: {  	s3 =	sand.u32 $0x1, s3;
	s6 =	sshll.u32 s12, $0x2;
	s19 =	smul.u32 $0x4F000, s12  }
0x8: {  	p0 =	seq.s32 s3, $0x0;
	s6 =	sor.u32 $0x240, s6;
	_ =	strace $0x8000004A  }
0x9: {  	s26 =	smul.u32 $0x13C000, s3;
	s8 =	ssub.s32 $0x2, s3;
	s6 =	smov.u32 @p0 s5  }
0xa: {  	s9 =	sadd.s32 $0x11800, s7;
	s10 =	sshrl.u32 s8, $0x1;
	s20 =	sadd.s32 $0x2800, s7  }
0xb: {  	s12 =	sadd.s32 $0x7800, s7;
	s13 =	sadd.s32 $0xA000, s7;
	s15 =	sadd.s32 $0xC800, s7  }
0xc: {  	p0 =	sne.s32 s3, $0x0;
	s3 =	simm.s32 $0x14000;
	s6 =	sshll.u32 s6, $0x7  }
0xd: {  	s11 =	sadd.s32 s26, s9;
	s8 =	ssub.s32 s8, s10;
	s9 =	sadd.s32 s9, s2  }
0xe: {  	s14 =	sadd.s32 s26, s7;
	s21 =	sadd.s32 s26, s20;
	s24 =	sadd.s32 s26, s13  }
0xf: {  	s25 =	sadd.s32 s26, s15;
	s20 =	sadd.s32 s20, s2;
	s10 =	simm.s32 $0x5  }
0x10: {  	s6 =	sadd.s32 s6, s0;
	s0 =	sadd.s32 $0x1FE00, s0;
	s16 =	sshrl.u32 s11, $0x3  }
0x11: {  	[dreg:$0x4] =	wrdreg s9;
	s11 =	sadd.s32 $0x5000, s7;
	s7 =	sadd.s32 $0xF000, s7  }
0x12: {  	s14 =	sshrl.u32 s14, $0x3;
	[dreg:$0x12] =	wrdreg s20;
	s17 =	sadd.s32 $0xBC00, s6  }
0x13: {  	s9 =	simm.s32 $0x0;
	s18 =	sadd.s32 s0, s16;
	[dreg:$0x5] =	wrdreg s17  }
0x14: {  	s20 =	simm.s32 $0x14200;
	s14 =	sadd.s32 s0, s14;
	[dreg:$0x6] =	wrdreg s18  }
0x15: {  	s16 =	sadd.s32 s26, s11;
	s5 =	sadd.s32 s26, s7;
	[dreg:$0x7] =	wrdreg s14  }
0x16: {  	s14 =	sshrl.u32 s21, $0x3;
	s16 =	sshrl.u32 s16, $0x3;
	s17 =	sadd.s32 s26, s12  }
0x17: {  	s5 =	sshrl.u32 s5, $0x3;
	s18 =	sadd.s32 $0xBD00, s6;
	s21 =	sadd.s32 s11, s2  }
0x18: {  	s11 =	simm.s32 $0x13C80;
	s14 =	sadd.s32 s0, s14;
	[dreg:$0xf] =	wrdreg s18  }
0x19: {  	s22 =	sadd.s32 s0, s16;
	s23 =	sshrl.u32 s17, $0x3;
	[dreg:$0x13] =	wrdreg s21  }
0x1a: {  	s16 =	sshrl.u32 s25, $0x3;
	s17 =	sshrl.u32 s19, $0x2;
	[dreg:$0x8] =	wrdreg s14  }
0x1b: {  	s19 =	smax.u32 s8, $0x1;
	s25 =	sadd.s32 s7, s2;
	[dreg:$0x9] =	wrdreg s22  }
0x1c: {  	s7 =	simm.s32 $0x18400;
	s8 =	simm.s32 $0x3;
	[dreg:$0x11] =	wrdreg s19  }
0x1d: {  	s18 =	simm.s32 $0x2;
	s14 =	sadd.s32 s0, s23;
	[dreg:$0x17] =	wrdreg s25  }
0x1e: {  	s21 =	simm.s32 $0x14180;
	s26 =	sadd.s32 s0, s16;
	[dreg:$0xa] =	wrdreg s14  }
0x1f: {  	s16 =	sadd.s32 $0xBC80, s6;
	s22 =	sadd.s32 s12, s2;
	[dreg:$0xc] =	wrdreg s26  }
0x20: {  	s23 =	sadd.s32 s13, s2;
	s12 =	simm.s32 $0x4;
	[dreg:$0xe] =	wrdreg s16  }
0x21: {  	s13 =	simm.s32 $0x13E00;
	s25 =	simm.s32 $0x13E80;
	[dreg:$0x14] =	wrdreg s22  }
0x22: {  	s19 =	simm.s32 $0x14080;
	s14 =	sshrl.u32 s24, $0x3;
	[dreg:$0x15] =	wrdreg s23  }
0x23: {  	s24 =	sadd.s32 s15, s2;
	s26 =	sadd.s32 $0xBE00, s6;
	s15 =	simm.s32 $0x13D80  }
0x24: {  	s16 =	simm.s32 $0x13F00;
	s22 =	simm.s32 $0x14300;
	[dreg:$0x16] =	wrdreg s24  }
0x25: {  	s23 =	simm.s32 $0x14280;
	s14 =	sadd.s32 s0, s14;
	[dreg:$0x18] =	wrdreg s26  }
0x26: {  	s0 =	sadd.s32 s0, s5;
	s5 =	simm.s32 $0x7;
	[dreg:$0xb] =	wrdreg s14  }
0x27: {  	[dreg:$0xd] =	wrdreg s0;
	s0 =	sadd.s32 s17, s2;
	s14 =	simm.s32 $0x6  }
0x28: {  	v0 =	vimm.f32 $0.0e+00;
	s17 =	simm.s32 $0x14100;
	[dreg:$0x10] =	wrdreg s0;
	s0 =	simm.s32 $0x14400  }
.LBB2_1:
0x29: {  	[dreg:$0x19] =	wrdreg s9;
	s24 =	simm.s32 $0x70;
	s26 =	simm.s32 $0x3C0  }
.LBB2_2:
0x2a: {  	p1 =	sne.s32 s26, $0x9FC0;
	[tilespmem:s24+$0x1C400] =	vst v0  }
0x2b: {  	[tilespmem:s24+$0x1C390] =	vst v0  }
0x2c: {  	[tilespmem:s24+$0x1C3A0] =	vst v0  }
.Ltmp0:
0x2d: {  	[tilespmem:s24+$0x1C3B0] =	vst v0;
	(pc) =	sbr.rel @p1 .LBB2_2-.Ltmp0, $4  }
0x2e: {  	[tilespmem:s24+$0x1C3C0] =	vst v0  }
0x2f: {  	[tilespmem:s24+$0x1C3D0] =	vst v0  }
0x30: {  	[tilespmem:s24+$0x1C3E0] =	vst v0  }
0x31: {  	[tilespmem:s24+$0x1C3F0] =	vst v0;
	s24 =	sshra.s32 s26, $0x2;
	s26 =	sadd.s32 $0x200, s26  }
0x32: {  	[tilespmem:s24+$0x1C400] =	vst v0  }
0x33: {  	[tilespmem:s24+$0x1C390] =	vst v0  }
0x34: {  	[tilespmem:s24+$0x1C3A0] =	vst v0  }
0x35: {  	[tilespmem:s24+$0x1C3B0] =	vst v0  }
0x36: {  	[tilespmem:s24+$0x1C3C0] =	vst v0  }
0x37: {  	[tilespmem:s24+$0x1C3D0] =	vst v0  }
0x38: {  	[tilespmem:s24+$0x1C3E0] =	vst v0  }
0x39: {  	[tilespmem:s24+$0x1C3F0] =	vst v0;
	s6 =	rddreg [dreg:$0x10];
	s24 =	simm.s32 $0x1C400  }
0x3a: {  	[spmem:s6] =	stream.linear.scatter [tilespmem:s24], [sflag:$0x7], $0x2800, $0x38;
	[tilespmem:$0x1EC00] =	vst v63  }
0x3b: {  	_ =	swait.ge [sflag:s5], $0x2800  }
0x3c: {  	[sflag:s5] =	ssyncset.done $0x0  }
0x3d: {  	s26 =	rddreg [dreg:$0x12];
	[sflag:s5] =	ssyncadd.s32 $0xFFFFD800  }
0x3e: {  	[spmem:s26] =	stream.linear.scatter [tilespmem:s24], [sflag:$0x7], $0x2800, $0x38;
	[tilespmem:$0x1EC00] =	vst v63  }
0x3f: {  	_ =	swait.ge [sflag:s5], $0x2800  }
0x40: {  	[sflag:s5] =	ssyncset.done $0x0  }
0x41: {  	s9 =	rddreg [dreg:$0x13];
	[sflag:s5] =	ssyncadd.s32 $0xFFFFD800  }
0x42: {  	[spmem:s9] =	stream.linear.scatter [tilespmem:s24], [sflag:$0x7], $0x2800, $0x38;
	[tilespmem:$0x1EC00] =	vst v63  }
0x43: {  	_ =	swait.ge [sflag:s5], $0x2800  }
0x44: {  	[sflag:s5] =	ssyncset.done $0x0  }
0x45: {  	s26 =	rddreg [dreg:$0x14];
	[sflag:s5] =	ssyncadd.s32 $0xFFFFD800  }
0x46: {  	[spmem:s26] =	stream.linear.scatter [tilespmem:s24], [sflag:$0x7], $0x2800, $0x38;
	[tilespmem:$0x1EC00] =	vst v63  }
0x47: {  	_ =	swait.ge [sflag:s5], $0x2800  }
0x48: {  	[sflag:s5] =	ssyncset.done $0x0  }
0x49: {  	s9 =	rddreg [dreg:$0x15];
	[sflag:s5] =	ssyncadd.s32 $0xFFFFD800  }
0x4a: {  	[spmem:s9] =	stream.linear.scatter [tilespmem:s24], [sflag:$0x7], $0x2800, $0x38;
	[tilespmem:$0x1EC00] =	vst v63  }
0x4b: {  	_ =	swait.ge [sflag:s5], $0x2800  }
0x4c: {  	[sflag:s5] =	ssyncset.done $0x0  }
0x4d: {  	s26 =	rddreg [dreg:$0x16];
	[sflag:s5] =	ssyncadd.s32 $0xFFFFD800  }
0x4e: {  	[spmem:s26] =	stream.linear.scatter [tilespmem:s24], [sflag:$0x7], $0x2800, $0x38;
	[tilespmem:$0x1EC00] =	vst v63  }
0x4f: {  	_ =	swait.ge [sflag:s5], $0x2800  }
0x50: {  	[sflag:s5] =	ssyncset.done $0x0  }
0x51: {  	s9 =	rddreg [dreg:$0x17];
	[sflag:s5] =	ssyncadd.s32 $0xFFFFD800  }
0x52: {  	[spmem:s9] =	stream.linear.scatter [tilespmem:s24], [sflag:$0x7], $0x2800, $0x38;
	[tilespmem:$0x1EC00] =	vst v63  }
0x53: {  	_ =	swait.ge [sflag:s5], $0x2800  }
0x54: {  	[sflag:s5] =	ssyncset.done $0x0  }
0x55: {  	s26 =	rddreg [dreg:$0x4];
	[sflag:s5] =	ssyncadd.s32 $0xFFFFD800  }
0x56: {  	[spmem:s26] =	stream.linear.scatter [tilespmem:s24], [sflag:$0x7], $0x2400, $0x38;
	[tilespmem:$0x1EC00] =	vst v63  }
0x57: {  	_ =	swait.ge [sflag:s5], $0x2400  }
0x58: {  	[sflag:s5] =	ssyncset.done $0x0  }
0x59: {  	[sflag:s5] =	ssyncadd.s32 $0xFFFFDC00  }
0x5a: {  	[bflag:$0x0] =	sbarrier.arrive $0xFFFF  }
0x5b: {  	s24 =	simm.s32 $0x0;
	s5 =	rddreg [dreg:$0x5]  }
0x5c: {  	[tilespmem:s29], [sflag:$0x1] =	stream.linear.gather [hbm4b:s5+s24], $0x400, $0x38;
	[tilespmem:$0x1EC00] =	vst v63  }
0x5d: {  	_ =	swait.ge [sflag:s30], $0x400  }
0x5e: {  	[sflag:s30] =	ssyncset.done $0x0  }
0x5f: {  	[sflag:s30] =	ssyncadd.s32 $0xFFFFFC00  }
0x60: {  	[tilespmem:s0], [sflag:$0x3] =	stream.indirect.gather [hbm4b:s1+s31], $0x80, s29, s31, $0xb8;
	[tilespmem:$0x1EC00] =	vst v63  }
0x61: {  	s9 =	rddreg [dreg:$0xe]  }
0x62: {  	[tilespmem:s3], [sflag:$0x2] =	stream.linear.gather [hbm4b:s9+s24], $0x400, $0x38;
	[tilespmem:$0x1EC00] =	vst v63  }
0x63: {  	s9 =	simm.s32 $0x13D00  }
0x64: {  	[tilespmem:s7], [sflag:$0x4] =	stream.indirect.gather [hbm4b:s1+s31], $0x80, s9, s31, $0xb8;
	[tilespmem:$0x1EC00] =	vst v63  }
0x65: {  	_ =	swait.ge [sflag:s8], $0x4000  }
0x66: {  	[sflag:s8] =	ssyncset.done $0x0  }
0x67: {  	[sflag:s8] =	ssyncadd.s32 $0xFFFFC000  }
0x68: {  	[spmem:s2] =	stream.indirect.scatter.add.f32 [tilespmem:s0], [sflag:$0x5], $0x80, s11, s31, $0xb8;
	[tilespmem:$0x1EC00] =	vst v63  }
0x69: {  	_ =	swait.ge [sflag:s10], $0x4000  }
0x6a: {  	[sflag:s10] =	ssyncset.done $0x0  }
0x6b: {  	[sflag:s10] =	ssyncadd.s32 $0xFFFFC000  }
0x6c: {  	[tilespmem:s0], [sflag:$0x3] =	stream.indirect.gather [hbm4b:s1+s31], $0x80, s13, s31, $0xb8;
	[tilespmem:$0x1EC00] =	vst v63  }
0x6d: {  	_ =	swait.ge [sflag:s12], $0x4000  }
0x6e: {  	[sflag:s12] =	ssyncset.done $0x0  }
0x6f: {  	[sflag:s12] =	ssyncadd.s32 $0xFFFFC000  }
0x70: {  	[spmem:s2] =	stream.indirect.scatter.add.f32 [tilespmem:s7], [sflag:$0x6], $0x80, s15, s31, $0xb8;
	[tilespmem:$0x1EC00] =	vst v63  }
0x71: {  	_ =	swait.ge [sflag:s14], $0x4000  }
0x72: {  	[sflag:s14] =	ssyncset.done $0x0  }
0x73: {  	[sflag:s14] =	ssyncadd.s32 $0xFFFFC000  }
0x74: {  	[tilespmem:s7], [sflag:$0x4] =	stream.indirect.gather [hbm4b:s1+s31], $0x80, s16, s31, $0xb8;
	[tilespmem:$0x1EC00] =	vst v63  }
0x75: {  	_ =	swait.ge [sflag:s8], $0x4000  }
0x76: {  	[sflag:s8] =	ssyncset.done $0x0  }
0x77: {  	[sflag:s8] =	ssyncadd.s32 $0xFFFFC000  }
0x78: {  	[spmem:s2] =	stream.indirect.scatter.add.f32 [tilespmem:s0], [sflag:$0x5], $0x80, s25, s31, $0xb8;
	[tilespmem:$0x1EC00] =	vst v63  }
0x79: {  	_ =	swait.ge [sflag:s18], $0x400  }
0x7a: {  	[sflag:s18] =	ssyncset.done $0x0  }
0x7b: {  	[sflag:s18] =	ssyncadd.s32 $0xFFFFFC00  }
0x7c: {  	_ =	swait.ge [sflag:s10], $0x4000  }
0x7d: {  	[sflag:s10] =	ssyncset.done $0x0  }
0x7e: {  	[sflag:s10] =	ssyncadd.s32 $0xFFFFC000  }
0x7f: {  	[tilespmem:s0], [sflag:$0x3] =	stream.indirect.gather [hbm4b:s1+s31], $0x80, s3, s31, $0xb8;
	[tilespmem:$0x1EC00] =	vst v63  }
0x80: {  	_ =	swait.ge [sflag:s12], $0x4000  }
0x81: {  	[sflag:s12] =	ssyncset.done $0x0  }
0x82: {  	s5 =	simm.s32 $0x13F80;
	[sflag:s12] =	ssyncadd.s32 $0xFFFFC000  }
0x83: {  	[spmem:s2] =	stream.indirect.scatter.add.f32 [tilespmem:s7], [sflag:$0x6], $0x80, s5, s31, $0xb8;
	[tilespmem:$0x1EC00] =	vst v63  }
0x84: {  	_ =	swait.ge [sflag:s14], $0x4000  }
0x85: {  	[sflag:s14] =	ssyncset.done $0x0  }
0x86: {  	s26 =	rddreg [dreg:$0xf];
	[sflag:s14] =	ssyncadd.s32 $0xFFFFC000  }
0x87: {  	[tilespmem:s29], [sflag:$0x1] =	stream.linear.gather [hbm4b:s26+s24], $0x400, $0x38;
	[tilespmem:$0x1EC00] =	vst v63  }
0x88: {  	_ = 	snop  }
0x89: {  	[tilespmem:s7], [sflag:$0x4] =	stream.indirect.gather [hbm4b:s1+s31], $0x80, s17, s31, $0xb8;
	[tilespmem:$0x1EC00] =	vst v63  }
0x8a: {  	_ =	swait.ge [sflag:s8], $0x4000  }
0x8b: {  	[sflag:s8] =	ssyncset.done $0x0  }
0x8c: {  	[sflag:s8] =	ssyncadd.s32 $0xFFFFC000  }
0x8d: {  	[spmem:s2] =	stream.indirect.scatter.add.f32 [tilespmem:s0], [sflag:$0x5], $0x80, s19, s31, $0xb8;
	[tilespmem:$0x1EC00] =	vst v63  }
0x8e: {  	_ =	swait.ge [sflag:s10], $0x4000  }
0x8f: {  	[sflag:s10] =	ssyncset.done $0x0  }
0x90: {  	[sflag:s10] =	ssyncadd.s32 $0xFFFFC000  }
0x91: {  	[tilespmem:s0], [sflag:$0x3] =	stream.indirect.gather [hbm4b:s1+s31], $0x80, s20, s31, $0xb8;
	[tilespmem:$0x1EC00] =	vst v63  }
0x92: {  	_ =	swait.ge [sflag:s12], $0x4000  }
0x93: {  	[sflag:s12] =	ssyncset.done $0x0  }
0x94: {  	[sflag:s12] =	ssyncadd.s32 $0xFFFFC000  }
0x95: {  	[spmem:s2] =	stream.indirect.scatter.add.f32 [tilespmem:s7], [sflag:$0x6], $0x80, s21, s31, $0xb8;
	[tilespmem:$0x1EC00] =	vst v63  }
0x96: {  	_ =	swait.ge [sflag:s14], $0x4000  }
0x97: {  	[sflag:s14] =	ssyncset.done $0x0  }
0x98: {  	[sflag:s14] =	ssyncadd.s32 $0xFFFFC000  }
0x99: {  	[tilespmem:s7], [sflag:$0x4] =	stream.indirect.gather [hbm4b:s1+s31], $0x80, s22, s31, $0xb8;
	[tilespmem:$0x1EC00] =	vst v63  }
0x9a: {  	_ =	swait.ge [sflag:s8], $0x4000  }
0x9b: {  	[sflag:s8] =	ssyncset.done $0x0  }
0x9c: {  	s26 =	rddreg [dreg:$0x18];
	[sflag:s8] =	ssyncadd.s32 $0xFFFFC000  }
0x9d: {  	[spmem:s2] =	stream.indirect.scatter.add.f32 [tilespmem:s0], [sflag:$0x5], $0x80, s23, s31, $0xb8;
	[tilespmem:$0x1EC00] =	vst v63  }
.LBB2_4:
0x9e: {  	_ =	swait.ge [sflag:s30], $0x400  }
0x9f: {  	[sflag:s30] =	ssyncset.done $0x0  }
0xa0: {  	[sflag:s30] =	ssyncadd.s32 $0xFFFFFC00  }
0xa1: {  	_ =	swait.ge [sflag:s10], $0x4000  }
0xa2: {  	[sflag:s10] =	ssyncset.done $0x0  }
0xa3: {  	[sflag:s10] =	ssyncadd.s32 $0xFFFFC000  }
0xa4: {  	[tilespmem:s0], [sflag:$0x3] =	stream.indirect.gather [hbm4b:s1+s31], $0x80, s29, s31, $0xb8;
	[tilespmem:$0x1EC00] =	vst v63  }
0xa5: {  	_ =	swait.ge [sflag:s12], $0x4000  }
0xa6: {  	[sflag:s12] =	ssyncset.done $0x0  }
0xa7: {  	[sflag:s12] =	ssyncadd.s32 $0xFFFFC000  }
0xa8: {  	[spmem:s2] =	stream.indirect.scatter.add.f32 [tilespmem:s7], [sflag:$0x6], $0x80, s28, s31, $0xb8;
	[tilespmem:$0x1EC00] =	vst v63  }
0xa9: {  	_ =	swait.ge [sflag:s14], $0x4000  }
0xaa: {  	[sflag:s14] =	ssyncset.done $0x0  }
0xab: {  	s6 =	sadd.s32 $0xFFFFFF80, s26;
	[sflag:s14] =	ssyncadd.s32 $0xFFFFC000  }
0xac: {  	[tilespmem:s3], [sflag:$0x2] =	stream.linear.gather [hbm4b:s6+s4], $0x400, $0x38;
	[tilespmem:$0x1EC00] =	vst v63  }
0xad: {  	_ = 	snop  }
0xae: {  	[tilespmem:s7], [sflag:$0x4] =	stream.indirect.gather [hbm4b:s1+s31], $0x80, s9, s31, $0xb8;
	[tilespmem:$0x1EC00] =	vst v63  }
0xaf: {  	_ =	swait.ge [sflag:s8], $0x4000  }
0xb0: {  	[sflag:s8] =	ssyncset.done $0x0  }
0xb1: {  	[sflag:s8] =	ssyncadd.s32 $0xFFFFC000  }
0xb2: {  	[spmem:s2] =	stream.indirect.scatter.add.f32 [tilespmem:s0], [sflag:$0x5], $0x80, s11, s31, $0xb8;
	[tilespmem:$0x1EC00] =	vst v63  }
0xb3: {  	_ =	swait.ge [sflag:s10], $0x4000  }
0xb4: {  	[sflag:s10] =	ssyncset.done $0x0  }
0xb5: {  	[sflag:s10] =	ssyncadd.s32 $0xFFFFC000  }
0xb6: {  	[tilespmem:s0], [sflag:$0x3] =	stream.indirect.gather [hbm4b:s1+s31], $0x80, s13, s31, $0xb8;
	[tilespmem:$0x1EC00] =	vst v63  }
0xb7: {  	_ =	swait.ge [sflag:s12], $0x4000  }
0xb8: {  	[sflag:s12] =	ssyncset.done $0x0  }
0xb9: {  	[sflag:s12] =	ssyncadd.s32 $0xFFFFC000  }
0xba: {  	[spmem:s2] =	stream.indirect.scatter.add.f32 [tilespmem:s7], [sflag:$0x6], $0x80, s15, s31, $0xb8;
	[tilespmem:$0x1EC00] =	vst v63  }
0xbb: {  	_ =	swait.ge [sflag:s14], $0x4000  }
0xbc: {  	[sflag:s14] =	ssyncset.done $0x0  }
0xbd: {  	[sflag:s14] =	ssyncadd.s32 $0xFFFFC000  }
0xbe: {  	[tilespmem:s7], [sflag:$0x4] =	stream.indirect.gather [hbm4b:s1+s31], $0x80, s16, s31, $0xb8;
	[tilespmem:$0x1EC00] =	vst v63  }
0xbf: {  	_ =	swait.ge [sflag:s8], $0x4000  }
0xc0: {  	[sflag:s8] =	ssyncset.done $0x0  }
0xc1: {  	[sflag:s8] =	ssyncadd.s32 $0xFFFFC000  }
0xc2: {  	[spmem:s2] =	stream.indirect.scatter.add.f32 [tilespmem:s0], [sflag:$0x5], $0x80, s25, s31, $0xb8;
	[tilespmem:$0x1EC00] =	vst v63  }
0xc3: {  	_ =	swait.ge [sflag:s18], $0x400  }
0xc4: {  	[sflag:s18] =	ssyncset.done $0x0  }
0xc5: {  	[sflag:s18] =	ssyncadd.s32 $0xFFFFFC00  }
0xc6: {  	_ =	swait.ge [sflag:s10], $0x4000  }
0xc7: {  	[sflag:s10] =	ssyncset.done $0x0  }
0xc8: {  	[sflag:s10] =	ssyncadd.s32 $0xFFFFC000  }
0xc9: {  	[tilespmem:s0], [sflag:$0x3] =	stream.indirect.gather [hbm4b:s1+s31], $0x80, s3, s31, $0xb8;
	[tilespmem:$0x1EC00] =	vst v63  }
0xca: {  	_ =	swait.ge [sflag:s12], $0x4000  }
0xcb: {  	[sflag:s12] =	ssyncset.done $0x0  }
0xcc: {  	[sflag:s12] =	ssyncadd.s32 $0xFFFFC000  }
0xcd: {  	[spmem:s2] =	stream.indirect.scatter.add.f32 [tilespmem:s7], [sflag:$0x6], $0x80, s5, s31, $0xb8;
	[tilespmem:$0x1EC00] =	vst v63  }
0xce: {  	_ =	swait.ge [sflag:s14], $0x4000  }
0xcf: {  	[sflag:s14] =	ssyncset.done $0x0  }
0xd0: {  	[sflag:s14] =	ssyncadd.s32 $0xFFFFC000  }
0xd1: {  	[tilespmem:s29], [sflag:$0x1] =	stream.linear.gather [hbm4b:s26+s4], $0x400, $0x38;
	[tilespmem:$0x1EC00] =	vst v63  }
0xd2: {  	_ = 	snop  }
0xd3: {  	[tilespmem:s7], [sflag:$0x4] =	stream.indirect.gather [hbm4b:s1+s31], $0x80, s17, s31, $0xb8;
	[tilespmem:$0x1EC00] =	vst v63  }
0xd4: {  	_ =	swait.ge [sflag:s8], $0x4000  }
0xd5: {  	[sflag:s8] =	ssyncset.done $0x0  }
0xd6: {  	[sflag:s8] =	ssyncadd.s32 $0xFFFFC000  }
0xd7: {  	[spmem:s2] =	stream.indirect.scatter.add.f32 [tilespmem:s0], [sflag:$0x5], $0x80, s19, s31, $0xb8;
	[tilespmem:$0x1EC00] =	vst v63  }
0xd8: {  	_ =	swait.ge [sflag:s10], $0x4000  }
0xd9: {  	[sflag:s10] =	ssyncset.done $0x0  }
0xda: {  	[sflag:s10] =	ssyncadd.s32 $0xFFFFC000  }
0xdb: {  	[tilespmem:s0], [sflag:$0x3] =	stream.indirect.gather [hbm4b:s1+s31], $0x80, s20, s31, $0xb8;
	[tilespmem:$0x1EC00] =	vst v63  }
0xdc: {  	_ =	swait.ge [sflag:s12], $0x4000  }
0xdd: {  	[sflag:s12] =	ssyncset.done $0x0  }
0xde: {  	[sflag:s12] =	ssyncadd.s32 $0xFFFFC000  }
0xdf: {  	[spmem:s2] =	stream.indirect.scatter.add.f32 [tilespmem:s7], [sflag:$0x6], $0x80, s21, s31, $0xb8;
	[tilespmem:$0x1EC00] =	vst v63  }
0xe0: {  	_ =	swait.ge [sflag:s14], $0x4000  }
0xe1: {  	p1 =	slt.u32 @!p0 s24, $0x10;
	[sflag:s14] =	ssyncset.done $0x0  }
0xe2: {  	p1 =	por p0, !p1;
	[sflag:s14] =	ssyncadd.s32 $0xFFFFC000  }
0xe3: {  	[tilespmem:s7], [sflag:$0x4] =	stream.indirect.gather [hbm4b:s1+s31], $0x80, s22, s31, $0xb8;
	[tilespmem:$0x1EC00] =	vst v63  }
.Ltmp1:
0xe4: {  	_ = 	snop;
	(pc) =	sbr.rel @!p1 .LBB2_4-.Ltmp1, $4  }
0xe5: {  	_ =	swait.ge [sflag:s8], $0x4000  }
0xe6: {  	[sflag:s8] =	ssyncset.done $0x0  }
0xe7: {  	s24 =	sadd.s32 $0x1, s24;
	s26 =	sadd.s32 $0x100, s26;
	[sflag:s8] =	ssyncadd.s32 $0xFFFFC000  }
0xe8: {  	[spmem:s2] =	stream.indirect.scatter.add.f32 [tilespmem:s0], [sflag:$0x5], $0x80, s23, s31, $0xb8;
	[tilespmem:$0x1EC00] =	vst v63  }
0xe9: {  	_ =	swait.ge [sflag:s12], $0x4000  }
0xea: {  	[sflag:s12] =	ssyncset.done $0x0  }
0xeb: {  	[sflag:s12] =	ssyncadd.s32 $0xFFFFC000  }
0xec: {  	[spmem:s2] =	stream.indirect.scatter.add.f32 [tilespmem:s7], [sflag:$0x6], $0x80, s28, s31, $0xb8;
	[tilespmem:$0x1EC00] =	vst v63  }
0xed: {  	_ =	swait.ge [sflag:s10], $0x4000  }
0xee: {  	[sflag:s10] =	ssyncset.done $0x0  }
0xef: {  	[sflag:s10] =	ssyncadd.s32 $0xFFFFC000  }
0xf0: {  	_ =	swait.ge [sflag:s14], $0x4000  }
0xf1: {  	[sflag:s14] =	ssyncset.done $0x0  }
0xf2: {  	[sflag:s14] =	ssyncadd.s32 $0xFFFFC000  }
0xf3: {  	_ =	swait.ge [sflag:s30], $0x400  }
0xf4: {  	[sflag:s30] =	ssyncset.done $0x0  }
0xf5: {  	[sflag:s30] =	ssyncadd.s32 $0xFFFFFC00  }
0xf6: {  	[bflag:$0x0] =	sbarrier.arrive $0xFFFF  }
0xf7: {  	s24 =	simm.s32 $0x1C400;
	s5 =	simm.s32 $0x7;
	s6 =	rddreg [dreg:$0x10]  }
0xf8: {  	[tilespmem:s24], [sflag:$0x7] =	stream.linear.gather [spmem:s6], $0x2800, $0x38;
	[tilespmem:$0x1EC00] =	vst v63  }
0xf9: {  	_ =	swait.ge [sflag:s5], $0x2800  }
0xfa: {  	[sflag:s5] =	ssyncset.done $0x0  }
0xfb: {  	s9 =	rddreg [dreg:$0x7];
	[sflag:s5] =	ssyncadd.s32 $0xFFFFD800  }
0xfc: {  	[hbm4b:s9+s4] =	stream.linear.scatter [tilespmem:s24], [sflag:$0x7], $0x2800, $0x38;
	[tilespmem:$0x1EC00] =	vst v63  }
0xfd: {  	_ =	swait.ge [sflag:s5], $0x2800  }
0xfe: {  	[sflag:s5] =	ssyncset.done $0x0  }
0xff: {  	s26 =	rddreg [dreg:$0x12];
	[sflag:s5] =	ssyncadd.s32 $0xFFFFD800  }
0x100: {  	[tilespmem:s24], [sflag:$0x7] =	stream.linear.gather [spmem:s26], $0x2800, $0x38;
	[tilespmem:$0x1EC00] =	vst v63  }
0x101: {  	_ =	swait.ge [sflag:s5], $0x2800  }
0x102: {  	[sflag:s5] =	ssyncset.done $0x0  }
0x103: {  	s9 =	rddreg [dreg:$0x8];
	[sflag:s5] =	ssyncadd.s32 $0xFFFFD800  }
0x104: {  	[hbm4b:s9+s4] =	stream.linear.scatter [tilespmem:s24], [sflag:$0x7], $0x2800, $0x38;
	[tilespmem:$0x1EC00] =	vst v63  }
0x105: {  	_ =	swait.ge [sflag:s5], $0x2800  }
0x106: {  	[sflag:s5] =	ssyncset.done $0x0  }
0x107: {  	s26 =	rddreg [dreg:$0x13];
	[sflag:s5] =	ssyncadd.s32 $0xFFFFD800  }
0x108: {  	[tilespmem:s24], [sflag:$0x7] =	stream.linear.gather [spmem:s26], $0x2800, $0x38;
	[tilespmem:$0x1EC00] =	vst v63  }
0x109: {  	_ =	swait.ge [sflag:s5], $0x2800  }
0x10a: {  	[sflag:s5] =	ssyncset.done $0x0  }
0x10b: {  	s9 =	rddreg [dreg:$0x9];
	[sflag:s5] =	ssyncadd.s32 $0xFFFFD800  }
0x10c: {  	[hbm4b:s9+s4] =	stream.linear.scatter [tilespmem:s24], [sflag:$0x7], $0x2800, $0x38;
	[tilespmem:$0x1EC00] =	vst v63  }
0x10d: {  	_ =	swait.ge [sflag:s5], $0x2800  }
0x10e: {  	[sflag:s5] =	ssyncset.done $0x0  }
0x10f: {  	s26 =	rddreg [dreg:$0x14];
	[sflag:s5] =	ssyncadd.s32 $0xFFFFD800  }
0x110: {  	[tilespmem:s24], [sflag:$0x7] =	stream.linear.gather [spmem:s26], $0x2800, $0x38;
	[tilespmem:$0x1EC00] =	vst v63  }
0x111: {  	_ =	swait.ge [sflag:s5], $0x2800  }
0x112: {  	[sflag:s5] =	ssyncset.done $0x0  }
0x113: {  	s9 =	rddreg [dreg:$0xa];
	[sflag:s5] =	ssyncadd.s32 $0xFFFFD800  }
0x114: {  	[hbm4b:s9+s4] =	stream.linear.scatter [tilespmem:s24], [sflag:$0x7], $0x2800, $0x38;
	[tilespmem:$0x1EC00] =	vst v63  }
0x115: {  	_ =	swait.ge [sflag:s5], $0x2800  }
0x116: {  	[sflag:s5] =	ssyncset.done $0x0  }
0x117: {  	s26 =	rddreg [dreg:$0x15];
	[sflag:s5] =	ssyncadd.s32 $0xFFFFD800  }
0x118: {  	[tilespmem:s24], [sflag:$0x7] =	stream.linear.gather [spmem:s26], $0x2800, $0x38;
	[tilespmem:$0x1EC00] =	vst v63  }
0x119: {  	_ =	swait.ge [sflag:s5], $0x2800  }
0x11a: {  	[sflag:s5] =	ssyncset.done $0x0  }
0x11b: {  	s9 =	rddreg [dreg:$0xb];
	[sflag:s5] =	ssyncadd.s32 $0xFFFFD800  }
0x11c: {  	[hbm4b:s9+s4] =	stream.linear.scatter [tilespmem:s24], [sflag:$0x7], $0x2800, $0x38;
	[tilespmem:$0x1EC00] =	vst v63  }
0x11d: {  	_ =	swait.ge [sflag:s5], $0x2800  }
0x11e: {  	[sflag:s5] =	ssyncset.done $0x0  }
0x11f: {  	s26 =	rddreg [dreg:$0x16];
	[sflag:s5] =	ssyncadd.s32 $0xFFFFD800  }
0x120: {  	[tilespmem:s24], [sflag:$0x7] =	stream.linear.gather [spmem:s26], $0x2800, $0x38;
	[tilespmem:$0x1EC00] =	vst v63  }
0x121: {  	_ =	swait.ge [sflag:s5], $0x2800  }
0x122: {  	[sflag:s5] =	ssyncset.done $0x0  }
0x123: {  	s9 =	rddreg [dreg:$0xc];
	[sflag:s5] =	ssyncadd.s32 $0xFFFFD800  }
0x124: {  	[hbm4b:s9+s4] =	stream.linear.scatter [tilespmem:s24], [sflag:$0x7], $0x2800, $0x38;
	[tilespmem:$0x1EC00] =	vst v63  }
0x125: {  	_ =	swait.ge [sflag:s5], $0x2800  }
0x126: {  	[sflag:s5] =	ssyncset.done $0x0  }
0x127: {  	s26 =	rddreg [dreg:$0x17];
	[sflag:s5] =	ssyncadd.s32 $0xFFFFD800  }
0x128: {  	[tilespmem:s24], [sflag:$0x7] =	stream.linear.gather [spmem:s26], $0x2800, $0x38;
	[tilespmem:$0x1EC00] =	vst v63  }
0x129: {  	_ =	swait.ge [sflag:s5], $0x2800  }
0x12a: {  	[sflag:s5] =	ssyncset.done $0x0  }
0x12b: {  	s9 =	rddreg [dreg:$0xd];
	[sflag:s5] =	ssyncadd.s32 $0xFFFFD800  }
0x12c: {  	[hbm4b:s9+s4] =	stream.linear.scatter [tilespmem:s24], [sflag:$0x7], $0x2800, $0x38;
	[tilespmem:$0x1EC00] =	vst v63  }
0x12d: {  	_ =	swait.ge [sflag:s5], $0x2800  }
0x12e: {  	[sflag:s5] =	ssyncset.done $0x0  }
0x12f: {  	s26 =	rddreg [dreg:$0x4];
	[sflag:s5] =	ssyncadd.s32 $0xFFFFD800  }
0x130: {  	[tilespmem:s24], [sflag:$0x7] =	stream.linear.gather [spmem:s26], $0x2400, $0x38;
	[tilespmem:$0x1EC00] =	vst v63  }
0x131: {  	_ =	swait.ge [sflag:s5], $0x2400  }
0x132: {  	[sflag:s5] =	ssyncset.done $0x0  }
0x133: {  	s9 =	rddreg [dreg:$0x6];
	[sflag:s5] =	ssyncadd.s32 $0xFFFFDC00  }
0x134: {  	[hbm4b:s9+s4] =	stream.linear.scatter [tilespmem:s24], [sflag:$0x7], $0x2400, $0x38;
	[tilespmem:$0x1EC00] =	vst v63  }
0x135: {  	_ =	swait.ge [sflag:s5], $0x2400  }
0x136: {  	s9 =	rddreg [dreg:$0x19]  }
0x137: {  	s26 =	rddreg [dreg:$0x11];
	s9 =	sadd.s32 $0x1, s9  }
0x138: {  	p1 =	sne.s32 s9, s26  }
.Ltmp2:
0x139: {  	_ = 	snop;
	(pc) =	sbr.rel @p1 .LBB2_1-.Ltmp2, $3  }
0x13a: {  	_ =	sdelay $0x1  }
0x13b: {  	[sflag:s5] =	ssyncset.done $0x0  }
0x13c: {  	[sflag:s5] =	ssyncadd.s32 $0xFFFFDC00  }
0x13d: {  	_ =	sfence.sel $0x180000  }
0x13e: {  	[bflag:$0x0] =	sbarrier.arrive $0xFFFF  }
0x13f: {  	_ =	strace $0x9000004A  }
0x140: {  	s0 =	stileid.u32;
	[bflag:$0x2] =	sbarrier.arrive $0xFFFF  }
0x141: {  	p0 =	sne.s32 s0, $0x0;
	s0 =	rddreg [dreg:$0x3]  }
0x142: {  	s0 =	sadd.s32 @!p0 $0x100000, s0  }
0x143: {  	[sflag:s0] =	ssyncadd.tile.s32 @!p0 $0x1;
	_ =	shalt  }
.Lfunc_end2:
_tile_overlayer_lowered:
.L_overlay_start_2:
0x144: {  	(tag) =	ssettag $0x2  }
0x145: {  	s0 =	rddreg [dreg:$0x0];
	s2 =	stileid.u32  }
0x146: {  	s1 =	rddreg [dreg:$0x1];
	p0 =	sne.s32 s2, $0x0  }
0x147: {  	s3 =	rddreg [dreg:$0x2];
	[bflag:$0x3] =	sbarrier.arrive $0xFFFF;
	s2 =	simm.s32 @!p0 $0x1C07  }
0x148: {  	[timem:s3], [sflag:s2] =	dma.local @!p0 [hbm:s0], s1  }
0x149: {  	s0 =	simm.s32 @!p0 $0x7  }
0x14a: {  	_ =	swait.ge @!p0 [sflag:s0], s1  }
0x14b: {  	s1 =	ssub.s32 @!p0 $0x0, s1;
	[sflag:s0] =	ssyncset.done @!p0 $0x0  }
0x14c: {  	[sflag:s0] =	ssyncadd.s32 @!p0 s1  }
0x14d: {  	[bflag:$0x3] =	sbarrier.arrive $0xFFFF  }
0x14e: {  	_ =	shalt  }

// kernel: kernel.14.cloned.1.call-start
scs
__scs_entry_jumppad:
0x0: {  	(pc) =	sbr.rel $0x88, $3  }
0x1: {  	(tag) =	ssettag $0x0;
	lr =	simm.s32 $0x1  }
0x2: {  	[smem:$0x3F9D] =	sst lr;
	_ =	strace $0xD0000000  }
0x3: {  	_ = 	snop  }
0x4: {  	_ = 	snop  }
0x5: {  	_ = 	snop  }
0x6: {  	_ = 	snop  }
0x7: {  	_ = 	snop  }
__scs_overlays_trampoline_lowered:
0x8: {  	[smem:$0x3FAC] =	sst s0  }
0x9: {  	[smem:$0x3FAD] =	sst s1  }
0xa: {  	[smem:$0x3FAE] =	sst s2  }
0xb: {  	[smem:$0x3FAF] =	sst s3  }
0xc: {  	[smem:$0x3FB0] =	sst s4  }
0xd: {  	[smem:$0x3FB1] =	sst s5  }
0xe: {  	[smem:$0x3FB2] =	sst s6  }
0xf: {  	[smem:$0x3FB3] =	sst s7  }
0x10: {  	[smem:$0x3FB4] =	sst s8  }
0x11: {  	[smem:$0x3FB5] =	sst s9;
	s0 =	simm.s32 @!p0 $0x0  }
0x12: {  	s1 =	sld [smem:$0x3F9B];
	s0 =	simm.s32 @p0 $0x1  }
0x13: {  	[smem:$0x3FB6] =	sst s0;
	s0 =	simm.s32 @!p1 $0x0  }
0x14: {  	s2 =	sld [smem:$0x3F9A];
	s0 =	simm.s32 @p1 $0x1  }
0x15: {  	[smem:$0x3FB7] =	sst s0;
	s0 =	simm.s32 @!p2 $0x0  }
0x16: {  	s3 =	sld [smem:$0x3FDB];
	s0 =	simm.s32 @p2 $0x1  }
0x17: {  	s4 =	simm.s32 $0x1BF5;
	[smem:$0x3FB9] =	sst s0  }
0x18: {  	s0 =	sld [smem:$0x3F9C];
	_ =	swait.ge [sflag:s4], $0x0  }
0x19: {  	s7 =	sld [smem:$0x3F9D]  }
0x1a: {  	s8 =	sadd.s32 $0xFFFFE003, lr  }
0x1b: {  	s9 =	sadd.s32 $0xFFFFFEF7, lr;
	s5 =	simm.s32 $0xFFFFFFFF;
	p2 =	slt.u32 s8, $0xFFFFF086  }
0x1c: {  	p1 =	slt.u32 s9, $0xF7A;
	s5 =	simm.s32 @!p2 $0x0  }
0x1d: {  	s5 =	simm.s32 @p1 $0x1;
	p0 =	seq.s32 s7, s2  }
0x1e: {  	s7 =	smul.u32 @!p0 $0xF7A, s2;
	p2 =	seq.s32 @!p0 s5, $0x0  }
0x1f: {  	s9 =	smul.u32 $0xF7A, s1;
	s8 =	simm.s32 @!p0 $0x1BF5;
	p2 =	por !p2, p0  }
0x20: {  	[sflag:s8] =	ssyncset.s32 @!p0 $0xFFFFF086;
	s6 =	sadd.s32 @!p0 s3, s7;
	s7 =	simm.s32 @!p0 $0x108  }
0x21: {  	s3 =	sadd.s32 s3, s9;
	s6 =	sadd.s32 @!p0 $0x88, s6;
	s7 =	simm.s32 @p2 $0x1082  }
0x22: {  	[simem:s7], [sflag:s8] =	dma.local @!p0 [hbm:s6], $0xF7A  }
0x23: {  	s9 =	sor.u32 $0xD0000000, s2;
	s6 =	simm.s32 $0x108;
	_ =	swait.ge @!p0 [sflag:s8], $0x0  }
0x24: {  	s3 =	sadd.s32 $0x88, s3;
	s6 =	simm.s32 @!p1 $0x1082;
	[sflag:s4] =	ssyncset.s32 $0xFFFFF086  }
0x25: {  	[simem:s6], [sflag:s4] =	dma.local [hbm:s3], $0xF7A  }
0x26: {  	[smem:$0x3F9D] =	sst s1;
	(tag) =	ssettag s2;
	_ =	strace s9  }
0x27: {  	s1 =	sld [smem:$0x3FAD]  }
0x28: {  	s2 =	sld [smem:$0x3FAE]  }
0x29: {  	s4 =	sld [smem:$0x3FB0]  }
0x2a: {  	p0 =	seq.s32 s5, $0x0;
	s5 =	sld [smem:$0x3FB1]  }
0x2b: {  	s6 =	sld [smem:$0x3FB2]  }
0x2c: {  	s7 =	sld [smem:$0x3FB3]  }
0x2d: {  	s3 =	simm.s32 $0x108;
	s8 =	sld [smem:$0x3FB4]  }
0x2e: {  	s3 =	simm.s32 @!p0 $0x1082;
	s9 =	sld [smem:$0x3FB5]  }
0x2f: {  	lr =	sadd.s32 s0, s3;
	s0 =	sld [smem:$0x3FAC]  }
0x30: {  	s3 =	sld [smem:$0x3FAF]  }
0x31: {  	[smem:$0x3FB8] =	sst s10  }
0x32: {  	s10 =	sld [smem:$0x3FB6];
	_ =	sdelay $0x3  }
0x33: {  	p0 =	seq.s32 s10, $0x1;
	s10 =	sld [smem:$0x3FB8];
	_ =	sdelay $0x3  }
0x34: {  	[smem:$0x3FB8] =	sst s10  }
0x35: {  	s10 =	sld [smem:$0x3FB7];
	_ =	sdelay $0x3  }
0x36: {  	p1 =	seq.s32 s10, $0x1;
	s10 =	sld [smem:$0x3FB8];
	_ =	sdelay $0x3  }
0x37: {  	[smem:$0x3FB8] =	sst s10  }
0x38: {  	s10 =	sld [smem:$0x3FB9]  }
0x39: {  	_ = 	snop;
	(pc) =	sbr.ind lr, $3  }
0x3a: {  	_ = 	snop  }
0x3b: {  	_ = 	snop  }
0x3c: {  	p2 =	seq.s32 s10, $0x1;
	s10 =	sld [smem:$0x3FB8]  }
0x3d: {  	_ =	shalt  }
0x3e: {  	_ =	shalt  }
0x3f: {  	_ =	shalt  }
0x40: {  	_ =	shalt  }
0x41: {  	_ =	shalt  }
0x42: {  	_ =	shalt  }
0x43: {  	_ =	shalt  }
0x44: {  	_ =	shalt  }
0x45: {  	_ =	shalt  }
0x46: {  	_ =	shalt  }
0x47: {  	_ =	shalt  }
0x48: {  	_ =	shalt  }
0x49: {  	_ =	shalt  }
0x4a: {  	_ =	shalt  }
0x4b: {  	_ =	shalt  }
0x4c: {  	_ =	shalt  }
0x4d: {  	_ =	shalt  }
0x4e: {  	_ =	shalt  }
0x4f: {  	_ =	shalt  }
0x50: {  	_ =	shalt  }
0x51: {  	_ =	shalt  }
0x52: {  	_ =	shalt  }
0x53: {  	_ =	shalt  }
0x54: {  	_ =	shalt  }
0x55: {  	_ =	shalt  }
0x56: {  	_ =	shalt  }
0x57: {  	_ =	shalt  }
0x58: {  	_ =	shalt  }
0x59: {  	_ =	shalt  }
0x5a: {  	_ =	shalt  }
0x5b: {  	_ =	shalt  }
0x5c: {  	_ =	shalt  }
0x5d: {  	_ =	shalt  }
0x5e: {  	_ =	shalt  }
0x5f: {  	_ =	shalt  }
0x60: {  	_ =	shalt  }
0x61: {  	_ =	shalt  }
0x62: {  	_ =	shalt  }
0x63: {  	_ =	shalt  }
0x64: {  	_ =	shalt  }
0x65: {  	_ =	shalt  }
0x66: {  	_ =	shalt  }
0x67: {  	_ =	shalt  }
0x68: {  	_ =	shalt  }
0x69: {  	_ =	shalt  }
0x6a: {  	_ =	shalt  }
0x6b: {  	_ =	shalt  }
0x6c: {  	_ =	shalt  }
0x6d: {  	_ =	shalt  }
0x6e: {  	_ =	shalt  }
0x6f: {  	_ =	shalt  }
0x70: {  	_ =	shalt  }
0x71: {  	_ =	shalt  }
0x72: {  	_ =	shalt  }
0x73: {  	_ =	shalt  }
0x74: {  	_ =	shalt  }
0x75: {  	_ =	shalt  }
0x76: {  	_ =	shalt  }
0x77: {  	_ =	shalt  }
0x78: {  	_ =	shalt  }
0x79: {  	_ =	shalt  }
0x7a: {  	_ =	shalt  }
0x7b: {  	_ =	shalt  }
0x7c: {  	_ =	shalt  }
0x7d: {  	_ =	shalt  }
0x7e: {  	_ =	shalt  }
0x7f: {  	_ =	shalt  }
0x80: {  	_ =	shalt  }
0x81: {  	_ =	shalt  }
0x82: {  	_ =	shalt  }
0x83: {  	_ =	shalt  }
0x84: {  	_ =	shalt  }
0x85: {  	_ =	shalt  }
0x86: {  	_ =	shalt  }
0x87: {  	_ =	shalt  }
.Lfunc_end0:
.L_simem_size_0:
called_computation.2_lowered:
.L_overlay_start_0:
0x88: {  	s2 =	sld [smem:$0x3FD9]  }
0x89: {  	s3 =	sld [smem:$0x3FFE];
	_ =	sdelay $0x1  }
0x8a: {  	s1 =	srdreg.scid  }
0x8b: {  	s0 =	sand.u32 $0x1, s1  }
0x8c: {  	s17 =	sshll.u32 s0, $0xA;
	s2 =	sadd.s32 s3, s2  }
0x8d: {  	s2 =	sadd.s32 s2, s17  }
0x8e: {  	[smem:$0x3FC4] =	sst s2  }
0x8f: {  	_ = 	snop  }
0x90: {  	s2 =	sld [smem:$0x3FD0];
	(tm) =	ssettm $0x1  }
0x91: {  	s18 =	sld [smem:$0x3FFB];
	_ =	sdelay $0x3  }
0x92: {  	_ =	strace s18  }
0x93: {  	s3 =	sld [smem:$0x3FFC];
	_ =	sdelay $0x3  }
0x94: {  	_ =	strace s3  }
0x95: {  	s3 =	sld [smem:$0x3FFD];
	_ =	sdelay $0x3  }
0x96: {  	_ =	strace s3  }
0x97: {  	_ =	strace $0x8FFFFFFF  }
0x98: {  	s19 =	sld [smem:$0x3FDB];
	_ =	sdelay $0x1  }
0x99: {  	s4 =	simm.s32 $_scs_section_size  }
0x9a: {  	s5 =	simm.s32 $_size__tile_overlayer_lowered;
	s6 =	simm.s32 $_tile_overlayer_lowered  }
0x9b: {  	s22 =	simm.s32 $0x1BFF;
	s21 =	sshll.u32 s6, $0x1;
	s3 =	sadd.s32 s4, s19  }
0x9c: {  	s7 =	simm.s32 $0x0;
	s20 =	sshll.u32 s5, $0x1;
	s5 =	sadd.s32 s21, s3  }
0x9d: {  	[timem:s7], [sflag:s22] =	dma.local [hbm:s5], s20  }
0x9e: {  	_ =	swait.ge [sflag:s22], s20  }
0x9f: {  	s4 =	ssub.s32 $0x0, s20;
	[sflag:s22] =	ssyncset.done $0x0  }
0xa0: {  	[sflag:s22] =	ssyncadd.s32 s4;
	_ =	sdelay $0x1  }
0xa1: {  	s23 =	simm.s32 $0x1B8B  }
0xa2: {  	_ =	swait.ge [sflag:s23], $0x1  }
0xa3: {  	[sflag:s23] =	ssyncset.done $0x0  }
0xa4: {  	s25 =	simm.s32 $0x1B8E;
	s24 =	sld [smem:$0x3FFE];
	[sflag:s23] =	ssyncadd.s32 $0xFFFFFFFF  }
0xa5: {  	s26 =	simm.s32 $execute0_lowered;
	[smem:$0x3FD2] =	sst s25  }
0xa6: {  	s5 =	sshll.u32 s26, $0x1;
	_ =	strace $0x8000004C;
	[dreg:$0x1] =	wrdreg $0xFFFFFFFF  }
0xa7: {  	s28 =	simm.s32 $_size_execute0_lowered;
	s3 =	sadd.s32 s3, s5;
	[dreg:$0x0] =	wrdreg $0x0  }
0xa8: {  	s5 =	sshll.u32 s28, $0x1;
	[dreg:$0x2] =	wrdreg s3  }
0xa9: {  	[dreg:$0x3] =	wrdreg s5  }
0xaa: {  	[dreg:$0x4] =	wrdreg $0xC0  }
0xab: {  	_ =	task [dreg:s7], $0x5FFFF  }
0xac: {  	[dreg:$0x1] =	wrdreg $0xFFFFFFFF  }
0xad: {  	[dreg:$0x0] =	wrdreg $0x60  }
0xae: {  	[dreg:$0x2] =	wrdreg s24  }
0xaf: {  	[dreg:$0x3] =	wrdreg s2  }
0xb0: {  	[dreg:$0x4] =	wrdreg $0x0  }
0xb1: {  	[dreg:$0x5] =	wrdreg $0x9  }
0xb2: {  	_ =	task.clear_ibuf [dreg:s7], $0x6FFFF;
	_ =	strace $0x9000004C  }
0xb3: {  	s29 =	simm.s32 $0x9;
	_ =	strace $0x8000004E  }
0xb4: {  	_ =	swait.ge [sflag:s29], $0x1  }
0xb5: {  	[sflag:s29] =	ssyncadd.s32 $0xFFFFFFFF  }
0xb6: {  	_ =	strace $0x9000004E  }
0xb7: {  	_ =	sfence  }
0xb8: {  	s30 =	sld [smem:$0x0];
	_ =	sdelay $0x2  }
0xb9: {  	s31 =	sshll.u32 s1, $0xD;
	s1 =	sshrl.u32 s1, $0x2  }
0xba: {  	s3 =	sand.u32 $0x4000, s31;
	s1 =	sadd.s32 s1, s30  }
0xbb: {  	s0 =	sor.u32 s3, s0;
	s1 =	sshll.u32 s1, $0x11  }
0xbc: {  	s0 =	sor.u32 s1, s0  }
0xbd: {  	s0 =	sadd.s32 $0x8F2B, s0  }
0xbe: {  	[sflag:s0] =	ssyncadd.remote.s32 $0x1  }
0xbf: {  	_ =	sfence.sel $0xFFFF  }
0xc0: {  	[dreg:$0x0] =	wrdreg $0xFFFFFFFF;
	(pc) =	sbr.abs _section_cstart, $3  }
0xc1: {  	[dreg:$0x1] =	wrdreg $0xFFFFFFFF  }
0xc2: {  	_ =	task.clear_ibuf [dreg:s7], $0x2FFFF;
	_ =	strace $0x9FFFFFFF  }
0xc3: {  	(tm) =	ssettm $0x7FFFFFFF  }
tec
execute0_lowered:
.L_overlay_start_1:
0x0: {  	(tag) =	ssettag $0x1  }
0x1: {  	s0 =	rddreg [dreg:$0x0]  }
0x2: {  	s1 =	rddreg [dreg:$0x1]  }
0x3: {  	s2 =	rddreg [dreg:$0x2];
	s4 =	simm.s32 $0x0  }
0x4: {  	s3 =	srdreg.scid;
	s12 =	stileid.u32;
	s29 =	simm.s32 $0x13C00  }
0x5: {  	s30 =	simm.s32 $0x1;
	s31 =	simm.s32 $0x80;
	s5 =	smul.u32 $0x24, s12  }
0x6: {  	s28 =	simm.s32 $0x14380;
	[smem:$0x7FF] =	sst s4;
	s7 =	smul.u32 $0x13C00, s12  }
0x7: {  	s3 =	sand.u32 $0x1, s3;
	s6 =	sshll.u32 s12, $0x2;
	s19 =	smul.u32 $0x4F000, s12  }
0x8: {  	p0 =	seq.s32 s3, $0x0;
	s6 =	sor.u32 $0x240, s6;
	_ =	strace $0x8000004D  }
0x9: {  	s26 =	smul.u32 $0x13C000, s3;
	s8 =	ssub.s32 $0x2, s3;
	s6 =	smov.u32 @p0 s5  }
0xa: {  	s9 =	sadd.s32 $0x11800, s7;
	s10 =	sshrl.u32 s8, $0x1;
	s20 =	sadd.s32 $0x2800, s7  }
0xb: {  	s12 =	sadd.s32 $0x7800, s7;
	s13 =	sadd.s32 $0xA000, s7;
	s15 =	sadd.s32 $0xC800, s7  }
0xc: {  	p0 =	sne.s32 s3, $0x0;
	s3 =	simm.s32 $0x14000;
	s6 =	sshll.u32 s6, $0x7  }
0xd: {  	s11 =	sadd.s32 s26, s9;
	s8 =	ssub.s32 s8, s10;
	s9 =	sadd.s32 s9, s2  }
0xe: {  	s14 =	sadd.s32 s26, s7;
	s21 =	sadd.s32 s26, s20;
	s24 =	sadd.s32 s26, s13  }
0xf: {  	s25 =	sadd.s32 s26, s15;
	s20 =	sadd.s32 s20, s2;
	s10 =	simm.s32 $0x5  }
0x10: {  	s6 =	sadd.s32 s6, s0;
	s0 =	sadd.s32 $0x1FE00, s0;
	s16 =	sshrl.u32 s11, $0x3  }
0x11: {  	[dreg:$0x4] =	wrdreg s9;
	s11 =	sadd.s32 $0x5000, s7;
	s7 =	sadd.s32 $0xF000, s7  }
0x12: {  	s14 =	sshrl.u32 s14, $0x3;
	[dreg:$0x12] =	wrdreg s20;
	s17 =	sadd.s32 $0xBC00, s6  }
0x13: {  	s9 =	simm.s32 $0x0;
	s18 =	sadd.s32 s0, s16;
	[dreg:$0x5] =	wrdreg s17  }
0x14: {  	s20 =	simm.s32 $0x14200;
	s14 =	sadd.s32 s0, s14;
	[dreg:$0x6] =	wrdreg s18  }
0x15: {  	s16 =	sadd.s32 s26, s11;
	s5 =	sadd.s32 s26, s7;
	[dreg:$0x7] =	wrdreg s14  }
0x16: {  	s14 =	sshrl.u32 s21, $0x3;
	s16 =	sshrl.u32 s16, $0x3;
	s17 =	sadd.s32 s26, s12  }
0x17: {  	s5 =	sshrl.u32 s5, $0x3;
	s18 =	sadd.s32 $0xBD00, s6;
	s21 =	sadd.s32 s11, s2  }
0x18: {  	s11 =	simm.s32 $0x13C80;
	s14 =	sadd.s32 s0, s14;
	[dreg:$0xf] =	wrdreg s18  }
0x19: {  	s22 =	sadd.s32 s0, s16;
	s23 =	sshrl.u32 s17, $0x3;
	[dreg:$0x13] =	wrdreg s21  }
0x1a: {  	s16 =	sshrl.u32 s25, $0x3;
	s17 =	sshrl.u32 s19, $0x2;
	[dreg:$0x8] =	wrdreg s14  }
0x1b: {  	s19 =	smax.u32 s8, $0x1;
	s25 =	sadd.s32 s7, s2;
	[dreg:$0x9] =	wrdreg s22  }
0x1c: {  	s7 =	simm.s32 $0x18400;
	s8 =	simm.s32 $0x3;
	[dreg:$0x11] =	wrdreg s19  }
0x1d: {  	s18 =	simm.s32 $0x2;
	s14 =	sadd.s32 s0, s23;
	[dreg:$0x17] =	wrdreg s25  }
0x1e: {  	s21 =	simm.s32 $0x14180;
	s26 =	sadd.s32 s0, s16;
	[dreg:$0xa] =	wrdreg s14  }
0x1f: {  	s16 =	sadd.s32 $0xBC80, s6;
	s22 =	sadd.s32 s12, s2;
	[dreg:$0xc] =	wrdreg s26  }
0x20: {  	s23 =	sadd.s32 s13, s2;
	s12 =	simm.s32 $0x4;
	[dreg:$0xe] =	wrdreg s16  }
0x21: {  	s13 =	simm.s32 $0x13E00;
	s25 =	simm.s32 $0x13E80;
	[dreg:$0x14] =	wrdreg s22  }
0x22: {  	s19 =	simm.s32 $0x14080;
	s14 =	sshrl.u32 s24, $0x3;
	[dreg:$0x15] =	wrdreg s23  }
0x23: {  	s24 =	sadd.s32 s15, s2;
	s26 =	sadd.s32 $0xBE00, s6;
	s15 =	simm.s32 $0x13D80  }
0x24: {  	s16 =	simm.s32 $0x13F00;
	s22 =	simm.s32 $0x14300;
	[dreg:$0x16] =	wrdreg s24  }
0x25: {  	s23 =	simm.s32 $0x14280;
	s14 =	sadd.s32 s0, s14;
	[dreg:$0x18] =	wrdreg s26  }
0x26: {  	s0 =	sadd.s32 s0, s5;
	s5 =	simm.s32 $0x7;
	[dreg:$0xb] =	wrdreg s14  }
0x27: {  	[dreg:$0xd] =	wrdreg s0;
	s0 =	sadd.s32 s17, s2;
	s14 =	simm.s32 $0x6  }
0x28: {  	v0 =	vimm.f32 $0.0e+00;
	s17 =	simm.s32 $0x14100;
	[dreg:$0x10] =	wrdreg s0;
	s0 =	simm.s32 $0x14400  }
.LBB2_1:
0x29: {  	[dreg:$0x19] =	wrdreg s9;
	s24 =	simm.s32 $0x70;
	s26 =	simm.s32 $0x3C0  }
.LBB2_2:
0x2a: {  	p1 =	sne.s32 s26, $0x9FC0;
	[tilespmem:s24+$0x1C400] =	vst v0  }
0x2b: {  	[tilespmem:s24+$0x1C390] =	vst v0  }
0x2c: {  	[tilespmem:s24+$0x1C3A0] =	vst v0  }
.Ltmp0:
0x2d: {  	[tilespmem:s24+$0x1C3B0] =	vst v0;
	(pc) =	sbr.rel @p1 .LBB2_2-.Ltmp0, $4  }
0x2e: {  	[tilespmem:s24+$0x1C3C0] =	vst v0  }
0x2f: {  	[tilespmem:s24+$0x1C3D0] =	vst v0  }
0x30: {  	[tilespmem:s24+$0x1C3E0] =	vst v0  }
0x31: {  	[tilespmem:s24+$0x1C3F0] =	vst v0;
	s24 =	sshra.s32 s26, $0x2;
	s26 =	sadd.s32 $0x200, s26  }
0x32: {  	[tilespmem:s24+$0x1C400] =	vst v0  }
0x33: {  	[tilespmem:s24+$0x1C390] =	vst v0  }
0x34: {  	[tilespmem:s24+$0x1C3A0] =	vst v0  }
0x35: {  	[tilespmem:s24+$0x1C3B0] =	vst v0  }
0x36: {  	[tilespmem:s24+$0x1C3C0] =	vst v0  }
0x37: {  	[tilespmem:s24+$0x1C3D0] =	vst v0  }
0x38: {  	[tilespmem:s24+$0x1C3E0] =	vst v0  }
0x39: {  	[tilespmem:s24+$0x1C3F0] =	vst v0;
	s6 =	rddreg [dreg:$0x10];
	s24 =	simm.s32 $0x1C400  }
0x3a: {  	[spmem:s6] =	stream.linear.scatter [tilespmem:s24], [sflag:$0x7], $0x2800, $0x38;
	[tilespmem:$0x1EC00] =	vst v63  }
0x3b: {  	_ =	swait.ge [sflag:s5], $0x2800  }
0x3c: {  	[sflag:s5] =	ssyncset.done $0x0  }
0x3d: {  	s26 =	rddreg [dreg:$0x12];
	[sflag:s5] =	ssyncadd.s32 $0xFFFFD800  }
0x3e: {  	[spmem:s26] =	stream.linear.scatter [tilespmem:s24], [sflag:$0x7], $0x2800, $0x38;
	[tilespmem:$0x1EC00] =	vst v63  }
0x3f: {  	_ =	swait.ge [sflag:s5], $0x2800  }
0x40: {  	[sflag:s5] =	ssyncset.done $0x0  }
0x41: {  	s9 =	rddreg [dreg:$0x13];
	[sflag:s5] =	ssyncadd.s32 $0xFFFFD800  }
0x42: {  	[spmem:s9] =	stream.linear.scatter [tilespmem:s24], [sflag:$0x7], $0x2800, $0x38;
	[tilespmem:$0x1EC00] =	vst v63  }
0x43: {  	_ =	swait.ge [sflag:s5], $0x2800  }
0x44: {  	[sflag:s5] =	ssyncset.done $0x0  }
0x45: {  	s26 =	rddreg [dreg:$0x14];
	[sflag:s5] =	ssyncadd.s32 $0xFFFFD800  }
0x46: {  	[spmem:s26] =	stream.linear.scatter [tilespmem:s24], [sflag:$0x7], $0x2800, $0x38;
	[tilespmem:$0x1EC00] =	vst v63  }
0x47: {  	_ =	swait.ge [sflag:s5], $0x2800  }
0x48: {  	[sflag:s5] =	ssyncset.done $0x0  }
0x49: {  	s9 =	rddreg [dreg:$0x15];
	[sflag:s5] =	ssyncadd.s32 $0xFFFFD800  }
0x4a: {  	[spmem:s9] =	stream.linear.scatter [tilespmem:s24], [sflag:$0x7], $0x2800, $0x38;
	[tilespmem:$0x1EC00] =	vst v63  }
0x4b: {  	_ =	swait.ge [sflag:s5], $0x2800  }
0x4c: {  	[sflag:s5] =	ssyncset.done $0x0  }
0x4d: {  	s26 =	rddreg [dreg:$0x16];
	[sflag:s5] =	ssyncadd.s32 $0xFFFFD800  }
0x4e: {  	[spmem:s26] =	stream.linear.scatter [tilespmem:s24], [sflag:$0x7], $0x2800, $0x38;
	[tilespmem:$0x1EC00] =	vst v63  }
0x4f: {  	_ =	swait.ge [sflag:s5], $0x2800  }
0x50: {  	[sflag:s5] =	ssyncset.done $0x0  }
0x51: {  	s9 =	rddreg [dreg:$0x17];
	[sflag:s5] =	ssyncadd.s32 $0xFFFFD800  }
0x52: {  	[spmem:s9] =	stream.linear.scatter [tilespmem:s24], [sflag:$0x7], $0x2800, $0x38;
	[tilespmem:$0x1EC00] =	vst v63  }
0x53: {  	_ =	swait.ge [sflag:s5], $0x2800  }
0x54: {  	[sflag:s5] =	ssyncset.done $0x0  }
0x55: {  	s26 =	rddreg [dreg:$0x4];
	[sflag:s5] =	ssyncadd.s32 $0xFFFFD800  }
0x56: {  	[spmem:s26] =	stream.linear.scatter [tilespmem:s24], [sflag:$0x7], $0x2400, $0x38;
	[tilespmem:$0x1EC00] =	vst v63  }
0x57: {  	_ =	swait.ge [sflag:s5], $0x2400  }
0x58: {  	[sflag:s5] =	ssyncset.done $0x0  }
0x59: {  	[sflag:s5] =	ssyncadd.s32 $0xFFFFDC00  }
0x5a: {  	[bflag:$0x0] =	sbarrier.arrive $0xFFFF  }
0x5b: {  	s24 =	simm.s32 $0x0;
	s5 =	rddreg [dreg:$0x5]  }
0x5c: {  	[tilespmem:s29], [sflag:$0x1] =	stream.linear.gather [hbm4b:s5+s24], $0x400, $0x38;
	[tilespmem:$0x1EC00] =	vst v63  }
0x5d: {  	_ =	swait.ge [sflag:s30], $0x400  }
0x5e: {  	[sflag:s30] =	ssyncset.done $0x0  }
0x5f: {  	[sflag:s30] =	ssyncadd.s32 $0xFFFFFC00  }
0x60: {  	[tilespmem:s0], [sflag:$0x3] =	stream.indirect.gather [hbm4b:s1+s31], $0x80, s29, s31, $0xb8;
	[tilespmem:$0x1EC00] =	vst v63  }
0x61: {  	s9 =	rddreg [dreg:$0xe]  }
0x62: {  	[tilespmem:s3], [sflag:$0x2] =	stream.linear.gather [hbm4b:s9+s24], $0x400, $0x38;
	[tilespmem:$0x1EC00] =	vst v63  }
0x63: {  	s9 =	simm.s32 $0x13D00  }
0x64: {  	[tilespmem:s7], [sflag:$0x4] =	stream.indirect.gather [hbm4b:s1+s31], $0x80, s9, s31, $0xb8;
	[tilespmem:$0x1EC00] =	vst v63  }
0x65: {  	_ =	swait.ge [sflag:s8], $0x4000  }
0x66: {  	[sflag:s8] =	ssyncset.done $0x0  }
0x67: {  	[sflag:s8] =	ssyncadd.s32 $0xFFFFC000  }
0x68: {  	[spmem:s2] =	stream.indirect.scatter.add.f32 [tilespmem:s0], [sflag:$0x5], $0x80, s11, s31, $0xb8;
	[tilespmem:$0x1EC00] =	vst v63  }
0x69: {  	_ =	swait.ge [sflag:s10], $0x4000  }
0x6a: {  	[sflag:s10] =	ssyncset.done $0x0  }
0x6b: {  	[sflag:s10] =	ssyncadd.s32 $0xFFFFC000  }
0x6c: {  	[tilespmem:s0], [sflag:$0x3] =	stream.indirect.gather [hbm4b:s1+s31], $0x80, s13, s31, $0xb8;
	[tilespmem:$0x1EC00] =	vst v63  }
0x6d: {  	_ =	swait.ge [sflag:s12], $0x4000  }
0x6e: {  	[sflag:s12] =	ssyncset.done $0x0  }
0x6f: {  	[sflag:s12] =	ssyncadd.s32 $0xFFFFC000  }
0x70: {  	[spmem:s2] =	stream.indirect.scatter.add.f32 [tilespmem:s7], [sflag:$0x6], $0x80, s15, s31, $0xb8;
	[tilespmem:$0x1EC00] =	vst v63  }
0x71: {  	_ =	swait.ge [sflag:s14], $0x4000  }
0x72: {  	[sflag:s14] =	ssyncset.done $0x0  }
0x73: {  	[sflag:s14] =	ssyncadd.s32 $0xFFFFC000  }
0x74: {  	[tilespmem:s7], [sflag:$0x4] =	stream.indirect.gather [hbm4b:s1+s31], $0x80, s16, s31, $0xb8;
	[tilespmem:$0x1EC00] =	vst v63  }
0x75: {  	_ =	swait.ge [sflag:s8], $0x4000  }
0x76: {  	[sflag:s8] =	ssyncset.done $0x0  }
0x77: {  	[sflag:s8] =	ssyncadd.s32 $0xFFFFC000  }
0x78: {  	[spmem:s2] =	stream.indirect.scatter.add.f32 [tilespmem:s0], [sflag:$0x5], $0x80, s25, s31, $0xb8;
	[tilespmem:$0x1EC00] =	vst v63  }
0x79: {  	_ =	swait.ge [sflag:s18], $0x400  }
0x7a: {  	[sflag:s18] =	ssyncset.done $0x0  }
0x7b: {  	[sflag:s18] =	ssyncadd.s32 $0xFFFFFC00  }
0x7c: {  	_ =	swait.ge [sflag:s10], $0x4000  }
0x7d: {  	[sflag:s10] =	ssyncset.done $0x0  }
0x7e: {  	[sflag:s10] =	ssyncadd.s32 $0xFFFFC000  }
0x7f: {  	[tilespmem:s0], [sflag:$0x3] =	stream.indirect.gather [hbm4b:s1+s31], $0x80, s3, s31, $0xb8;
	[tilespmem:$0x1EC00] =	vst v63  }
0x80: {  	_ =	swait.ge [sflag:s12], $0x4000  }
0x81: {  	[sflag:s12] =	ssyncset.done $0x0  }
0x82: {  	s5 =	simm.s32 $0x13F80;
	[sflag:s12] =	ssyncadd.s32 $0xFFFFC000  }
0x83: {  	[spmem:s2] =	stream.indirect.scatter.add.f32 [tilespmem:s7], [sflag:$0x6], $0x80, s5, s31, $0xb8;
	[tilespmem:$0x1EC00] =	vst v63  }
0x84: {  	_ =	swait.ge [sflag:s14], $0x4000  }
0x85: {  	[sflag:s14] =	ssyncset.done $0x0  }
0x86: {  	s26 =	rddreg [dreg:$0xf];
	[sflag:s14] =	ssyncadd.s32 $0xFFFFC000  }
0x87: {  	[tilespmem:s29], [sflag:$0x1] =	stream.linear.gather [hbm4b:s26+s24], $0x400, $0x38;
	[tilespmem:$0x1EC00] =	vst v63  }
0x88: {  	_ = 	snop  }
0x89: {  	[tilespmem:s7], [sflag:$0x4] =	stream.indirect.gather [hbm4b:s1+s31], $0x80, s17, s31, $0xb8;
	[tilespmem:$0x1EC00] =	vst v63  }
0x8a: {  	_ =	swait.ge [sflag:s8], $0x4000  }
0x8b: {  	[sflag:s8] =	ssyncset.done $0x0  }
0x8c: {  	[sflag:s8] =	ssyncadd.s32 $0xFFFFC000  }
0x8d: {  	[spmem:s2] =	stream.indirect.scatter.add.f32 [tilespmem:s0], [sflag:$0x5], $0x80, s19, s31, $0xb8;
	[tilespmem:$0x1EC00] =	vst v63  }
0x8e: {  	_ =	swait.ge [sflag:s10], $0x4000  }
0x8f: {  	[sflag:s10] =	ssyncset.done $0x0  }
0x90: {  	[sflag:s10] =	ssyncadd.s32 $0xFFFFC000  }
0x91: {  	[tilespmem:s0], [sflag:$0x3] =	stream.indirect.gather [hbm4b:s1+s31], $0x80, s20, s31, $0xb8;
	[tilespmem:$0x1EC00] =	vst v63  }
0x92: {  	_ =	swait.ge [sflag:s12], $0x4000  }
0x93: {  	[sflag:s12] =	ssyncset.done $0x0  }
0x94: {  	[sflag:s12] =	ssyncadd.s32 $0xFFFFC000  }
0x95: {  	[spmem:s2] =	stream.indirect.scatter.add.f32 [tilespmem:s7], [sflag:$0x6], $0x80, s21, s31, $0xb8;
	[tilespmem:$0x1EC00] =	vst v63  }
0x96: {  	_ =	swait.ge [sflag:s14], $0x4000  }
0x97: {  	[sflag:s14] =	ssyncset.done $0x0  }
0x98: {  	[sflag:s14] =	ssyncadd.s32 $0xFFFFC000  }
0x99: {  	[tilespmem:s7], [sflag:$0x4] =	stream.indirect.gather [hbm4b:s1+s31], $0x80, s22, s31, $0xb8;
	[tilespmem:$0x1EC00] =	vst v63  }
0x9a: {  	_ =	swait.ge [sflag:s8], $0x4000  }
0x9b: {  	[sflag:s8] =	ssyncset.done $0x0  }
0x9c: {  	s26 =	rddreg [dreg:$0x18];
	[sflag:s8] =	ssyncadd.s32 $0xFFFFC000  }
0x9d: {  	[spmem:s2] =	stream.indirect.scatter.add.f32 [tilespmem:s0], [sflag:$0x5], $0x80, s23, s31, $0xb8;
	[tilespmem:$0x1EC00] =	vst v63  }
.LBB2_4:
0x9e: {  	_ =	swait.ge [sflag:s30], $0x400  }
0x9f: {  	[sflag:s30] =	ssyncset.done $0x0  }
0xa0: {  	[sflag:s30] =	ssyncadd.s32 $0xFFFFFC00  }
0xa1: {  	_ =	swait.ge [sflag:s10], $0x4000  }
0xa2: {  	[sflag:s10] =	ssyncset.done $0x0  }
0xa3: {  	[sflag:s10] =	ssyncadd.s32 $0xFFFFC000  }
0xa4: {  	[tilespmem:s0], [sflag:$0x3] =	stream.indirect.gather [hbm4b:s1+s31], $0x80, s29, s31, $0xb8;
	[tilespmem:$0x1EC00] =	vst v63  }
0xa5: {  	_ =	swait.ge [sflag:s12], $0x4000  }
0xa6: {  	[sflag:s12] =	ssyncset.done $0x0  }
0xa7: {  	[sflag:s12] =	ssyncadd.s32 $0xFFFFC000  }
0xa8: {  	[spmem:s2] =	stream.indirect.scatter.add.f32 [tilespmem:s7], [sflag:$0x6], $0x80, s28, s31, $0xb8;
	[tilespmem:$0x1EC00] =	vst v63  }
0xa9: {  	_ =	swait.ge [sflag:s14], $0x4000  }
0xaa: {  	[sflag:s14] =	ssyncset.done $0x0  }
0xab: {  	s6 =	sadd.s32 $0xFFFFFF80, s26;
	[sflag:s14] =	ssyncadd.s32 $0xFFFFC000  }
0xac: {  	[tilespmem:s3], [sflag:$0x2] =	stream.linear.gather [hbm4b:s6+s4], $0x400, $0x38;
	[tilespmem:$0x1EC00] =	vst v63  }
0xad: {  	_ = 	snop  }
0xae: {  	[tilespmem:s7], [sflag:$0x4] =	stream.indirect.gather [hbm4b:s1+s31], $0x80, s9, s31, $0xb8;
	[tilespmem:$0x1EC00] =	vst v63  }
0xaf: {  	_ =	swait.ge [sflag:s8], $0x4000  }
0xb0: {  	[sflag:s8] =	ssyncset.done $0x0  }
0xb1: {  	[sflag:s8] =	ssyncadd.s32 $0xFFFFC000  }
0xb2: {  	[spmem:s2] =	stream.indirect.scatter.add.f32 [tilespmem:s0], [sflag:$0x5], $0x80, s11, s31, $0xb8;
	[tilespmem:$0x1EC00] =	vst v63  }
0xb3: {  	_ =	swait.ge [sflag:s10], $0x4000  }
0xb4: {  	[sflag:s10] =	ssyncset.done $0x0  }
0xb5: {  	[sflag:s10] =	ssyncadd.s32 $0xFFFFC000  }
0xb6: {  	[tilespmem:s0], [sflag:$0x3] =	stream.indirect.gather [hbm4b:s1+s31], $0x80, s13, s31, $0xb8;
	[tilespmem:$0x1EC00] =	vst v63  }
0xb7: {  	_ =	swait.ge [sflag:s12], $0x4000  }
0xb8: {  	[sflag:s12] =	ssyncset.done $0x0  }
0xb9: {  	[sflag:s12] =	ssyncadd.s32 $0xFFFFC000  }
0xba: {  	[spmem:s2] =	stream.indirect.scatter.add.f32 [tilespmem:s7], [sflag:$0x6], $0x80, s15, s31, $0xb8;
	[tilespmem:$0x1EC00] =	vst v63  }
0xbb: {  	_ =	swait.ge [sflag:s14], $0x4000  }
0xbc: {  	[sflag:s14] =	ssyncset.done $0x0  }
0xbd: {  	[sflag:s14] =	ssyncadd.s32 $0xFFFFC000  }
0xbe: {  	[tilespmem:s7], [sflag:$0x4] =	stream.indirect.gather [hbm4b:s1+s31], $0x80, s16, s31, $0xb8;
	[tilespmem:$0x1EC00] =	vst v63  }
0xbf: {  	_ =	swait.ge [sflag:s8], $0x4000  }
0xc0: {  	[sflag:s8] =	ssyncset.done $0x0  }
0xc1: {  	[sflag:s8] =	ssyncadd.s32 $0xFFFFC000  }
0xc2: {  	[spmem:s2] =	stream.indirect.scatter.add.f32 [tilespmem:s0], [sflag:$0x5], $0x80, s25, s31, $0xb8;
	[tilespmem:$0x1EC00] =	vst v63  }
0xc3: {  	_ =	swait.ge [sflag:s18], $0x400  }
0xc4: {  	[sflag:s18] =	ssyncset.done $0x0  }
0xc5: {  	[sflag:s18] =	ssyncadd.s32 $0xFFFFFC00  }
0xc6: {  	_ =	swait.ge [sflag:s10], $0x4000  }
0xc7: {  	[sflag:s10] =	ssyncset.done $0x0  }
0xc8: {  	[sflag:s10] =	ssyncadd.s32 $0xFFFFC000  }
0xc9: {  	[tilespmem:s0], [sflag:$0x3] =	stream.indirect.gather [hbm4b:s1+s31], $0x80, s3, s31, $0xb8;
	[tilespmem:$0x1EC00] =	vst v63  }
0xca: {  	_ =	swait.ge [sflag:s12], $0x4000  }
0xcb: {  	[sflag:s12] =	ssyncset.done $0x0  }
0xcc: {  	[sflag:s12] =	ssyncadd.s32 $0xFFFFC000  }
0xcd: {  	[spmem:s2] =	stream.indirect.scatter.add.f32 [tilespmem:s7], [sflag:$0x6], $0x80, s5, s31, $0xb8;
	[tilespmem:$0x1EC00] =	vst v63  }
0xce: {  	_ =	swait.ge [sflag:s14], $0x4000  }
0xcf: {  	[sflag:s14] =	ssyncset.done $0x0  }
0xd0: {  	[sflag:s14] =	ssyncadd.s32 $0xFFFFC000  }
0xd1: {  	[tilespmem:s29], [sflag:$0x1] =	stream.linear.gather [hbm4b:s26+s4], $0x400, $0x38;
	[tilespmem:$0x1EC00] =	vst v63  }
0xd2: {  	_ = 	snop  }
0xd3: {  	[tilespmem:s7], [sflag:$0x4] =	stream.indirect.gather [hbm4b:s1+s31], $0x80, s17, s31, $0xb8;
	[tilespmem:$0x1EC00] =	vst v63  }
0xd4: {  	_ =	swait.ge [sflag:s8], $0x4000  }
0xd5: {  	[sflag:s8] =	ssyncset.done $0x0  }
0xd6: {  	[sflag:s8] =	ssyncadd.s32 $0xFFFFC000  }
0xd7: {  	[spmem:s2] =	stream.indirect.scatter.add.f32 [tilespmem:s0], [sflag:$0x5], $0x80, s19, s31, $0xb8;
	[tilespmem:$0x1EC00] =	vst v63  }
0xd8: {  	_ =	swait.ge [sflag:s10], $0x4000  }
0xd9: {  	[sflag:s10] =	ssyncset.done $0x0  }
0xda: {  	[sflag:s10] =	ssyncadd.s32 $0xFFFFC000  }
0xdb: {  	[tilespmem:s0], [sflag:$0x3] =	stream.indirect.gather [hbm4b:s1+s31], $0x80, s20, s31, $0xb8;
	[tilespmem:$0x1EC00] =	vst v63  }
0xdc: {  	_ =	swait.ge [sflag:s12], $0x4000  }
0xdd: {  	[sflag:s12] =	ssyncset.done $0x0  }
0xde: {  	[sflag:s12] =	ssyncadd.s32 $0xFFFFC000  }
0xdf: {  	[spmem:s2] =	stream.indirect.scatter.add.f32 [tilespmem:s7], [sflag:$0x6], $0x80, s21, s31, $0xb8;
	[tilespmem:$0x1EC00] =	vst v63  }
0xe0: {  	_ =	swait.ge [sflag:s14], $0x4000  }
0xe1: {  	p1 =	slt.u32 @!p0 s24, $0x10;
	[sflag:s14] =	ssyncset.done $0x0  }
0xe2: {  	p1 =	por p0, !p1;
	[sflag:s14] =	ssyncadd.s32 $0xFFFFC000  }
0xe3: {  	[tilespmem:s7], [sflag:$0x4] =	stream.indirect.gather [hbm4b:s1+s31], $0x80, s22, s31, $0xb8;
	[tilespmem:$0x1EC00] =	vst v63  }
.Ltmp1:
0xe4: {  	_ = 	snop;
	(pc) =	sbr.rel @!p1 .LBB2_4-.Ltmp1, $4  }
0xe5: {  	_ =	swait.ge [sflag:s8], $0x4000  }
0xe6: {  	[sflag:s8] =	ssyncset.done $0x0  }
0xe7: {  	s24 =	sadd.s32 $0x1, s24;
	s26 =	sadd.s32 $0x100, s26;
	[sflag:s8] =	ssyncadd.s32 $0xFFFFC000  }
0xe8: {  	[spmem:s2] =	stream.indirect.scatter.add.f32 [tilespmem:s0], [sflag:$0x5], $0x80, s23, s31, $0xb8;
	[tilespmem:$0x1EC00] =	vst v63  }
0xe9: {  	_ =	swait.ge [sflag:s12], $0x4000  }
0xea: {  	[sflag:s12] =	ssyncset.done $0x0  }
0xeb: {  	[sflag:s12] =	ssyncadd.s32 $0xFFFFC000  }
0xec: {  	[spmem:s2] =	stream.indirect.scatter.add.f32 [tilespmem:s7], [sflag:$0x6], $0x80, s28, s31, $0xb8;
	[tilespmem:$0x1EC00] =	vst v63  }
0xed: {  	_ =	swait.ge [sflag:s10], $0x4000  }
0xee: {  	[sflag:s10] =	ssyncset.done $0x0  }
0xef: {  	[sflag:s10] =	ssyncadd.s32 $0xFFFFC000  }
0xf0: {  	_ =	swait.ge [sflag:s14], $0x4000  }
0xf1: {  	[sflag:s14] =	ssyncset.done $0x0  }
0xf2: {  	[sflag:s14] =	ssyncadd.s32 $0xFFFFC000  }
0xf3: {  	_ =	swait.ge [sflag:s30], $0x400  }
0xf4: {  	[sflag:s30] =	ssyncset.done $0x0  }
0xf5: {  	[sflag:s30] =	ssyncadd.s32 $0xFFFFFC00  }
0xf6: {  	[bflag:$0x0] =	sbarrier.arrive $0xFFFF  }
0xf7: {  	s24 =	simm.s32 $0x1C400;
	s5 =	simm.s32 $0x7;
	s6 =	rddreg [dreg:$0x10]  }
0xf8: {  	[tilespmem:s24], [sflag:$0x7] =	stream.linear.gather [spmem:s6], $0x2800, $0x38;
	[tilespmem:$0x1EC00] =	vst v63  }
0xf9: {  	_ =	swait.ge [sflag:s5], $0x2800  }
0xfa: {  	[sflag:s5] =	ssyncset.done $0x0  }
0xfb: {  	s9 =	rddreg [dreg:$0x7];
	[sflag:s5] =	ssyncadd.s32 $0xFFFFD800  }
0xfc: {  	[hbm4b:s9+s4] =	stream.linear.scatter [tilespmem:s24], [sflag:$0x7], $0x2800, $0x38;
	[tilespmem:$0x1EC00] =	vst v63  }
0xfd: {  	_ =	swait.ge [sflag:s5], $0x2800  }
0xfe: {  	[sflag:s5] =	ssyncset.done $0x0  }
0xff: {  	s26 =	rddreg [dreg:$0x12];
	[sflag:s5] =	ssyncadd.s32 $0xFFFFD800  }
0x100: {  	[tilespmem:s24], [sflag:$0x7] =	stream.linear.gather [spmem:s26], $0x2800, $0x38;
	[tilespmem:$0x1EC00] =	vst v63  }
0x101: {  	_ =	swait.ge [sflag:s5], $0x2800  }
0x102: {  	[sflag:s5] =	ssyncset.done $0x0  }
0x103: {  	s9 =	rddreg [dreg:$0x8];
	[sflag:s5] =	ssyncadd.s32 $0xFFFFD800  }
0x104: {  	[hbm4b:s9+s4] =	stream.linear.scatter [tilespmem:s24], [sflag:$0x7], $0x2800, $0x38;
	[tilespmem:$0x1EC00] =	vst v63  }
0x105: {  	_ =	swait.ge [sflag:s5], $0x2800  }
0x106: {  	[sflag:s5] =	ssyncset.done $0x0  }
0x107: {  	s26 =	rddreg [dreg:$0x13];
	[sflag:s5] =	ssyncadd.s32 $0xFFFFD800  }
0x108: {  	[tilespmem:s24], [sflag:$0x7] =	stream.linear.gather [spmem:s26], $0x2800, $0x38;
	[tilespmem:$0x1EC00] =	vst v63  }
0x109: {  	_ =	swait.ge [sflag:s5], $0x2800  }
0x10a: {  	[sflag:s5] =	ssyncset.done $0x0  }
0x10b: {  	s9 =	rddreg [dreg:$0x9];
	[sflag:s5] =	ssyncadd.s32 $0xFFFFD800  }
0x10c: {  	[hbm4b:s9+s4] =	stream.linear.scatter [tilespmem:s24], [sflag:$0x7], $0x2800, $0x38;
	[tilespmem:$0x1EC00] =	vst v63  }
0x10d: {  	_ =	swait.ge [sflag:s5], $0x2800  }
0x10e: {  	[sflag:s5] =	ssyncset.done $0x0  }
0x10f: {  	s26 =	rddreg [dreg:$0x14];
	[sflag:s5] =	ssyncadd.s32 $0xFFFFD800  }
0x110: {  	[tilespmem:s24], [sflag:$0x7] =	stream.linear.gather [spmem:s26], $0x2800, $0x38;
	[tilespmem:$0x1EC00] =	vst v63  }
0x111: {  	_ =	swait.ge [sflag:s5], $0x2800  }
0x112: {  	[sflag:s5] =	ssyncset.done $0x0  }
0x113: {  	s9 =	rddreg [dreg:$0xa];
	[sflag:s5] =	ssyncadd.s32 $0xFFFFD800  }
0x114: {  	[hbm4b:s9+s4] =	stream.linear.scatter [tilespmem:s24], [sflag:$0x7], $0x2800, $0x38;
	[tilespmem:$0x1EC00] =	vst v63  }
0x115: {  	_ =	swait.ge [sflag:s5], $0x2800  }
0x116: {  	[sflag:s5] =	ssyncset.done $0x0  }
0x117: {  	s26 =	rddreg [dreg:$0x15];
	[sflag:s5] =	ssyncadd.s32 $0xFFFFD800  }
0x118: {  	[tilespmem:s24], [sflag:$0x7] =	stream.linear.gather [spmem:s26], $0x2800, $0x38;
	[tilespmem:$0x1EC00] =	vst v63  }
0x119: {  	_ =	swait.ge [sflag:s5], $0x2800  }
0x11a: {  	[sflag:s5] =	ssyncset.done $0x0  }
0x11b: {  	s9 =	rddreg [dreg:$0xb];
	[sflag:s5] =	ssyncadd.s32 $0xFFFFD800  }
0x11c: {  	[hbm4b:s9+s4] =	stream.linear.scatter [tilespmem:s24], [sflag:$0x7], $0x2800, $0x38;
	[tilespmem:$0x1EC00] =	vst v63  }
0x11d: {  	_ =	swait.ge [sflag:s5], $0x2800  }
0x11e: {  	[sflag:s5] =	ssyncset.done $0x0  }
0x11f: {  	s26 =	rddreg [dreg:$0x16];
	[sflag:s5] =	ssyncadd.s32 $0xFFFFD800  }
0x120: {  	[tilespmem:s24], [sflag:$0x7] =	stream.linear.gather [spmem:s26], $0x2800, $0x38;
	[tilespmem:$0x1EC00] =	vst v63  }
0x121: {  	_ =	swait.ge [sflag:s5], $0x2800  }
0x122: {  	[sflag:s5] =	ssyncset.done $0x0  }
0x123: {  	s9 =	rddreg [dreg:$0xc];
	[sflag:s5] =	ssyncadd.s32 $0xFFFFD800  }
0x124: {  	[hbm4b:s9+s4] =	stream.linear.scatter [tilespmem:s24], [sflag:$0x7], $0x2800, $0x38;
	[tilespmem:$0x1EC00] =	vst v63  }
0x125: {  	_ =	swait.ge [sflag:s5], $0x2800  }
0x126: {  	[sflag:s5] =	ssyncset.done $0x0  }
0x127: {  	s26 =	rddreg [dreg:$0x17];
	[sflag:s5] =	ssyncadd.s32 $0xFFFFD800  }
0x128: {  	[tilespmem:s24], [sflag:$0x7] =	stream.linear.gather [spmem:s26], $0x2800, $0x38;
	[tilespmem:$0x1EC00] =	vst v63  }
0x129: {  	_ =	swait.ge [sflag:s5], $0x2800  }
0x12a: {  	[sflag:s5] =	ssyncset.done $0x0  }
0x12b: {  	s9 =	rddreg [dreg:$0xd];
	[sflag:s5] =	ssyncadd.s32 $0xFFFFD800  }
0x12c: {  	[hbm4b:s9+s4] =	stream.linear.scatter [tilespmem:s24], [sflag:$0x7], $0x2800, $0x38;
	[tilespmem:$0x1EC00] =	vst v63  }
0x12d: {  	_ =	swait.ge [sflag:s5], $0x2800  }
0x12e: {  	[sflag:s5] =	ssyncset.done $0x0  }
0x12f: {  	s26 =	rddreg [dreg:$0x4];
	[sflag:s5] =	ssyncadd.s32 $0xFFFFD800  }
0x130: {  	[tilespmem:s24], [sflag:$0x7] =	stream.linear.gather [spmem:s26], $0x2400, $0x38;
	[tilespmem:$0x1EC00] =	vst v63  }
0x131: {  	_ =	swait.ge [sflag:s5], $0x2400  }
0x132: {  	[sflag:s5] =	ssyncset.done $0x0  }
0x133: {  	s9 =	rddreg [dreg:$0x6];
	[sflag:s5] =	ssyncadd.s32 $0xFFFFDC00  }
0x134: {  	[hbm4b:s9+s4] =	stream.linear.scatter [tilespmem:s24], [sflag:$0x7], $0x2400, $0x38;
	[tilespmem:$0x1EC00] =	vst v63  }
0x135: {  	_ =	swait.ge [sflag:s5], $0x2400  }
0x136: {  	s9 =	rddreg [dreg:$0x19]  }
0x137: {  	s26 =	rddreg [dreg:$0x11];
	s9 =	sadd.s32 $0x1, s9  }
0x138: {  	p1 =	sne.s32 s9, s26  }
.Ltmp2:
0x139: {  	_ = 	snop;
	(pc) =	sbr.rel @p1 .LBB2_1-.Ltmp2, $3  }
0x13a: {  	_ =	sdelay $0x1  }
0x13b: {  	[sflag:s5] =	ssyncset.done $0x0  }
0x13c: {  	[sflag:s5] =	ssyncadd.s32 $0xFFFFDC00  }
0x13d: {  	_ =	sfence.sel $0x180000  }
0x13e: {  	[bflag:$0x0] =	sbarrier.arrive $0xFFFF  }
0x13f: {  	_ =	strace $0x9000004D  }
0x140: {  	s0 =	stileid.u32;
	[bflag:$0x2] =	sbarrier.arrive $0xFFFF  }
0x141: {  	p0 =	sne.s32 s0, $0x0;
	s0 =	rddreg [dreg:$0x3]  }
0x142: {  	s0 =	sadd.s32 @!p0 $0x100000, s0  }
0x143: {  	[sflag:s0] =	ssyncadd.tile.s32 @!p0 $0x1;
	_ =	shalt  }
.Lfunc_end2:
_tile_overlayer_lowered:
.L_overlay_start_2:
0x144: {  	(tag) =	ssettag $0x2  }
0x145: {  	s0 =	rddreg [dreg:$0x0];
	s2 =	stileid.u32  }
0x146: {  	s1 =	rddreg [dreg:$0x1];
	p0 =	sne.s32 s2, $0x0  }
0x147: {  	s3 =	rddreg [dreg:$0x2];
	[bflag:$0x3] =	sbarrier.arrive $0xFFFF;
	s2 =	simm.s32 @!p0 $0x1C07  }
0x148: {  	[timem:s3], [sflag:s2] =	dma.local @!p0 [hbm:s0], s1  }
0x149: {  	s0 =	simm.s32 @!p0 $0x7  }
0x14a: {  	_ =	swait.ge @!p0 [sflag:s0], s1  }
0x14b: {  	s1 =	ssub.s32 @!p0 $0x0, s1;
	[sflag:s0] =	ssyncset.done @!p0 $0x0  }
0x14c: {  	[sflag:s0] =	ssyncadd.s32 @!p0 s1  }
0x14d: {  	[bflag:$0x3] =	sbarrier.arrive $0xFFFF  }
0x14e: {  	_ =	shalt  }

// kernel: kernel.8.cloned.1.call-start
scs
__scs_entry_jumppad:
0x0: {  	(pc) =	sbr.rel $0x88, $3  }
0x1: {  	(tag) =	ssettag $0x0;
	lr =	simm.s32 $0x1  }
0x2: {  	[smem:$0x3F9D] =	sst lr;
	_ =	strace $0xD0000000  }
0x3: {  	_ = 	snop  }
0x4: {  	_ = 	snop  }
0x5: {  	_ = 	snop  }
0x6: {  	_ = 	snop  }
0x7: {  	_ = 	snop  }
__scs_overlays_trampoline_lowered:
0x8: {  	[smem:$0x3FAC] =	sst s0  }
0x9: {  	[smem:$0x3FAD] =	sst s1  }
0xa: {  	[smem:$0x3FAE] =	sst s2  }
0xb: {  	[smem:$0x3FAF] =	sst s3  }
0xc: {  	[smem:$0x3FB0] =	sst s4  }
0xd: {  	[smem:$0x3FB1] =	sst s5  }
0xe: {  	[smem:$0x3FB2] =	sst s6  }
0xf: {  	[smem:$0x3FB3] =	sst s7  }
0x10: {  	[smem:$0x3FB4] =	sst s8  }
0x11: {  	[smem:$0x3FB5] =	sst s9;
	s0 =	simm.s32 @!p0 $0x0  }
0x12: {  	s1 =	sld [smem:$0x3F9B];
	s0 =	simm.s32 @p0 $0x1  }
0x13: {  	[smem:$0x3FB6] =	sst s0;
	s0 =	simm.s32 @!p1 $0x0  }
0x14: {  	s2 =	sld [smem:$0x3F9A];
	s0 =	simm.s32 @p1 $0x1  }
0x15: {  	[smem:$0x3FB7] =	sst s0;
	s0 =	simm.s32 @!p2 $0x0  }
0x16: {  	s3 =	sld [smem:$0x3FDB];
	s0 =	simm.s32 @p2 $0x1  }
0x17: {  	s4 =	simm.s32 $0x1BF5;
	[smem:$0x3FB9] =	sst s0  }
0x18: {  	s0 =	sld [smem:$0x3F9C];
	_ =	swait.ge [sflag:s4], $0x0  }
0x19: {  	s7 =	sld [smem:$0x3F9D]  }
0x1a: {  	s8 =	sadd.s32 $0xFFFFE003, lr  }
0x1b: {  	s9 =	sadd.s32 $0xFFFFFEF7, lr;
	s5 =	simm.s32 $0xFFFFFFFF;
	p2 =	slt.u32 s8, $0xFFFFF086  }
0x1c: {  	p1 =	slt.u32 s9, $0xF7A;
	s5 =	simm.s32 @!p2 $0x0  }
0x1d: {  	s5 =	simm.s32 @p1 $0x1;
	p0 =	seq.s32 s7, s2  }
0x1e: {  	s7 =	smul.u32 @!p0 $0xF7A, s2;
	p2 =	seq.s32 @!p0 s5, $0x0  }
0x1f: {  	s9 =	smul.u32 $0xF7A, s1;
	s8 =	simm.s32 @!p0 $0x1BF5;
	p2 =	por !p2, p0  }
0x20: {  	[sflag:s8] =	ssyncset.s32 @!p0 $0xFFFFF086;
	s6 =	sadd.s32 @!p0 s3, s7;
	s7 =	simm.s32 @!p0 $0x108  }
0x21: {  	s3 =	sadd.s32 s3, s9;
	s6 =	sadd.s32 @!p0 $0x88, s6;
	s7 =	simm.s32 @p2 $0x1082  }
0x22: {  	[simem:s7], [sflag:s8] =	dma.local @!p0 [hbm:s6], $0xF7A  }
0x23: {  	s9 =	sor.u32 $0xD0000000, s2;
	s6 =	simm.s32 $0x108;
	_ =	swait.ge @!p0 [sflag:s8], $0x0  }
0x24: {  	s3 =	sadd.s32 $0x88, s3;
	s6 =	simm.s32 @!p1 $0x1082;
	[sflag:s4] =	ssyncset.s32 $0xFFFFF086  }
0x25: {  	[simem:s6], [sflag:s4] =	dma.local [hbm:s3], $0xF7A  }
0x26: {  	[smem:$0x3F9D] =	sst s1;
	(tag) =	ssettag s2;
	_ =	strace s9  }
0x27: {  	s1 =	sld [smem:$0x3FAD]  }
0x28: {  	s2 =	sld [smem:$0x3FAE]  }
0x29: {  	s4 =	sld [smem:$0x3FB0]  }
0x2a: {  	p0 =	seq.s32 s5, $0x0;
	s5 =	sld [smem:$0x3FB1]  }
0x2b: {  	s6 =	sld [smem:$0x3FB2]  }
0x2c: {  	s7 =	sld [smem:$0x3FB3]  }
0x2d: {  	s3 =	simm.s32 $0x108;
	s8 =	sld [smem:$0x3FB4]  }
0x2e: {  	s3 =	simm.s32 @!p0 $0x1082;
	s9 =	sld [smem:$0x3FB5]  }
0x2f: {  	lr =	sadd.s32 s0, s3;
	s0 =	sld [smem:$0x3FAC]  }
0x30: {  	s3 =	sld [smem:$0x3FAF]  }
0x31: {  	[smem:$0x3FB8] =	sst s10  }
0x32: {  	s10 =	sld [smem:$0x3FB6];
	_ =	sdelay $0x3  }
0x33: {  	p0 =	seq.s32 s10, $0x1;
	s10 =	sld [smem:$0x3FB8];
	_ =	sdelay $0x3  }
0x34: {  	[smem:$0x3FB8] =	sst s10  }
0x35: {  	s10 =	sld [smem:$0x3FB7];
	_ =	sdelay $0x3  }
0x36: {  	p1 =	seq.s32 s10, $0x1;
	s10 =	sld [smem:$0x3FB8];
	_ =	sdelay $0x3  }
0x37: {  	[smem:$0x3FB8] =	sst s10  }
0x38: {  	s10 =	sld [smem:$0x3FB9]  }
0x39: {  	_ = 	snop;
	(pc) =	sbr.ind lr, $3  }
0x3a: {  	_ = 	snop  }
0x3b: {  	_ = 	snop  }
0x3c: {  	p2 =	seq.s32 s10, $0x1;
	s10 =	sld [smem:$0x3FB8]  }
0x3d: {  	_ =	shalt  }
0x3e: {  	_ =	shalt  }
0x3f: {  	_ =	shalt  }
0x40: {  	_ =	shalt  }
0x41: {  	_ =	shalt  }
0x42: {  	_ =	shalt  }
0x43: {  	_ =	shalt  }
0x44: {  	_ =	shalt  }
0x45: {  	_ =	shalt  }
0x46: {  	_ =	shalt  }
0x47: {  	_ =	shalt  }
0x48: {  	_ =	shalt  }
0x49: {  	_ =	shalt  }
0x4a: {  	_ =	shalt  }
0x4b: {  	_ =	shalt  }
0x4c: {  	_ =	shalt  }
0x4d: {  	_ =	shalt  }
0x4e: {  	_ =	shalt  }
0x4f: {  	_ =	shalt  }
0x50: {  	_ =	shalt  }
0x51: {  	_ =	shalt  }
0x52: {  	_ =	shalt  }
0x53: {  	_ =	shalt  }
0x54: {  	_ =	shalt  }
0x55: {  	_ =	shalt  }
0x56: {  	_ =	shalt  }
0x57: {  	_ =	shalt  }
0x58: {  	_ =	shalt  }
0x59: {  	_ =	shalt  }
0x5a: {  	_ =	shalt  }
0x5b: {  	_ =	shalt  }
0x5c: {  	_ =	shalt  }
0x5d: {  	_ =	shalt  }
0x5e: {  	_ =	shalt  }
0x5f: {  	_ =	shalt  }
0x60: {  	_ =	shalt  }
0x61: {  	_ =	shalt  }
0x62: {  	_ =	shalt  }
0x63: {  	_ =	shalt  }
0x64: {  	_ =	shalt  }
0x65: {  	_ =	shalt  }
0x66: {  	_ =	shalt  }
0x67: {  	_ =	shalt  }
0x68: {  	_ =	shalt  }
0x69: {  	_ =	shalt  }
0x6a: {  	_ =	shalt  }
0x6b: {  	_ =	shalt  }
0x6c: {  	_ =	shalt  }
0x6d: {  	_ =	shalt  }
0x6e: {  	_ =	shalt  }
0x6f: {  	_ =	shalt  }
0x70: {  	_ =	shalt  }
0x71: {  	_ =	shalt  }
0x72: {  	_ =	shalt  }
0x73: {  	_ =	shalt  }
0x74: {  	_ =	shalt  }
0x75: {  	_ =	shalt  }
0x76: {  	_ =	shalt  }
0x77: {  	_ =	shalt  }
0x78: {  	_ =	shalt  }
0x79: {  	_ =	shalt  }
0x7a: {  	_ =	shalt  }
0x7b: {  	_ =	shalt  }
0x7c: {  	_ =	shalt  }
0x7d: {  	_ =	shalt  }
0x7e: {  	_ =	shalt  }
0x7f: {  	_ =	shalt  }
0x80: {  	_ =	shalt  }
0x81: {  	_ =	shalt  }
0x82: {  	_ =	shalt  }
0x83: {  	_ =	shalt  }
0x84: {  	_ =	shalt  }
0x85: {  	_ =	shalt  }
0x86: {  	_ =	shalt  }
0x87: {  	_ =	shalt  }
.Lfunc_end0:
.L_simem_size_0:
called_computation_lowered:
.L_overlay_start_0:
0x88: {  	s2 =	sld [smem:$0x3FD9]  }
0x89: {  	s3 =	sld [smem:$0x3FFE];
	_ =	sdelay $0x1  }
0x8a: {  	s1 =	srdreg.scid  }
0x8b: {  	s0 =	sand.u32 $0x1, s1  }
0x8c: {  	s17 =	sshll.u32 s0, $0xA;
	s2 =	sadd.s32 s3, s2  }
0x8d: {  	s2 =	sadd.s32 s2, s17  }
0x8e: {  	[smem:$0x3FC4] =	sst s2  }
0x8f: {  	_ = 	snop  }
0x90: {  	s2 =	sld [smem:$0x3FD0];
	(tm) =	ssettm $0x1  }
0x91: {  	s18 =	sld [smem:$0x3FFB];
	_ =	sdelay $0x3  }
0x92: {  	_ =	strace s18  }
0x93: {  	s3 =	sld [smem:$0x3FFC];
	_ =	sdelay $0x3  }
0x94: {  	_ =	strace s3  }
0x95: {  	s3 =	sld [smem:$0x3FFD];
	_ =	sdelay $0x3  }
0x96: {  	_ =	strace s3  }
0x97: {  	_ =	strace $0x8FFFFFFF  }
0x98: {  	s19 =	sld [smem:$0x3FDB];
	_ =	sdelay $0x1  }
0x99: {  	s4 =	simm.s32 $_scs_section_size  }
0x9a: {  	s5 =	simm.s32 $_size__tile_overlayer_lowered;
	s6 =	simm.s32 $_tile_overlayer_lowered  }
0x9b: {  	s22 =	simm.s32 $0x1BFF;
	s21 =	sshll.u32 s6, $0x1;
	s3 =	sadd.s32 s4, s19  }
0x9c: {  	s7 =	simm.s32 $0x0;
	s20 =	sshll.u32 s5, $0x1;
	s5 =	sadd.s32 s21, s3  }
0x9d: {  	[timem:s7], [sflag:s22] =	dma.local [hbm:s5], s20  }
0x9e: {  	_ =	swait.ge [sflag:s22], s20  }
0x9f: {  	s4 =	ssub.s32 $0x0, s20;
	[sflag:s22] =	ssyncset.done $0x0  }
0xa0: {  	[sflag:s22] =	ssyncadd.s32 s4;
	_ =	sdelay $0x1  }
0xa1: {  	s23 =	simm.s32 $0x1B8B  }
0xa2: {  	_ =	swait.ge [sflag:s23], $0x1  }
0xa3: {  	[sflag:s23] =	ssyncset.done $0x0  }
0xa4: {  	s25 =	simm.s32 $0x1B8E;
	s24 =	sld [smem:$0x3FFE];
	[sflag:s23] =	ssyncadd.s32 $0xFFFFFFFF  }
0xa5: {  	s26 =	simm.s32 $execute0_lowered;
	[smem:$0x3FD2] =	sst s25  }
0xa6: {  	s5 =	sshll.u32 s26, $0x1;
	_ =	strace $0x80000046;
	[dreg:$0x1] =	wrdreg $0xFFFFFFFF  }
0xa7: {  	s28 =	simm.s32 $_size_execute0_lowered;
	s3 =	sadd.s32 s3, s5;
	[dreg:$0x0] =	wrdreg $0x0  }
0xa8: {  	s5 =	sshll.u32 s28, $0x1;
	[dreg:$0x2] =	wrdreg s3  }
0xa9: {  	[dreg:$0x3] =	wrdreg s5  }
0xaa: {  	[dreg:$0x4] =	wrdreg $0xC0  }
0xab: {  	_ =	task [dreg:s7], $0x5FFFF  }
0xac: {  	[dreg:$0x1] =	wrdreg $0xFFFFFFFF  }
0xad: {  	[dreg:$0x0] =	wrdreg $0x60  }
0xae: {  	[dreg:$0x2] =	wrdreg s2  }
0xaf: {  	[dreg:$0x3] =	wrdreg s24  }
0xb0: {  	[dreg:$0x4] =	wrdreg $0x0  }
0xb1: {  	[dreg:$0x5] =	wrdreg $0x9  }
0xb2: {  	_ =	task.clear_ibuf [dreg:s7], $0x6FFFF;
	_ =	strace $0x90000046  }
0xb3: {  	s29 =	simm.s32 $0x9;
	_ =	strace $0x80000048  }
0xb4: {  	_ =	swait.ge [sflag:s29], $0x1  }
0xb5: {  	[sflag:s29] =	ssyncadd.s32 $0xFFFFFFFF  }
0xb6: {  	_ =	strace $0x90000048  }
0xb7: {  	_ =	sfence  }
0xb8: {  	s30 =	sld [smem:$0x0];
	_ =	sdelay $0x2  }
0xb9: {  	s31 =	sshll.u32 s1, $0xD;
	s1 =	sshrl.u32 s1, $0x2  }
0xba: {  	s3 =	sand.u32 $0x4000, s31;
	s1 =	sadd.s32 s1, s30  }
0xbb: {  	s0 =	sor.u32 s3, s0;
	s1 =	sshll.u32 s1, $0x11  }
0xbc: {  	s0 =	sor.u32 s1, s0  }
0xbd: {  	s0 =	sadd.s32 $0x8F2B, s0  }
0xbe: {  	[sflag:s0] =	ssyncadd.remote.s32 $0x1  }
0xbf: {  	_ =	sfence.sel $0xFFFF  }
0xc0: {  	[dreg:$0x0] =	wrdreg $0xFFFFFFFF;
	(pc) =	sbr.abs _section_cstart, $3  }
0xc1: {  	[dreg:$0x1] =	wrdreg $0xFFFFFFFF  }
0xc2: {  	_ =	task.clear_ibuf [dreg:s7], $0x2FFFF;
	_ =	strace $0x9FFFFFFF  }
0xc3: {  	(tm) =	ssettm $0x7FFFFFFF  }
tec
execute0_lowered:
.L_overlay_start_1:
0x0: {  	(tag) =	ssettag $0x1  }
0x1: {  	s7 =	rddreg [dreg:$0x0]  }
0x2: {  	s1 =	srdreg.scid;
	s4 =	rddreg [dreg:$0x1]  }
0x3: {  	s0 =	stileid.u32;
	s2 =	rddreg [dreg:$0x2]  }
0x4: {  	s3 =	simm.s32 $0x0;
	s11 =	simm.s32 $0x80;
	s6 =	smul.u32 $0x2780, s0  }
0x5: {  	s12 =	simm.s32 $0x2800;
	s5 =	sand.u32 $0x1, s1;
	s10 =	smul.u32 $0x2800, s0  }
0x6: {  	s13 =	simm.s32 $0x0;
	s1 =	rddreg [dreg:$0x3];
	s8 =	smul.u32 $0x27800, s5  }
0x7: {  	[smem:$0x7FF] =	sst s3;
	s9 =	smul.u32 $0x28000, s5;
	s5 =	ssub.s32 $0x2, s5  }
0x8: {  	_ =	strace $0x80000047;
	s30 =	sshrl.u32 s5, $0x1;
	s8 =	sadd.s32 s6, s8  }
0x9: {  	s9 =	sadd.s32 s10, s9;
	s31 =	ssub.s32 s5, s30;
	s8 =	sshrl.u32 s8, $0x3  }
0xa: {  	s10 =	simm.s32 $0x2780;
	s9 =	sshrl.u32 s9, $0x3;
	s8 =	sadd.s32 s8, s4  }
0xb: {  	s4 =	sadd.s32 s6, s2;
	s6 =	smax.u32 s31, $0x1;
	s7 =	sadd.s32 s9, s7  }
0xc: {  	v0 =	vimm.f32 $1.000000000e+00;
	v1 =	vimm.f32 $0.0e+00;
	s9 =	simm.s32 $0x1;
	s5 =	sadd.s32 $0x1E00, s8;
	s8 =	simm.s32 $0x3000  }
.LBB2_1:
0xd: {  	s14 =	simm.s32 $0x0  }
.LBB2_2:
0xe: {  	p0 =	sne.s32 s14, $0x1FC0  }
.Ltmp0:
0xf: {  	_ = 	snop;
	(pc) =	sbr.rel @p0 .LBB2_2-.Ltmp0, $3  }
0x10: {  	_ =	sdelay $0x1  }
0x11: {  	s15 =	sshra.s32 s14, $0x2  }
0x12: {  	s14 =	sadd.s32 $0x40, s14;
	[tilespmem:s15+$0x2800] =	vst v0  }
0x13: {  	s14 =	simm.s32 $0x40;
	s15 =	simm.s32 $0x0  }
.LBB2_4:
0x14: {  	p0 =	sne.s32 s14, $0x9DC0;
	[tilespmem:s15+$0x3000] =	vst v1;
	s15 =	smov.u32 s14;
	s14 =	sadd.s32 $0x40, s14  }
.Ltmp1:
0x15: {  	(pc) =	sbr.rel @p0 .LBB2_4-.Ltmp1, $2  }
0x16: {  	_ =	sdelay $0x2  }
0x17: {  	s15 =	sshra.s32 s15, $0x2  }
0x18: {  	[tilespmem:s15+$0x3000] =	vst v1  }
0x19: {  	[spmem:s4] =	stream.linear.scatter [tilespmem:s8], [sflag:$0x1], $0x2780, $0x38;
	[tilespmem:$0x5780] =	vst v63  }
0x1a: {  	_ =	swait.ge [sflag:s9], $0x2780  }
0x1b: {  	[sflag:s9] =	ssyncset.done $0x0  }
0x1c: {  	[sflag:s9] =	ssyncadd.s32 $0xFFFFD880  }
0x1d: {  	s14 =	sadd.s32 $0x0, s7;
	[bflag:$0x0] =	sbarrier.arrive $0xFFFF  }
0x1e: {  	[tilespmem:s10], [sflag:$0x1] =	stream.linear.gather [hbm4b:s14+s3], $0x80, $0x38;
	[tilespmem:$0x5780] =	vst v63  }
0x1f: {  	_ =	swait.ge [sflag:s9], $0x80  }
0x20: {  	[sflag:s9] =	ssyncset.done $0x0  }
0x21: {  	[sflag:s9] =	ssyncadd.s32 $0xFFFFFF80  }
0x22: {  	[spmem:s2] =	stream.indirect.scatter.add.f32 [tilespmem:s12], [sflag:$0x1], $0x10, s10, s11, $0xb8;
	[tilespmem:$0x5780] =	vst v63  }
0x23: {  	_ =	swait.ge [sflag:s9], $0x800  }
0x24: {  	s15 =	simm.s32 $0x20;
	s14 =	simm.s32 $0x10;
	[sflag:s9] =	ssyncset.done $0x0  }
.LBB2_6:
0x25: {  	s16 =	sadd.s32 s14, s7  }
0x26: {  	[sflag:s9] =	ssyncadd.s32 $0xFFFFF800;
	s14 =	smov.u32 s15;
	s17 =	sadd.s32 $0x10, s15  }
0x27: {  	[tilespmem:s10], [sflag:$0x1] =	stream.linear.gather [hbm4b:s16+s3], $0x80, $0x38;
	[tilespmem:$0x5780] =	vst v63  }
0x28: {  	p0 =	sne.s32 s15, $0x4F0;
	_ =	swait.ge [sflag:s9], $0x80  }
.Ltmp2:
0x29: {  	[sflag:s9] =	ssyncset.done $0x0;
	(pc) =	sbr.rel @p0 .LBB2_6-.Ltmp2, $4  }
0x2a: {  	[sflag:s9] =	ssyncadd.s32 $0xFFFFFF80  }
0x2b: {  	[spmem:s2] =	stream.indirect.scatter.add.f32 [tilespmem:s12], [sflag:$0x1], $0x10, s10, s11, $0xb8;
	[tilespmem:$0x5780] =	vst v63  }
0x2c: {  	_ =	swait.ge [sflag:s9], $0x800  }
0x2d: {  	s15 =	smov.u32 s17;
	[sflag:s9] =	ssyncset.done $0x0  }
0x2e: {  	s14 =	sadd.s32 s14, s7;
	[sflag:s9] =	ssyncadd.s32 $0xFFFFF800  }
0x2f: {  	[tilespmem:s10], [sflag:$0x1] =	stream.linear.gather [hbm4b:s14+s3], $0x80, $0x38;
	[tilespmem:$0x5780] =	vst v63  }
0x30: {  	_ =	swait.ge [sflag:s9], $0x80  }
0x31: {  	[sflag:s9] =	ssyncset.done $0x0  }
0x32: {  	[sflag:s9] =	ssyncadd.s32 $0xFFFFFF80  }
0x33: {  	[spmem:s2] =	stream.indirect.scatter.add.f32 [tilespmem:s12], [sflag:$0x1], $0x10, s10, s11, $0xb8;
	[tilespmem:$0x5780] =	vst v63  }
0x34: {  	_ =	swait.ge [sflag:s9], $0x800  }
0x35: {  	[sflag:s9] =	ssyncset.done $0x0  }
0x36: {  	[sflag:s9] =	ssyncadd.s32 $0xFFFFF800  }
0x37: {  	[bflag:$0x0] =	sbarrier.arrive $0xFFFF  }
0x38: {  	[tilespmem:s8], [sflag:$0x1] =	stream.linear.gather [spmem:s4], $0x2780, $0x38;
	[tilespmem:$0x5780] =	vst v63  }
0x39: {  	s13 =	sadd.s32 $0x1, s13;
	_ =	swait.ge [sflag:s9], $0x2780  }
0x3a: {  	p0 =	sne.s32 s13, s6;
	[sflag:s9] =	ssyncset.done $0x0  }
.Ltmp3:
0x3b: {  	[sflag:s9] =	ssyncadd.s32 $0xFFFFD880;
	(pc) =	sbr.rel @p0 .LBB2_1-.Ltmp3, $4  }
0x3c: {  	[hbm4b:s5+s3] =	stream.linear.scatter [tilespmem:s8], [sflag:$0x1], $0x2780, $0x38;
	[tilespmem:$0x5780] =	vst v63  }
0x3d: {  	_ =	swait.ge [sflag:s9], $0x2780  }
0x3e: {  	[sflag:s9] =	ssyncset.done $0x0  }
0x3f: {  	[sflag:s9] =	ssyncadd.s32 $0xFFFFD880  }
0x40: {  	_ =	sfence.sel $0x180000  }
0x41: {  	[bflag:$0x0] =	sbarrier.arrive $0xFFFF  }
0x42: {  	p0 =	sne.s32 s0, $0x0;
	_ =	strace $0x90000047  }
0x43: {  	s0 =	sadd.s32 @!p0 $0x100000, s1;
	[bflag:$0x2] =	sbarrier.arrive $0xFFFF  }
0x44: {  	[sflag:s0] =	ssyncadd.tile.s32 @!p0 $0x1;
	_ =	shalt  }
.Lfunc_end2:
_tile_overlayer_lowered:
.L_overlay_start_2:
0x45: {  	(tag) =	ssettag $0x2  }
0x46: {  	s0 =	rddreg [dreg:$0x0];
	s2 =	stileid.u32  }
0x47: {  	s1 =	rddreg [dreg:$0x1];
	p0 =	sne.s32 s2, $0x0  }
0x48: {  	s3 =	rddreg [dreg:$0x2];
	[bflag:$0x3] =	sbarrier.arrive $0xFFFF;
	s2 =	simm.s32 @!p0 $0x1C01  }
0x49: {  	[timem:s3], [sflag:s2] =	dma.local @!p0 [hbm:s0], s1  }
0x4a: {  	s0 =	simm.s32 @!p0 $0x1  }
0x4b: {  	_ =	swait.ge @!p0 [sflag:s0], s1  }
0x4c: {  	s1 =	ssub.s32 @!p0 $0x0, s1;
	[sflag:s0] =	ssyncset.done @!p0 $0x0  }
0x4d: {  	[sflag:s0] =	ssyncadd.s32 @!p0 s1  }
0x4e: {  	[bflag:$0x3] =	sbarrier.arrive $0xFFFF  }
0x4f: {  	_ =	shalt  }

</sc_bundles>
